<compile_context>
chip_gen: v7x
topology: tpu7x:2x2x1
jax: 0.10.2.dev20260603
libtpu: 0.0.44.dev20260713+nightly
codegen_flags: <defaults>
</compile_context>

<pallas_src>
import functools

import jax
import jax.numpy as jnp
from jax import lax
from jax.experimental import pallas as pl
from jax.experimental.pallas import tpu as pltpu
from jax.experimental.pallas import tpu_sc as plsc

N = 10000
NPAD = 10240
E = 320000
EPAD = 327680
DIN = 128
DH = 256
G = 16
BN_EPS = 1e-5

NC = 2
NS = 16
L = 16

CHUNK = 128
CHUNKS_PER_TILE = EPAD // CHUNK // NS
ROWS_PER_TILE = NPAD // NS

NODE_ROWS16 = NPAD // L
NODE_ROWS16_PER_TILE = NODE_ROWS16 // NS
DEG_ROWS = EPAD // (NC * NS) // L


def _mesh():
    return plsc.VectorSubcoreMesh(core_axis_name="c", subcore_axis_name="s")


ET_DEG = EPAD // (NC * NS)


@functools.partial(
    pl.kernel,
    out_type=jax.ShapeDtypeStruct((NC * NS, NPAD), jnp.float32),
    mesh=_mesh(),
    scratch_types=[
        pltpu.VMEM((ET_DEG,), jnp.int32),
        pltpu.VMEM((NPAD,), jnp.float32),
    ],
    compiler_params=pltpu.CompilerParams(needs_layout_passes=False),
)
def _sc_degree(dst_flat, deg_o, dstb, dloc):
    cid = lax.axis_index("c")
    sid = lax.axis_index("s")
    t = cid * NS + sid
    zf = jnp.zeros((L,), jnp.float32)
    onesf = jnp.ones((L,), jnp.float32)

    def zrow(i, _):
        dloc[pl.ds(i * L, L)] = zf
        return 0
    lax.fori_loop(0, NPAD // L, zrow, 0)

    pltpu.sync_copy(dst_flat.at[pl.ds(t * ET_DEG, ET_DEG)], dstb)

    def addrow(i, _):
        plsc.addupdate_scatter(dloc, [dstb[pl.ds(i * L, L)]], onesf)
        return 0
    lax.fori_loop(0, ET_DEG // L, addrow, 0)

    pltpu.sync_copy(dloc, deg_o.at[t])


PW = 128


IBLK = 16


def _make_prop(split_edges):
    cpt = (EPAD // CHUNK) // (NC * NS if split_edges else NS)

    @functools.partial(
        pl.kernel,
        out_type=(jax.ShapeDtypeStruct((NPAD, PW), jnp.float32),
                  jax.ShapeDtypeStruct((NPAD, PW), jnp.float32)),
        mesh=_mesh(),
        scratch_types=[
            pltpu.VMEM((IBLK, CHUNK), jnp.int32),
            pltpu.VMEM((IBLK, CHUNK), jnp.int32),
            pltpu.VMEM((CHUNK, PW), jnp.float32),
            pltpu.VMEM((CHUNK, PW), jnp.float32),
            pltpu.VMEM((32, PW), jnp.float32),
            pltpu.VMEM_SHARED((NPAD, PW), jnp.float32),
            pltpu.SemaphoreType.DMA,
            pltpu.SemaphoreType.DMA,
        ],
        compiler_params=pltpu.CompilerParams(needs_layout_passes=False),
    )
    def prop(f0, f1, src2d, dst2d, p0, p1, srcb, dstb, gbufa, gbufb, zbuf,
             acc, sema, semb):
        cid = lax.axis_index("c")
        sid = lax.axis_index("s")
        z16 = jnp.zeros((L,), jnp.float32)

        def zrow(i, _):
            for k in range(PW // L):
                zbuf[i, k * L:(k + 1) * L] = z16
            return 0
        lax.fori_loop(0, 32, zrow, 0)

        def zacc(k, _):
            pltpu.sync_copy(zbuf, acc.at[pl.ds(sid * ROWS_PER_TILE + k * 32, 32)])
            return 0
        lax.fori_loop(0, ROWS_PER_TILE // 32, zacc, 0)

        if split_edges:
            base = (cid * NS + sid) * cpt
        else:
            base = sid * cpt

        plsc.subcore_barrier()

        def run(F):
            def gstart(j, buf, sem):
                pltpu.async_copy(F.at[srcb.at[j]], buf, sem)

            def gwait(buf, sem):
                pltpu.make_async_copy(F.at[srcb.at[0]], buf, sem).wait()

            ngroups = cpt // IBLK

            def group(g, _):
                gbase = base + g * IBLK
                pltpu.sync_copy(src2d.at[pl.ds(gbase, IBLK)], srcb)
                pltpu.sync_copy(dst2d.at[pl.ds(gbase, IBLK)], dstb)
                gstart(0, gbufa, sema)

                def pair(k, _):
                    gwait(gbufa, sema)
                    gstart(2 * k + 1, gbufb, semb)
                    pltpu.sync_copy(gbufa, acc.at[dstb.at[2 * k]], add=True)
                    gwait(gbufb, semb)

                    @pl.when(k < IBLK // 2 - 1)
                    def _():
                        gstart(2 * k + 2, gbufa, sema)
                    pltpu.sync_copy(gbufb, acc.at[dstb.at[2 * k + 1]], add=True)
                    return 0
                lax.fori_loop(0, IBLK // 2, pair, 0)
                return 0
            lax.fori_loop(0, ngroups, group, 0)

        @pl.when(cid == 0)
        def _():
            run(f0)

        @pl.when(cid == 1)
        def _():
            run(f1)

        plsc.subcore_barrier()

        lo = sid * ROWS_PER_TILE

        @pl.when(cid == 0)
        def _():
            pltpu.sync_copy(acc.at[pl.ds(lo, ROWS_PER_TILE)],
                            p0.at[pl.ds(lo, ROWS_PER_TILE)])

        @pl.when(cid == 1)
        def _():
            pltpu.sync_copy(acc.at[pl.ds(lo, ROWS_PER_TILE)],
                            p1.at[pl.ds(lo, ROWS_PER_TILE)])

    return prop


_prop_edges = _make_prop(True)
_prop_cols = _make_prop(False)


def _tc_prep(xp, degt):
    def body(x_ref, dg_ref, xs_ref, dis_ref):
        dis = lax.rsqrt(jnp.sum(dg_ref[...], axis=1, keepdims=True) + 1.0)
        dis_ref[...] = dis
        xs_ref[...] = x_ref[...] * dis

    return pl.pallas_call(
        body,
        grid=(NPAD // 128,),
        in_specs=[pl.BlockSpec((128, DIN), lambda i: (i, 0)),
                  pl.BlockSpec((128, NC * NS), lambda i: (i, 0))],
        out_specs=[pl.BlockSpec((128, DIN), lambda i: (i, 0)),
                   pl.BlockSpec((128, 1), lambda i: (i, 0))],
        out_shape=[jax.ShapeDtypeStruct((NPAD, DIN), jnp.float32),
                   jax.ShapeDtypeStruct((NPAD, 1), jnp.float32)],
    )(xp, degt)


def _tc_mid(pa, pb, xs, disv, W1, b1, g1, be1, W2):
    inv = float((1.0 + BN_EPS) ** -0.5)

    def body(pa_ref, pb_ref, xs_ref, dis_ref, w1_ref, b1_ref,
             g1_ref, be1_ref, w2_ref, q0_ref, q1_ref):
        dis = dis_ref[...]
        u = (pa_ref[...] + pb_ref[...] + xs_ref[...]) * dis
        mm = jnp.dot(u, w1_ref[...], preferred_element_type=jnp.float32,
                     precision=lax.Precision.DEFAULT)
        s1 = g1_ref[...] * inv
        h1 = jnp.maximum(mm * s1 + (b1_ref[...] * s1 + be1_ref[...]), 0.0)
        q = jnp.dot(h1, w2_ref[...], preferred_element_type=jnp.float32,
                    precision=lax.Precision.DEFAULT) * dis
        q0_ref[...] = q[:, :DH // 2]
        q1_ref[...] = q[:, DH // 2:]

    full = lambda i: (0, 0)
    return pl.pallas_call(
        body,
        grid=(NPAD // 128,),
        in_specs=[pl.BlockSpec((128, DIN), lambda i: (i, 0)),
                  pl.BlockSpec((128, DIN), lambda i: (i, 0)),
                  pl.BlockSpec((128, DIN), lambda i: (i, 0)),
                  pl.BlockSpec((128, 1), lambda i: (i, 0)),
                  pl.BlockSpec((DIN, DH), full),
                  pl.BlockSpec((1, DH), full),
                  pl.BlockSpec((1, DH), full),
                  pl.BlockSpec((1, DH), full),
                  pl.BlockSpec((DH, DH), full)],
        out_specs=[pl.BlockSpec((128, DH // 2), lambda i: (i, 0)),
                   pl.BlockSpec((128, DH // 2), lambda i: (i, 0))],
        out_shape=[jax.ShapeDtypeStruct((NPAD, DH // 2), jnp.float32)] * 2,
    )(pa, pb, xs, disv, W1, b1, g1, be1, W2)


def _tc_final(p0, p1, q0, q1, disv, b2, g2, be2, batch3d):
    inv = float((1.0 + BN_EPS) ** -0.5)
    nblk = NPAD // 128

    def body(p0_ref, p1_ref, q0_ref, q1_ref, dis_ref, b2_ref, g2_ref,
             be2_ref, bt_ref, out_ref, s0_ref, s1_ref, c_ref):
        i = pl.program_id(0)
        dis = dis_ref[...]
        s2 = g2_ref[...] * inv
        bb = b2_ref[...] * s2 + be2_ref[...]
        h0 = jnp.maximum((p0_ref[...] + q0_ref[...]) * dis * s2[:, :DH // 2]
                         + bb[:, :DH // 2], 0.0)
        h1 = jnp.maximum((p1_ref[...] + q1_ref[...]) * dis * s2[:, DH // 2:]
                         + bb[:, DH // 2:], 0.0)
        b = bt_ref[...].reshape(1, 128)
        gids = lax.broadcasted_iota(jnp.int32, (G, 128), 0)
        mask = (b == gids).astype(jnp.float32)
        ps0 = jnp.dot(mask, h0, preferred_element_type=jnp.float32)
        ps1 = jnp.dot(mask, h1, preferred_element_type=jnp.float32)
        cnt = jnp.broadcast_to(jnp.sum(mask, axis=1, keepdims=True), (G, 128))

        @pl.when(i == 0)
        def _():
            s0_ref[...] = ps0
            s1_ref[...] = ps1
            c_ref[...] = cnt

        @pl.when(i != 0)
        def _():
            s0_ref[...] += ps0
            s1_ref[...] += ps1
            c_ref[...] += cnt

        @pl.when(i == nblk - 1)
        def _():
            cm = jnp.maximum(c_ref[...], 1.0)
            out_ref[:, :DH // 2] = s0_ref[...] / cm
            out_ref[:, DH // 2:] = s1_ref[...] / cm

    full = lambda i: (0, 0)
    return pl.pallas_call(
        body,
        grid=(nblk,),
        in_specs=[pl.BlockSpec((128, DH // 2), lambda i: (i, 0)),
                  pl.BlockSpec((128, DH // 2), lambda i: (i, 0)),
                  pl.BlockSpec((128, DH // 2), lambda i: (i, 0)),
                  pl.BlockSpec((128, DH // 2), lambda i: (i, 0)),
                  pl.BlockSpec((128, 1), lambda i: (i, 0)),
                  pl.BlockSpec((1, DH), full),
                  pl.BlockSpec((1, DH), full),
                  pl.BlockSpec((1, DH), full),
                  pl.BlockSpec((1, 1, 128), lambda i: (i, 0, 0))],
        out_specs=pl.BlockSpec((G, DH), full),
        out_shape=jax.ShapeDtypeStruct((G, DH), jnp.float32),
        scratch_shapes=[pltpu.VMEM((G, DH // 2), jnp.float32),
                        pltpu.VMEM((G, DH // 2), jnp.float32),
                        pltpu.VMEM((G, 128), jnp.float32)],
    )(p0, p1, q0, q1, disv, b2, g2, be2, batch3d)


def kernel(x, edge_index, batch_idx, W1, b1, gamma1, beta1, W2, b2, gamma2, beta2):
    f32 = jnp.float32
    xp = jnp.zeros((NPAD, DIN), f32).at[:N].set(x)
    src = edge_index[0].astype(jnp.int32)
    dst = edge_index[1].astype(jnp.int32)
    pad_ids = N + jnp.arange(EPAD - E, dtype=jnp.int32) % (NPAD - N)
    src_flat = jnp.concatenate([src, pad_ids])
    dst_flat = jnp.concatenate([dst, pad_ids])
    batch3d = jnp.concatenate(
        [batch_idx.astype(jnp.int32), jnp.full((NPAD - N,), G, jnp.int32)]
    ).reshape(NPAD // 128, 1, 128)

    degp = _sc_degree(dst_flat)
    degt = degp.T
    src2d = src_flat.reshape(EPAD // CHUNK, CHUNK)
    dst2d = dst_flat.reshape(EPAD // CHUNK, CHUNK)

    xs, disv = _tc_prep(xp, degt)
    pa, pb = _prop_edges(xs, xs, src2d, dst2d)
    q0, q1 = _tc_mid(pa, pb, xs, disv, W1,
                     b1.reshape(1, DH), gamma1.reshape(1, DH),
                     beta1.reshape(1, DH), W2)
    p20, p21 = _prop_cols(q0, q1, src2d, dst2d)
    out = _tc_final(p20, p21, q0, q1, disv,
                    b2.reshape(1, DH), gamma2.reshape(1, DH),
                    beta2.reshape(1, DH), batch3d)
    return out

# --- scband reference (transcript-rebuilt; emitter-appended) ---
"""Pipeline reference for scband-graph-wave-net-encoder-22840636080820 (READ-ONLY COPY).

The authoritative reference and input builder live on the scoring server;
editing this copy changes nothing except your own understanding.
"""

import jax, jax.numpy as jnp
import numpy as np

N_NODES, N_EDGES, D_IN, D_H, N_GRAPHS = 10000, 320000, 128, 256, 16
BN_EPS = 1e-5


def setup_inputs(seed: int = 0) -> dict:
    key = jax.random.key(seed)
    ks = jax.random.split(key, 12)
    x = jax.random.normal(ks[0], (N_NODES, D_IN), dtype=jnp.float32)
    edge_index = jax.random.randint(ks[1], (2, N_EDGES), 0, N_NODES, dtype=jnp.int32)
    batch_idx = jnp.sort(jax.random.randint(ks[2], (N_NODES,), 0, N_GRAPHS, dtype=jnp.int32))
    W1 = jax.random.normal(ks[3], (D_IN, D_H), dtype=jnp.float32) * (1.0 / np.sqrt(D_IN))
    b1 = jnp.zeros((D_H,), dtype=jnp.float32)
    gamma1 = jnp.ones((D_H,), dtype=jnp.float32)
    beta1 = jnp.zeros((D_H,), dtype=jnp.float32)
    W2 = jax.random.normal(ks[4], (D_H, D_H), dtype=jnp.float32) * (1.0 / np.sqrt(D_H))
    b2 = jnp.zeros((D_H,), dtype=jnp.float32)
    gamma2 = jnp.ones((D_H,), dtype=jnp.float32)
    beta2 = jnp.zeros((D_H,), dtype=jnp.float32)
    return {"x": x, "edge_index": edge_index, "batch_idx": batch_idx,
            "W1": W1, "b1": b1, "gamma1": gamma1, "beta1": beta1,
            "W2": W2, "b2": b2, "gamma2": gamma2, "beta2": beta2}


def _gcn_conv(x, edge_index, W, b):
    # PyG GCNConv: add self-loops, symmetric normalization, linear transform, scatter-add
    num_nodes = x.shape[0]
    src, dst = edge_index[0], edge_index[1]
    loops = jnp.arange(num_nodes, dtype=src.dtype)
    src2 = jnp.concatenate([src, loops])
    dst2 = jnp.concatenate([dst, loops])
    ew = jnp.ones(src2.shape[0], dtype=x.dtype)
    deg = jnp.zeros((num_nodes,), dtype=x.dtype).at[dst2].add(ew)
    dis = jnp.where(deg > 0, jax.lax.rsqrt(jnp.maximum(deg, 1e-12)), 0.0)
    norm = dis[src2] * dis[dst2]
    h = x @ W
    msg = h[src2] * norm[:, None]
    out = jnp.zeros((num_nodes, W.shape[1]), dtype=x.dtype).at[dst2].add(msg)
    return out + b


def _bn_eval(x, gamma, beta):
    # BatchNorm1d in eval mode: running_mean=0, running_var=1
    return (x / jnp.sqrt(1.0 + BN_EPS)) * gamma + beta


def _gcn_layer(x, edge_index, W, b, gamma, beta):
    h = _gcn_conv(x, edge_index, W, b)
    h = _bn_eval(h, gamma, beta)
    h = jax.nn.relu(h)
    return h  # dropout is identity in eval


def reference(x, edge_index, batch_idx, W1, b1, gamma1, beta1, W2, b2, gamma2, beta2):
    h = _gcn_layer(x, edge_index, W1, b1, gamma1, beta1)
    h = _gcn_layer(h, edge_index, W2, b2, gamma2, beta2)
    # global mean pool over graphs
    sums = jax.ops.segment_sum(h, batch_idx, num_segments=N_GRAPHS)
    counts = jax.ops.segment_sum(jnp.ones((h.shape[0],), dtype=h.dtype), batch_idx, num_segments=N_GRAPHS)
    graph_repr = sums / jnp.maximum(counts, 1.0)[:, None]
    return graph_repr

if __name__ == "__main__":
    import jax
    _d = setup_inputs()
    print(jax.jit(kernel)(*tuple(_d.values())))

</pallas_src>

<mosaic_0001>
#map = affine_map<(d0, d1) -> (0, 0)>
module attributes {stable_mosaic.version = 14 : i64} {
  func.func @prop(%arg0: i32, %arg1: i32, %arg2: memref<10240x128xf32, #tpu.memory_space<hbm>>, %arg3: memref<10240x128xf32, #tpu.memory_space<hbm>>, %arg4: memref<2560x128xi32, #tpu.memory_space<hbm>>, %arg5: memref<2560x128xi32, #tpu.memory_space<hbm>>, %arg6: memref<10240x128xf32, #tpu.memory_space<hbm>>, %arg7: memref<10240x128xf32, #tpu.memory_space<hbm>>, %arg8: memref<16x128xi32, #tpu.memory_space<vmem>>, %arg9: memref<16x128xi32, #tpu.memory_space<vmem>>, %arg10: memref<128x128xf32, #tpu.memory_space<vmem>>, %arg11: memref<128x128xf32, #tpu.memory_space<vmem>>, %arg12: memref<32x128xf32, #tpu.memory_space<vmem>>, %arg13: memref<10240x128xf32, #tpu.memory_space<vmem_shared>>, %arg14: memref<!tpu.dma_semaphore, #tpu.memory_space<semaphore_mem>>, %arg15: memref<!tpu.dma_semaphore, #tpu.memory_space<semaphore_mem>>) attributes {dimension_semantics = [#tpu.dimension_semantics<core_parallel>, #tpu.dimension_semantics<subcore_parallel>], iteration_bounds = array<i64: 2, 16>, scalar_prefetch = 0 : i64, scratch_operands = 8 : i64, tpu.core_type = #tpu.core_type<sc_vector_subcore>, window_params = [{transform_indices = #map}, {transform_indices = #map}, {transform_indices = #map}, {transform_indices = #map}, {transform_indices = #map}, {transform_indices = #map}]} {
    %broadcast_in_dim3A = arith.constant 0.000000e+00 : f32
    %broadcast_in_dim3A_0 = vector.broadcast %broadcast_in_dim3A : f32 to vector<16xf32>
    %scan3A = arith.constant 0 : i32
    %scan3A_1 = arith.constant 0 : i32
    %scan3A_2 = arith.constant 32 : i32
    %scan3A_3 = arith.addi %scan3A_1, %scan3A_2 : i32
    %scan3A_4 = arith.constant 1 : i32
    %scan3A_5 = scf.for %scan3A_37 = %scan3A_1 to %scan3A_3 step %scan3A_4 iter_args(%scan3A_38 = %scan3A) -> (i32)  : i32 {
      %swap3A = arith.index_cast %scan3A_37 : i32 to index
      %swap3A_39 = arith.constant 0 : index
      %swap3A_40 = tpu.vector_load %arg12[%swap3A, %swap3A_39] {strides = array<i32>} : memref<32x128xf32, #tpu.memory_space<vmem>>, vector<16xf32>,
      tpu.vector_store %arg12[%swap3A, %swap3A_39], %broadcast_in_dim3A_0 {strides = array<i32>} : memref<32x128xf32, #tpu.memory_space<vmem>>, vector<16xf32>,
      %swap3A_41 = arith.index_cast %scan3A_37 : i32 to index
      %swap3A_42 = arith.constant 16 : index
      %swap3A_43 = tpu.vector_load %arg12[%swap3A_41, %swap3A_42] {strides = array<i32>} : memref<32x128xf32, #tpu.memory_space<vmem>>, vector<16xf32>,
      tpu.vector_store %arg12[%swap3A_41, %swap3A_42], %broadcast_in_dim3A_0 {strides = array<i32>} : memref<32x128xf32, #tpu.memory_space<vmem>>, vector<16xf32>,
      %swap3A_44 = arith.index_cast %scan3A_37 : i32 to index
      %swap3A_45 = arith.constant 32 : index
      %swap3A_46 = tpu.vector_load %arg12[%swap3A_44, %swap3A_45] {strides = array<i32>} : memref<32x128xf32, #tpu.memory_space<vmem>>, vector<16xf32>,
      tpu.vector_store %arg12[%swap3A_44, %swap3A_45], %broadcast_in_dim3A_0 {strides = array<i32>} : memref<32x128xf32, #tpu.memory_space<vmem>>, vector<16xf32>,
      %swap3A_47 = arith.index_cast %scan3A_37 : i32 to index
      %swap3A_48 = arith.constant 48 : index
      %swap3A_49 = tpu.vector_load %arg12[%swap3A_47, %swap3A_48] {strides = array<i32>} : memref<32x128xf32, #tpu.memory_space<vmem>>, vector<16xf32>,
      tpu.vector_store %arg12[%swap3A_47, %swap3A_48], %broadcast_in_dim3A_0 {strides = array<i32>} : memref<32x128xf32, #tpu.memory_space<vmem>>, vector<16xf32>,
      %swap3A_50 = arith.index_cast %scan3A_37 : i32 to index
      %swap3A_51 = arith.constant 64 : index
      %swap3A_52 = tpu.vector_load %arg12[%swap3A_50, %swap3A_51] {strides = array<i32>} : memref<32x128xf32, #tpu.memory_space<vmem>>, vector<16xf32>,
      tpu.vector_store %arg12[%swap3A_50, %swap3A_51], %broadcast_in_dim3A_0 {strides = array<i32>} : memref<32x128xf32, #tpu.memory_space<vmem>>, vector<16xf32>,
      %swap3A_53 = arith.index_cast %scan3A_37 : i32 to index
      %swap3A_54 = arith.constant 80 : index
      %swap3A_55 = tpu.vector_load %arg12[%swap3A_53, %swap3A_54] {strides = array<i32>} : memref<32x128xf32, #tpu.memory_space<vmem>>, vector<16xf32>,
      tpu.vector_store %arg12[%swap3A_53, %swap3A_54], %broadcast_in_dim3A_0 {strides = array<i32>} : memref<32x128xf32, #tpu.memory_space<vmem>>, vector<16xf32>,
      %swap3A_56 = arith.index_cast %scan3A_37 : i32 to index
      %swap3A_57 = arith.constant 96 : index
      %swap3A_58 = tpu.vector_load %arg12[%swap3A_56, %swap3A_57] {strides = array<i32>} : memref<32x128xf32, #tpu.memory_space<vmem>>, vector<16xf32>,
      tpu.vector_store %arg12[%swap3A_56, %swap3A_57], %broadcast_in_dim3A_0 {strides = array<i32>} : memref<32x128xf32, #tpu.memory_space<vmem>>, vector<16xf32>,
      %swap3A_59 = arith.index_cast %scan3A_37 : i32 to index
      %swap3A_60 = arith.constant 112 : index
      %swap3A_61 = tpu.vector_load %arg12[%swap3A_59, %swap3A_60] {strides = array<i32>} : memref<32x128xf32, #tpu.memory_space<vmem>>, vector<16xf32>,
      tpu.vector_store %arg12[%swap3A_59, %swap3A_60], %broadcast_in_dim3A_0 {strides = array<i32>} : memref<32x128xf32, #tpu.memory_space<vmem>>, vector<16xf32>,
      %scan3A_62 = arith.constant 0 : i32
      scf.yield %scan3A_62 : i32
    }
    %scan3A_6 = arith.constant 32 : i32
    %scan3A_7 = arith.constant 0 : i32
    %scan3A_8 = arith.constant 0 : i32
    %scan3A_9 = arith.constant 20 : i32
    %scan3A_10 = arith.addi %scan3A_8, %scan3A_9 : i32
    %scan3A_11 = arith.constant 1 : i32
    %scan3A_12 = scf.for %scan3A_37 = %scan3A_8 to %scan3A_10 step %scan3A_11 iter_args(%scan3A_38 = %scan3A_7) -> (i32)  : i32 {
      %mul3A_39 = arith.constant 640 : i32
      %mul3A_40 = arith.muli %arg1, %mul3A_39 : i32
      %mul3A_41 = arith.constant 32 : i32
      %mul3A_42 = arith.muli %scan3A_37, %mul3A_41 : i32
      %add3A_43 = arith.addi %mul3A_40, %mul3A_42 : i32
      "tpu.region"() ({
        %run_scoped3A = tpu.sem_alloc : memref<!tpu.dma_semaphore, #tpu.memory_space<semaphore_mem>>
        %dma_start3A = arith.constant 0 : i32
        %dma_start3A_45 = tpu.memref_slice %arg13[%add3A_43, %dma_start3A] : memref<10240x128xf32, #tpu.memory_space<vmem_shared>> -> memref<32x128xf32, #tpu.memory_space<vmem_shared>>
        %dma_start3A_46 = arith.constant 0 : i32
        %dma_start3A_47 = tpu.memref_slice %arg13[%add3A_43, %dma_start3A_46] : memref<10240x128xf32, #tpu.memory_space<vmem_shared>> -> memref<32x128xf32, #tpu.memory_space<vmem_shared>>
        tpu.enqueue_dma source(%arg12 : memref<32x128xf32, #tpu.memory_space<vmem>>) target(%dma_start3A_47 : memref<32x128xf32, #tpu.memory_space<vmem_shared>>) target_semaphore(%run_scoped3A : memref<!tpu.dma_semaphore, #tpu.memory_space<semaphore_mem>>)
        %dma_wait3A = arith.constant 0 : i32
        %dma_wait3A_48 = tpu.memref_slice %arg13[%add3A_43, %dma_wait3A] : memref<10240x128xf32, #tpu.memory_space<vmem_shared>> -> memref<32x128xf32, #tpu.memory_space<vmem_shared>>
        %dma_wait3A_49 = arith.constant 0 : i32
        %dma_wait3A_50 = tpu.memref_slice %arg13[%add3A_43, %dma_wait3A_49] : memref<10240x128xf32, #tpu.memory_space<vmem_shared>> -> memref<32x128xf32, #tpu.memory_space<vmem_shared>>
        tpu.wait_dma2 semaphore(%run_scoped3A : memref<!tpu.dma_semaphore, #tpu.memory_space<semaphore_mem>>) src(%arg12 : memref<32x128xf32, #tpu.memory_space<vmem>>) dst(%dma_wait3A_50 : memref<32x128xf32, #tpu.memory_space<vmem_shared>>)
        tpu.yield
      }) : () -> ()
      %scan3A_44 = arith.constant 0 : i32
      scf.yield %scan3A_44 : i32
    }
    %scan3A_13 = arith.constant 20 : i32
    %mul3A = arith.constant 16 : i32
    %mul3A_14 = arith.muli %arg0, %mul3A : i32
    %add3A = arith.addi %mul3A_14, %arg1 : i32
    %mul3A_15 = arith.constant 80 : i32
    %mul3A_16 = arith.muli %add3A, %mul3A_15 : i32
    %barrier3A = arith.constant 0 : index
    tpu.barrier barrier_id(%barrier3A)
    %eq3A = arith.constant 0 : i32
    %eq3A_17 = arith.cmpi eq, %arg0, %eq3A : i32
    %convert_element_type3A = arith.extui %eq3A_17 : i1 to i32
    %cond3A = arith.constant 0 : i32
    %cond3A_18 = arith.cmpi ne, %convert_element_type3A, %cond3A : i32
    scf.if %cond3A_18 {
      %scan3A_37 = arith.constant 0 : i32
      %scan3A_38 = arith.constant 0 : i32
      %scan3A_39 = arith.constant 5 : i32
      %scan3A_40 = arith.addi %scan3A_38, %scan3A_39 : i32
      %scan3A_41 = arith.constant 1 : i32
      %scan3A_42 = scf.for %scan3A_44 = %scan3A_38 to %scan3A_40 step %scan3A_41 iter_args(%scan3A_45 = %scan3A_37) -> (i32)  : i32 {
        %mul3A_46 = arith.constant 16 : i32
        %mul3A_47 = arith.muli %scan3A_44, %mul3A_46 : i32
        %add3A_48 = arith.addi %mul3A_16, %mul3A_47 : i32
        "tpu.region"() ({
          %run_scoped3A = tpu.sem_alloc : memref<!tpu.dma_semaphore, #tpu.memory_space<semaphore_mem>>
          %dma_start3A_63 = arith.constant 0 : i32
          %dma_start3A_64 = tpu.memref_slice %arg4[%add3A_48, %dma_start3A_63] : memref<2560x128xi32, #tpu.memory_space<hbm>> -> memref<16x128xi32, #tpu.memory_space<hbm>>
          %dma_start3A_65 = arith.constant 0 : i32
          %dma_start3A_66 = tpu.memref_slice %arg4[%add3A_48, %dma_start3A_65] : memref<2560x128xi32, #tpu.memory_space<hbm>> -> memref<16x128xi32, #tpu.memory_space<hbm>>
          tpu.enqueue_dma source(%dma_start3A_66 : memref<16x128xi32, #tpu.memory_space<hbm>>) target(%arg8 : memref<16x128xi32, #tpu.memory_space<vmem>>) target_semaphore(%run_scoped3A : memref<!tpu.dma_semaphore, #tpu.memory_space<semaphore_mem>>)
          %dma_wait3A = arith.constant 0 : i32
          %dma_wait3A_67 = tpu.memref_slice %arg4[%add3A_48, %dma_wait3A] : memref<2560x128xi32, #tpu.memory_space<hbm>> -> memref<16x128xi32, #tpu.memory_space<hbm>>
          %dma_wait3A_68 = arith.constant 0 : i32
          %dma_wait3A_69 = tpu.memref_slice %arg4[%add3A_48, %dma_wait3A_68] : memref<2560x128xi32, #tpu.memory_space<hbm>> -> memref<16x128xi32, #tpu.memory_space<hbm>>
          tpu.wait_dma2 semaphore(%run_scoped3A : memref<!tpu.dma_semaphore, #tpu.memory_space<semaphore_mem>>) src(%dma_wait3A_69 : memref<16x128xi32, #tpu.memory_space<hbm>>) dst(%arg8 : memref<16x128xi32, #tpu.memory_space<vmem>>)
          tpu.yield
        }) : () -> ()
        "tpu.region"() ({
          %run_scoped3A = tpu.sem_alloc : memref<!tpu.dma_semaphore, #tpu.memory_space<semaphore_mem>>
          %dma_start3A_63 = arith.constant 0 : i32
          %dma_start3A_64 = tpu.memref_slice %arg5[%add3A_48, %dma_start3A_63] : memref<2560x128xi32, #tpu.memory_space<hbm>> -> memref<16x128xi32, #tpu.memory_space<hbm>>
          %dma_start3A_65 = arith.constant 0 : i32
          %dma_start3A_66 = tpu.memref_slice %arg5[%add3A_48, %dma_start3A_65] : memref<2560x128xi32, #tpu.memory_space<hbm>> -> memref<16x128xi32, #tpu.memory_space<hbm>>
          tpu.enqueue_dma source(%dma_start3A_66 : memref<16x128xi32, #tpu.memory_space<hbm>>) target(%arg9 : memref<16x128xi32, #tpu.memory_space<vmem>>) target_semaphore(%run_scoped3A : memref<!tpu.dma_semaphore, #tpu.memory_space<semaphore_mem>>)
          %dma_wait3A = arith.constant 0 : i32
          %dma_wait3A_67 = tpu.memref_slice %arg5[%add3A_48, %dma_wait3A] : memref<2560x128xi32, #tpu.memory_space<hbm>> -> memref<16x128xi32, #tpu.memory_space<hbm>>
          %dma_wait3A_68 = arith.constant 0 : i32
          %dma_wait3A_69 = tpu.memref_slice %arg5[%add3A_48, %dma_wait3A_68] : memref<2560x128xi32, #tpu.memory_space<hbm>> -> memref<16x128xi32, #tpu.memory_space<hbm>>
          tpu.wait_dma2 semaphore(%run_scoped3A : memref<!tpu.dma_semaphore, #tpu.memory_space<semaphore_mem>>) src(%dma_wait3A_69 : memref<16x128xi32, #tpu.memory_space<hbm>>) dst(%arg9 : memref<16x128xi32, #tpu.memory_space<vmem>>)
          tpu.yield
        }) : () -> ()
        %dma_start3A = arith.constant 0 : i32
        %dma_start3A_49 = arith.constant 0 : i32
        %dma_start3A_50 = tpu.memref_slice %arg8[%dma_start3A, %dma_start3A_49] : memref<16x128xi32, #tpu.memory_space<vmem>> -> memref<1x128xi32, #tpu.memory_space<vmem>>
        %dma_start3A_51 = tpu.memref_squeeze %dma_start3A_50 : memref<1x128xi32, #tpu.memory_space<vmem>> -> memref<128xi32, #tpu.memory_space<vmem>>
        %dma_start3A_52 = arith.constant 0 : i32
        %dma_start3A_53 = arith.constant 0 : i32
        %dma_start3A_54 = tpu.memref_slice %arg2[%dma_start3A_52, %dma_start3A_53] : memref<10240x128xf32, #tpu.memory_space<hbm>> -> memref<10240x128xf32, #tpu.memory_space<hbm>>
        tpu.enqueue_indirect_dma source(%dma_start3A_54 : memref<10240x128xf32, #tpu.memory_space<hbm>>) target(%arg10 : memref<128x128xf32, #tpu.memory_space<vmem>>) offsets(%dma_start3A_51 : memref<128xi32, #tpu.memory_space<vmem>>) semaphore(%arg14 : memref<!tpu.dma_semaphore, #tpu.memory_space<semaphore_mem>>)
        %scan3A_55 = arith.constant 0 : i32
        %scan3A_56 = arith.constant 0 : i32
        %scan3A_57 = arith.constant 8 : i32
        %scan3A_58 = arith.addi %scan3A_56, %scan3A_57 : i32
        %scan3A_59 = arith.constant 1 : i32
        %scan3A_60 = scf.for %scan3A_63 = %scan3A_56 to %scan3A_58 step %scan3A_59 iter_args(%scan3A_64 = %scan3A_55) -> (i32)  : i32 {
          %dma_wait3A = arith.constant 0 : i32
          %dma_wait3A_65 = arith.constant 0 : i32
          %dma_wait3A_66 = tpu.memref_slice %arg8[%dma_wait3A, %dma_wait3A_65] : memref<16x128xi32, #tpu.memory_space<vmem>> -> memref<1x128xi32, #tpu.memory_space<vmem>>
          %dma_wait3A_67 = tpu.memref_squeeze %dma_wait3A_66 : memref<1x128xi32, #tpu.memory_space<vmem>> -> memref<128xi32, #tpu.memory_space<vmem>>
          %dma_wait3A_68 = arith.constant 0 : i32
          %dma_wait3A_69 = arith.constant 0 : i32
          %dma_wait3A_70 = tpu.memref_slice %arg2[%dma_wait3A_68, %dma_wait3A_69] : memref<10240x128xf32, #tpu.memory_space<hbm>> -> memref<10240x128xf32, #tpu.memory_space<hbm>>
          tpu.wait_indirect_dma semaphore(%arg14 : memref<!tpu.dma_semaphore, #tpu.memory_space<semaphore_mem>>) src(%dma_wait3A_70 : memref<10240x128xf32, #tpu.memory_space<hbm>>) dst(%arg10 : memref<128x128xf32, #tpu.memory_space<vmem>>)
          %mul3A_71 = arith.constant 2 : i32
          %mul3A_72 = arith.muli %mul3A_71, %scan3A_63 : i32
          %add3A_73 = arith.constant 1 : i32
          %add3A_74 = arith.addi %mul3A_72, %add3A_73 : i32
          %dma_start3A_75 = arith.constant 0 : i32
          %dma_start3A_76 = tpu.memref_slice %arg8[%add3A_74, %dma_start3A_75] : memref<16x128xi32, #tpu.memory_space<vmem>> -> memref<1x128xi32, #tpu.memory_space<vmem>>
          %dma_start3A_77 = tpu.memref_squeeze %dma_start3A_76 : memref<1x128xi32, #tpu.memory_space<vmem>> -> memref<128xi32, #tpu.memory_space<vmem>>
          %dma_start3A_78 = arith.constant 0 : i32
          %dma_start3A_79 = arith.constant 0 : i32
          %dma_start3A_80 = tpu.memref_slice %arg2[%dma_start3A_78, %dma_start3A_79] : memref<10240x128xf32, #tpu.memory_space<hbm>> -> memref<10240x128xf32, #tpu.memory_space<hbm>>
          tpu.enqueue_indirect_dma source(%dma_start3A_80 : memref<10240x128xf32, #tpu.memory_space<hbm>>) target(%arg11 : memref<128x128xf32, #tpu.memory_space<vmem>>) offsets(%dma_start3A_77 : memref<128xi32, #tpu.memory_space<vmem>>) semaphore(%arg15 : memref<!tpu.dma_semaphore, #tpu.memory_space<semaphore_mem>>)
          %mul3A_81 = arith.constant 2 : i32
          %mul3A_82 = arith.muli %mul3A_81, %scan3A_63 : i32
          "tpu.region"() ({
            %run_scoped3A = tpu.sem_alloc : memref<!tpu.dma_semaphore, #tpu.memory_space<semaphore_mem>>
            %dma_start3A_99 = arith.constant 0 : i32
            %dma_start3A_100 = tpu.memref_slice %arg9[%mul3A_82, %dma_start3A_99] : memref<16x128xi32, #tpu.memory_space<vmem>> -> memref<1x128xi32, #tpu.memory_space<vmem>>
            %dma_start3A_101 = tpu.memref_squeeze %dma_start3A_100 : memref<1x128xi32, #tpu.memory_space<vmem>> -> memref<128xi32, #tpu.memory_space<vmem>>
            %dma_start3A_102 = arith.constant 0 : i32
            %dma_start3A_103 = arith.constant 0 : i32
            %dma_start3A_104 = tpu.memref_slice %arg13[%dma_start3A_102, %dma_start3A_103] : memref<10240x128xf32, #tpu.memory_space<vmem_shared>> -> memref<10240x128xf32, #tpu.memory_space<vmem_shared>>
            tpu.enqueue_indirect_dma source(%arg10 : memref<128x128xf32, #tpu.memory_space<vmem>>) target(%dma_start3A_104 : memref<10240x128xf32, #tpu.memory_space<vmem_shared>>) offsets(%dma_start3A_101 : memref<128xi32, #tpu.memory_space<vmem>>) semaphore(%run_scoped3A : memref<!tpu.dma_semaphore, #tpu.memory_space<semaphore_mem>>) {add = true}
            %dma_wait3A_105 = arith.constant 0 : i32
            %dma_wait3A_106 = tpu.memref_slice %arg9[%mul3A_82, %dma_wait3A_105] : memref<16x128xi32, #tpu.memory_space<vmem>> -> memref<1x128xi32, #tpu.memory_space<vmem>>
            %dma_wait3A_107 = tpu.memref_squeeze %dma_wait3A_106 : memref<1x128xi32, #tpu.memory_space<vmem>> -> memref<128xi32, #tpu.memory_space<vmem>>
            %dma_wait3A_108 = arith.constant 0 : i32
            %dma_wait3A_109 = arith.constant 0 : i32
            %dma_wait3A_110 = tpu.memref_slice %arg13[%dma_wait3A_108, %dma_wait3A_109] : memref<10240x128xf32, #tpu.memory_space<vmem_shared>> -> memref<10240x128xf32, #tpu.memory_space<vmem_shared>>
            tpu.wait_indirect_dma semaphore(%run_scoped3A : memref<!tpu.dma_semaphore, #tpu.memory_space<semaphore_mem>>) src(%arg10 : memref<128x128xf32, #tpu.memory_space<vmem>>) dst(%dma_wait3A_110 : memref<10240x128xf32, #tpu.memory_space<vmem_shared>>)
            tpu.yield
          }) : () -> ()
          %dma_wait3A_83 = arith.constant 0 : i32
          %dma_wait3A_84 = arith.constant 0 : i32
          %dma_wait3A_85 = tpu.memref_slice %arg8[%dma_wait3A_83, %dma_wait3A_84] : memref<16x128xi32, #tpu.memory_space<vmem>> -> memref<1x128xi32, #tpu.memory_space<vmem>>
          %dma_wait3A_86 = tpu.memref_squeeze %dma_wait3A_85 : memref<1x128xi32, #tpu.memory_space<vmem>> -> memref<128xi32, #tpu.memory_space<vmem>>
          %dma_wait3A_87 = arith.constant 0 : i32
          %dma_wait3A_88 = arith.constant 0 : i32
          %dma_wait3A_89 = tpu.memref_slice %arg2[%dma_wait3A_87, %dma_wait3A_88] : memref<10240x128xf32, #tpu.memory_space<hbm>> -> memref<10240x128xf32, #tpu.memory_space<hbm>>
          tpu.wait_indirect_dma semaphore(%arg15 : memref<!tpu.dma_semaphore, #tpu.memory_space<semaphore_mem>>) src(%dma_wait3A_89 : memref<10240x128xf32, #tpu.memory_space<hbm>>) dst(%arg11 : memref<128x128xf32, #tpu.memory_space<vmem>>)
          %lt3A = arith.constant 7 : i32
          %lt3A_90 = arith.cmpi slt, %scan3A_63, %lt3A : i32
          %convert_element_type3A_91 = arith.extui %lt3A_90 : i1 to i32
          %cond3A_92 = arith.constant 0 : i32
          %cond3A_93 = arith.cmpi ne, %convert_element_type3A_91, %cond3A_92 : i32
          scf.if %cond3A_93 {
            %mul3A_99 = arith.constant 2 : i32
            %mul3A_100 = arith.muli %mul3A_99, %scan3A_63 : i32
            %add3A_101 = arith.constant 2 : i32
            %add3A_102 = arith.addi %mul3A_100, %add3A_101 : i32
            %dma_start3A_103 = arith.constant 0 : i32
            %dma_start3A_104 = tpu.memref_slice %arg8[%add3A_102, %dma_start3A_103] : memref<16x128xi32, #tpu.memory_space<vmem>> -> memref<1x128xi32, #tpu.memory_space<vmem>>
            %dma_start3A_105 = tpu.memref_squeeze %dma_start3A_104 : memref<1x128xi32, #tpu.memory_space<vmem>> -> memref<128xi32, #tpu.memory_space<vmem>>
            %dma_start3A_106 = arith.constant 0 : i32
            %dma_start3A_107 = arith.constant 0 : i32
            %dma_start3A_108 = tpu.memref_slice %arg2[%dma_start3A_106, %dma_start3A_107] : memref<10240x128xf32, #tpu.memory_space<hbm>> -> memref<10240x128xf32, #tpu.memory_space<hbm>>
            tpu.enqueue_indirect_dma source(%dma_start3A_108 : memref<10240x128xf32, #tpu.memory_space<hbm>>) target(%arg10 : memref<128x128xf32, #tpu.memory_space<vmem>>) offsets(%dma_start3A_105 : memref<128xi32, #tpu.memory_space<vmem>>) semaphore(%arg14 : memref<!tpu.dma_semaphore, #tpu.memory_space<semaphore_mem>>)
          } else {
          }
          %mul3A_94 = arith.constant 2 : i32
          %mul3A_95 = arith.muli %mul3A_94, %scan3A_63 : i32
          %add3A_96 = arith.constant 1 : i32
          %add3A_97 = arith.addi %mul3A_95, %add3A_96 : i32
          "tpu.region"() ({
            %run_scoped3A = tpu.sem_alloc : memref<!tpu.dma_semaphore, #tpu.memory_space<semaphore_mem>>
            %dma_start3A_99 = arith.constant 0 : i32
            %dma_start3A_100 = tpu.memref_slice %arg9[%add3A_97, %dma_start3A_99] : memref<16x128xi32, #tpu.memory_space<vmem>> -> memref<1x128xi32, #tpu.memory_space<vmem>>
            %dma_start3A_101 = tpu.memref_squeeze %dma_start3A_100 : memref<1x128xi32, #tpu.memory_space<vmem>> -> memref<128xi32, #tpu.memory_space<vmem>>
            %dma_start3A_102 = arith.constant 0 : i32
            %dma_start3A_103 = arith.constant 0 : i32
            %dma_start3A_104 = tpu.memref_slice %arg13[%dma_start3A_102, %dma_start3A_103] : memref<10240x128xf32, #tpu.memory_space<vmem_shared>> -> memref<10240x128xf32, #tpu.memory_space<vmem_shared>>
            tpu.enqueue_indirect_dma source(%arg11 : memref<128x128xf32, #tpu.memory_space<vmem>>) target(%dma_start3A_104 : memref<10240x128xf32, #tpu.memory_space<vmem_shared>>) offsets(%dma_start3A_101 : memref<128xi32, #tpu.memory_space<vmem>>) semaphore(%run_scoped3A : memref<!tpu.dma_semaphore, #tpu.memory_space<semaphore_mem>>) {add = true}
            %dma_wait3A_105 = arith.constant 0 : i32
            %dma_wait3A_106 = tpu.memref_slice %arg9[%add3A_97, %dma_wait3A_105] : memref<16x128xi32, #tpu.memory_space<vmem>> -> memref<1x128xi32, #tpu.memory_space<vmem>>
            %dma_wait3A_107 = tpu.memref_squeeze %dma_wait3A_106 : memref<1x128xi32, #tpu.memory_space<vmem>> -> memref<128xi32, #tpu.memory_space<vmem>>
            %dma_wait3A_108 = arith.constant 0 : i32
            %dma_wait3A_109 = arith.constant 0 : i32
            %dma_wait3A_110 = tpu.memref_slice %arg13[%dma_wait3A_108, %dma_wait3A_109] : memref<10240x128xf32, #tpu.memory_space<vmem_shared>> -> memref<10240x128xf32, #tpu.memory_space<vmem_shared>>
            tpu.wait_indirect_dma semaphore(%run_scoped3A : memref<!tpu.dma_semaphore, #tpu.memory_space<semaphore_mem>>) src(%arg11 : memref<128x128xf32, #tpu.memory_space<vmem>>) dst(%dma_wait3A_110 : memref<10240x128xf32, #tpu.memory_space<vmem_shared>>)
            tpu.yield
          }) : () -> ()
          %scan3A_98 = arith.constant 0 : i32
          scf.yield %scan3A_98 : i32
        }
        %scan3A_61 = arith.constant 8 : i32
        %scan3A_62 = arith.constant 0 : i32
        scf.yield %scan3A_62 : i32
      }
      %scan3A_43 = arith.constant 5 : i32
    } else {
    }
    %eq3A_19 = arith.constant 1 : i32
    %eq3A_20 = arith.cmpi eq, %arg0, %eq3A_19 : i32
    %convert_element_type3A_21 = arith.extui %eq3A_20 : i1 to i32
    %cond3A_22 = arith.constant 0 : i32
    %cond3A_23 = arith.cmpi ne, %convert_element_type3A_21, %cond3A_22 : i32
    scf.if %cond3A_23 {
      %scan3A_37 = arith.constant 0 : i32
      %scan3A_38 = arith.constant 0 : i32
      %scan3A_39 = arith.constant 5 : i32
      %scan3A_40 = arith.addi %scan3A_38, %scan3A_39 : i32
      %scan3A_41 = arith.constant 1 : i32
      %scan3A_42 = scf.for %scan3A_44 = %scan3A_38 to %scan3A_40 step %scan3A_41 iter_args(%scan3A_45 = %scan3A_37) -> (i32)  : i32 {
        %mul3A_46 = arith.constant 16 : i32
        %mul3A_47 = arith.muli %scan3A_44, %mul3A_46 : i32
        %add3A_48 = arith.addi %mul3A_16, %mul3A_47 : i32
        "tpu.region"() ({
          %run_scoped3A = tpu.sem_alloc : memref<!tpu.dma_semaphore, #tpu.memory_space<semaphore_mem>>
          %dma_start3A_63 = arith.constant 0 : i32
          %dma_start3A_64 = tpu.memref_slice %arg4[%add3A_48, %dma_start3A_63] : memref<2560x128xi32, #tpu.memory_space<hbm>> -> memref<16x128xi32, #tpu.memory_space<hbm>>
          %dma_start3A_65 = arith.constant 0 : i32
          %dma_start3A_66 = tpu.memref_slice %arg4[%add3A_48, %dma_start3A_65] : memref<2560x128xi32, #tpu.memory_space<hbm>> -> memref<16x128xi32, #tpu.memory_space<hbm>>
          tpu.enqueue_dma source(%dma_start3A_66 : memref<16x128xi32, #tpu.memory_space<hbm>>) target(%arg8 : memref<16x128xi32, #tpu.memory_space<vmem>>) target_semaphore(%run_scoped3A : memref<!tpu.dma_semaphore, #tpu.memory_space<semaphore_mem>>)
          %dma_wait3A = arith.constant 0 : i32
          %dma_wait3A_67 = tpu.memref_slice %arg4[%add3A_48, %dma_wait3A] : memref<2560x128xi32, #tpu.memory_space<hbm>> -> memref<16x128xi32, #tpu.memory_space<hbm>>
          %dma_wait3A_68 = arith.constant 0 : i32
          %dma_wait3A_69 = tpu.memref_slice %arg4[%add3A_48, %dma_wait3A_68] : memref<2560x128xi32, #tpu.memory_space<hbm>> -> memref<16x128xi32, #tpu.memory_space<hbm>>
          tpu.wait_dma2 semaphore(%run_scoped3A : memref<!tpu.dma_semaphore, #tpu.memory_space<semaphore_mem>>) src(%dma_wait3A_69 : memref<16x128xi32, #tpu.memory_space<hbm>>) dst(%arg8 : memref<16x128xi32, #tpu.memory_space<vmem>>)
          tpu.yield
        }) : () -> ()
        "tpu.region"() ({
          %run_scoped3A = tpu.sem_alloc : memref<!tpu.dma_semaphore, #tpu.memory_space<semaphore_mem>>
          %dma_start3A_63 = arith.constant 0 : i32
          %dma_start3A_64 = tpu.memref_slice %arg5[%add3A_48, %dma_start3A_63] : memref<2560x128xi32, #tpu.memory_space<hbm>> -> memref<16x128xi32, #tpu.memory_space<hbm>>
          %dma_start3A_65 = arith.constant 0 : i32
          %dma_start3A_66 = tpu.memref_slice %arg5[%add3A_48, %dma_start3A_65] : memref<2560x128xi32, #tpu.memory_space<hbm>> -> memref<16x128xi32, #tpu.memory_space<hbm>>
          tpu.enqueue_dma source(%dma_start3A_66 : memref<16x128xi32, #tpu.memory_space<hbm>>) target(%arg9 : memref<16x128xi32, #tpu.memory_space<vmem>>) target_semaphore(%run_scoped3A : memref<!tpu.dma_semaphore, #tpu.memory_space<semaphore_mem>>)
          %dma_wait3A = arith.constant 0 : i32
          %dma_wait3A_67 = tpu.memref_slice %arg5[%add3A_48, %dma_wait3A] : memref<2560x128xi32, #tpu.memory_space<hbm>> -> memref<16x128xi32, #tpu.memory_space<hbm>>
          %dma_wait3A_68 = arith.constant 0 : i32
          %dma_wait3A_69 = tpu.memref_slice %arg5[%add3A_48, %dma_wait3A_68] : memref<2560x128xi32, #tpu.memory_space<hbm>> -> memref<16x128xi32, #tpu.memory_space<hbm>>
          tpu.wait_dma2 semaphore(%run_scoped3A : memref<!tpu.dma_semaphore, #tpu.memory_space<semaphore_mem>>) src(%dma_wait3A_69 : memref<16x128xi32, #tpu.memory_space<hbm>>) dst(%arg9 : memref<16x128xi32, #tpu.memory_space<vmem>>)
          tpu.yield
        }) : () -> ()
        %dma_start3A = arith.constant 0 : i32
        %dma_start3A_49 = arith.constant 0 : i32
        %dma_start3A_50 = tpu.memref_slice %arg8[%dma_start3A, %dma_start3A_49] : memref<16x128xi32, #tpu.memory_space<vmem>> -> memref<1x128xi32, #tpu.memory_space<vmem>>
        %dma_start3A_51 = tpu.memref_squeeze %dma_start3A_50 : memref<1x128xi32, #tpu.memory_space<vmem>> -> memref<128xi32, #tpu.memory_space<vmem>>
        %dma_start3A_52 = arith.constant 0 : i32
        %dma_start3A_53 = arith.constant 0 : i32
        %dma_start3A_54 = tpu.memref_slice %arg3[%dma_start3A_52, %dma_start3A_53] : memref<10240x128xf32, #tpu.memory_space<hbm>> -> memref<10240x128xf32, #tpu.memory_space<hbm>>
        tpu.enqueue_indirect_dma source(%dma_start3A_54 : memref<10240x128xf32, #tpu.memory_space<hbm>>) target(%arg10 : memref<128x128xf32, #tpu.memory_space<vmem>>) offsets(%dma_start3A_51 : memref<128xi32, #tpu.memory_space<vmem>>) semaphore(%arg14 : memref<!tpu.dma_semaphore, #tpu.memory_space<semaphore_mem>>)
        %scan3A_55 = arith.constant 0 : i32
        %scan3A_56 = arith.constant 0 : i32
        %scan3A_57 = arith.constant 8 : i32
        %scan3A_58 = arith.addi %scan3A_56, %scan3A_57 : i32
        %scan3A_59 = arith.constant 1 : i32
        %scan3A_60 = scf.for %scan3A_63 = %scan3A_56 to %scan3A_58 step %scan3A_59 iter_args(%scan3A_64 = %scan3A_55) -> (i32)  : i32 {
          %dma_wait3A = arith.constant 0 : i32
          %dma_wait3A_65 = arith.constant 0 : i32
          %dma_wait3A_66 = tpu.memref_slice %arg8[%dma_wait3A, %dma_wait3A_65] : memref<16x128xi32, #tpu.memory_space<vmem>> -> memref<1x128xi32, #tpu.memory_space<vmem>>
          %dma_wait3A_67 = tpu.memref_squeeze %dma_wait3A_66 : memref<1x128xi32, #tpu.memory_space<vmem>> -> memref<128xi32, #tpu.memory_space<vmem>>
          %dma_wait3A_68 = arith.constant 0 : i32
          %dma_wait3A_69 = arith.constant 0 : i32
          %dma_wait3A_70 = tpu.memref_slice %arg3[%dma_wait3A_68, %dma_wait3A_69] : memref<10240x128xf32, #tpu.memory_space<hbm>> -> memref<10240x128xf32, #tpu.memory_space<hbm>>
          tpu.wait_indirect_dma semaphore(%arg14 : memref<!tpu.dma_semaphore, #tpu.memory_space<semaphore_mem>>) src(%dma_wait3A_70 : memref<10240x128xf32, #tpu.memory_space<hbm>>) dst(%arg10 : memref<128x128xf32, #tpu.memory_space<vmem>>)
          %mul3A_71 = arith.constant 2 : i32
          %mul3A_72 = arith.muli %mul3A_71, %scan3A_63 : i32
          %add3A_73 = arith.constant 1 : i32
          %add3A_74 = arith.addi %mul3A_72, %add3A_73 : i32
          %dma_start3A_75 = arith.constant 0 : i32
          %dma_start3A_76 = tpu.memref_slice %arg8[%add3A_74, %dma_start3A_75] : memref<16x128xi32, #tpu.memory_space<vmem>> -> memref<1x128xi32, #tpu.memory_space<vmem>>
          %dma_start3A_77 = tpu.memref_squeeze %dma_start3A_76 : memref<1x128xi32, #tpu.memory_space<vmem>> -> memref<128xi32, #tpu.memory_space<vmem>>
          %dma_start3A_78 = arith.constant 0 : i32
          %dma_start3A_79 = arith.constant 0 : i32
          %dma_start3A_80 = tpu.memref_slice %arg3[%dma_start3A_78, %dma_start3A_79] : memref<10240x128xf32, #tpu.memory_space<hbm>> -> memref<10240x128xf32, #tpu.memory_space<hbm>>
          tpu.enqueue_indirect_dma source(%dma_start3A_80 : memref<10240x128xf32, #tpu.memory_space<hbm>>) target(%arg11 : memref<128x128xf32, #tpu.memory_space<vmem>>) offsets(%dma_start3A_77 : memref<128xi32, #tpu.memory_space<vmem>>) semaphore(%arg15 : memref<!tpu.dma_semaphore, #tpu.memory_space<semaphore_mem>>)
          %mul3A_81 = arith.constant 2 : i32
          %mul3A_82 = arith.muli %mul3A_81, %scan3A_63 : i32
          "tpu.region"() ({
            %run_scoped3A = tpu.sem_alloc : memref<!tpu.dma_semaphore, #tpu.memory_space<semaphore_mem>>
            %dma_start3A_99 = arith.constant 0 : i32
            %dma_start3A_100 = tpu.memref_slice %arg9[%mul3A_82, %dma_start3A_99] : memref<16x128xi32, #tpu.memory_space<vmem>> -> memref<1x128xi32, #tpu.memory_space<vmem>>
            %dma_start3A_101 = tpu.memref_squeeze %dma_start3A_100 : memref<1x128xi32, #tpu.memory_space<vmem>> -> memref<128xi32, #tpu.memory_space<vmem>>
            %dma_start3A_102 = arith.constant 0 : i32
            %dma_start3A_103 = arith.constant 0 : i32
            %dma_start3A_104 = tpu.memref_slice %arg13[%dma_start3A_102, %dma_start3A_103] : memref<10240x128xf32, #tpu.memory_space<vmem_shared>> -> memref<10240x128xf32, #tpu.memory_space<vmem_shared>>
            tpu.enqueue_indirect_dma source(%arg10 : memref<128x128xf32, #tpu.memory_space<vmem>>) target(%dma_start3A_104 : memref<10240x128xf32, #tpu.memory_space<vmem_shared>>) offsets(%dma_start3A_101 : memref<128xi32, #tpu.memory_space<vmem>>) semaphore(%run_scoped3A : memref<!tpu.dma_semaphore, #tpu.memory_space<semaphore_mem>>) {add = true}
            %dma_wait3A_105 = arith.constant 0 : i32
            %dma_wait3A_106 = tpu.memref_slice %arg9[%mul3A_82, %dma_wait3A_105] : memref<16x128xi32, #tpu.memory_space<vmem>> -> memref<1x128xi32, #tpu.memory_space<vmem>>
            %dma_wait3A_107 = tpu.memref_squeeze %dma_wait3A_106 : memref<1x128xi32, #tpu.memory_space<vmem>> -> memref<128xi32, #tpu.memory_space<vmem>>
            %dma_wait3A_108 = arith.constant 0 : i32
            %dma_wait3A_109 = arith.constant 0 : i32
            %dma_wait3A_110 = tpu.memref_slice %arg13[%dma_wait3A_108, %dma_wait3A_109] : memref<10240x128xf32, #tpu.memory_space<vmem_shared>> -> memref<10240x128xf32, #tpu.memory_space<vmem_shared>>
            tpu.wait_indirect_dma semaphore(%run_scoped3A : memref<!tpu.dma_semaphore, #tpu.memory_space<semaphore_mem>>) src(%arg10 : memref<128x128xf32, #tpu.memory_space<vmem>>) dst(%dma_wait3A_110 : memref<10240x128xf32, #tpu.memory_space<vmem_shared>>)
            tpu.yield
          }) : () -> ()
          %dma_wait3A_83 = arith.constant 0 : i32
          %dma_wait3A_84 = arith.constant 0 : i32
          %dma_wait3A_85 = tpu.memref_slice %arg8[%dma_wait3A_83, %dma_wait3A_84] : memref<16x128xi32, #tpu.memory_space<vmem>> -> memref<1x128xi32, #tpu.memory_space<vmem>>
          %dma_wait3A_86 = tpu.memref_squeeze %dma_wait3A_85 : memref<1x128xi32, #tpu.memory_space<vmem>> -> memref<128xi32, #tpu.memory_space<vmem>>
          %dma_wait3A_87 = arith.constant 0 : i32
          %dma_wait3A_88 = arith.constant 0 : i32
          %dma_wait3A_89 = tpu.memref_slice %arg3[%dma_wait3A_87, %dma_wait3A_88] : memref<10240x128xf32, #tpu.memory_space<hbm>> -> memref<10240x128xf32, #tpu.memory_space<hbm>>
          tpu.wait_indirect_dma semaphore(%arg15 : memref<!tpu.dma_semaphore, #tpu.memory_space<semaphore_mem>>) src(%dma_wait3A_89 : memref<10240x128xf32, #tpu.memory_space<hbm>>) dst(%arg11 : memref<128x128xf32, #tpu.memory_space<vmem>>)
          %lt3A = arith.constant 7 : i32
          %lt3A_90 = arith.cmpi slt, %scan3A_63, %lt3A : i32
          %convert_element_type3A_91 = arith.extui %lt3A_90 : i1 to i32
          %cond3A_92 = arith.constant 0 : i32
          %cond3A_93 = arith.cmpi ne, %convert_element_type3A_91, %cond3A_92 : i32
          scf.if %cond3A_93 {
            %mul3A_99 = arith.constant 2 : i32
            %mul3A_100 = arith.muli %mul3A_99, %scan3A_63 : i32
            %add3A_101 = arith.constant 2 : i32
            %add3A_102 = arith.addi %mul3A_100, %add3A_101 : i32
            %dma_start3A_103 = arith.constant 0 : i32
            %dma_start3A_104 = tpu.memref_slice %arg8[%add3A_102, %dma_start3A_103] : memref<16x128xi32, #tpu.memory_space<vmem>> -> memref<1x128xi32, #tpu.memory_space<vmem>>
            %dma_start3A_105 = tpu.memref_squeeze %dma_start3A_104 : memref<1x128xi32, #tpu.memory_space<vmem>> -> memref<128xi32, #tpu.memory_space<vmem>>
            %dma_start3A_106 = arith.constant 0 : i32
            %dma_start3A_107 = arith.constant 0 : i32
            %dma_start3A_108 = tpu.memref_slice %arg3[%dma_start3A_106, %dma_start3A_107] : memref<10240x128xf32, #tpu.memory_space<hbm>> -> memref<10240x128xf32, #tpu.memory_space<hbm>>
            tpu.enqueue_indirect_dma source(%dma_start3A_108 : memref<10240x128xf32, #tpu.memory_space<hbm>>) target(%arg10 : memref<128x128xf32, #tpu.memory_space<vmem>>) offsets(%dma_start3A_105 : memref<128xi32, #tpu.memory_space<vmem>>) semaphore(%arg14 : memref<!tpu.dma_semaphore, #tpu.memory_space<semaphore_mem>>)
          } else {
          }
          %mul3A_94 = arith.constant 2 : i32
          %mul3A_95 = arith.muli %mul3A_94, %scan3A_63 : i32
          %add3A_96 = arith.constant 1 : i32
          %add3A_97 = arith.addi %mul3A_95, %add3A_96 : i32
          "tpu.region"() ({
            %run_scoped3A = tpu.sem_alloc : memref<!tpu.dma_semaphore, #tpu.memory_space<semaphore_mem>>
            %dma_start3A_99 = arith.constant 0 : i32
            %dma_start3A_100 = tpu.memref_slice %arg9[%add3A_97, %dma_start3A_99] : memref<16x128xi32, #tpu.memory_space<vmem>> -> memref<1x128xi32, #tpu.memory_space<vmem>>
            %dma_start3A_101 = tpu.memref_squeeze %dma_start3A_100 : memref<1x128xi32, #tpu.memory_space<vmem>> -> memref<128xi32, #tpu.memory_space<vmem>>
            %dma_start3A_102 = arith.constant 0 : i32
            %dma_start3A_103 = arith.constant 0 : i32
            %dma_start3A_104 = tpu.memref_slice %arg13[%dma_start3A_102, %dma_start3A_103] : memref<10240x128xf32, #tpu.memory_space<vmem_shared>> -> memref<10240x128xf32, #tpu.memory_space<vmem_shared>>
            tpu.enqueue_indirect_dma source(%arg11 : memref<128x128xf32, #tpu.memory_space<vmem>>) target(%dma_start3A_104 : memref<10240x128xf32, #tpu.memory_space<vmem_shared>>) offsets(%dma_start3A_101 : memref<128xi32, #tpu.memory_space<vmem>>) semaphore(%run_scoped3A : memref<!tpu.dma_semaphore, #tpu.memory_space<semaphore_mem>>) {add = true}
            %dma_wait3A_105 = arith.constant 0 : i32
            %dma_wait3A_106 = tpu.memref_slice %arg9[%add3A_97, %dma_wait3A_105] : memref<16x128xi32, #tpu.memory_space<vmem>> -> memref<1x128xi32, #tpu.memory_space<vmem>>
            %dma_wait3A_107 = tpu.memref_squeeze %dma_wait3A_106 : memref<1x128xi32, #tpu.memory_space<vmem>> -> memref<128xi32, #tpu.memory_space<vmem>>
            %dma_wait3A_108 = arith.constant 0 : i32
            %dma_wait3A_109 = arith.constant 0 : i32
            %dma_wait3A_110 = tpu.memref_slice %arg13[%dma_wait3A_108, %dma_wait3A_109] : memref<10240x128xf32, #tpu.memory_space<vmem_shared>> -> memref<10240x128xf32, #tpu.memory_space<vmem_shared>>
            tpu.wait_indirect_dma semaphore(%run_scoped3A : memref<!tpu.dma_semaphore, #tpu.memory_space<semaphore_mem>>) src(%arg11 : memref<128x128xf32, #tpu.memory_space<vmem>>) dst(%dma_wait3A_110 : memref<10240x128xf32, #tpu.memory_space<vmem_shared>>)
            tpu.yield
          }) : () -> ()
          %scan3A_98 = arith.constant 0 : i32
          scf.yield %scan3A_98 : i32
        }
        %scan3A_61 = arith.constant 8 : i32
        %scan3A_62 = arith.constant 0 : i32
        scf.yield %scan3A_62 : i32
      }
      %scan3A_43 = arith.constant 5 : i32
    } else {
    }
    %barrier3A_24 = arith.constant 0 : index
    tpu.barrier barrier_id(%barrier3A_24)
    %mul3A_25 = arith.constant 640 : i32
    %mul3A_26 = arith.muli %arg1, %mul3A_25 : i32
    %eq3A_27 = arith.constant 0 : i32
    %eq3A_28 = arith.cmpi eq, %arg0, %eq3A_27 : i32
    %convert_element_type3A_29 = arith.extui %eq3A_28 : i1 to i32
    %cond3A_30 = arith.constant 0 : i32
    %cond3A_31 = arith.cmpi ne, %convert_element_type3A_29, %cond3A_30 : i32
    scf.if %cond3A_31 {
      "tpu.region"() ({
        %run_scoped3A = tpu.sem_alloc : memref<!tpu.dma_semaphore, #tpu.memory_space<semaphore_mem>>
        %dma_start3A = arith.constant 0 : i32
        %dma_start3A_37 = tpu.memref_slice %arg6[%mul3A_26, %dma_start3A] : memref<10240x128xf32, #tpu.memory_space<hbm>> -> memref<640x128xf32, #tpu.memory_space<hbm>>
        %dma_start3A_38 = arith.constant 0 : i32
        %dma_start3A_39 = tpu.memref_slice %arg13[%mul3A_26, %dma_start3A_38] : memref<10240x128xf32, #tpu.memory_space<vmem_shared>> -> memref<640x128xf32, #tpu.memory_space<vmem_shared>>
        tpu.enqueue_dma source(%dma_start3A_39 : memref<640x128xf32, #tpu.memory_space<vmem_shared>>) target(%dma_start3A_37 : memref<640x128xf32, #tpu.memory_space<hbm>>) target_semaphore(%run_scoped3A : memref<!tpu.dma_semaphore, #tpu.memory_space<semaphore_mem>>)
        %dma_wait3A = arith.constant 0 : i32
        %dma_wait3A_40 = tpu.memref_slice %arg6[%mul3A_26, %dma_wait3A] : memref<10240x128xf32, #tpu.memory_space<hbm>> -> memref<640x128xf32, #tpu.memory_space<hbm>>
        %dma_wait3A_41 = arith.constant 0 : i32
        %dma_wait3A_42 = tpu.memref_slice %arg13[%mul3A_26, %dma_wait3A_41] : memref<10240x128xf32, #tpu.memory_space<vmem_shared>> -> memref<640x128xf32, #tpu.memory_space<vmem_shared>>
        tpu.wait_dma2 semaphore(%run_scoped3A : memref<!tpu.dma_semaphore, #tpu.memory_space<semaphore_mem>>) src(%dma_wait3A_42 : memref<640x128xf32, #tpu.memory_space<vmem_shared>>) dst(%dma_wait3A_40 : memref<640x128xf32, #tpu.memory_space<hbm>>)
        tpu.yield
      }) : () -> ()
    } else {
    }
    %eq3A_32 = arith.constant 1 : i32
    %eq3A_33 = arith.cmpi eq, %arg0, %eq3A_32 : i32
    %convert_element_type3A_34 = arith.extui %eq3A_33 : i1 to i32
    %cond3A_35 = arith.constant 0 : i32
    %cond3A_36 = arith.cmpi ne, %convert_element_type3A_34, %cond3A_35 : i32
    scf.if %cond3A_36 {
      "tpu.region"() ({
        %run_scoped3A = tpu.sem_alloc : memref<!tpu.dma_semaphore, #tpu.memory_space<semaphore_mem>>
        %dma_start3A = arith.constant 0 : i32
        %dma_start3A_37 = tpu.memref_slice %arg7[%mul3A_26, %dma_start3A] : memref<10240x128xf32, #tpu.memory_space<hbm>> -> memref<640x128xf32, #tpu.memory_space<hbm>>
        %dma_start3A_38 = arith.constant 0 : i32
        %dma_start3A_39 = tpu.memref_slice %arg13[%mul3A_26, %dma_start3A_38] : memref<10240x128xf32, #tpu.memory_space<vmem_shared>> -> memref<640x128xf32, #tpu.memory_space<vmem_shared>>
        tpu.enqueue_dma source(%dma_start3A_39 : memref<640x128xf32, #tpu.memory_space<vmem_shared>>) target(%dma_start3A_37 : memref<640x128xf32, #tpu.memory_space<hbm>>) target_semaphore(%run_scoped3A : memref<!tpu.dma_semaphore, #tpu.memory_space<semaphore_mem>>)
        %dma_wait3A = arith.constant 0 : i32
        %dma_wait3A_40 = tpu.memref_slice %arg7[%mul3A_26, %dma_wait3A] : memref<10240x128xf32, #tpu.memory_space<hbm>> -> memref<640x128xf32, #tpu.memory_space<hbm>>
        %dma_wait3A_41 = arith.constant 0 : i32
        %dma_wait3A_42 = tpu.memref_slice %arg13[%mul3A_26, %dma_wait3A_41] : memref<10240x128xf32, #tpu.memory_space<vmem_shared>> -> memref<640x128xf32, #tpu.memory_space<vmem_shared>>
        tpu.wait_dma2 semaphore(%run_scoped3A : memref<!tpu.dma_semaphore, #tpu.memory_space<semaphore_mem>>) src(%dma_wait3A_42 : memref<640x128xf32, #tpu.memory_space<vmem_shared>>) dst(%dma_wait3A_40 : memref<640x128xf32, #tpu.memory_space<hbm>>)
        tpu.yield
      }) : () -> ()
    } else {
    }
    return
  }
}

#map = affine_map<(d0, d1) -> (0)>
#map1 = affine_map<(d0, d1) -> (0, 0)>
module attributes {stable_mosaic.version = 14 : i64} {
  func.func @_sc_degree(%arg0: i32, %arg1: i32, %arg2: memref<327680xi32, #tpu.memory_space<hbm>>, %arg3: memref<32x10240xf32, #tpu.memory_space<hbm>>, %arg4: memref<10240xi32, #tpu.memory_space<vmem>>, %arg5: memref<10240xf32, #tpu.memory_space<vmem>>) attributes {dimension_semantics = [#tpu.dimension_semantics<core_parallel>, #tpu.dimension_semantics<subcore_parallel>], iteration_bounds = array<i64: 2, 16>, scalar_prefetch = 0 : i64, scratch_operands = 2 : i64, tpu.core_type = #tpu.core_type<sc_vector_subcore>, window_params = [{transform_indices = #map}, {transform_indices = #map1}]} {
    %mul3A = arith.constant 16 : i32
    %mul3A_0 = arith.muli %arg0, %mul3A : i32
    %add3A = arith.addi %mul3A_0, %arg1 : i32
    %broadcast_in_dim3A = arith.constant 0.000000e+00 : f32
    %broadcast_in_dim3A_1 = vector.broadcast %broadcast_in_dim3A : f32 to vector<16xf32>
    %broadcast_in_dim3A_2 = arith.constant 1.000000e+00 : f32
    %broadcast_in_dim3A_3 = vector.broadcast %broadcast_in_dim3A_2 : f32 to vector<16xf32>
    %scan3A = arith.constant 0 : i32
    %scan3A_4 = arith.constant 0 : i32
    %scan3A_5 = arith.constant 640 : i32
    %scan3A_6 = arith.addi %scan3A_4, %scan3A_5 : i32
    %scan3A_7 = arith.constant 1 : i32
    %scan3A_8 = scf.for %scan3A_19 = %scan3A_4 to %scan3A_6 step %scan3A_7 iter_args(%scan3A_20 = %scan3A) -> (i32)  : i32 {
      %mul3A_21 = arith.constant 16 : i32
      %mul3A_22 = arith.muli %scan3A_19, %mul3A_21 : i32
      %swap3A = arith.index_cast %mul3A_22 : i32 to index
      %swap3A_23 = tpu.vector_load %arg5[%swap3A] {strides = array<i32>} : memref<10240xf32, #tpu.memory_space<vmem>>, vector<16xf32>,
      tpu.vector_store %arg5[%swap3A], %broadcast_in_dim3A_1 {strides = array<i32>} : memref<10240xf32, #tpu.memory_space<vmem>>, vector<16xf32>,
      %scan3A_24 = arith.constant 0 : i32
      scf.yield %scan3A_24 : i32
    }
    %scan3A_9 = arith.constant 640 : i32
    %mul3A_10 = arith.constant 10240 : i32
    %mul3A_11 = arith.muli %add3A, %mul3A_10 : i32
    "tpu.region"() ({
      %run_scoped3A = tpu.sem_alloc : memref<!tpu.dma_semaphore, #tpu.memory_space<semaphore_mem>>
      %dma_start3A = tpu.memref_slice %arg2[%mul3A_11] : memref<327680xi32, #tpu.memory_space<hbm>> -> memref<10240xi32, #tpu.memory_space<hbm>>
      %dma_start3A_19 = tpu.memref_slice %arg2[%mul3A_11] : memref<327680xi32, #tpu.memory_space<hbm>> -> memref<10240xi32, #tpu.memory_space<hbm>>
      tpu.enqueue_dma source(%dma_start3A_19 : memref<10240xi32, #tpu.memory_space<hbm>>) target(%arg4 : memref<10240xi32, #tpu.memory_space<vmem>>) target_semaphore(%run_scoped3A : memref<!tpu.dma_semaphore, #tpu.memory_space<semaphore_mem>>)
      %dma_wait3A = tpu.memref_slice %arg2[%mul3A_11] : memref<327680xi32, #tpu.memory_space<hbm>> -> memref<10240xi32, #tpu.memory_space<hbm>>
      %dma_wait3A_20 = tpu.memref_slice %arg2[%mul3A_11] : memref<327680xi32, #tpu.memory_space<hbm>> -> memref<10240xi32, #tpu.memory_space<hbm>>
      tpu.wait_dma2 semaphore(%run_scoped3A : memref<!tpu.dma_semaphore, #tpu.memory_space<semaphore_mem>>) src(%dma_wait3A_20 : memref<10240xi32, #tpu.memory_space<hbm>>) dst(%arg4 : memref<10240xi32, #tpu.memory_space<vmem>>)
      tpu.yield
    }) : () -> ()
    %scan3A_12 = arith.constant 0 : i32
    %scan3A_13 = arith.constant 0 : i32
    %scan3A_14 = arith.constant 640 : i32
    %scan3A_15 = arith.addi %scan3A_13, %scan3A_14 : i32
    %scan3A_16 = arith.constant 1 : i32
    %scan3A_17 = scf.for %scan3A_19 = %scan3A_13 to %scan3A_15 step %scan3A_16 iter_args(%scan3A_20 = %scan3A_12) -> (i32)  : i32 {
      %mul3A_21 = arith.constant 16 : i32
      %mul3A_22 = arith.muli %scan3A_19, %mul3A_21 : i32
      %get3A = arith.index_cast %mul3A_22 : i32 to index
      %get3A_23 = tpu.vector_load %arg4[%get3A] {strides = array<i32>} : memref<10240xi32, #tpu.memory_space<vmem>>, vector<16xi32>,
      tpu.vector_store_idx %arg5[%get3A_23], %broadcast_in_dim3A_3 {add = true} : memref<10240xf32, #tpu.memory_space<vmem>>[vector<16xi32>], vector<16xf32>,
      %scan3A_24 = arith.constant 0 : i32
      scf.yield %scan3A_24 : i32
    }
    %scan3A_18 = arith.constant 640 : i32
    "tpu.region"() ({
      %run_scoped3A = tpu.sem_alloc : memref<!tpu.dma_semaphore, #tpu.memory_space<semaphore_mem>>
      %dma_start3A = arith.constant 0 : i32
      %dma_start3A_19 = tpu.memref_slice %arg3[%add3A, %dma_start3A] : memref<32x10240xf32, #tpu.memory_space<hbm>> -> memref<1x10240xf32, #tpu.memory_space<hbm>>
      %dma_start3A_20 = tpu.memref_squeeze %dma_start3A_19 : memref<1x10240xf32, #tpu.memory_space<hbm>> -> memref<10240xf32, #tpu.memory_space<hbm>>
      %dma_start3A_21 = arith.constant 0 : i32
      %dma_start3A_22 = tpu.memref_slice %arg3[%add3A, %dma_start3A_21] : memref<32x10240xf32, #tpu.memory_space<hbm>> -> memref<1x10240xf32, #tpu.memory_space<hbm>>
      %dma_start3A_23 = tpu.memref_squeeze %dma_start3A_22 : memref<1x10240xf32, #tpu.memory_space<hbm>> -> memref<10240xf32, #tpu.memory_space<hbm>>
      tpu.enqueue_dma source(%arg5 : memref<10240xf32, #tpu.memory_space<vmem>>) target(%dma_start3A_23 : memref<10240xf32, #tpu.memory_space<hbm>>) target_semaphore(%run_scoped3A : memref<!tpu.dma_semaphore, #tpu.memory_space<semaphore_mem>>)
      %dma_wait3A = arith.constant 0 : i32
      %dma_wait3A_24 = tpu.memref_slice %arg3[%add3A, %dma_wait3A] : memref<32x10240xf32, #tpu.memory_space<hbm>> -> memref<1x10240xf32, #tpu.memory_space<hbm>>
      %dma_wait3A_25 = tpu.memref_squeeze %dma_wait3A_24 : memref<1x10240xf32, #tpu.memory_space<hbm>> -> memref<10240xf32, #tpu.memory_space<hbm>>
      %dma_wait3A_26 = arith.constant 0 : i32
      %dma_wait3A_27 = tpu.memref_slice %arg3[%add3A, %dma_wait3A_26] : memref<32x10240xf32, #tpu.memory_space<hbm>> -> memref<1x10240xf32, #tpu.memory_space<hbm>>
      %dma_wait3A_28 = tpu.memref_squeeze %dma_wait3A_27 : memref<1x10240xf32, #tpu.memory_space<hbm>> -> memref<10240xf32, #tpu.memory_space<hbm>>
      tpu.wait_dma2 semaphore(%run_scoped3A : memref<!tpu.dma_semaphore, #tpu.memory_space<semaphore_mem>>) src(%arg5 : memref<10240xf32, #tpu.memory_space<vmem>>) dst(%dma_wait3A_28 : memref<10240xf32, #tpu.memory_space<hbm>>)
      tpu.yield
    }) : () -> ()
    return
  }
}

#map = affine_map<(d0, d1) -> (0, 0)>
module attributes {stable_mosaic.version = 14 : i64} {
  func.func @prop(%arg0: i32, %arg1: i32, %arg2: memref<10240x128xf32, #tpu.memory_space<hbm>>, %arg3: memref<10240x128xf32, #tpu.memory_space<hbm>>, %arg4: memref<2560x128xi32, #tpu.memory_space<hbm>>, %arg5: memref<2560x128xi32, #tpu.memory_space<hbm>>, %arg6: memref<10240x128xf32, #tpu.memory_space<hbm>>, %arg7: memref<10240x128xf32, #tpu.memory_space<hbm>>, %arg8: memref<16x128xi32, #tpu.memory_space<vmem>>, %arg9: memref<16x128xi32, #tpu.memory_space<vmem>>, %arg10: memref<128x128xf32, #tpu.memory_space<vmem>>, %arg11: memref<128x128xf32, #tpu.memory_space<vmem>>, %arg12: memref<32x128xf32, #tpu.memory_space<vmem>>, %arg13: memref<10240x128xf32, #tpu.memory_space<vmem_shared>>, %arg14: memref<!tpu.dma_semaphore, #tpu.memory_space<semaphore_mem>>, %arg15: memref<!tpu.dma_semaphore, #tpu.memory_space<semaphore_mem>>) attributes {dimension_semantics = [#tpu.dimension_semantics<core_parallel>, #tpu.dimension_semantics<subcore_parallel>], iteration_bounds = array<i64: 2, 16>, scalar_prefetch = 0 : i64, scratch_operands = 8 : i64, tpu.core_type = #tpu.core_type<sc_vector_subcore>, window_params = [{transform_indices = #map}, {transform_indices = #map}, {transform_indices = #map}, {transform_indices = #map}, {transform_indices = #map}, {transform_indices = #map}]} {
    %broadcast_in_dim3A = arith.constant 0.000000e+00 : f32
    %broadcast_in_dim3A_0 = vector.broadcast %broadcast_in_dim3A : f32 to vector<16xf32>
    %scan3A = arith.constant 0 : i32
    %scan3A_1 = arith.constant 0 : i32
    %scan3A_2 = arith.constant 32 : i32
    %scan3A_3 = arith.addi %scan3A_1, %scan3A_2 : i32
    %scan3A_4 = arith.constant 1 : i32
    %scan3A_5 = scf.for %scan3A_35 = %scan3A_1 to %scan3A_3 step %scan3A_4 iter_args(%scan3A_36 = %scan3A) -> (i32)  : i32 {
      %swap3A = arith.index_cast %scan3A_35 : i32 to index
      %swap3A_37 = arith.constant 0 : index
      %swap3A_38 = tpu.vector_load %arg12[%swap3A, %swap3A_37] {strides = array<i32>} : memref<32x128xf32, #tpu.memory_space<vmem>>, vector<16xf32>,
      tpu.vector_store %arg12[%swap3A, %swap3A_37], %broadcast_in_dim3A_0 {strides = array<i32>} : memref<32x128xf32, #tpu.memory_space<vmem>>, vector<16xf32>,
      %swap3A_39 = arith.index_cast %scan3A_35 : i32 to index
      %swap3A_40 = arith.constant 16 : index
      %swap3A_41 = tpu.vector_load %arg12[%swap3A_39, %swap3A_40] {strides = array<i32>} : memref<32x128xf32, #tpu.memory_space<vmem>>, vector<16xf32>,
      tpu.vector_store %arg12[%swap3A_39, %swap3A_40], %broadcast_in_dim3A_0 {strides = array<i32>} : memref<32x128xf32, #tpu.memory_space<vmem>>, vector<16xf32>,
      %swap3A_42 = arith.index_cast %scan3A_35 : i32 to index
      %swap3A_43 = arith.constant 32 : index
      %swap3A_44 = tpu.vector_load %arg12[%swap3A_42, %swap3A_43] {strides = array<i32>} : memref<32x128xf32, #tpu.memory_space<vmem>>, vector<16xf32>,
      tpu.vector_store %arg12[%swap3A_42, %swap3A_43], %broadcast_in_dim3A_0 {strides = array<i32>} : memref<32x128xf32, #tpu.memory_space<vmem>>, vector<16xf32>,
      %swap3A_45 = arith.index_cast %scan3A_35 : i32 to index
      %swap3A_46 = arith.constant 48 : index
      %swap3A_47 = tpu.vector_load %arg12[%swap3A_45, %swap3A_46] {strides = array<i32>} : memref<32x128xf32, #tpu.memory_space<vmem>>, vector<16xf32>,
      tpu.vector_store %arg12[%swap3A_45, %swap3A_46], %broadcast_in_dim3A_0 {strides = array<i32>} : memref<32x128xf32, #tpu.memory_space<vmem>>, vector<16xf32>,
      %swap3A_48 = arith.index_cast %scan3A_35 : i32 to index
      %swap3A_49 = arith.constant 64 : index
      %swap3A_50 = tpu.vector_load %arg12[%swap3A_48, %swap3A_49] {strides = array<i32>} : memref<32x128xf32, #tpu.memory_space<vmem>>, vector<16xf32>,
      tpu.vector_store %arg12[%swap3A_48, %swap3A_49], %broadcast_in_dim3A_0 {strides = array<i32>} : memref<32x128xf32, #tpu.memory_space<vmem>>, vector<16xf32>,
      %swap3A_51 = arith.index_cast %scan3A_35 : i32 to index
      %swap3A_52 = arith.constant 80 : index
      %swap3A_53 = tpu.vector_load %arg12[%swap3A_51, %swap3A_52] {strides = array<i32>} : memref<32x128xf32, #tpu.memory_space<vmem>>, vector<16xf32>,
      tpu.vector_store %arg12[%swap3A_51, %swap3A_52], %broadcast_in_dim3A_0 {strides = array<i32>} : memref<32x128xf32, #tpu.memory_space<vmem>>, vector<16xf32>,
      %swap3A_54 = arith.index_cast %scan3A_35 : i32 to index
      %swap3A_55 = arith.constant 96 : index
      %swap3A_56 = tpu.vector_load %arg12[%swap3A_54, %swap3A_55] {strides = array<i32>} : memref<32x128xf32, #tpu.memory_space<vmem>>, vector<16xf32>,
      tpu.vector_store %arg12[%swap3A_54, %swap3A_55], %broadcast_in_dim3A_0 {strides = array<i32>} : memref<32x128xf32, #tpu.memory_space<vmem>>, vector<16xf32>,
      %swap3A_57 = arith.index_cast %scan3A_35 : i32 to index
      %swap3A_58 = arith.constant 112 : index
      %swap3A_59 = tpu.vector_load %arg12[%swap3A_57, %swap3A_58] {strides = array<i32>} : memref<32x128xf32, #tpu.memory_space<vmem>>, vector<16xf32>,
      tpu.vector_store %arg12[%swap3A_57, %swap3A_58], %broadcast_in_dim3A_0 {strides = array<i32>} : memref<32x128xf32, #tpu.memory_space<vmem>>, vector<16xf32>,
      %scan3A_60 = arith.constant 0 : i32
      scf.yield %scan3A_60 : i32
    }
    %scan3A_6 = arith.constant 32 : i32
    %scan3A_7 = arith.constant 0 : i32
    %scan3A_8 = arith.constant 0 : i32
    %scan3A_9 = arith.constant 20 : i32
    %scan3A_10 = arith.addi %scan3A_8, %scan3A_9 : i32
    %scan3A_11 = arith.constant 1 : i32
    %scan3A_12 = scf.for %scan3A_35 = %scan3A_8 to %scan3A_10 step %scan3A_11 iter_args(%scan3A_36 = %scan3A_7) -> (i32)  : i32 {
      %mul3A_37 = arith.constant 640 : i32
      %mul3A_38 = arith.muli %arg1, %mul3A_37 : i32
      %mul3A_39 = arith.constant 32 : i32
      %mul3A_40 = arith.muli %scan3A_35, %mul3A_39 : i32
      %add3A = arith.addi %mul3A_38, %mul3A_40 : i32
      "tpu.region"() ({
        %run_scoped3A = tpu.sem_alloc : memref<!tpu.dma_semaphore, #tpu.memory_space<semaphore_mem>>
        %dma_start3A = arith.constant 0 : i32
        %dma_start3A_42 = tpu.memref_slice %arg13[%add3A, %dma_start3A] : memref<10240x128xf32, #tpu.memory_space<vmem_shared>> -> memref<32x128xf32, #tpu.memory_space<vmem_shared>>
        %dma_start3A_43 = arith.constant 0 : i32
        %dma_start3A_44 = tpu.memref_slice %arg13[%add3A, %dma_start3A_43] : memref<10240x128xf32, #tpu.memory_space<vmem_shared>> -> memref<32x128xf32, #tpu.memory_space<vmem_shared>>
        tpu.enqueue_dma source(%arg12 : memref<32x128xf32, #tpu.memory_space<vmem>>) target(%dma_start3A_44 : memref<32x128xf32, #tpu.memory_space<vmem_shared>>) target_semaphore(%run_scoped3A : memref<!tpu.dma_semaphore, #tpu.memory_space<semaphore_mem>>)
        %dma_wait3A = arith.constant 0 : i32
        %dma_wait3A_45 = tpu.memref_slice %arg13[%add3A, %dma_wait3A] : memref<10240x128xf32, #tpu.memory_space<vmem_shared>> -> memref<32x128xf32, #tpu.memory_space<vmem_shared>>
        %dma_wait3A_46 = arith.constant 0 : i32
        %dma_wait3A_47 = tpu.memref_slice %arg13[%add3A, %dma_wait3A_46] : memref<10240x128xf32, #tpu.memory_space<vmem_shared>> -> memref<32x128xf32, #tpu.memory_space<vmem_shared>>
        tpu.wait_dma2 semaphore(%run_scoped3A : memref<!tpu.dma_semaphore, #tpu.memory_space<semaphore_mem>>) src(%arg12 : memref<32x128xf32, #tpu.memory_space<vmem>>) dst(%dma_wait3A_47 : memref<32x128xf32, #tpu.memory_space<vmem_shared>>)
        tpu.yield
      }) : () -> ()
      %scan3A_41 = arith.constant 0 : i32
      scf.yield %scan3A_41 : i32
    }
    %scan3A_13 = arith.constant 20 : i32
    %mul3A = arith.constant 160 : i32
    %mul3A_14 = arith.muli %arg1, %mul3A : i32
    %barrier3A = arith.constant 0 : index
    tpu.barrier barrier_id(%barrier3A)
    %eq3A = arith.constant 0 : i32
    %eq3A_15 = arith.cmpi eq, %arg0, %eq3A : i32
    %convert_element_type3A = arith.extui %eq3A_15 : i1 to i32
    %cond3A = arith.constant 0 : i32
    %cond3A_16 = arith.cmpi ne, %convert_element_type3A, %cond3A : i32
    scf.if %cond3A_16 {
      %scan3A_35 = arith.constant 0 : i32
      %scan3A_36 = arith.constant 0 : i32
      %scan3A_37 = arith.constant 10 : i32
      %scan3A_38 = arith.addi %scan3A_36, %scan3A_37 : i32
      %scan3A_39 = arith.constant 1 : i32
      %scan3A_40 = scf.for %scan3A_42 = %scan3A_36 to %scan3A_38 step %scan3A_39 iter_args(%scan3A_43 = %scan3A_35) -> (i32)  : i32 {
        %mul3A_44 = arith.constant 16 : i32
        %mul3A_45 = arith.muli %scan3A_42, %mul3A_44 : i32
        %add3A = arith.addi %mul3A_14, %mul3A_45 : i32
        "tpu.region"() ({
          %run_scoped3A = tpu.sem_alloc : memref<!tpu.dma_semaphore, #tpu.memory_space<semaphore_mem>>
          %dma_start3A_60 = arith.constant 0 : i32
          %dma_start3A_61 = tpu.memref_slice %arg4[%add3A, %dma_start3A_60] : memref<2560x128xi32, #tpu.memory_space<hbm>> -> memref<16x128xi32, #tpu.memory_space<hbm>>
          %dma_start3A_62 = arith.constant 0 : i32
          %dma_start3A_63 = tpu.memref_slice %arg4[%add3A, %dma_start3A_62] : memref<2560x128xi32, #tpu.memory_space<hbm>> -> memref<16x128xi32, #tpu.memory_space<hbm>>
          tpu.enqueue_dma source(%dma_start3A_63 : memref<16x128xi32, #tpu.memory_space<hbm>>) target(%arg8 : memref<16x128xi32, #tpu.memory_space<vmem>>) target_semaphore(%run_scoped3A : memref<!tpu.dma_semaphore, #tpu.memory_space<semaphore_mem>>)
          %dma_wait3A = arith.constant 0 : i32
          %dma_wait3A_64 = tpu.memref_slice %arg4[%add3A, %dma_wait3A] : memref<2560x128xi32, #tpu.memory_space<hbm>> -> memref<16x128xi32, #tpu.memory_space<hbm>>
          %dma_wait3A_65 = arith.constant 0 : i32
          %dma_wait3A_66 = tpu.memref_slice %arg4[%add3A, %dma_wait3A_65] : memref<2560x128xi32, #tpu.memory_space<hbm>> -> memref<16x128xi32, #tpu.memory_space<hbm>>
          tpu.wait_dma2 semaphore(%run_scoped3A : memref<!tpu.dma_semaphore, #tpu.memory_space<semaphore_mem>>) src(%dma_wait3A_66 : memref<16x128xi32, #tpu.memory_space<hbm>>) dst(%arg8 : memref<16x128xi32, #tpu.memory_space<vmem>>)
          tpu.yield
        }) : () -> ()
        "tpu.region"() ({
          %run_scoped3A = tpu.sem_alloc : memref<!tpu.dma_semaphore, #tpu.memory_space<semaphore_mem>>
          %dma_start3A_60 = arith.constant 0 : i32
          %dma_start3A_61 = tpu.memref_slice %arg5[%add3A, %dma_start3A_60] : memref<2560x128xi32, #tpu.memory_space<hbm>> -> memref<16x128xi32, #tpu.memory_space<hbm>>
          %dma_start3A_62 = arith.constant 0 : i32
          %dma_start3A_63 = tpu.memref_slice %arg5[%add3A, %dma_start3A_62] : memref<2560x128xi32, #tpu.memory_space<hbm>> -> memref<16x128xi32, #tpu.memory_space<hbm>>
          tpu.enqueue_dma source(%dma_start3A_63 : memref<16x128xi32, #tpu.memory_space<hbm>>) target(%arg9 : memref<16x128xi32, #tpu.memory_space<vmem>>) target_semaphore(%run_scoped3A : memref<!tpu.dma_semaphore, #tpu.memory_space<semaphore_mem>>)
          %dma_wait3A = arith.constant 0 : i32
          %dma_wait3A_64 = tpu.memref_slice %arg5[%add3A, %dma_wait3A] : memref<2560x128xi32, #tpu.memory_space<hbm>> -> memref<16x128xi32, #tpu.memory_space<hbm>>
          %dma_wait3A_65 = arith.constant 0 : i32
          %dma_wait3A_66 = tpu.memref_slice %arg5[%add3A, %dma_wait3A_65] : memref<2560x128xi32, #tpu.memory_space<hbm>> -> memref<16x128xi32, #tpu.memory_space<hbm>>
          tpu.wait_dma2 semaphore(%run_scoped3A : memref<!tpu.dma_semaphore, #tpu.memory_space<semaphore_mem>>) src(%dma_wait3A_66 : memref<16x128xi32, #tpu.memory_space<hbm>>) dst(%arg9 : memref<16x128xi32, #tpu.memory_space<vmem>>)
          tpu.yield
        }) : () -> ()
        %dma_start3A = arith.constant 0 : i32
        %dma_start3A_46 = arith.constant 0 : i32
        %dma_start3A_47 = tpu.memref_slice %arg8[%dma_start3A, %dma_start3A_46] : memref<16x128xi32, #tpu.memory_space<vmem>> -> memref<1x128xi32, #tpu.memory_space<vmem>>
        %dma_start3A_48 = tpu.memref_squeeze %dma_start3A_47 : memref<1x128xi32, #tpu.memory_space<vmem>> -> memref<128xi32, #tpu.memory_space<vmem>>
        %dma_start3A_49 = arith.constant 0 : i32
        %dma_start3A_50 = arith.constant 0 : i32
        %dma_start3A_51 = tpu.memref_slice %arg2[%dma_start3A_49, %dma_start3A_50] : memref<10240x128xf32, #tpu.memory_space<hbm>> -> memref<10240x128xf32, #tpu.memory_space<hbm>>
        tpu.enqueue_indirect_dma source(%dma_start3A_51 : memref<10240x128xf32, #tpu.memory_space<hbm>>) target(%arg10 : memref<128x128xf32, #tpu.memory_space<vmem>>) offsets(%dma_start3A_48 : memref<128xi32, #tpu.memory_space<vmem>>) semaphore(%arg14 : memref<!tpu.dma_semaphore, #tpu.memory_space<semaphore_mem>>)
        %scan3A_52 = arith.constant 0 : i32
        %scan3A_53 = arith.constant 0 : i32
        %scan3A_54 = arith.constant 8 : i32
        %scan3A_55 = arith.addi %scan3A_53, %scan3A_54 : i32
        %scan3A_56 = arith.constant 1 : i32
        %scan3A_57 = scf.for %scan3A_60 = %scan3A_53 to %scan3A_55 step %scan3A_56 iter_args(%scan3A_61 = %scan3A_52) -> (i32)  : i32 {
          %dma_wait3A = arith.constant 0 : i32
          %dma_wait3A_62 = arith.constant 0 : i32
          %dma_wait3A_63 = tpu.memref_slice %arg8[%dma_wait3A, %dma_wait3A_62] : memref<16x128xi32, #tpu.memory_space<vmem>> -> memref<1x128xi32, #tpu.memory_space<vmem>>
          %dma_wait3A_64 = tpu.memref_squeeze %dma_wait3A_63 : memref<1x128xi32, #tpu.memory_space<vmem>> -> memref<128xi32, #tpu.memory_space<vmem>>
          %dma_wait3A_65 = arith.constant 0 : i32
          %dma_wait3A_66 = arith.constant 0 : i32
          %dma_wait3A_67 = tpu.memref_slice %arg2[%dma_wait3A_65, %dma_wait3A_66] : memref<10240x128xf32, #tpu.memory_space<hbm>> -> memref<10240x128xf32, #tpu.memory_space<hbm>>
          tpu.wait_indirect_dma semaphore(%arg14 : memref<!tpu.dma_semaphore, #tpu.memory_space<semaphore_mem>>) src(%dma_wait3A_67 : memref<10240x128xf32, #tpu.memory_space<hbm>>) dst(%arg10 : memref<128x128xf32, #tpu.memory_space<vmem>>)
          %mul3A_68 = arith.constant 2 : i32
          %mul3A_69 = arith.muli %mul3A_68, %scan3A_60 : i32
          %add3A_70 = arith.constant 1 : i32
          %add3A_71 = arith.addi %mul3A_69, %add3A_70 : i32
          %dma_start3A_72 = arith.constant 0 : i32
          %dma_start3A_73 = tpu.memref_slice %arg8[%add3A_71, %dma_start3A_72] : memref<16x128xi32, #tpu.memory_space<vmem>> -> memref<1x128xi32, #tpu.memory_space<vmem>>
          %dma_start3A_74 = tpu.memref_squeeze %dma_start3A_73 : memref<1x128xi32, #tpu.memory_space<vmem>> -> memref<128xi32, #tpu.memory_space<vmem>>
          %dma_start3A_75 = arith.constant 0 : i32
          %dma_start3A_76 = arith.constant 0 : i32
          %dma_start3A_77 = tpu.memref_slice %arg2[%dma_start3A_75, %dma_start3A_76] : memref<10240x128xf32, #tpu.memory_space<hbm>> -> memref<10240x128xf32, #tpu.memory_space<hbm>>
          tpu.enqueue_indirect_dma source(%dma_start3A_77 : memref<10240x128xf32, #tpu.memory_space<hbm>>) target(%arg11 : memref<128x128xf32, #tpu.memory_space<vmem>>) offsets(%dma_start3A_74 : memref<128xi32, #tpu.memory_space<vmem>>) semaphore(%arg15 : memref<!tpu.dma_semaphore, #tpu.memory_space<semaphore_mem>>)
          %mul3A_78 = arith.constant 2 : i32
          %mul3A_79 = arith.muli %mul3A_78, %scan3A_60 : i32
          "tpu.region"() ({
            %run_scoped3A = tpu.sem_alloc : memref<!tpu.dma_semaphore, #tpu.memory_space<semaphore_mem>>
            %dma_start3A_96 = arith.constant 0 : i32
            %dma_start3A_97 = tpu.memref_slice %arg9[%mul3A_79, %dma_start3A_96] : memref<16x128xi32, #tpu.memory_space<vmem>> -> memref<1x128xi32, #tpu.memory_space<vmem>>
            %dma_start3A_98 = tpu.memref_squeeze %dma_start3A_97 : memref<1x128xi32, #tpu.memory_space<vmem>> -> memref<128xi32, #tpu.memory_space<vmem>>
            %dma_start3A_99 = arith.constant 0 : i32
            %dma_start3A_100 = arith.constant 0 : i32
            %dma_start3A_101 = tpu.memref_slice %arg13[%dma_start3A_99, %dma_start3A_100] : memref<10240x128xf32, #tpu.memory_space<vmem_shared>> -> memref<10240x128xf32, #tpu.memory_space<vmem_shared>>
            tpu.enqueue_indirect_dma source(%arg10 : memref<128x128xf32, #tpu.memory_space<vmem>>) target(%dma_start3A_101 : memref<10240x128xf32, #tpu.memory_space<vmem_shared>>) offsets(%dma_start3A_98 : memref<128xi32, #tpu.memory_space<vmem>>) semaphore(%run_scoped3A : memref<!tpu.dma_semaphore, #tpu.memory_space<semaphore_mem>>) {add = true}
            %dma_wait3A_102 = arith.constant 0 : i32
            %dma_wait3A_103 = tpu.memref_slice %arg9[%mul3A_79, %dma_wait3A_102] : memref<16x128xi32, #tpu.memory_space<vmem>> -> memref<1x128xi32, #tpu.memory_space<vmem>>
            %dma_wait3A_104 = tpu.memref_squeeze %dma_wait3A_103 : memref<1x128xi32, #tpu.memory_space<vmem>> -> memref<128xi32, #tpu.memory_space<vmem>>
            %dma_wait3A_105 = arith.constant 0 : i32
            %dma_wait3A_106 = arith.constant 0 : i32
            %dma_wait3A_107 = tpu.memref_slice %arg13[%dma_wait3A_105, %dma_wait3A_106] : memref<10240x128xf32, #tpu.memory_space<vmem_shared>> -> memref<10240x128xf32, #tpu.memory_space<vmem_shared>>
            tpu.wait_indirect_dma semaphore(%run_scoped3A : memref<!tpu.dma_semaphore, #tpu.memory_space<semaphore_mem>>) src(%arg10 : memref<128x128xf32, #tpu.memory_space<vmem>>) dst(%dma_wait3A_107 : memref<10240x128xf32, #tpu.memory_space<vmem_shared>>)
            tpu.yield
          }) : () -> ()
          %dma_wait3A_80 = arith.constant 0 : i32
          %dma_wait3A_81 = arith.constant 0 : i32
          %dma_wait3A_82 = tpu.memref_slice %arg8[%dma_wait3A_80, %dma_wait3A_81] : memref<16x128xi32, #tpu.memory_space<vmem>> -> memref<1x128xi32, #tpu.memory_space<vmem>>
          %dma_wait3A_83 = tpu.memref_squeeze %dma_wait3A_82 : memref<1x128xi32, #tpu.memory_space<vmem>> -> memref<128xi32, #tpu.memory_space<vmem>>
          %dma_wait3A_84 = arith.constant 0 : i32
          %dma_wait3A_85 = arith.constant 0 : i32
          %dma_wait3A_86 = tpu.memref_slice %arg2[%dma_wait3A_84, %dma_wait3A_85] : memref<10240x128xf32, #tpu.memory_space<hbm>> -> memref<10240x128xf32, #tpu.memory_space<hbm>>
          tpu.wait_indirect_dma semaphore(%arg15 : memref<!tpu.dma_semaphore, #tpu.memory_space<semaphore_mem>>) src(%dma_wait3A_86 : memref<10240x128xf32, #tpu.memory_space<hbm>>) dst(%arg11 : memref<128x128xf32, #tpu.memory_space<vmem>>)
          %lt3A = arith.constant 7 : i32
          %lt3A_87 = arith.cmpi slt, %scan3A_60, %lt3A : i32
          %convert_element_type3A_88 = arith.extui %lt3A_87 : i1 to i32
          %cond3A_89 = arith.constant 0 : i32
          %cond3A_90 = arith.cmpi ne, %convert_element_type3A_88, %cond3A_89 : i32
          scf.if %cond3A_90 {
            %mul3A_96 = arith.constant 2 : i32
            %mul3A_97 = arith.muli %mul3A_96, %scan3A_60 : i32
            %add3A_98 = arith.constant 2 : i32
            %add3A_99 = arith.addi %mul3A_97, %add3A_98 : i32
            %dma_start3A_100 = arith.constant 0 : i32
            %dma_start3A_101 = tpu.memref_slice %arg8[%add3A_99, %dma_start3A_100] : memref<16x128xi32, #tpu.memory_space<vmem>> -> memref<1x128xi32, #tpu.memory_space<vmem>>
            %dma_start3A_102 = tpu.memref_squeeze %dma_start3A_101 : memref<1x128xi32, #tpu.memory_space<vmem>> -> memref<128xi32, #tpu.memory_space<vmem>>
            %dma_start3A_103 = arith.constant 0 : i32
            %dma_start3A_104 = arith.constant 0 : i32
            %dma_start3A_105 = tpu.memref_slice %arg2[%dma_start3A_103, %dma_start3A_104] : memref<10240x128xf32, #tpu.memory_space<hbm>> -> memref<10240x128xf32, #tpu.memory_space<hbm>>
            tpu.enqueue_indirect_dma source(%dma_start3A_105 : memref<10240x128xf32, #tpu.memory_space<hbm>>) target(%arg10 : memref<128x128xf32, #tpu.memory_space<vmem>>) offsets(%dma_start3A_102 : memref<128xi32, #tpu.memory_space<vmem>>) semaphore(%arg14 : memref<!tpu.dma_semaphore, #tpu.memory_space<semaphore_mem>>)
          } else {
          }
          %mul3A_91 = arith.constant 2 : i32
          %mul3A_92 = arith.muli %mul3A_91, %scan3A_60 : i32
          %add3A_93 = arith.constant 1 : i32
          %add3A_94 = arith.addi %mul3A_92, %add3A_93 : i32
          "tpu.region"() ({
            %run_scoped3A = tpu.sem_alloc : memref<!tpu.dma_semaphore, #tpu.memory_space<semaphore_mem>>
            %dma_start3A_96 = arith.constant 0 : i32
            %dma_start3A_97 = tpu.memref_slice %arg9[%add3A_94, %dma_start3A_96] : memref<16x128xi32, #tpu.memory_space<vmem>> -> memref<1x128xi32, #tpu.memory_space<vmem>>
            %dma_start3A_98 = tpu.memref_squeeze %dma_start3A_97 : memref<1x128xi32, #tpu.memory_space<vmem>> -> memref<128xi32, #tpu.memory_space<vmem>>
            %dma_start3A_99 = arith.constant 0 : i32
            %dma_start3A_100 = arith.constant 0 : i32
            %dma_start3A_101 = tpu.memref_slice %arg13[%dma_start3A_99, %dma_start3A_100] : memref<10240x128xf32, #tpu.memory_space<vmem_shared>> -> memref<10240x128xf32, #tpu.memory_space<vmem_shared>>
            tpu.enqueue_indirect_dma source(%arg11 : memref<128x128xf32, #tpu.memory_space<vmem>>) target(%dma_start3A_101 : memref<10240x128xf32, #tpu.memory_space<vmem_shared>>) offsets(%dma_start3A_98 : memref<128xi32, #tpu.memory_space<vmem>>) semaphore(%run_scoped3A : memref<!tpu.dma_semaphore, #tpu.memory_space<semaphore_mem>>) {add = true}
            %dma_wait3A_102 = arith.constant 0 : i32
            %dma_wait3A_103 = tpu.memref_slice %arg9[%add3A_94, %dma_wait3A_102] : memref<16x128xi32, #tpu.memory_space<vmem>> -> memref<1x128xi32, #tpu.memory_space<vmem>>
            %dma_wait3A_104 = tpu.memref_squeeze %dma_wait3A_103 : memref<1x128xi32, #tpu.memory_space<vmem>> -> memref<128xi32, #tpu.memory_space<vmem>>
            %dma_wait3A_105 = arith.constant 0 : i32
            %dma_wait3A_106 = arith.constant 0 : i32
            %dma_wait3A_107 = tpu.memref_slice %arg13[%dma_wait3A_105, %dma_wait3A_106] : memref<10240x128xf32, #tpu.memory_space<vmem_shared>> -> memref<10240x128xf32, #tpu.memory_space<vmem_shared>>
            tpu.wait_indirect_dma semaphore(%run_scoped3A : memref<!tpu.dma_semaphore, #tpu.memory_space<semaphore_mem>>) src(%arg11 : memref<128x128xf32, #tpu.memory_space<vmem>>) dst(%dma_wait3A_107 : memref<10240x128xf32, #tpu.memory_space<vmem_shared>>)
            tpu.yield
          }) : () -> ()
          %scan3A_95 = arith.constant 0 : i32
          scf.yield %scan3A_95 : i32
        }
        %scan3A_58 = arith.constant 8 : i32
        %scan3A_59 = arith.constant 0 : i32
        scf.yield %scan3A_59 : i32
      }
      %scan3A_41 = arith.constant 10 : i32
    } else {
    }
    %eq3A_17 = arith.constant 1 : i32
    %eq3A_18 = arith.cmpi eq, %arg0, %eq3A_17 : i32
    %convert_element_type3A_19 = arith.extui %eq3A_18 : i1 to i32
    %cond3A_20 = arith.constant 0 : i32
    %cond3A_21 = arith.cmpi ne, %convert_element_type3A_19, %cond3A_20 : i32
    scf.if %cond3A_21 {
      %scan3A_35 = arith.constant 0 : i32
      %scan3A_36 = arith.constant 0 : i32
      %scan3A_37 = arith.constant 10 : i32
      %scan3A_38 = arith.addi %scan3A_36, %scan3A_37 : i32
      %scan3A_39 = arith.constant 1 : i32
      %scan3A_40 = scf.for %scan3A_42 = %scan3A_36 to %scan3A_38 step %scan3A_39 iter_args(%scan3A_43 = %scan3A_35) -> (i32)  : i32 {
        %mul3A_44 = arith.constant 16 : i32
        %mul3A_45 = arith.muli %scan3A_42, %mul3A_44 : i32
        %add3A = arith.addi %mul3A_14, %mul3A_45 : i32
        "tpu.region"() ({
          %run_scoped3A = tpu.sem_alloc : memref<!tpu.dma_semaphore, #tpu.memory_space<semaphore_mem>>
          %dma_start3A_60 = arith.constant 0 : i32
          %dma_start3A_61 = tpu.memref_slice %arg4[%add3A, %dma_start3A_60] : memref<2560x128xi32, #tpu.memory_space<hbm>> -> memref<16x128xi32, #tpu.memory_space<hbm>>
          %dma_start3A_62 = arith.constant 0 : i32
          %dma_start3A_63 = tpu.memref_slice %arg4[%add3A, %dma_start3A_62] : memref<2560x128xi32, #tpu.memory_space<hbm>> -> memref<16x128xi32, #tpu.memory_space<hbm>>
          tpu.enqueue_dma source(%dma_start3A_63 : memref<16x128xi32, #tpu.memory_space<hbm>>) target(%arg8 : memref<16x128xi32, #tpu.memory_space<vmem>>) target_semaphore(%run_scoped3A : memref<!tpu.dma_semaphore, #tpu.memory_space<semaphore_mem>>)
          %dma_wait3A = arith.constant 0 : i32
          %dma_wait3A_64 = tpu.memref_slice %arg4[%add3A, %dma_wait3A] : memref<2560x128xi32, #tpu.memory_space<hbm>> -> memref<16x128xi32, #tpu.memory_space<hbm>>
          %dma_wait3A_65 = arith.constant 0 : i32
          %dma_wait3A_66 = tpu.memref_slice %arg4[%add3A, %dma_wait3A_65] : memref<2560x128xi32, #tpu.memory_space<hbm>> -> memref<16x128xi32, #tpu.memory_space<hbm>>
          tpu.wait_dma2 semaphore(%run_scoped3A : memref<!tpu.dma_semaphore, #tpu.memory_space<semaphore_mem>>) src(%dma_wait3A_66 : memref<16x128xi32, #tpu.memory_space<hbm>>) dst(%arg8 : memref<16x128xi32, #tpu.memory_space<vmem>>)
          tpu.yield
        }) : () -> ()
        "tpu.region"() ({
          %run_scoped3A = tpu.sem_alloc : memref<!tpu.dma_semaphore, #tpu.memory_space<semaphore_mem>>
          %dma_start3A_60 = arith.constant 0 : i32
          %dma_start3A_61 = tpu.memref_slice %arg5[%add3A, %dma_start3A_60] : memref<2560x128xi32, #tpu.memory_space<hbm>> -> memref<16x128xi32, #tpu.memory_space<hbm>>
          %dma_start3A_62 = arith.constant 0 : i32
          %dma_start3A_63 = tpu.memref_slice %arg5[%add3A, %dma_start3A_62] : memref<2560x128xi32, #tpu.memory_space<hbm>> -> memref<16x128xi32, #tpu.memory_space<hbm>>
          tpu.enqueue_dma source(%dma_start3A_63 : memref<16x128xi32, #tpu.memory_space<hbm>>) target(%arg9 : memref<16x128xi32, #tpu.memory_space<vmem>>) target_semaphore(%run_scoped3A : memref<!tpu.dma_semaphore, #tpu.memory_space<semaphore_mem>>)
          %dma_wait3A = arith.constant 0 : i32
          %dma_wait3A_64 = tpu.memref_slice %arg5[%add3A, %dma_wait3A] : memref<2560x128xi32, #tpu.memory_space<hbm>> -> memref<16x128xi32, #tpu.memory_space<hbm>>
          %dma_wait3A_65 = arith.constant 0 : i32
          %dma_wait3A_66 = tpu.memref_slice %arg5[%add3A, %dma_wait3A_65] : memref<2560x128xi32, #tpu.memory_space<hbm>> -> memref<16x128xi32, #tpu.memory_space<hbm>>
          tpu.wait_dma2 semaphore(%run_scoped3A : memref<!tpu.dma_semaphore, #tpu.memory_space<semaphore_mem>>) src(%dma_wait3A_66 : memref<16x128xi32, #tpu.memory_space<hbm>>) dst(%arg9 : memref<16x128xi32, #tpu.memory_space<vmem>>)
          tpu.yield
        }) : () -> ()
        %dma_start3A = arith.constant 0 : i32
        %dma_start3A_46 = arith.constant 0 : i32
        %dma_start3A_47 = tpu.memref_slice %arg8[%dma_start3A, %dma_start3A_46] : memref<16x128xi32, #tpu.memory_space<vmem>> -> memref<1x128xi32, #tpu.memory_space<vmem>>
        %dma_start3A_48 = tpu.memref_squeeze %dma_start3A_47 : memref<1x128xi32, #tpu.memory_space<vmem>> -> memref<128xi32, #tpu.memory_space<vmem>>
        %dma_start3A_49 = arith.constant 0 : i32
        %dma_start3A_50 = arith.constant 0 : i32
        %dma_start3A_51 = tpu.memref_slice %arg3[%dma_start3A_49, %dma_start3A_50] : memref<10240x128xf32, #tpu.memory_space<hbm>> -> memref<10240x128xf32, #tpu.memory_space<hbm>>
        tpu.enqueue_indirect_dma source(%dma_start3A_51 : memref<10240x128xf32, #tpu.memory_space<hbm>>) target(%arg10 : memref<128x128xf32, #tpu.memory_space<vmem>>) offsets(%dma_start3A_48 : memref<128xi32, #tpu.memory_space<vmem>>) semaphore(%arg14 : memref<!tpu.dma_semaphore, #tpu.memory_space<semaphore_mem>>)
        %scan3A_52 = arith.constant 0 : i32
        %scan3A_53 = arith.constant 0 : i32
        %scan3A_54 = arith.constant 8 : i32
        %scan3A_55 = arith.addi %scan3A_53, %scan3A_54 : i32
        %scan3A_56 = arith.constant 1 : i32
        %scan3A_57 = scf.for %scan3A_60 = %scan3A_53 to %scan3A_55 step %scan3A_56 iter_args(%scan3A_61 = %scan3A_52) -> (i32)  : i32 {
          %dma_wait3A = arith.constant 0 : i32
          %dma_wait3A_62 = arith.constant 0 : i32
          %dma_wait3A_63 = tpu.memref_slice %arg8[%dma_wait3A, %dma_wait3A_62] : memref<16x128xi32, #tpu.memory_space<vmem>> -> memref<1x128xi32, #tpu.memory_space<vmem>>
          %dma_wait3A_64 = tpu.memref_squeeze %dma_wait3A_63 : memref<1x128xi32, #tpu.memory_space<vmem>> -> memref<128xi32, #tpu.memory_space<vmem>>
          %dma_wait3A_65 = arith.constant 0 : i32
          %dma_wait3A_66 = arith.constant 0 : i32
          %dma_wait3A_67 = tpu.memref_slice %arg3[%dma_wait3A_65, %dma_wait3A_66] : memref<10240x128xf32, #tpu.memory_space<hbm>> -> memref<10240x128xf32, #tpu.memory_space<hbm>>
          tpu.wait_indirect_dma semaphore(%arg14 : memref<!tpu.dma_semaphore, #tpu.memory_space<semaphore_mem>>) src(%dma_wait3A_67 : memref<10240x128xf32, #tpu.memory_space<hbm>>) dst(%arg10 : memref<128x128xf32, #tpu.memory_space<vmem>>)
          %mul3A_68 = arith.constant 2 : i32
          %mul3A_69 = arith.muli %mul3A_68, %scan3A_60 : i32
          %add3A_70 = arith.constant 1 : i32
          %add3A_71 = arith.addi %mul3A_69, %add3A_70 : i32
          %dma_start3A_72 = arith.constant 0 : i32
          %dma_start3A_73 = tpu.memref_slice %arg8[%add3A_71, %dma_start3A_72] : memref<16x128xi32, #tpu.memory_space<vmem>> -> memref<1x128xi32, #tpu.memory_space<vmem>>
          %dma_start3A_74 = tpu.memref_squeeze %dma_start3A_73 : memref<1x128xi32, #tpu.memory_space<vmem>> -> memref<128xi32, #tpu.memory_space<vmem>>
          %dma_start3A_75 = arith.constant 0 : i32
          %dma_start3A_76 = arith.constant 0 : i32
          %dma_start3A_77 = tpu.memref_slice %arg3[%dma_start3A_75, %dma_start3A_76] : memref<10240x128xf32, #tpu.memory_space<hbm>> -> memref<10240x128xf32, #tpu.memory_space<hbm>>
          tpu.enqueue_indirect_dma source(%dma_start3A_77 : memref<10240x128xf32, #tpu.memory_space<hbm>>) target(%arg11 : memref<128x128xf32, #tpu.memory_space<vmem>>) offsets(%dma_start3A_74 : memref<128xi32, #tpu.memory_space<vmem>>) semaphore(%arg15 : memref<!tpu.dma_semaphore, #tpu.memory_space<semaphore_mem>>)
          %mul3A_78 = arith.constant 2 : i32
          %mul3A_79 = arith.muli %mul3A_78, %scan3A_60 : i32
          "tpu.region"() ({
            %run_scoped3A = tpu.sem_alloc : memref<!tpu.dma_semaphore, #tpu.memory_space<semaphore_mem>>
            %dma_start3A_96 = arith.constant 0 : i32
            %dma_start3A_97 = tpu.memref_slice %arg9[%mul3A_79, %dma_start3A_96] : memref<16x128xi32, #tpu.memory_space<vmem>> -> memref<1x128xi32, #tpu.memory_space<vmem>>
            %dma_start3A_98 = tpu.memref_squeeze %dma_start3A_97 : memref<1x128xi32, #tpu.memory_space<vmem>> -> memref<128xi32, #tpu.memory_space<vmem>>
            %dma_start3A_99 = arith.constant 0 : i32
            %dma_start3A_100 = arith.constant 0 : i32
            %dma_start3A_101 = tpu.memref_slice %arg13[%dma_start3A_99, %dma_start3A_100] : memref<10240x128xf32, #tpu.memory_space<vmem_shared>> -> memref<10240x128xf32, #tpu.memory_space<vmem_shared>>
            tpu.enqueue_indirect_dma source(%arg10 : memref<128x128xf32, #tpu.memory_space<vmem>>) target(%dma_start3A_101 : memref<10240x128xf32, #tpu.memory_space<vmem_shared>>) offsets(%dma_start3A_98 : memref<128xi32, #tpu.memory_space<vmem>>) semaphore(%run_scoped3A : memref<!tpu.dma_semaphore, #tpu.memory_space<semaphore_mem>>) {add = true}
            %dma_wait3A_102 = arith.constant 0 : i32
            %dma_wait3A_103 = tpu.memref_slice %arg9[%mul3A_79, %dma_wait3A_102] : memref<16x128xi32, #tpu.memory_space<vmem>> -> memref<1x128xi32, #tpu.memory_space<vmem>>
            %dma_wait3A_104 = tpu.memref_squeeze %dma_wait3A_103 : memref<1x128xi32, #tpu.memory_space<vmem>> -> memref<128xi32, #tpu.memory_space<vmem>>
            %dma_wait3A_105 = arith.constant 0 : i32
            %dma_wait3A_106 = arith.constant 0 : i32
            %dma_wait3A_107 = tpu.memref_slice %arg13[%dma_wait3A_105, %dma_wait3A_106] : memref<10240x128xf32, #tpu.memory_space<vmem_shared>> -> memref<10240x128xf32, #tpu.memory_space<vmem_shared>>
            tpu.wait_indirect_dma semaphore(%run_scoped3A : memref<!tpu.dma_semaphore, #tpu.memory_space<semaphore_mem>>) src(%arg10 : memref<128x128xf32, #tpu.memory_space<vmem>>) dst(%dma_wait3A_107 : memref<10240x128xf32, #tpu.memory_space<vmem_shared>>)
            tpu.yield
          }) : () -> ()
          %dma_wait3A_80 = arith.constant 0 : i32
          %dma_wait3A_81 = arith.constant 0 : i32
          %dma_wait3A_82 = tpu.memref_slice %arg8[%dma_wait3A_80, %dma_wait3A_81] : memref<16x128xi32, #tpu.memory_space<vmem>> -> memref<1x128xi32, #tpu.memory_space<vmem>>
          %dma_wait3A_83 = tpu.memref_squeeze %dma_wait3A_82 : memref<1x128xi32, #tpu.memory_space<vmem>> -> memref<128xi32, #tpu.memory_space<vmem>>
          %dma_wait3A_84 = arith.constant 0 : i32
          %dma_wait3A_85 = arith.constant 0 : i32
          %dma_wait3A_86 = tpu.memref_slice %arg3[%dma_wait3A_84, %dma_wait3A_85] : memref<10240x128xf32, #tpu.memory_space<hbm>> -> memref<10240x128xf32, #tpu.memory_space<hbm>>
          tpu.wait_indirect_dma semaphore(%arg15 : memref<!tpu.dma_semaphore, #tpu.memory_space<semaphore_mem>>) src(%dma_wait3A_86 : memref<10240x128xf32, #tpu.memory_space<hbm>>) dst(%arg11 : memref<128x128xf32, #tpu.memory_space<vmem>>)
          %lt3A = arith.constant 7 : i32
          %lt3A_87 = arith.cmpi slt, %scan3A_60, %lt3A : i32
          %convert_element_type3A_88 = arith.extui %lt3A_87 : i1 to i32
          %cond3A_89 = arith.constant 0 : i32
          %cond3A_90 = arith.cmpi ne, %convert_element_type3A_88, %cond3A_89 : i32
          scf.if %cond3A_90 {
            %mul3A_96 = arith.constant 2 : i32
            %mul3A_97 = arith.muli %mul3A_96, %scan3A_60 : i32
            %add3A_98 = arith.constant 2 : i32
            %add3A_99 = arith.addi %mul3A_97, %add3A_98 : i32
            %dma_start3A_100 = arith.constant 0 : i32
            %dma_start3A_101 = tpu.memref_slice %arg8[%add3A_99, %dma_start3A_100] : memref<16x128xi32, #tpu.memory_space<vmem>> -> memref<1x128xi32, #tpu.memory_space<vmem>>
            %dma_start3A_102 = tpu.memref_squeeze %dma_start3A_101 : memref<1x128xi32, #tpu.memory_space<vmem>> -> memref<128xi32, #tpu.memory_space<vmem>>
            %dma_start3A_103 = arith.constant 0 : i32
            %dma_start3A_104 = arith.constant 0 : i32
            %dma_start3A_105 = tpu.memref_slice %arg3[%dma_start3A_103, %dma_start3A_104] : memref<10240x128xf32, #tpu.memory_space<hbm>> -> memref<10240x128xf32, #tpu.memory_space<hbm>>
            tpu.enqueue_indirect_dma source(%dma_start3A_105 : memref<10240x128xf32, #tpu.memory_space<hbm>>) target(%arg10 : memref<128x128xf32, #tpu.memory_space<vmem>>) offsets(%dma_start3A_102 : memref<128xi32, #tpu.memory_space<vmem>>) semaphore(%arg14 : memref<!tpu.dma_semaphore, #tpu.memory_space<semaphore_mem>>)
          } else {
          }
          %mul3A_91 = arith.constant 2 : i32
          %mul3A_92 = arith.muli %mul3A_91, %scan3A_60 : i32
          %add3A_93 = arith.constant 1 : i32
          %add3A_94 = arith.addi %mul3A_92, %add3A_93 : i32
          "tpu.region"() ({
            %run_scoped3A = tpu.sem_alloc : memref<!tpu.dma_semaphore, #tpu.memory_space<semaphore_mem>>
            %dma_start3A_96 = arith.constant 0 : i32
            %dma_start3A_97 = tpu.memref_slice %arg9[%add3A_94, %dma_start3A_96] : memref<16x128xi32, #tpu.memory_space<vmem>> -> memref<1x128xi32, #tpu.memory_space<vmem>>
            %dma_start3A_98 = tpu.memref_squeeze %dma_start3A_97 : memref<1x128xi32, #tpu.memory_space<vmem>> -> memref<128xi32, #tpu.memory_space<vmem>>
            %dma_start3A_99 = arith.constant 0 : i32
            %dma_start3A_100 = arith.constant 0 : i32
            %dma_start3A_101 = tpu.memref_slice %arg13[%dma_start3A_99, %dma_start3A_100] : memref<10240x128xf32, #tpu.memory_space<vmem_shared>> -> memref<10240x128xf32, #tpu.memory_space<vmem_shared>>
            tpu.enqueue_indirect_dma source(%arg11 : memref<128x128xf32, #tpu.memory_space<vmem>>) target(%dma_start3A_101 : memref<10240x128xf32, #tpu.memory_space<vmem_shared>>) offsets(%dma_start3A_98 : memref<128xi32, #tpu.memory_space<vmem>>) semaphore(%run_scoped3A : memref<!tpu.dma_semaphore, #tpu.memory_space<semaphore_mem>>) {add = true}
            %dma_wait3A_102 = arith.constant 0 : i32
            %dma_wait3A_103 = tpu.memref_slice %arg9[%add3A_94, %dma_wait3A_102] : memref<16x128xi32, #tpu.memory_space<vmem>> -> memref<1x128xi32, #tpu.memory_space<vmem>>
            %dma_wait3A_104 = tpu.memref_squeeze %dma_wait3A_103 : memref<1x128xi32, #tpu.memory_space<vmem>> -> memref<128xi32, #tpu.memory_space<vmem>>
            %dma_wait3A_105 = arith.constant 0 : i32
            %dma_wait3A_106 = arith.constant 0 : i32
            %dma_wait3A_107 = tpu.memref_slice %arg13[%dma_wait3A_105, %dma_wait3A_106] : memref<10240x128xf32, #tpu.memory_space<vmem_shared>> -> memref<10240x128xf32, #tpu.memory_space<vmem_shared>>
            tpu.wait_indirect_dma semaphore(%run_scoped3A : memref<!tpu.dma_semaphore, #tpu.memory_space<semaphore_mem>>) src(%arg11 : memref<128x128xf32, #tpu.memory_space<vmem>>) dst(%dma_wait3A_107 : memref<10240x128xf32, #tpu.memory_space<vmem_shared>>)
            tpu.yield
          }) : () -> ()
          %scan3A_95 = arith.constant 0 : i32
          scf.yield %scan3A_95 : i32
        }
        %scan3A_58 = arith.constant 8 : i32
        %scan3A_59 = arith.constant 0 : i32
        scf.yield %scan3A_59 : i32
      }
      %scan3A_41 = arith.constant 10 : i32
    } else {
    }
    %barrier3A_22 = arith.constant 0 : index
    tpu.barrier barrier_id(%barrier3A_22)
    %mul3A_23 = arith.constant 640 : i32
    %mul3A_24 = arith.muli %arg1, %mul3A_23 : i32
    %eq3A_25 = arith.constant 0 : i32
    %eq3A_26 = arith.cmpi eq, %arg0, %eq3A_25 : i32
    %convert_element_type3A_27 = arith.extui %eq3A_26 : i1 to i32
    %cond3A_28 = arith.constant 0 : i32
    %cond3A_29 = arith.cmpi ne, %convert_element_type3A_27, %cond3A_28 : i32
    scf.if %cond3A_29 {
      "tpu.region"() ({
        %run_scoped3A = tpu.sem_alloc : memref<!tpu.dma_semaphore, #tpu.memory_space<semaphore_mem>>
        %dma_start3A = arith.constant 0 : i32
        %dma_start3A_35 = tpu.memref_slice %arg6[%mul3A_24, %dma_start3A] : memref<10240x128xf32, #tpu.memory_space<hbm>> -> memref<640x128xf32, #tpu.memory_space<hbm>>
        %dma_start3A_36 = arith.constant 0 : i32
        %dma_start3A_37 = tpu.memref_slice %arg13[%mul3A_24, %dma_start3A_36] : memref<10240x128xf32, #tpu.memory_space<vmem_shared>> -> memref<640x128xf32, #tpu.memory_space<vmem_shared>>
        tpu.enqueue_dma source(%dma_start3A_37 : memref<640x128xf32, #tpu.memory_space<vmem_shared>>) target(%dma_start3A_35 : memref<640x128xf32, #tpu.memory_space<hbm>>) target_semaphore(%run_scoped3A : memref<!tpu.dma_semaphore, #tpu.memory_space<semaphore_mem>>)
        %dma_wait3A = arith.constant 0 : i32
        %dma_wait3A_38 = tpu.memref_slice %arg6[%mul3A_24, %dma_wait3A] : memref<10240x128xf32, #tpu.memory_space<hbm>> -> memref<640x128xf32, #tpu.memory_space<hbm>>
        %dma_wait3A_39 = arith.constant 0 : i32
        %dma_wait3A_40 = tpu.memref_slice %arg13[%mul3A_24, %dma_wait3A_39] : memref<10240x128xf32, #tpu.memory_space<vmem_shared>> -> memref<640x128xf32, #tpu.memory_space<vmem_shared>>
        tpu.wait_dma2 semaphore(%run_scoped3A : memref<!tpu.dma_semaphore, #tpu.memory_space<semaphore_mem>>) src(%dma_wait3A_40 : memref<640x128xf32, #tpu.memory_space<vmem_shared>>) dst(%dma_wait3A_38 : memref<640x128xf32, #tpu.memory_space<hbm>>)
        tpu.yield
      }) : () -> ()
    } else {
    }
    %eq3A_30 = arith.constant 1 : i32
    %eq3A_31 = arith.cmpi eq, %arg0, %eq3A_30 : i32
    %convert_element_type3A_32 = arith.extui %eq3A_31 : i1 to i32
    %cond3A_33 = arith.constant 0 : i32
    %cond3A_34 = arith.cmpi ne, %convert_element_type3A_32, %cond3A_33 : i32
    scf.if %cond3A_34 {
      "tpu.region"() ({
        %run_scoped3A = tpu.sem_alloc : memref<!tpu.dma_semaphore, #tpu.memory_space<semaphore_mem>>
        %dma_start3A = arith.constant 0 : i32
        %dma_start3A_35 = tpu.memref_slice %arg7[%mul3A_24, %dma_start3A] : memref<10240x128xf32, #tpu.memory_space<hbm>> -> memref<640x128xf32, #tpu.memory_space<hbm>>
        %dma_start3A_36 = arith.constant 0 : i32
        %dma_start3A_37 = tpu.memref_slice %arg13[%mul3A_24, %dma_start3A_36] : memref<10240x128xf32, #tpu.memory_space<vmem_shared>> -> memref<640x128xf32, #tpu.memory_space<vmem_shared>>
        tpu.enqueue_dma source(%dma_start3A_37 : memref<640x128xf32, #tpu.memory_space<vmem_shared>>) target(%dma_start3A_35 : memref<640x128xf32, #tpu.memory_space<hbm>>) target_semaphore(%run_scoped3A : memref<!tpu.dma_semaphore, #tpu.memory_space<semaphore_mem>>)
        %dma_wait3A = arith.constant 0 : i32
        %dma_wait3A_38 = tpu.memref_slice %arg7[%mul3A_24, %dma_wait3A] : memref<10240x128xf32, #tpu.memory_space<hbm>> -> memref<640x128xf32, #tpu.memory_space<hbm>>
        %dma_wait3A_39 = arith.constant 0 : i32
        %dma_wait3A_40 = tpu.memref_slice %arg13[%mul3A_24, %dma_wait3A_39] : memref<10240x128xf32, #tpu.memory_space<vmem_shared>> -> memref<640x128xf32, #tpu.memory_space<vmem_shared>>
        tpu.wait_dma2 semaphore(%run_scoped3A : memref<!tpu.dma_semaphore, #tpu.memory_space<semaphore_mem>>) src(%dma_wait3A_40 : memref<640x128xf32, #tpu.memory_space<vmem_shared>>) dst(%dma_wait3A_38 : memref<640x128xf32, #tpu.memory_space<hbm>>)
        tpu.yield
      }) : () -> ()
    } else {
    }
    return
  }
}

module attributes {stable_mosaic.version = 14 : i64} {
  func.func @body(%arg0: i32, %arg1: memref<128x128xf32, #tpu.memory_space<vmem>>, %arg2: memref<128x32xf32, #tpu.memory_space<vmem>>, %arg3: memref<128x128xf32, #tpu.memory_space<vmem>>, %arg4: memref<128x1xf32, #tpu.memory_space<vmem>>) attributes {dimension_semantics = [#tpu.dimension_semantics<arbitrary>], iteration_bounds = array<i64: 80>, scalar_prefetch = 0 : i64, scratch_operands = 0 : i64, tpu.core_type = #tpu.core_type<tc>, window_params = [{transform_indices = @transform_0, window_bounds = array<i64: 128, 128>}, {transform_indices = @transform_1, window_bounds = array<i64: 128, 32>}, {transform_indices = @transform_2, window_bounds = array<i64: 128, 128>}, {transform_indices = @transform_3, window_bounds = array<i64: 128, 1>}]} {
    %get3A = arith.constant 0 : index
    %get3A_0 = arith.constant 0 : index
    %get3A_1 = vector.load %arg2[%get3A, %get3A_0] : memref<128x32xf32, #tpu.memory_space<vmem>>, vector<128x32xf32>
    %reduce_sum3A = arith.constant dense<0.000000e+00> : vector<128xf32>
    %reduce_sum3A_2 = vector.multi_reduction <add>, %get3A_1, %reduce_sum3A [1] : vector<128x32xf32> to vector<128xf32>
    %broadcast_in_dim3A = vector.shape_cast %reduce_sum3A_2 : vector<128xf32> to vector<128x1xf32>
    %add3A = arith.constant 1.000000e+00 : f32
    %add3A_3 = vector.broadcast %add3A : f32 to vector<128x1xf32>
    %add3A_4 = arith.addf %broadcast_in_dim3A, %add3A_3 : vector<128x1xf32>
    %rsqrt3A = math.rsqrt %add3A_4 : vector<128x1xf32>
    %swap3A = arith.constant 0 : index
    %swap3A_5 = arith.constant 0 : index
    %swap3A_6 = vector.load %arg4[%swap3A, %swap3A_5] : memref<128x1xf32, #tpu.memory_space<vmem>>, vector<128x1xf32>
    tpu.vector_store %arg4[%swap3A, %swap3A_5], %rsqrt3A {strides = array<i32>} : memref<128x1xf32, #tpu.memory_space<vmem>>, vector<128x1xf32>,
    %get3A_7 = arith.constant 0 : index
    %get3A_8 = arith.constant 0 : index
    %get3A_9 = vector.load %arg1[%get3A_7, %get3A_8] : memref<128x128xf32, #tpu.memory_space<vmem>>, vector<128x128xf32>
    %mul3A = vector.broadcast %rsqrt3A : vector<128x1xf32> to vector<128x128xf32>
    %mul3A_10 = arith.mulf %get3A_9, %mul3A : vector<128x128xf32>
    %swap3A_11 = arith.constant 0 : index
    %swap3A_12 = arith.constant 0 : index
    %swap3A_13 = vector.load %arg3[%swap3A_11, %swap3A_12] : memref<128x128xf32, #tpu.memory_space<vmem>>, vector<128x128xf32>
    tpu.vector_store %arg3[%swap3A_11, %swap3A_12], %mul3A_10 {strides = array<i32>} : memref<128x128xf32, #tpu.memory_space<vmem>>, vector<128x128xf32>,
    return
  }
  func.func @transform_0(%arg0: i32) -> (i32, i32) {
    %c0_i32 = arith.constant 0 : i32
    %c0_i32_0 = arith.constant 0 : i32
    return %arg0, %c0_i32 : i32, i32
  }
  func.func @transform_1(%arg0: i32) -> (i32, i32) {
    %c0_i32 = arith.constant 0 : i32
    %c0_i32_0 = arith.constant 0 : i32
    return %arg0, %c0_i32 : i32, i32
  }
  func.func @transform_2(%arg0: i32) -> (i32, i32) {
    %c0_i32 = arith.constant 0 : i32
    %c0_i32_0 = arith.constant 0 : i32
    return %arg0, %c0_i32 : i32, i32
  }
  func.func @transform_3(%arg0: i32) -> (i32, i32) {
    %c0_i32 = arith.constant 0 : i32
    %c0_i32_0 = arith.constant 0 : i32
    return %arg0, %c0_i32 : i32, i32
  }
}

module attributes {stable_mosaic.version = 14 : i64} {
  func.func @body(%arg0: i32, %arg1: memref<128x128xf32, #tpu.memory_space<vmem>>, %arg2: memref<128x128xf32, #tpu.memory_space<vmem>>, %arg3: memref<128x128xf32, #tpu.memory_space<vmem>>, %arg4: memref<128x1xf32, #tpu.memory_space<vmem>>, %arg5: memref<128x256xf32, #tpu.memory_space<vmem>>, %arg6: memref<1x256xf32, #tpu.memory_space<vmem>>, %arg7: memref<1x256xf32, #tpu.memory_space<vmem>>, %arg8: memref<1x256xf32, #tpu.memory_space<vmem>>, %arg9: memref<256x256xf32, #tpu.memory_space<vmem>>, %arg10: memref<128x128xf32, #tpu.memory_space<vmem>>, %arg11: memref<128x128xf32, #tpu.memory_space<vmem>>) attributes {dimension_semantics = [#tpu.dimension_semantics<arbitrary>], iteration_bounds = array<i64: 80>, scalar_prefetch = 0 : i64, scratch_operands = 0 : i64, tpu.core_type = #tpu.core_type<tc>, window_params = [{transform_indices = @transform_0, window_bounds = array<i64: 128, 128>}, {transform_indices = @transform_1, window_bounds = array<i64: 128, 128>}, {transform_indices = @transform_2, window_bounds = array<i64: 128, 128>}, {transform_indices = @transform_3, window_bounds = array<i64: 128, 1>}, {pipeline_mode = #tpu.pipeline_mode<synchronous>, transform_indices = @transform_4, window_bounds = array<i64: 128, 256>}, {pipeline_mode = #tpu.pipeline_mode<synchronous>, transform_indices = @transform_5, window_bounds = array<i64: 1, 256>}, {pipeline_mode = #tpu.pipeline_mode<synchronous>, transform_indices = @transform_6, window_bounds = array<i64: 1, 256>}, {pipeline_mode = #tpu.pipeline_mode<synchronous>, transform_indices = @transform_7, window_bounds = array<i64: 1, 256>}, {pipeline_mode = #tpu.pipeline_mode<synchronous>, transform_indices = @transform_8, window_bounds = array<i64: 256, 256>}, {transform_indices = @transform_9, window_bounds = array<i64: 128, 128>}, {transform_indices = @transform_10, window_bounds = array<i64: 128, 128>}]} {
    %get3A = arith.constant 0 : index
    %get3A_0 = arith.constant 0 : index
    %get3A_1 = vector.load %arg4[%get3A, %get3A_0] : memref<128x1xf32, #tpu.memory_space<vmem>>, vector<128x1xf32>
    %get3A_2 = arith.constant 0 : index
    %get3A_3 = arith.constant 0 : index
    %get3A_4 = vector.load %arg1[%get3A_2, %get3A_3] : memref<128x128xf32, #tpu.memory_space<vmem>>, vector<128x128xf32>
    %get3A_5 = arith.constant 0 : index
    %get3A_6 = arith.constant 0 : index
    %get3A_7 = vector.load %arg2[%get3A_5, %get3A_6] : memref<128x128xf32, #tpu.memory_space<vmem>>, vector<128x128xf32>
    %add3A = arith.addf %get3A_4, %get3A_7 : vector<128x128xf32>
    %get3A_8 = arith.constant 0 : index
    %get3A_9 = arith.constant 0 : index
    %get3A_10 = vector.load %arg3[%get3A_8, %get3A_9] : memref<128x128xf32, #tpu.memory_space<vmem>>, vector<128x128xf32>
    %add3A_11 = arith.addf %add3A, %get3A_10 : vector<128x128xf32>
    %mul3A = vector.broadcast %get3A_1 : vector<128x1xf32> to vector<128x128xf32>
    %mul3A_12 = arith.mulf %add3A_11, %mul3A : vector<128x128xf32>
    %get3A_13 = arith.constant 0 : index
    %get3A_14 = arith.constant 0 : index
    %get3A_15 = vector.load %arg5[%get3A_13, %get3A_14] : memref<128x256xf32, #tpu.memory_space<vmem>>, vector<128x256xf32>
    %dot_general3A = arith.constant dense<0.000000e+00> : vector<128x256xf32>
    %dot_general3A_16 = tpu.matmul %mul3A_12, %get3A_15, %dot_general3A {dimension_numbers = #tpu.dot_dimension_numbers<[1], [0], [0], [1], [0, 0, 1, 1], [], []>, transpose_lhs_hint = false} : vector<128x128xf32>, vector<128x256xf32>, vector<128x256xf32> -> vector<128x256xf32>
    %get3A_17 = arith.constant 0 : index
    %get3A_18 = arith.constant 0 : index
    %get3A_19 = vector.load %arg7[%get3A_17, %get3A_18] : memref<1x256xf32, #tpu.memory_space<vmem>>, vector<1x256xf32>
    %mul3A_20 = arith.constant 0.999994993 : f32
    %mul3A_21 = vector.broadcast %mul3A_20 : f32 to vector<1x256xf32>
    %mul3A_22 = arith.mulf %get3A_19, %mul3A_21 : vector<1x256xf32>
    %mul3A_23 = vector.broadcast %mul3A_22 : vector<1x256xf32> to vector<128x256xf32>
    %mul3A_24 = arith.mulf %dot_general3A_16, %mul3A_23 : vector<128x256xf32>
    %get3A_25 = arith.constant 0 : index
    %get3A_26 = arith.constant 0 : index
    %get3A_27 = vector.load %arg6[%get3A_25, %get3A_26] : memref<1x256xf32, #tpu.memory_space<vmem>>, vector<1x256xf32>
    %mul3A_28 = arith.mulf %get3A_27, %mul3A_22 : vector<1x256xf32>
    %get3A_29 = arith.constant 0 : index
    %get3A_30 = arith.constant 0 : index
    %get3A_31 = vector.load %arg8[%get3A_29, %get3A_30] : memref<1x256xf32, #tpu.memory_space<vmem>>, vector<1x256xf32>
    %add3A_32 = arith.addf %mul3A_28, %get3A_31 : vector<1x256xf32>
    %add3A_33 = vector.broadcast %add3A_32 : vector<1x256xf32> to vector<128x256xf32>
    %add3A_34 = arith.addf %mul3A_24, %add3A_33 : vector<128x256xf32>
    %max3A = arith.constant 0.000000e+00 : f32
    %max3A_35 = vector.broadcast %max3A : f32 to vector<128x256xf32>
    %max3A_36 = arith.maximumf %add3A_34, %max3A_35 : vector<128x256xf32>
    %get3A_37 = arith.constant 0 : index
    %get3A_38 = arith.constant 0 : index
    %get3A_39 = vector.load %arg9[%get3A_37, %get3A_38] : memref<256x256xf32, #tpu.memory_space<vmem>>, vector<256x256xf32>
    %dot_general3A_40 = arith.constant dense<0.000000e+00> : vector<128x256xf32>
    %dot_general3A_41 = tpu.matmul %max3A_36, %get3A_39, %dot_general3A_40 {dimension_numbers = #tpu.dot_dimension_numbers<[1], [0], [0], [1], [0, 0, 1, 1], [], []>, transpose_lhs_hint = false} : vector<128x256xf32>, vector<256x256xf32>, vector<128x256xf32> -> vector<128x256xf32>
    %mul3A_42 = vector.broadcast %get3A_1 : vector<128x1xf32> to vector<128x256xf32>
    %mul3A_43 = arith.mulf %dot_general3A_41, %mul3A_42 : vector<128x256xf32>
    %slice3A = vector.extract_strided_slice %mul3A_43 {offsets = [0, 0], sizes = [128, 128], strides = [1, 1]} : vector<128x256xf32> to vector<128x128xf32>
    %swap3A = arith.constant 0 : index
    %swap3A_44 = arith.constant 0 : index
    %swap3A_45 = vector.load %arg10[%swap3A, %swap3A_44] : memref<128x128xf32, #tpu.memory_space<vmem>>, vector<128x128xf32>
    tpu.vector_store %arg10[%swap3A, %swap3A_44], %slice3A {strides = array<i32>} : memref<128x128xf32, #tpu.memory_space<vmem>>, vector<128x128xf32>,
    %slice3A_46 = vector.extract_strided_slice %mul3A_43 {offsets = [0, 128], sizes = [128, 128], strides = [1, 1]} : vector<128x256xf32> to vector<128x128xf32>
    %swap3A_47 = arith.constant 0 : index
    %swap3A_48 = arith.constant 0 : index
    %swap3A_49 = vector.load %arg11[%swap3A_47, %swap3A_48] : memref<128x128xf32, #tpu.memory_space<vmem>>, vector<128x128xf32>
    tpu.vector_store %arg11[%swap3A_47, %swap3A_48], %slice3A_46 {strides = array<i32>} : memref<128x128xf32, #tpu.memory_space<vmem>>, vector<128x128xf32>,
    return
  }
  func.func @transform_0(%arg0: i32) -> (i32, i32) {
    %c0_i32 = arith.constant 0 : i32
    %c0_i32_0 = arith.constant 0 : i32
    return %arg0, %c0_i32 : i32, i32
  }
  func.func @transform_1(%arg0: i32) -> (i32, i32) {
    %c0_i32 = arith.constant 0 : i32
    %c0_i32_0 = arith.constant 0 : i32
    return %arg0, %c0_i32 : i32, i32
  }
  func.func @transform_2(%arg0: i32) -> (i32, i32) {
    %c0_i32 = arith.constant 0 : i32
    %c0_i32_0 = arith.constant 0 : i32
    return %arg0, %c0_i32 : i32, i32
  }
  func.func @transform_3(%arg0: i32) -> (i32, i32) {
    %c0_i32 = arith.constant 0 : i32
    %c0_i32_0 = arith.constant 0 : i32
    return %arg0, %c0_i32 : i32, i32
  }
  func.func @transform_4(%arg0: i32) -> (i32, i32) {
    %c0_i32 = arith.constant 0 : i32
    %c0_i32_0 = arith.constant 0 : i32
    %c0_i32_1 = arith.constant 0 : i32
    return %c0_i32, %c0_i32_0 : i32, i32
  }
  func.func @transform_5(%arg0: i32) -> (i32, i32) {
    %c0_i32 = arith.constant 0 : i32
    %c0_i32_0 = arith.constant 0 : i32
    %c0_i32_1 = arith.constant 0 : i32
    return %c0_i32, %c0_i32_0 : i32, i32
  }
  func.func @transform_6(%arg0: i32) -> (i32, i32) {
    %c0_i32 = arith.constant 0 : i32
    %c0_i32_0 = arith.constant 0 : i32
    %c0_i32_1 = arith.constant 0 : i32
    return %c0_i32, %c0_i32_0 : i32, i32
  }
  func.func @transform_7(%arg0: i32) -> (i32, i32) {
    %c0_i32 = arith.constant 0 : i32
    %c0_i32_0 = arith.constant 0 : i32
    %c0_i32_1 = arith.constant 0 : i32
    return %c0_i32, %c0_i32_0 : i32, i32
  }
  func.func @transform_8(%arg0: i32) -> (i32, i32) {
    %c0_i32 = arith.constant 0 : i32
    %c0_i32_0 = arith.constant 0 : i32
    %c0_i32_1 = arith.constant 0 : i32
    return %c0_i32, %c0_i32_0 : i32, i32
  }
  func.func @transform_9(%arg0: i32) -> (i32, i32) {
    %c0_i32 = arith.constant 0 : i32
    %c0_i32_0 = arith.constant 0 : i32
    return %arg0, %c0_i32 : i32, i32
  }
  func.func @transform_10(%arg0: i32) -> (i32, i32) {
    %c0_i32 = arith.constant 0 : i32
    %c0_i32_0 = arith.constant 0 : i32
    return %arg0, %c0_i32 : i32, i32
  }
}

module attributes {stable_mosaic.version = 14 : i64} {
  func.func @body(%arg0: i32, %arg1: memref<128x128xf32, #tpu.memory_space<vmem>>, %arg2: memref<128x128xf32, #tpu.memory_space<vmem>>, %arg3: memref<128x128xf32, #tpu.memory_space<vmem>>, %arg4: memref<128x128xf32, #tpu.memory_space<vmem>>, %arg5: memref<128x1xf32, #tpu.memory_space<vmem>>, %arg6: memref<1x256xf32, #tpu.memory_space<vmem>>, %arg7: memref<1x256xf32, #tpu.memory_space<vmem>>, %arg8: memref<1x256xf32, #tpu.memory_space<vmem>>, %arg9: memref<1x1x128xi32, #tpu.memory_space<vmem>>, %arg10: memref<16x256xf32, #tpu.memory_space<vmem>>, %arg11: memref<16x128xf32, #tpu.memory_space<vmem>>, %arg12: memref<16x128xf32, #tpu.memory_space<vmem>>, %arg13: memref<16x128xf32, #tpu.memory_space<vmem>>) attributes {dimension_semantics = [#tpu.dimension_semantics<arbitrary>], iteration_bounds = array<i64: 80>, scalar_prefetch = 0 : i64, scratch_operands = 3 : i64, tpu.core_type = #tpu.core_type<tc>, window_params = [{transform_indices = @transform_0, window_bounds = array<i64: 128, 128>}, {transform_indices = @transform_1, window_bounds = array<i64: 128, 128>}, {transform_indices = @transform_2, window_bounds = array<i64: 128, 128>}, {transform_indices = @transform_3, window_bounds = array<i64: 128, 128>}, {transform_indices = @transform_4, window_bounds = array<i64: 128, 1>}, {pipeline_mode = #tpu.pipeline_mode<synchronous>, transform_indices = @transform_5, window_bounds = array<i64: 1, 256>}, {pipeline_mode = #tpu.pipeline_mode<synchronous>, transform_indices = @transform_6, window_bounds = array<i64: 1, 256>}, {pipeline_mode = #tpu.pipeline_mode<synchronous>, transform_indices = @transform_7, window_bounds = array<i64: 1, 256>}, {transform_indices = @transform_8, window_bounds = array<i64: 1, 1, 128>}, {pipeline_mode = #tpu.pipeline_mode<synchronous>, transform_indices = @transform_9, window_bounds = array<i64: 16, 256>}]} {
    %get3A = arith.constant 0 : index
    %get3A_0 = arith.constant 0 : index
    %get3A_1 = vector.load %arg5[%get3A, %get3A_0] : memref<128x1xf32, #tpu.memory_space<vmem>>, vector<128x1xf32>
    %get3A_2 = arith.constant 0 : index
    %get3A_3 = arith.constant 0 : index
    %get3A_4 = vector.load %arg7[%get3A_2, %get3A_3] : memref<1x256xf32, #tpu.memory_space<vmem>>, vector<1x256xf32>
    %mul3A = arith.constant 0.999994993 : f32
    %mul3A_5 = vector.broadcast %mul3A : f32 to vector<1x256xf32>
    %mul3A_6 = arith.mulf %get3A_4, %mul3A_5 : vector<1x256xf32>
    %get3A_7 = arith.constant 0 : index
    %get3A_8 = arith.constant 0 : index
    %get3A_9 = vector.load %arg6[%get3A_7, %get3A_8] : memref<1x256xf32, #tpu.memory_space<vmem>>, vector<1x256xf32>
    %mul3A_10 = arith.mulf %get3A_9, %mul3A_6 : vector<1x256xf32>
    %get3A_11 = arith.constant 0 : index
    %get3A_12 = arith.constant 0 : index
    %get3A_13 = vector.load %arg8[%get3A_11, %get3A_12] : memref<1x256xf32, #tpu.memory_space<vmem>>, vector<1x256xf32>
    %add3A = arith.addf %mul3A_10, %get3A_13 : vector<1x256xf32>
    %get3A_14 = arith.constant 0 : index
    %get3A_15 = arith.constant 0 : index
    %get3A_16 = vector.load %arg1[%get3A_14, %get3A_15] : memref<128x128xf32, #tpu.memory_space<vmem>>, vector<128x128xf32>
    %get3A_17 = arith.constant 0 : index
    %get3A_18 = arith.constant 0 : index
    %get3A_19 = vector.load %arg3[%get3A_17, %get3A_18] : memref<128x128xf32, #tpu.memory_space<vmem>>, vector<128x128xf32>
    %add3A_20 = arith.addf %get3A_16, %get3A_19 : vector<128x128xf32>
    %mul3A_21 = vector.broadcast %get3A_1 : vector<128x1xf32> to vector<128x128xf32>
    %mul3A_22 = arith.mulf %add3A_20, %mul3A_21 : vector<128x128xf32>
    %slice3A = vector.extract_strided_slice %mul3A_6 {offsets = [0, 0], sizes = [1, 128], strides = [1, 1]} : vector<1x256xf32> to vector<1x128xf32>
    %mul3A_23 = vector.broadcast %slice3A : vector<1x128xf32> to vector<128x128xf32>
    %mul3A_24 = arith.mulf %mul3A_22, %mul3A_23 : vector<128x128xf32>
    %slice3A_25 = vector.extract_strided_slice %add3A {offsets = [0, 0], sizes = [1, 128], strides = [1, 1]} : vector<1x256xf32> to vector<1x128xf32>
    %add3A_26 = vector.broadcast %slice3A_25 : vector<1x128xf32> to vector<128x128xf32>
    %add3A_27 = arith.addf %mul3A_24, %add3A_26 : vector<128x128xf32>
    %max3A = arith.constant 0.000000e+00 : f32
    %max3A_28 = vector.broadcast %max3A : f32 to vector<128x128xf32>
    %max3A_29 = arith.maximumf %add3A_27, %max3A_28 : vector<128x128xf32>
    %get3A_30 = arith.constant 0 : index
    %get3A_31 = arith.constant 0 : index
    %get3A_32 = vector.load %arg2[%get3A_30, %get3A_31] : memref<128x128xf32, #tpu.memory_space<vmem>>, vector<128x128xf32>
    %get3A_33 = arith.constant 0 : index
    %get3A_34 = arith.constant 0 : index
    %get3A_35 = vector.load %arg4[%get3A_33, %get3A_34] : memref<128x128xf32, #tpu.memory_space<vmem>>, vector<128x128xf32>
    %add3A_36 = arith.addf %get3A_32, %get3A_35 : vector<128x128xf32>
    %mul3A_37 = vector.broadcast %get3A_1 : vector<128x1xf32> to vector<128x128xf32>
    %mul3A_38 = arith.mulf %add3A_36, %mul3A_37 : vector<128x128xf32>
    %slice3A_39 = vector.extract_strided_slice %mul3A_6 {offsets = [0, 128], sizes = [1, 128], strides = [1, 1]} : vector<1x256xf32> to vector<1x128xf32>
    %mul3A_40 = vector.broadcast %slice3A_39 : vector<1x128xf32> to vector<128x128xf32>
    %mul3A_41 = arith.mulf %mul3A_38, %mul3A_40 : vector<128x128xf32>
    %slice3A_42 = vector.extract_strided_slice %add3A {offsets = [0, 128], sizes = [1, 128], strides = [1, 1]} : vector<1x256xf32> to vector<1x128xf32>
    %add3A_43 = vector.broadcast %slice3A_42 : vector<1x128xf32> to vector<128x128xf32>
    %add3A_44 = arith.addf %mul3A_41, %add3A_43 : vector<128x128xf32>
    %max3A_45 = arith.constant 0.000000e+00 : f32
    %max3A_46 = vector.broadcast %max3A_45 : f32 to vector<128x128xf32>
    %max3A_47 = arith.maximumf %add3A_44, %max3A_46 : vector<128x128xf32>
    %get3A_48 = arith.constant 0 : index
    %get3A_49 = arith.constant 0 : index
    %get3A_50 = arith.constant 0 : index
    %get3A_51 = vector.load %arg9[%get3A_48, %get3A_49, %get3A_50] : memref<1x1x128xi32, #tpu.memory_space<vmem>>, vector<1x1x128xi32>
    %reshape3A = vector.shape_cast %get3A_51 : vector<1x1x128xi32> to vector<1x128xi32>
    %iota3A = tpu.iota {dimensions = array<i32: 0>} : vector<16x128xi32>
    %eq3A = vector.broadcast %reshape3A : vector<1x128xi32> to vector<16x128xi32>
    %eq3A_52 = arith.cmpi eq, %eq3A, %iota3A : vector<16x128xi32>
    %convert_element_type3A = arith.extui %eq3A_52 : vector<16x128xi1> to vector<16x128xi32>
    %convert_element_type3A_53 = arith.sitofp %convert_element_type3A : vector<16x128xi32> to vector<16x128xf32>
    %dot_general3A = arith.constant dense<0.000000e+00> : vector<16x128xf32>
    %dot_general3A_54 = tpu.matmul %convert_element_type3A_53, %max3A_29, %dot_general3A {dimension_numbers = #tpu.dot_dimension_numbers<[1], [0], [0], [1], [0, 0, 1, 1], [], []>, transpose_lhs_hint = false} : vector<16x128xf32>, vector<128x128xf32>, vector<16x128xf32> -> vector<16x128xf32>
    %dot_general3A_55 = arith.constant dense<0.000000e+00> : vector<16x128xf32>
    %dot_general3A_56 = tpu.matmul %convert_element_type3A_53, %max3A_47, %dot_general3A_55 {dimension_numbers = #tpu.dot_dimension_numbers<[1], [0], [0], [1], [0, 0, 1, 1], [], []>, transpose_lhs_hint = false} : vector<16x128xf32>, vector<128x128xf32>, vector<16x128xf32> -> vector<16x128xf32>
    %reduce_sum3A = arith.constant dense<0.000000e+00> : vector<16xf32>
    %reduce_sum3A_57 = vector.multi_reduction <add>, %convert_element_type3A_53, %reduce_sum3A [1] : vector<16x128xf32> to vector<16xf32>
    %broadcast_in_dim3A = vector.shape_cast %reduce_sum3A_57 : vector<16xf32> to vector<16x1xf32>
    %broadcast_in_dim3A_58 = vector.shape_cast %broadcast_in_dim3A : vector<16x1xf32> to vector<16x1xf32>
    %broadcast_in_dim3A_59 = vector.broadcast %broadcast_in_dim3A_58 : vector<16x1xf32> to vector<16x128xf32>
    %eq3A_60 = arith.constant 0 : i32
    %eq3A_61 = arith.cmpi eq, %arg0, %eq3A_60 : i32
    %convert_element_type3A_62 = arith.extui %eq3A_61 : i1 to i32
    %cond3A = arith.constant 0 : i32
    %cond3A_63 = arith.cmpi ne, %convert_element_type3A_62, %cond3A : i32
    scf.if %cond3A_63 {
      %swap3A = arith.constant 0 : index
      %swap3A_73 = arith.constant 0 : index
      %swap3A_74 = vector.load %arg11[%swap3A, %swap3A_73] : memref<16x128xf32, #tpu.memory_space<vmem>>, vector<16x128xf32>
      tpu.vector_store %arg11[%swap3A, %swap3A_73], %dot_general3A_54 {strides = array<i32>} : memref<16x128xf32, #tpu.memory_space<vmem>>, vector<16x128xf32>,
      %swap3A_75 = arith.constant 0 : index
      %swap3A_76 = arith.constant 0 : index
      %swap3A_77 = vector.load %arg12[%swap3A_75, %swap3A_76] : memref<16x128xf32, #tpu.memory_space<vmem>>, vector<16x128xf32>
      tpu.vector_store %arg12[%swap3A_75, %swap3A_76], %dot_general3A_56 {strides = array<i32>} : memref<16x128xf32, #tpu.memory_space<vmem>>, vector<16x128xf32>,
      %swap3A_78 = arith.constant 0 : index
      %swap3A_79 = arith.constant 0 : index
      %swap3A_80 = vector.load %arg13[%swap3A_78, %swap3A_79] : memref<16x128xf32, #tpu.memory_space<vmem>>, vector<16x128xf32>
      tpu.vector_store %arg13[%swap3A_78, %swap3A_79], %broadcast_in_dim3A_59 {strides = array<i32>} : memref<16x128xf32, #tpu.memory_space<vmem>>, vector<16x128xf32>,
    } else {
    }
    %ne3A = arith.constant 0 : i32
    %ne3A_64 = arith.cmpi ne, %arg0, %ne3A : i32
    %convert_element_type3A_65 = arith.extui %ne3A_64 : i1 to i32
    %cond3A_66 = arith.constant 0 : i32
    %cond3A_67 = arith.cmpi ne, %convert_element_type3A_65, %cond3A_66 : i32
    scf.if %cond3A_67 {
      %get3A_73 = arith.constant 0 : index
      %get3A_74 = arith.constant 0 : index
      %get3A_75 = vector.load %arg11[%get3A_73, %get3A_74] : memref<16x128xf32, #tpu.memory_space<vmem>>, vector<16x128xf32>
      %add3A_76 = arith.addf %get3A_75, %dot_general3A_54 : vector<16x128xf32>
      %swap3A = arith.constant 0 : index
      %swap3A_77 = arith.constant 0 : index
      %swap3A_78 = vector.load %arg11[%swap3A, %swap3A_77] : memref<16x128xf32, #tpu.memory_space<vmem>>, vector<16x128xf32>
      tpu.vector_store %arg11[%swap3A, %swap3A_77], %add3A_76 {strides = array<i32>} : memref<16x128xf32, #tpu.memory_space<vmem>>, vector<16x128xf32>,
      %get3A_79 = arith.constant 0 : index
      %get3A_80 = arith.constant 0 : index
      %get3A_81 = vector.load %arg12[%get3A_79, %get3A_80] : memref<16x128xf32, #tpu.memory_space<vmem>>, vector<16x128xf32>
      %add3A_82 = arith.addf %get3A_81, %dot_general3A_56 : vector<16x128xf32>
      %swap3A_83 = arith.constant 0 : index
      %swap3A_84 = arith.constant 0 : index
      %swap3A_85 = vector.load %arg12[%swap3A_83, %swap3A_84] : memref<16x128xf32, #tpu.memory_space<vmem>>, vector<16x128xf32>
      tpu.vector_store %arg12[%swap3A_83, %swap3A_84], %add3A_82 {strides = array<i32>} : memref<16x128xf32, #tpu.memory_space<vmem>>, vector<16x128xf32>,
      %get3A_86 = arith.constant 0 : index
      %get3A_87 = arith.constant 0 : index
      %get3A_88 = vector.load %arg13[%get3A_86, %get3A_87] : memref<16x128xf32, #tpu.memory_space<vmem>>, vector<16x128xf32>
      %add3A_89 = arith.addf %get3A_88, %broadcast_in_dim3A_59 : vector<16x128xf32>
      %swap3A_90 = arith.constant 0 : index
      %swap3A_91 = arith.constant 0 : index
      %swap3A_92 = vector.load %arg13[%swap3A_90, %swap3A_91] : memref<16x128xf32, #tpu.memory_space<vmem>>, vector<16x128xf32>
      tpu.vector_store %arg13[%swap3A_90, %swap3A_91], %add3A_89 {strides = array<i32>} : memref<16x128xf32, #tpu.memory_space<vmem>>, vector<16x128xf32>,
    } else {
    }
    %eq3A_68 = arith.constant 79 : i32
    %eq3A_69 = arith.cmpi eq, %arg0, %eq3A_68 : i32
    %convert_element_type3A_70 = arith.extui %eq3A_69 : i1 to i32
    %cond3A_71 = arith.constant 0 : i32
    %cond3A_72 = arith.cmpi ne, %convert_element_type3A_70, %cond3A_71 : i32
    scf.if %cond3A_72 {
      %get3A_73 = arith.constant 0 : index
      %get3A_74 = arith.constant 0 : index
      %get3A_75 = vector.load %arg13[%get3A_73, %get3A_74] : memref<16x128xf32, #tpu.memory_space<vmem>>, vector<16x128xf32>
      %max3A_76 = arith.constant 1.000000e+00 : f32
      %max3A_77 = vector.broadcast %max3A_76 : f32 to vector<16x128xf32>
      %max3A_78 = arith.maximumf %get3A_75, %max3A_77 : vector<16x128xf32>
      %get3A_79 = arith.constant 0 : index
      %get3A_80 = arith.constant 0 : index
      %get3A_81 = vector.load %arg11[%get3A_79, %get3A_80] : memref<16x128xf32, #tpu.memory_space<vmem>>, vector<16x128xf32>
      %div3A = arith.divf %get3A_81, %max3A_78 : vector<16x128xf32>
      %swap3A = arith.constant 0 : index
      %swap3A_82 = arith.constant 0 : index
      %swap3A_83 = vector.load %arg10[%swap3A, %swap3A_82] : memref<16x256xf32, #tpu.memory_space<vmem>>, vector<16x128xf32>
      tpu.vector_store %arg10[%swap3A, %swap3A_82], %div3A {strides = array<i32>} : memref<16x256xf32, #tpu.memory_space<vmem>>, vector<16x128xf32>,
      %get3A_84 = arith.constant 0 : index
      %get3A_85 = arith.constant 0 : index
      %get3A_86 = vector.load %arg12[%get3A_84, %get3A_85] : memref<16x128xf32, #tpu.memory_space<vmem>>, vector<16x128xf32>
      %div3A_87 = arith.divf %get3A_86, %max3A_78 : vector<16x128xf32>
      %swap3A_88 = arith.constant 0 : index
      %swap3A_89 = arith.constant 128 : index
      %swap3A_90 = vector.load %arg10[%swap3A_88, %swap3A_89] : memref<16x256xf32, #tpu.memory_space<vmem>>, vector<16x128xf32>
      tpu.vector_store %arg10[%swap3A_88, %swap3A_89], %div3A_87 {strides = array<i32>} : memref<16x256xf32, #tpu.memory_space<vmem>>, vector<16x128xf32>,
    } else {
    }
    return
  }
  func.func @transform_0(%arg0: i32) -> (i32, i32) {
    %c0_i32 = arith.constant 0 : i32
    %c0_i32_0 = arith.constant 0 : i32
    return %arg0, %c0_i32 : i32, i32
  }
  func.func @transform_1(%arg0: i32) -> (i32, i32) {
    %c0_i32 = arith.constant 0 : i32
    %c0_i32_0 = arith.constant 0 : i32
    return %arg0, %c0_i32 : i32, i32
  }
  func.func @transform_2(%arg0: i32) -> (i32, i32) {
    %c0_i32 = arith.constant 0 : i32
    %c0_i32_0 = arith.constant 0 : i32
    return %arg0, %c0_i32 : i32, i32
  }
  func.func @transform_3(%arg0: i32) -> (i32, i32) {
    %c0_i32 = arith.constant 0 : i32
    %c0_i32_0 = arith.constant 0 : i32
    return %arg0, %c0_i32 : i32, i32
  }
  func.func @transform_4(%arg0: i32) -> (i32, i32) {
    %c0_i32 = arith.constant 0 : i32
    %c0_i32_0 = arith.constant 0 : i32
    return %arg0, %c0_i32 : i32, i32
  }
  func.func @transform_5(%arg0: i32) -> (i32, i32) {
    %c0_i32 = arith.constant 0 : i32
    %c0_i32_0 = arith.constant 0 : i32
    %c0_i32_1 = arith.constant 0 : i32
    return %c0_i32, %c0_i32_0 : i32, i32
  }
  func.func @transform_6(%arg0: i32) -> (i32, i32) {
    %c0_i32 = arith.constant 0 : i32
    %c0_i32_0 = arith.constant 0 : i32
    %c0_i32_1 = arith.constant 0 : i32
    return %c0_i32, %c0_i32_0 : i32, i32
  }
  func.func @transform_7(%arg0: i32) -> (i32, i32) {
    %c0_i32 = arith.constant 0 : i32
    %c0_i32_0 = arith.constant 0 : i32
    %c0_i32_1 = arith.constant 0 : i32
    return %c0_i32, %c0_i32_0 : i32, i32
  }
  func.func @transform_8(%arg0: i32) -> (i32, i32, i32) {
    %c0_i32 = arith.constant 0 : i32
    %c0_i32_0 = arith.constant 0 : i32
    %c0_i32_1 = arith.constant 0 : i32
    return %arg0, %c0_i32, %c0_i32_0 : i32, i32, i32
  }
  func.func @transform_9(%arg0: i32) -> (i32, i32) {
    %c0_i32 = arith.constant 0 : i32
    %c0_i32_0 = arith.constant 0 : i32
    %c0_i32_1 = arith.constant 0 : i32
    return %c0_i32, %c0_i32_0 : i32, i32
  }
}

</mosaic_0001>

<sc_bundles>
// kernel: kernel.11.cloned.1.call-start
scs
__scs_entry_jumppad:
0x0: {  	(pc) =	sbr.rel $0x88, $3  }
0x1: {  	(tag) =	ssettag $0x0;
	lr =	simm.s32 $0x1  }
0x2: {  	[smem:$0x3F96] =	sst lr;
	_ =	strace $0xD0000000  }
0x3: {  	_ = 	snop  }
0x4: {  	_ = 	snop  }
0x5: {  	_ = 	snop  }
0x6: {  	_ = 	snop  }
0x7: {  	_ = 	snop  }
__scs_overlays_trampoline_lowered:
0x8: {  	[smem:$0x3FA5] =	sst s0  }
0x9: {  	[smem:$0x3FA6] =	sst s1  }
0xa: {  	[smem:$0x3FA7] =	sst s2  }
0xb: {  	[smem:$0x3FA8] =	sst s3  }
0xc: {  	[smem:$0x3FA9] =	sst s4  }
0xd: {  	[smem:$0x3FAA] =	sst s5  }
0xe: {  	[smem:$0x3FAB] =	sst s6  }
0xf: {  	[smem:$0x3FAC] =	sst s7  }
0x10: {  	[smem:$0x3FAD] =	sst s8  }
0x11: {  	[smem:$0x3FAE] =	sst s9;
	s0 =	simm.s32 @!p0 $0x0  }
0x12: {  	s1 =	sld [smem:$0x3F94];
	s0 =	simm.s32 @p0 $0x1  }
0x13: {  	[smem:$0x3FAF] =	sst s0;
	s0 =	simm.s32 @!p1 $0x0  }
0x14: {  	s2 =	sld [smem:$0x3F93];
	s0 =	simm.s32 @p1 $0x1  }
0x15: {  	[smem:$0x3FB0] =	sst s0;
	s0 =	simm.s32 @!p2 $0x0  }
0x16: {  	s3 =	sld [smem:$0x3FDB];
	s0 =	simm.s32 @p2 $0x1  }
0x17: {  	s4 =	simm.s32 $0x1BF5;
	[smem:$0x3FB2] =	sst s0  }
0x18: {  	s0 =	sld [smem:$0x3F95];
	_ =	swait.ge [sflag:s4], $0x0  }
0x19: {  	s7 =	sld [smem:$0x3F96]  }
0x1a: {  	s8 =	sadd.s32 $0xFFFFE003, lr  }
0x1b: {  	s9 =	sadd.s32 $0xFFFFFEF7, lr;
	s5 =	simm.s32 $0xFFFFFFFF;
	p2 =	slt.u32 s8, $0xFFFFF086  }
0x1c: {  	p1 =	slt.u32 s9, $0xF7A;
	s5 =	simm.s32 @!p2 $0x0  }
0x1d: {  	s5 =	simm.s32 @p1 $0x1;
	p0 =	seq.s32 s7, s2  }
0x1e: {  	s7 =	smul.u32 @!p0 $0xF7A, s2;
	p2 =	seq.s32 @!p0 s5, $0x0  }
0x1f: {  	s9 =	smul.u32 $0xF7A, s1;
	s8 =	simm.s32 @!p0 $0x1BF5;
	p2 =	por !p2, p0  }
0x20: {  	[sflag:s8] =	ssyncset.s32 @!p0 $0xFFFFF086;
	s6 =	sadd.s32 @!p0 s3, s7;
	s7 =	simm.s32 @!p0 $0x108  }
0x21: {  	s3 =	sadd.s32 s3, s9;
	s6 =	sadd.s32 @!p0 $0x88, s6;
	s7 =	simm.s32 @p2 $0x1082  }
0x22: {  	[simem:s7], [sflag:s8] =	dma.local @!p0 [hbm:s6], $0xF7A  }
0x23: {  	s9 =	sor.u32 $0xD0000000, s2;
	s6 =	simm.s32 $0x108;
	_ =	swait.ge @!p0 [sflag:s8], $0x0  }
0x24: {  	s3 =	sadd.s32 $0x88, s3;
	s6 =	simm.s32 @!p1 $0x1082;
	[sflag:s4] =	ssyncset.s32 $0xFFFFF086  }
0x25: {  	[simem:s6], [sflag:s4] =	dma.local [hbm:s3], $0xF7A  }
0x26: {  	[smem:$0x3F96] =	sst s1;
	(tag) =	ssettag s2;
	_ =	strace s9  }
0x27: {  	s1 =	sld [smem:$0x3FA6]  }
0x28: {  	s2 =	sld [smem:$0x3FA7]  }
0x29: {  	s4 =	sld [smem:$0x3FA9]  }
0x2a: {  	p0 =	seq.s32 s5, $0x0;
	s5 =	sld [smem:$0x3FAA]  }
0x2b: {  	s6 =	sld [smem:$0x3FAB]  }
0x2c: {  	s7 =	sld [smem:$0x3FAC]  }
0x2d: {  	s3 =	simm.s32 $0x108;
	s8 =	sld [smem:$0x3FAD]  }
0x2e: {  	s3 =	simm.s32 @!p0 $0x1082;
	s9 =	sld [smem:$0x3FAE]  }
0x2f: {  	lr =	sadd.s32 s0, s3;
	s0 =	sld [smem:$0x3FA5]  }
0x30: {  	s3 =	sld [smem:$0x3FA8]  }
0x31: {  	[smem:$0x3FB1] =	sst s10  }
0x32: {  	s10 =	sld [smem:$0x3FAF];
	_ =	sdelay $0x3  }
0x33: {  	p0 =	seq.s32 s10, $0x1;
	s10 =	sld [smem:$0x3FB1];
	_ =	sdelay $0x3  }
0x34: {  	[smem:$0x3FB1] =	sst s10  }
0x35: {  	s10 =	sld [smem:$0x3FB0];
	_ =	sdelay $0x3  }
0x36: {  	p1 =	seq.s32 s10, $0x1;
	s10 =	sld [smem:$0x3FB1];
	_ =	sdelay $0x3  }
0x37: {  	[smem:$0x3FB1] =	sst s10  }
0x38: {  	s10 =	sld [smem:$0x3FB2]  }
0x39: {  	_ = 	snop;
	(pc) =	sbr.ind lr, $3  }
0x3a: {  	_ = 	snop  }
0x3b: {  	_ = 	snop  }
0x3c: {  	p2 =	seq.s32 s10, $0x1;
	s10 =	sld [smem:$0x3FB1]  }
0x3d: {  	_ =	shalt  }
0x3e: {  	_ =	shalt  }
0x3f: {  	_ =	shalt  }
0x40: {  	_ =	shalt  }
0x41: {  	_ =	shalt  }
0x42: {  	_ =	shalt  }
0x43: {  	_ =	shalt  }
0x44: {  	_ =	shalt  }
0x45: {  	_ =	shalt  }
0x46: {  	_ =	shalt  }
0x47: {  	_ =	shalt  }
0x48: {  	_ =	shalt  }
0x49: {  	_ =	shalt  }
0x4a: {  	_ =	shalt  }
0x4b: {  	_ =	shalt  }
0x4c: {  	_ =	shalt  }
0x4d: {  	_ =	shalt  }
0x4e: {  	_ =	shalt  }
0x4f: {  	_ =	shalt  }
0x50: {  	_ =	shalt  }
0x51: {  	_ =	shalt  }
0x52: {  	_ =	shalt  }
0x53: {  	_ =	shalt  }
0x54: {  	_ =	shalt  }
0x55: {  	_ =	shalt  }
0x56: {  	_ =	shalt  }
0x57: {  	_ =	shalt  }
0x58: {  	_ =	shalt  }
0x59: {  	_ =	shalt  }
0x5a: {  	_ =	shalt  }
0x5b: {  	_ =	shalt  }
0x5c: {  	_ =	shalt  }
0x5d: {  	_ =	shalt  }
0x5e: {  	_ =	shalt  }
0x5f: {  	_ =	shalt  }
0x60: {  	_ =	shalt  }
0x61: {  	_ =	shalt  }
0x62: {  	_ =	shalt  }
0x63: {  	_ =	shalt  }
0x64: {  	_ =	shalt  }
0x65: {  	_ =	shalt  }
0x66: {  	_ =	shalt  }
0x67: {  	_ =	shalt  }
0x68: {  	_ =	shalt  }
0x69: {  	_ =	shalt  }
0x6a: {  	_ =	shalt  }
0x6b: {  	_ =	shalt  }
0x6c: {  	_ =	shalt  }
0x6d: {  	_ =	shalt  }
0x6e: {  	_ =	shalt  }
0x6f: {  	_ =	shalt  }
0x70: {  	_ =	shalt  }
0x71: {  	_ =	shalt  }
0x72: {  	_ =	shalt  }
0x73: {  	_ =	shalt  }
0x74: {  	_ =	shalt  }
0x75: {  	_ =	shalt  }
0x76: {  	_ =	shalt  }
0x77: {  	_ =	shalt  }
0x78: {  	_ =	shalt  }
0x79: {  	_ =	shalt  }
0x7a: {  	_ =	shalt  }
0x7b: {  	_ =	shalt  }
0x7c: {  	_ =	shalt  }
0x7d: {  	_ =	shalt  }
0x7e: {  	_ =	shalt  }
0x7f: {  	_ =	shalt  }
0x80: {  	_ =	shalt  }
0x81: {  	_ =	shalt  }
0x82: {  	_ =	shalt  }
0x83: {  	_ =	shalt  }
0x84: {  	_ =	shalt  }
0x85: {  	_ =	shalt  }
0x86: {  	_ =	shalt  }
0x87: {  	_ =	shalt  }
.Lfunc_end0:
.L_simem_size_0:
called_computation.1_lowered:
.L_overlay_start_0:
0x88: {  	s2 =	sld [smem:$0x3FD9]  }
0x89: {  	s3 =	sld [smem:$0x3FFE];
	_ =	sdelay $0x1  }
0x8a: {  	s1 =	srdreg.scid  }
0x8b: {  	s0 =	sand.u32 $0x1, s1  }
0x8c: {  	s16 =	sshll.u32 s0, $0xA;
	s2 =	sadd.s32 s3, s2  }
0x8d: {  	s2 =	sadd.s32 s2, s16  }
0x8e: {  	[smem:$0x3FBD] =	sst s2  }
0x8f: {  	_ = 	snop  }
0x90: {  	(tm) =	ssettm $0x1  }
0x91: {  	s17 =	sld [smem:$0x3FFB];
	_ =	sdelay $0x3  }
0x92: {  	_ =	strace s17  }
0x93: {  	s2 =	sld [smem:$0x3FFC];
	_ =	sdelay $0x3  }
0x94: {  	_ =	strace s2  }
0x95: {  	s2 =	sld [smem:$0x3FFD];
	_ =	sdelay $0x3  }
0x96: {  	_ =	strace s2  }
0x97: {  	_ =	strace $0x8FFFFFFF  }
0x98: {  	s18 =	sld [smem:$0x3FDB];
	_ =	sdelay $0x1  }
0x99: {  	s19 =	simm.s32 $_scs_section_size  }
0x9a: {  	s4 =	simm.s32 $_size__tile_overlayer_lowered;
	s5 =	simm.s32 $_tile_overlayer_lowered  }
0x9b: {  	s22 =	simm.s32 $0x1BFF;
	s21 =	sshll.u32 s5, $0x1;
	s2 =	sadd.s32 s19, s18  }
0x9c: {  	s6 =	simm.s32 $0x0;
	s20 =	sshll.u32 s4, $0x1;
	s4 =	sadd.s32 s21, s2  }
0x9d: {  	[timem:s6], [sflag:s22] =	dma.local [hbm:s4], s20  }
0x9e: {  	_ =	swait.ge [sflag:s22], s20  }
0x9f: {  	s3 =	ssub.s32 $0x0, s20;
	[sflag:s22] =	ssyncset.done $0x0  }
0xa0: {  	[sflag:s22] =	ssyncadd.s32 s3;
	_ =	sdelay $0x1  }
0xa1: {  	s23 =	simm.s32 $0x1B8B  }
0xa2: {  	_ =	swait.ge [sflag:s23], $0x1  }
0xa3: {  	[sflag:s23] =	ssyncset.done $0x0  }
0xa4: {  	s25 =	simm.s32 $0x1B8E;
	s24 =	sld [smem:$0x3FFE];
	[sflag:s23] =	ssyncadd.s32 $0xFFFFFFFF  }
0xa5: {  	s26 =	simm.s32 $execute0_lowered;
	[smem:$0x3FD2] =	sst s25  }
0xa6: {  	s4 =	sshll.u32 s26, $0x1;
	_ =	strace $0x80000049;
	[dreg:$0x1] =	wrdreg $0xFFFFFFFF  }
0xa7: {  	s28 =	simm.s32 $_size_execute0_lowered;
	s2 =	sadd.s32 s2, s4;
	[dreg:$0x0] =	wrdreg $0x0  }
0xa8: {  	s4 =	sshll.u32 s28, $0x1;
	[dreg:$0x2] =	wrdreg s2  }
0xa9: {  	[dreg:$0x3] =	wrdreg s4  }
0xaa: {  	[dreg:$0x4] =	wrdreg $0xC0  }
0xab: {  	_ =	task [dreg:s6], $0x5FFFF  }
0xac: {  	[dreg:$0x1] =	wrdreg $0xFFFFFFFF  }
0xad: {  	[dreg:$0x0] =	wrdreg $0x60  }
0xae: {  	[dreg:$0x2] =	wrdreg s24  }
0xaf: {  	[dreg:$0x3] =	wrdreg $0xA0000  }
0xb0: {  	[dreg:$0x4] =	wrdreg $0x9  }
0xb1: {  	_ =	task.clear_ibuf [dreg:s6], $0x5FFFF;
	_ =	strace $0x90000049  }
0xb2: {  	s29 =	simm.s32 $0x9;
	_ =	strace $0x8000004B  }
0xb3: {  	_ =	swait.ge [sflag:s29], $0x1  }
0xb4: {  	[sflag:s29] =	ssyncadd.s32 $0xFFFFFFFF  }
0xb5: {  	_ =	strace $0x9000004B  }
0xb6: {  	_ =	sfence  }
0xb7: {  	s30 =	sld [smem:$0x0];
	_ =	sdelay $0x2  }
0xb8: {  	s31 =	sshll.u32 s1, $0xD;
	s1 =	sshrl.u32 s1, $0x2  }
0xb9: {  	s3 =	sand.u32 $0x4000, s31;
	s1 =	sadd.s32 s1, s30  }
0xba: {  	s0 =	sor.u32 s3, s0;
	s1 =	sshll.u32 s1, $0x11  }
0xbb: {  	s0 =	sor.u32 s1, s0  }
0xbc: {  	s0 =	sadd.s32 $0x8F2B, s0  }
0xbd: {  	[sflag:s0] =	ssyncadd.remote.s32 $0x1  }
0xbe: {  	_ =	sfence.sel $0xFFFF  }
0xbf: {  	[dreg:$0x0] =	wrdreg $0xFFFFFFFF;
	(pc) =	sbr.abs _section_cstart, $3  }
0xc0: {  	[dreg:$0x1] =	wrdreg $0xFFFFFFFF  }
0xc1: {  	_ =	task.clear_ibuf [dreg:s6], $0x2FFFF;
	_ =	strace $0x9FFFFFFF  }
0xc2: {  	(tm) =	ssettm $0x7FFFFFFF  }
0xc3: {  	_ =	shalt  }
tec
execute0_lowered:
.L_overlay_start_1:
0x0: {  	(tag) =	ssettag $0x1  }
0x1: {  	s0 =	rddreg [dreg:$0x0]  }
0x2: {  	s1 =	rddreg [dreg:$0x1];
	s2 =	simm.s32 $0x0;
	s3 =	srdreg.scid  }
0x3: {  	s9 =	stileid.u32;
	[smem:$0x7FF] =	sst s2  }
0x4: {  	s4 =	sadd.s32 $0x18C00, s0;
	s5 =	sadd.s32 $0x4C00, s0;
	s8 =	smul.u32 $0x50000, s9  }
0x5: {  	s3 =	sand.u32 $0x1, s3;
	s6 =	sadd.s32 $0xEC00, s0;
	s19 =	smul.u32 $0x2800, s9  }
0x6: {  	s10 =	sadd.s32 $0x68C00, s0;
	s0 =	sadd.s32 $0x90C00, s0;
	s12 =	smul.u32 $0x500, s9  }
0x7: {  	_ =	strace $0x8000004A;
	s7 =	ssub.s32 $0x2, s3;
	[dreg:$0x7] =	wrdreg s10  }
0x8: {  	[dreg:$0x8] =	wrdreg s0;
	s17 =	sshrl.u32 s7, $0x1  }
0x9: {  	s18 =	sshrl.u32 s8, $0x2;
	[dreg:$0x9] =	wrdreg s19;
	s15 =	sadd.s32 s12, s6  }
0xa: {  	s0 =	ssub.s32 s7, s17;
	s22 =	sadd.s32 s18, s1;
	[dreg:$0x5] =	wrdreg s15  }
0xb: {  	s0 =	smax.u32 s0, $0x1;
	[dreg:$0xa] =	wrdreg s22  }
0xc: {  	s7 =	sadd.s32 $0x1000, s22;
	[dreg:$0xb] =	wrdreg s0  }
0xd: {  	s21 =	sadd.s32 $0x2000, s22;
	[dreg:$0xc] =	wrdreg s7  }
0xe: {  	s23 =	sadd.s32 $0x3000, s22;
	[dreg:$0xd] =	wrdreg s21  }
0xf: {  	s31 =	simm.s32 $0x3;
	s24 =	sadd.s32 $0x4000, s22;
	[dreg:$0xe] =	wrdreg s23  }
0x10: {  	s28 =	simm.s32 $0x280;
	s25 =	sadd.s32 $0x5000, s22;
	[dreg:$0xf] =	wrdreg s24  }
0x11: {  	s29 =	simm.s32 $0xA80;
	s26 =	sadd.s32 $0x6000, s22;
	[dreg:$0x10] =	wrdreg s25  }
0x12: {  	s30 =	simm.s32 $0x0;
	s8 =	sadd.s32 $0x7000, s22;
	[dreg:$0x11] =	wrdreg s26  }
0x13: {  	s9 =	simm.s32 $0x5000;
	s10 =	sadd.s32 $0x8000, s22;
	[dreg:$0x12] =	wrdreg s8  }
0x14: {  	s20 =	smul.u32 $0x28000, s3;
	s13 =	sadd.s32 $0x9000, s22;
	[dreg:$0x13] =	wrdreg s10  }
0x15: {  	p0 =	sne.s32 s3, $0x0;
	s14 =	sadd.s32 $0xA000, s22;
	[dreg:$0x14] =	wrdreg s13  }
0x16: {  	s3 =	simm.s32 $0x1;
	s16 =	sadd.s32 $0xB000, s22;
	[dreg:$0x15] =	wrdreg s14  }
0x17: {  	s15 =	simm.s32 $0x480;
	s17 =	sadd.s32 $0xC000, s22;
	[dreg:$0x16] =	wrdreg s16  }
0x18: {  	s18 =	sadd.s32 $0xD000, s22;
	s0 =	sadd.s32 s19, s20;
	[dreg:$0x17] =	wrdreg s17  }
0x19: {  	[dreg:$0x18] =	wrdreg s18;
	s19 =	sadd.s32 s12, s5;
	s20 =	sadd.s32 $0xE000, s22  }
0x1a: {  	s21 =	sadd.s32 $0xF000, s22;
	s23 =	sadd.s32 $0x10000, s22;
	s24 =	sadd.s32 $0x11000, s22  }
0x1b: {  	s25 =	sadd.s32 $0x12000, s22;
	s26 =	sadd.s32 $0x13000, s22;
	[dreg:$0x19] =	wrdreg s20  }
0x1c: {  	s10 =	simm.s32 $0x2;
	s7 =	simm.s32 $0xA00;
	[dreg:$0x6] =	wrdreg s19  }
0x1d: {  	s8 =	simm.s32 $0x300;
	s12 =	simm.s32 $0xB00;
	[dreg:$0x1a] =	wrdreg s21  }
0x1e: {  	s13 =	simm.s32 $0x400;
	s14 =	simm.s32 $0xB80;
	[dreg:$0x1b] =	wrdreg s23  }
0x1f: {  	s16 =	simm.s32 $0xC00;
	s17 =	simm.s32 $0x500;
	[dreg:$0x1c] =	wrdreg s24  }
0x20: {  	s18 =	simm.s32 $0xC80;
	s0 =	sshrl.u32 s0, $0x3;
	[dreg:$0x1d] =	wrdreg s25  }
.Ltmp0:
0x21: {  	[dreg:$0x1e] =	wrdreg s26;
	s21 =	simm.s32 $0x880;
	(pc) =	sbr.rel .LBB2_1-.Ltmp0, $4  }
0x22: {  	s23 =	simm.s32 $0x180;
	s24 =	simm.s32 $0x900;
	s25 =	simm.s32 $0x200  }
0x23: {  	s26 =	simm.s32 $0x980;
	s11 =	sadd.s32 s0, s6;
	s0 =	sadd.s32 s0, s5  }
0x24: {  	s5 =	simm.s32 $0x80;
	s6 =	simm.s32 $0x1000;
	[dreg:$0x3] =	wrdreg s11  }
0x25: {  	v0 =	vimm.f32 $0.0e+00;
	[dreg:$0x4] =	wrdreg s0;
	s0 =	simm.s32 $0x800;
	s11 =	simm.s32 $0x380  }
.LBB2_9:
0x26: {  	[sflag:s31] =	ssyncadd.s32 $0xFFFFC000;
	s20 =	sadd.s32 s19, s21  }
0x27: {  	[tilespmem:s2], [sflag:$0x3] =	stream.linear.gather [hbm4b:s20+s2], $0x800, $0x38;
	[tilespmem:$0x1E000] =	vst v63  }
0x28: {  	_ =	swait.ge [sflag:s31], $0x800  }
0x29: {  	s21 =	rddreg [dreg:$0x3];
	[sflag:s31] =	ssyncset.done $0x0  }
0x2a: {  	s21 =	sadd.s32 s19, s21;
	[sflag:s31] =	ssyncadd.s32 $0xFFFFF800  }
0x2b: {  	[tilespmem:s0], [sflag:$0x3] =	stream.linear.gather [hbm4b:s21+s2], $0x800, $0x38;
	[tilespmem:$0x1E000] =	vst v63  }
0x2c: {  	_ =	swait.ge [sflag:s31], $0x800  }
0x2d: {  	[sflag:s31] =	ssyncset.done $0x0  }
0x2e: {  	[sflag:s31] =	ssyncadd.s32 $0xFFFFF800  }
0x2f: {  	[tilespmem:s6], [sflag:$0x1] =	stream.indirect.gather [hbm4b:s4+s5], $0x80, s2, s5, $0xb8;
	[tilespmem:$0x1E000] =	vst v63  }
0x30: {  	_ =	swait.ge [sflag:s3], $0x4000  }
0x31: {  	[sflag:s3] =	ssyncset.done $0x0  }
0x32: {  	[sflag:s3] =	ssyncadd.s32 $0xFFFFC000  }
0x33: {  	[tilespmem:s9], [sflag:$0x2] =	stream.indirect.gather [hbm4b:s4+s5], $0x80, s5, s5, $0xb8;
	[tilespmem:$0x1E000] =	vst v63  }
0x34: {  	_ = 	snop  }
0x35: {  	[spmem:s1] =	stream.indirect.scatter.add.f32 [tilespmem:s6], [sflag:$0x3], $0x80, s0, s5, $0xb8;
	[tilespmem:$0x1E000] =	vst v63  }
0x36: {  	_ =	swait.ge [sflag:s31], $0x4000  }
0x37: {  	[sflag:s31] =	ssyncset.done $0x0  }
0x38: {  	[sflag:s31] =	ssyncadd.s32 $0xFFFFC000  }
0x39: {  	_ =	swait.ge [sflag:s10], $0x4000  }
0x3a: {  	[sflag:s10] =	ssyncset.done $0x0  }
0x3b: {  	[sflag:s10] =	ssyncadd.s32 $0xFFFFC000  }
0x3c: {  	[tilespmem:s6], [sflag:$0x1] =	stream.indirect.gather [hbm4b:s4+s5], $0x80, s22, s5, $0xb8;
	[tilespmem:$0x1E000] =	vst v63  }
0x3d: {  	_ = 	snop  }
0x3e: {  	[spmem:s1] =	stream.indirect.scatter.add.f32 [tilespmem:s9], [sflag:$0x3], $0x80, s23, s5, $0xb8;
	[tilespmem:$0x1E000] =	vst v63  }
0x3f: {  	_ =	swait.ge [sflag:s31], $0x4000  }
0x40: {  	[sflag:s31] =	ssyncset.done $0x0  }
0x41: {  	[sflag:s31] =	ssyncadd.s32 $0xFFFFC000  }
0x42: {  	_ =	swait.ge [sflag:s3], $0x4000  }
0x43: {  	[sflag:s3] =	ssyncset.done $0x0  }
0x44: {  	[sflag:s3] =	ssyncadd.s32 $0xFFFFC000  }
0x45: {  	[tilespmem:s9], [sflag:$0x2] =	stream.indirect.gather [hbm4b:s4+s5], $0x80, s24, s5, $0xb8;
	[tilespmem:$0x1E000] =	vst v63  }
0x46: {  	_ = 	snop  }
0x47: {  	[spmem:s1] =	stream.indirect.scatter.add.f32 [tilespmem:s6], [sflag:$0x3], $0x80, s25, s5, $0xb8;
	[tilespmem:$0x1E000] =	vst v63  }
0x48: {  	_ =	swait.ge [sflag:s31], $0x4000  }
0x49: {  	[sflag:s31] =	ssyncset.done $0x0  }
0x4a: {  	[sflag:s31] =	ssyncadd.s32 $0xFFFFC000  }
0x4b: {  	_ =	swait.ge [sflag:s10], $0x4000  }
0x4c: {  	[sflag:s10] =	ssyncset.done $0x0  }
0x4d: {  	[sflag:s10] =	ssyncadd.s32 $0xFFFFC000  }
0x4e: {  	[tilespmem:s6], [sflag:$0x1] =	stream.indirect.gather [hbm4b:s4+s5], $0x80, s26, s5, $0xb8;
	[tilespmem:$0x1E000] =	vst v63  }
0x4f: {  	_ = 	snop  }
0x50: {  	[spmem:s1] =	stream.indirect.scatter.add.f32 [tilespmem:s9], [sflag:$0x3], $0x80, s28, s5, $0xb8;
	[tilespmem:$0x1E000] =	vst v63  }
0x51: {  	_ =	swait.ge [sflag:s31], $0x4000  }
0x52: {  	[sflag:s31] =	ssyncset.done $0x0  }
0x53: {  	[sflag:s31] =	ssyncadd.s32 $0xFFFFC000  }
0x54: {  	_ =	swait.ge [sflag:s3], $0x4000  }
0x55: {  	[sflag:s3] =	ssyncset.done $0x0  }
0x56: {  	[sflag:s3] =	ssyncadd.s32 $0xFFFFC000  }
0x57: {  	[tilespmem:s9], [sflag:$0x2] =	stream.indirect.gather [hbm4b:s4+s5], $0x80, s29, s5, $0xb8;
	[tilespmem:$0x1E000] =	vst v63  }
0x58: {  	_ = 	snop  }
0x59: {  	[spmem:s1] =	stream.indirect.scatter.add.f32 [tilespmem:s6], [sflag:$0x3], $0x80, s7, s5, $0xb8;
	[tilespmem:$0x1E000] =	vst v63  }
0x5a: {  	_ =	swait.ge [sflag:s31], $0x4000  }
0x5b: {  	[sflag:s31] =	ssyncset.done $0x0  }
0x5c: {  	[sflag:s31] =	ssyncadd.s32 $0xFFFFC000  }
0x5d: {  	_ =	swait.ge [sflag:s10], $0x4000  }
0x5e: {  	[sflag:s10] =	ssyncset.done $0x0  }
0x5f: {  	[sflag:s10] =	ssyncadd.s32 $0xFFFFC000  }
0x60: {  	[tilespmem:s6], [sflag:$0x1] =	stream.indirect.gather [hbm4b:s4+s5], $0x80, s8, s5, $0xb8;
	[tilespmem:$0x1E000] =	vst v63  }
0x61: {  	_ = 	snop  }
0x62: {  	[spmem:s1] =	stream.indirect.scatter.add.f32 [tilespmem:s9], [sflag:$0x3], $0x80, s30, s5, $0xb8;
	[tilespmem:$0x1E000] =	vst v63  }
0x63: {  	_ =	swait.ge [sflag:s31], $0x4000  }
0x64: {  	[sflag:s31] =	ssyncset.done $0x0  }
0x65: {  	[sflag:s31] =	ssyncadd.s32 $0xFFFFC000  }
0x66: {  	_ =	swait.ge [sflag:s3], $0x4000  }
0x67: {  	[sflag:s3] =	ssyncset.done $0x0  }
0x68: {  	[sflag:s3] =	ssyncadd.s32 $0xFFFFC000  }
0x69: {  	[tilespmem:s9], [sflag:$0x2] =	stream.indirect.gather [hbm4b:s4+s5], $0x80, s11, s5, $0xb8;
	[tilespmem:$0x1E000] =	vst v63  }
0x6a: {  	_ = 	snop  }
0x6b: {  	[spmem:s1] =	stream.indirect.scatter.add.f32 [tilespmem:s6], [sflag:$0x3], $0x80, s12, s5, $0xb8;
	[tilespmem:$0x1E000] =	vst v63  }
0x6c: {  	_ =	swait.ge [sflag:s31], $0x4000  }
0x6d: {  	[sflag:s31] =	ssyncset.done $0x0  }
0x6e: {  	[sflag:s31] =	ssyncadd.s32 $0xFFFFC000  }
0x6f: {  	_ =	swait.ge [sflag:s10], $0x4000  }
0x70: {  	[sflag:s10] =	ssyncset.done $0x0  }
0x71: {  	[sflag:s10] =	ssyncadd.s32 $0xFFFFC000  }
0x72: {  	[tilespmem:s6], [sflag:$0x1] =	stream.indirect.gather [hbm4b:s4+s5], $0x80, s13, s5, $0xb8;
	[tilespmem:$0x1E000] =	vst v63  }
0x73: {  	_ = 	snop  }
0x74: {  	[spmem:s1] =	stream.indirect.scatter.add.f32 [tilespmem:s9], [sflag:$0x3], $0x80, s14, s5, $0xb8;
	[tilespmem:$0x1E000] =	vst v63  }
0x75: {  	_ =	swait.ge [sflag:s31], $0x4000  }
0x76: {  	[sflag:s31] =	ssyncset.done $0x0  }
0x77: {  	[sflag:s31] =	ssyncadd.s32 $0xFFFFC000  }
0x78: {  	_ =	swait.ge [sflag:s3], $0x4000  }
0x79: {  	[sflag:s3] =	ssyncset.done $0x0  }
0x7a: {  	[sflag:s3] =	ssyncadd.s32 $0xFFFFC000  }
0x7b: {  	[tilespmem:s9], [sflag:$0x2] =	stream.indirect.gather [hbm4b:s4+s5], $0x80, s15, s5, $0xb8;
	[tilespmem:$0x1E000] =	vst v63  }
0x7c: {  	_ = 	snop  }
0x7d: {  	[spmem:s1] =	stream.indirect.scatter.add.f32 [tilespmem:s6], [sflag:$0x3], $0x80, s16, s5, $0xb8;
	[tilespmem:$0x1E000] =	vst v63  }
0x7e: {  	_ =	swait.ge [sflag:s31], $0x4000  }
0x7f: {  	[sflag:s31] =	ssyncset.done $0x0  }
0x80: {  	[sflag:s31] =	ssyncadd.s32 $0xFFFFC000  }
0x81: {  	_ =	swait.ge [sflag:s10], $0x4000  }
0x82: {  	[sflag:s10] =	ssyncset.done $0x0  }
0x83: {  	[sflag:s10] =	ssyncadd.s32 $0xFFFFC000  }
0x84: {  	[tilespmem:s6], [sflag:$0x1] =	stream.indirect.gather [hbm4b:s4+s5], $0x80, s17, s5, $0xb8;
	[tilespmem:$0x1E000] =	vst v63  }
0x85: {  	_ = 	snop  }
0x86: {  	[spmem:s1] =	stream.indirect.scatter.add.f32 [tilespmem:s9], [sflag:$0x3], $0x80, s18, s5, $0xb8;
	[tilespmem:$0x1E000] =	vst v63  }
0x87: {  	_ =	swait.ge [sflag:s31], $0x4000  }
0x88: {  	[sflag:s31] =	ssyncset.done $0x0  }
0x89: {  	[sflag:s31] =	ssyncadd.s32 $0xFFFFC000  }
0x8a: {  	_ =	swait.ge [sflag:s3], $0x4000  }
0x8b: {  	[sflag:s3] =	ssyncset.done $0x0  }
0x8c: {  	s16 =	simm.s32 $0x580;
	[sflag:s3] =	ssyncadd.s32 $0xFFFFC000  }
0x8d: {  	[tilespmem:s9], [sflag:$0x2] =	stream.indirect.gather [hbm4b:s4+s5], $0x80, s16, s5, $0xb8;
	[tilespmem:$0x1E000] =	vst v63  }
0x8e: {  	s17 =	simm.s32 $0xD00  }
0x8f: {  	[spmem:s1] =	stream.indirect.scatter.add.f32 [tilespmem:s6], [sflag:$0x3], $0x80, s17, s5, $0xb8;
	[tilespmem:$0x1E000] =	vst v63  }
0x90: {  	_ =	swait.ge [sflag:s31], $0x4000  }
0x91: {  	[sflag:s31] =	ssyncset.done $0x0  }
0x92: {  	[sflag:s31] =	ssyncadd.s32 $0xFFFFC000  }
0x93: {  	_ =	swait.ge [sflag:s10], $0x4000  }
0x94: {  	[sflag:s10] =	ssyncset.done $0x0  }
0x95: {  	s18 =	simm.s32 $0x600;
	[sflag:s10] =	ssyncadd.s32 $0xFFFFC000  }
0x96: {  	[tilespmem:s6], [sflag:$0x1] =	stream.indirect.gather [hbm4b:s4+s5], $0x80, s18, s5, $0xb8;
	[tilespmem:$0x1E000] =	vst v63  }
0x97: {  	s19 =	simm.s32 $0xD80  }
0x98: {  	[spmem:s1] =	stream.indirect.scatter.add.f32 [tilespmem:s9], [sflag:$0x3], $0x80, s19, s5, $0xb8;
	[tilespmem:$0x1E000] =	vst v63  }
0x99: {  	_ =	swait.ge [sflag:s31], $0x4000  }
0x9a: {  	[sflag:s31] =	ssyncset.done $0x0  }
0x9b: {  	[sflag:s31] =	ssyncadd.s32 $0xFFFFC000  }
0x9c: {  	_ =	swait.ge [sflag:s3], $0x4000  }
0x9d: {  	[sflag:s3] =	ssyncset.done $0x0  }
0x9e: {  	s20 =	simm.s32 $0x680;
	[sflag:s3] =	ssyncadd.s32 $0xFFFFC000  }
0x9f: {  	[tilespmem:s9], [sflag:$0x2] =	stream.indirect.gather [hbm4b:s4+s5], $0x80, s20, s5, $0xb8;
	[tilespmem:$0x1E000] =	vst v63  }
0xa0: {  	s21 =	simm.s32 $0xE00  }
0xa1: {  	[spmem:s1] =	stream.indirect.scatter.add.f32 [tilespmem:s6], [sflag:$0x3], $0x80, s21, s5, $0xb8;
	[tilespmem:$0x1E000] =	vst v63  }
0xa2: {  	_ =	swait.ge [sflag:s31], $0x4000  }
0xa3: {  	[sflag:s31] =	ssyncset.done $0x0  }
0xa4: {  	[sflag:s31] =	ssyncadd.s32 $0xFFFFC000  }
0xa5: {  	_ =	swait.ge [sflag:s10], $0x4000  }
0xa6: {  	[sflag:s10] =	ssyncset.done $0x0  }
0xa7: {  	s22 =	simm.s32 $0x700;
	[sflag:s10] =	ssyncadd.s32 $0xFFFFC000  }
0xa8: {  	[tilespmem:s6], [sflag:$0x1] =	stream.indirect.gather [hbm4b:s4+s5], $0x80, s22, s5, $0xb8;
	[tilespmem:$0x1E000] =	vst v63  }
0xa9: {  	s23 =	simm.s32 $0xE80  }
0xaa: {  	[spmem:s1] =	stream.indirect.scatter.add.f32 [tilespmem:s9], [sflag:$0x3], $0x80, s23, s5, $0xb8;
	[tilespmem:$0x1E000] =	vst v63  }
0xab: {  	_ =	swait.ge [sflag:s31], $0x4000  }
0xac: {  	[sflag:s31] =	ssyncset.done $0x0  }
0xad: {  	[sflag:s31] =	ssyncadd.s32 $0xFFFFC000  }
0xae: {  	_ =	swait.ge [sflag:s3], $0x4000  }
0xaf: {  	[sflag:s3] =	ssyncset.done $0x0  }
0xb0: {  	s24 =	simm.s32 $0x780;
	[sflag:s3] =	ssyncadd.s32 $0xFFFFC000  }
0xb1: {  	[tilespmem:s9], [sflag:$0x2] =	stream.indirect.gather [hbm4b:s4+s5], $0x80, s24, s5, $0xb8;
	[tilespmem:$0x1E000] =	vst v63  }
0xb2: {  	s25 =	simm.s32 $0xF00;
	s26 =	simm.s32 $0xF80  }
0xb3: {  	[spmem:s1] =	stream.indirect.scatter.add.f32 [tilespmem:s6], [sflag:$0x3], $0x80, s25, s5, $0xb8;
	[tilespmem:$0x1E000] =	vst v63  }
0xb4: {  	s28 =	simm.s32 $0x280;
	s29 =	simm.s32 $0xA80;
	_ =	swait.ge [sflag:s31], $0x4000  }
0xb5: {  	s7 =	simm.s32 $0xA00;
	s8 =	simm.s32 $0x300;
	[sflag:s31] =	ssyncset.done $0x0  }
0xb6: {  	s11 =	simm.s32 $0x380;
	s12 =	simm.s32 $0xB00;
	[sflag:s31] =	ssyncadd.s32 $0xFFFFC000  }
0xb7: {  	s13 =	simm.s32 $0x400;
	s14 =	simm.s32 $0xB80;
	_ =	swait.ge [sflag:s10], $0x4000  }
0xb8: {  	s15 =	simm.s32 $0x480;
	s16 =	simm.s32 $0xC00;
	[sflag:s10] =	ssyncset.done $0x0  }
0xb9: {  	s17 =	simm.s32 $0x500;
	s18 =	simm.s32 $0xC80;
	[sflag:s10] =	ssyncadd.s32 $0xFFFFC000  }
0xba: {  	[spmem:s1] =	stream.indirect.scatter.add.f32 [tilespmem:s9], [sflag:$0x3], $0x80, s26, s5, $0xb8;
	[tilespmem:$0x1E000] =	vst v63  }
0xbb: {  	s23 =	simm.s32 $0x180;
	s24 =	simm.s32 $0x900;
	_ =	swait.ge [sflag:s31], $0x4000  }
0xbc: {  	s25 =	simm.s32 $0x200;
	[sflag:s31] =	ssyncset.done $0x0;
	s19 =	rddreg [dreg:$0x8]  }
0xbd: {  	s26 =	simm.s32 $0x980;
	s30 =	rddreg [dreg:$0x1f];
	[sflag:s31] =	ssyncadd.s32 $0xFFFFC000  }
.LBB2_10:
0xbe: {  	s20 =	rddreg [dreg:$0x9];
	s22 =	stileid.u32;
	[bflag:$0x0] =	sbarrier.arrive $0xFFFF  }
0xbf: {  	s19 =	sadd.s32 s19, s20;
	s20 =	sshll.u32 s22, $0x6;
	s22 =	rddreg [dreg:$0xa]  }
0xc0: {  	s20 =	sor.u32 $0x1C03, s20;
	s21 =	sshrl.u32 s22, $0x3  }
0xc1: {  	[hbm:s19], [sflag:s20] =	dma.local [spmem:s21], $0x2800  }
0xc2: {  	_ =	swait.ge [sflag:s31], $0x2800  }
0xc3: {  	s30 =	sadd.s32 $0x1, s30;
	s21 =	rddreg [dreg:$0xb]  }
0xc4: {  	p1 =	sne.s32 s30, s21  }
.Ltmp1:
0xc5: {  	_ = 	snop;
	(pc) =	sbr.rel @!p1 .LBB2_11-.Ltmp1, $3  }
0xc6: {  	_ =	sdelay $0x1  }
0xc7: {  	[sflag:s31] =	ssyncset.done $0x0  }
0xc8: {  	[sflag:s31] =	ssyncadd.s32 $0xFFFFD800;
	s21 =	simm.s32 $0x880  }
.LBB2_1:
0xc9: {  	[dreg:$0x1f] =	wrdreg s30;
	s19 =	simm.s32 $0x0;
	s20 =	simm.s32 $0x200  }
.LBB2_2:
0xca: {  	p1 =	sne.s32 s20, $0x3E00;
	[tilespmem:s19+$0x9070] =	vst v0  }
0xcb: {  	[tilespmem:s19+$0x9000] =	vst v0  }
0xcc: {  	[tilespmem:s19+$0x9010] =	vst v0  }
.Ltmp2:
0xcd: {  	[tilespmem:s19+$0x9020] =	vst v0;
	(pc) =	sbr.rel @p1 .LBB2_2-.Ltmp2, $4  }
0xce: {  	[tilespmem:s19+$0x9030] =	vst v0  }
0xcf: {  	[tilespmem:s19+$0x9040] =	vst v0  }
0xd0: {  	[tilespmem:s19+$0x9050] =	vst v0  }
0xd1: {  	[tilespmem:s19+$0x9060] =	vst v0;
	s19 =	sshra.s32 s20, $0x2;
	s20 =	sadd.s32 $0x200, s20  }
0xd2: {  	[tilespmem:s19+$0x9070] =	vst v0  }
0xd3: {  	[tilespmem:s19+$0x9000] =	vst v0  }
0xd4: {  	[tilespmem:s19+$0x9010] =	vst v0  }
0xd5: {  	[tilespmem:s19+$0x9020] =	vst v0  }
0xd6: {  	[tilespmem:s19+$0x9030] =	vst v0  }
0xd7: {  	[tilespmem:s19+$0x9040] =	vst v0  }
0xd8: {  	[tilespmem:s19+$0x9050] =	vst v0  }
0xd9: {  	[tilespmem:s19+$0x9060] =	vst v0;
	s20 =	simm.s32 $0x9000  }
0xda: {  	[spmem:s22] =	stream.linear.scatter [tilespmem:s20], [sflag:$0x3], $0x1000, $0x38;
	[tilespmem:$0x1E000] =	vst v63  }
0xdb: {  	_ =	swait.ge [sflag:s31], $0x1000  }
0xdc: {  	[sflag:s31] =	ssyncset.done $0x0  }
0xdd: {  	s30 =	rddreg [dreg:$0xc];
	[sflag:s31] =	ssyncadd.s32 $0xFFFFF000  }
0xde: {  	[spmem:s30] =	stream.linear.scatter [tilespmem:s20], [sflag:$0x3], $0x1000, $0x38;
	[tilespmem:$0x1E000] =	vst v63  }
0xdf: {  	_ =	swait.ge [sflag:s31], $0x1000  }
0xe0: {  	[sflag:s31] =	ssyncset.done $0x0  }
0xe1: {  	s22 =	rddreg [dreg:$0xd];
	[sflag:s31] =	ssyncadd.s32 $0xFFFFF000  }
0xe2: {  	[spmem:s22] =	stream.linear.scatter [tilespmem:s20], [sflag:$0x3], $0x1000, $0x38;
	[tilespmem:$0x1E000] =	vst v63  }
0xe3: {  	_ =	swait.ge [sflag:s31], $0x1000  }
0xe4: {  	[sflag:s31] =	ssyncset.done $0x0  }
0xe5: {  	s30 =	rddreg [dreg:$0xe];
	[sflag:s31] =	ssyncadd.s32 $0xFFFFF000  }
0xe6: {  	[spmem:s30] =	stream.linear.scatter [tilespmem:s20], [sflag:$0x3], $0x1000, $0x38;
	[tilespmem:$0x1E000] =	vst v63  }
0xe7: {  	_ =	swait.ge [sflag:s31], $0x1000  }
0xe8: {  	[sflag:s31] =	ssyncset.done $0x0  }
0xe9: {  	s22 =	rddreg [dreg:$0xf];
	[sflag:s31] =	ssyncadd.s32 $0xFFFFF000  }
0xea: {  	[spmem:s22] =	stream.linear.scatter [tilespmem:s20], [sflag:$0x3], $0x1000, $0x38;
	[tilespmem:$0x1E000] =	vst v63  }
0xeb: {  	_ =	swait.ge [sflag:s31], $0x1000  }
0xec: {  	[sflag:s31] =	ssyncset.done $0x0  }
0xed: {  	s30 =	rddreg [dreg:$0x10];
	[sflag:s31] =	ssyncadd.s32 $0xFFFFF000  }
0xee: {  	[spmem:s30] =	stream.linear.scatter [tilespmem:s20], [sflag:$0x3], $0x1000, $0x38;
	[tilespmem:$0x1E000] =	vst v63  }
0xef: {  	_ =	swait.ge [sflag:s31], $0x1000  }
0xf0: {  	[sflag:s31] =	ssyncset.done $0x0  }
0xf1: {  	s22 =	rddreg [dreg:$0x11];
	[sflag:s31] =	ssyncadd.s32 $0xFFFFF000  }
0xf2: {  	[spmem:s22] =	stream.linear.scatter [tilespmem:s20], [sflag:$0x3], $0x1000, $0x38;
	[tilespmem:$0x1E000] =	vst v63  }
0xf3: {  	_ =	swait.ge [sflag:s31], $0x1000  }
0xf4: {  	[sflag:s31] =	ssyncset.done $0x0  }
0xf5: {  	s30 =	rddreg [dreg:$0x12];
	[sflag:s31] =	ssyncadd.s32 $0xFFFFF000  }
0xf6: {  	[spmem:s30] =	stream.linear.scatter [tilespmem:s20], [sflag:$0x3], $0x1000, $0x38;
	[tilespmem:$0x1E000] =	vst v63  }
0xf7: {  	_ =	swait.ge [sflag:s31], $0x1000  }
0xf8: {  	[sflag:s31] =	ssyncset.done $0x0  }
0xf9: {  	s22 =	rddreg [dreg:$0x13];
	[sflag:s31] =	ssyncadd.s32 $0xFFFFF000  }
0xfa: {  	[spmem:s22] =	stream.linear.scatter [tilespmem:s20], [sflag:$0x3], $0x1000, $0x38;
	[tilespmem:$0x1E000] =	vst v63  }
0xfb: {  	_ =	swait.ge [sflag:s31], $0x1000  }
0xfc: {  	[sflag:s31] =	ssyncset.done $0x0  }
0xfd: {  	s30 =	rddreg [dreg:$0x14];
	[sflag:s31] =	ssyncadd.s32 $0xFFFFF000  }
0xfe: {  	[spmem:s30] =	stream.linear.scatter [tilespmem:s20], [sflag:$0x3], $0x1000, $0x38;
	[tilespmem:$0x1E000] =	vst v63  }
0xff: {  	_ =	swait.ge [sflag:s31], $0x1000  }
0x100: {  	[sflag:s31] =	ssyncset.done $0x0  }
0x101: {  	s22 =	rddreg [dreg:$0x15];
	[sflag:s31] =	ssyncadd.s32 $0xFFFFF000  }
0x102: {  	[spmem:s22] =	stream.linear.scatter [tilespmem:s20], [sflag:$0x3], $0x1000, $0x38;
	[tilespmem:$0x1E000] =	vst v63  }
0x103: {  	_ =	swait.ge [sflag:s31], $0x1000  }
0x104: {  	[sflag:s31] =	ssyncset.done $0x0  }
0x105: {  	s30 =	rddreg [dreg:$0x16];
	[sflag:s31] =	ssyncadd.s32 $0xFFFFF000  }
0x106: {  	[spmem:s30] =	stream.linear.scatter [tilespmem:s20], [sflag:$0x3], $0x1000, $0x38;
	[tilespmem:$0x1E000] =	vst v63  }
0x107: {  	_ =	swait.ge [sflag:s31], $0x1000  }
0x108: {  	[sflag:s31] =	ssyncset.done $0x0  }
0x109: {  	s22 =	rddreg [dreg:$0x17];
	[sflag:s31] =	ssyncadd.s32 $0xFFFFF000  }
0x10a: {  	[spmem:s22] =	stream.linear.scatter [tilespmem:s20], [sflag:$0x3], $0x1000, $0x38;
	[tilespmem:$0x1E000] =	vst v63  }
0x10b: {  	_ =	swait.ge [sflag:s31], $0x1000  }
0x10c: {  	[sflag:s31] =	ssyncset.done $0x0  }
0x10d: {  	s30 =	rddreg [dreg:$0x18];
	[sflag:s31] =	ssyncadd.s32 $0xFFFFF000  }
0x10e: {  	[spmem:s30] =	stream.linear.scatter [tilespmem:s20], [sflag:$0x3], $0x1000, $0x38;
	[tilespmem:$0x1E000] =	vst v63  }
0x10f: {  	_ =	swait.ge [sflag:s31], $0x1000  }
0x110: {  	[sflag:s31] =	ssyncset.done $0x0  }
0x111: {  	s22 =	rddreg [dreg:$0x19];
	[sflag:s31] =	ssyncadd.s32 $0xFFFFF000  }
0x112: {  	[spmem:s22] =	stream.linear.scatter [tilespmem:s20], [sflag:$0x3], $0x1000, $0x38;
	[tilespmem:$0x1E000] =	vst v63  }
0x113: {  	_ =	swait.ge [sflag:s31], $0x1000  }
0x114: {  	[sflag:s31] =	ssyncset.done $0x0  }
0x115: {  	s30 =	rddreg [dreg:$0x1a];
	[sflag:s31] =	ssyncadd.s32 $0xFFFFF000  }
0x116: {  	[spmem:s30] =	stream.linear.scatter [tilespmem:s20], [sflag:$0x3], $0x1000, $0x38;
	[tilespmem:$0x1E000] =	vst v63  }
0x117: {  	_ =	swait.ge [sflag:s31], $0x1000  }
0x118: {  	[sflag:s31] =	ssyncset.done $0x0  }
0x119: {  	s22 =	rddreg [dreg:$0x1b];
	[sflag:s31] =	ssyncadd.s32 $0xFFFFF000  }
0x11a: {  	[spmem:s22] =	stream.linear.scatter [tilespmem:s20], [sflag:$0x3], $0x1000, $0x38;
	[tilespmem:$0x1E000] =	vst v63  }
0x11b: {  	_ =	swait.ge [sflag:s31], $0x1000  }
0x11c: {  	[sflag:s31] =	ssyncset.done $0x0  }
0x11d: {  	s30 =	rddreg [dreg:$0x1c];
	[sflag:s31] =	ssyncadd.s32 $0xFFFFF000  }
0x11e: {  	[spmem:s30] =	stream.linear.scatter [tilespmem:s20], [sflag:$0x3], $0x1000, $0x38;
	[tilespmem:$0x1E000] =	vst v63  }
0x11f: {  	_ =	swait.ge [sflag:s31], $0x1000  }
0x120: {  	[sflag:s31] =	ssyncset.done $0x0  }
0x121: {  	s22 =	rddreg [dreg:$0x1d];
	[sflag:s31] =	ssyncadd.s32 $0xFFFFF000  }
0x122: {  	[spmem:s22] =	stream.linear.scatter [tilespmem:s20], [sflag:$0x3], $0x1000, $0x38;
	[tilespmem:$0x1E000] =	vst v63  }
0x123: {  	_ =	swait.ge [sflag:s31], $0x1000  }
0x124: {  	[sflag:s31] =	ssyncset.done $0x0  }
0x125: {  	s30 =	rddreg [dreg:$0x1e];
	[sflag:s31] =	ssyncadd.s32 $0xFFFFF000  }
0x126: {  	[spmem:s30] =	stream.linear.scatter [tilespmem:s20], [sflag:$0x3], $0x1000, $0x38;
	[tilespmem:$0x1E000] =	vst v63  }
.Ltmp3:
0x127: {  	_ =	swait.ge [sflag:s31], $0x1000;
	(pc) =	sbr.rel @p0 .LBB2_7-.Ltmp3, $3  }
0x128: {  	[sflag:s31] =	ssyncset.done $0x0  }
0x129: {  	[sflag:s31] =	ssyncadd.s32 $0xFFFFF000  }
0x12a: {  	[bflag:$0x0] =	sbarrier.arrive $0xFFFF;
	_ =	sdelay $0x1  }
0x12b: {  	s19 =	rddreg [dreg:$0x6]  }
0x12c: {  	s19 =	sadd.s32 $0x0, s19  }
0x12d: {  	[tilespmem:s2], [sflag:$0x3] =	stream.linear.gather [hbm4b:s19+s2], $0x800, $0x38;
	[tilespmem:$0x1E000] =	vst v63  }
0x12e: {  	_ =	swait.ge [sflag:s31], $0x800  }
0x12f: {  	s20 =	rddreg [dreg:$0x5];
	[sflag:s31] =	ssyncset.done $0x0  }
0x130: {  	[sflag:s31] =	ssyncadd.s32 $0xFFFFF800;
	s19 =	sadd.s32 $0x0, s20  }
0x131: {  	[tilespmem:s0], [sflag:$0x3] =	stream.linear.gather [hbm4b:s19+s2], $0x800, $0x38;
	[tilespmem:$0x1E000] =	vst v63  }
0x132: {  	_ =	swait.ge [sflag:s31], $0x800  }
0x133: {  	[sflag:s31] =	ssyncset.done $0x0  }
0x134: {  	[sflag:s31] =	ssyncadd.s32 $0xFFFFF800  }
0x135: {  	[tilespmem:s6], [sflag:$0x1] =	stream.indirect.gather [hbm4b:s4+s5], $0x80, s2, s5, $0xb8;
	[tilespmem:$0x1E000] =	vst v63  }
0x136: {  	_ =	swait.ge [sflag:s3], $0x4000  }
0x137: {  	[sflag:s3] =	ssyncset.done $0x0  }
0x138: {  	[sflag:s3] =	ssyncadd.s32 $0xFFFFC000  }
0x139: {  	[tilespmem:s9], [sflag:$0x2] =	stream.indirect.gather [hbm4b:s4+s5], $0x80, s5, s5, $0xb8;
	[tilespmem:$0x1E000] =	vst v63  }
0x13a: {  	_ = 	snop  }
0x13b: {  	[spmem:s1] =	stream.indirect.scatter.add.f32 [tilespmem:s6], [sflag:$0x3], $0x80, s0, s5, $0xb8;
	[tilespmem:$0x1E000] =	vst v63  }
0x13c: {  	_ =	swait.ge [sflag:s31], $0x4000  }
0x13d: {  	[sflag:s31] =	ssyncset.done $0x0  }
0x13e: {  	[sflag:s31] =	ssyncadd.s32 $0xFFFFC000  }
0x13f: {  	_ =	swait.ge [sflag:s10], $0x4000  }
0x140: {  	[sflag:s10] =	ssyncset.done $0x0  }
0x141: {  	s22 =	simm.s32 $0x100;
	[sflag:s10] =	ssyncadd.s32 $0xFFFFC000  }
0x142: {  	[tilespmem:s6], [sflag:$0x1] =	stream.indirect.gather [hbm4b:s4+s5], $0x80, s22, s5, $0xb8;
	[tilespmem:$0x1E000] =	vst v63  }
0x143: {  	_ = 	snop  }
0x144: {  	[spmem:s1] =	stream.indirect.scatter.add.f32 [tilespmem:s9], [sflag:$0x3], $0x80, s21, s5, $0xb8;
	[tilespmem:$0x1E000] =	vst v63  }
0x145: {  	_ =	swait.ge [sflag:s31], $0x4000  }
0x146: {  	[sflag:s31] =	ssyncset.done $0x0  }
0x147: {  	[sflag:s31] =	ssyncadd.s32 $0xFFFFC000  }
0x148: {  	_ =	swait.ge [sflag:s3], $0x4000  }
0x149: {  	[sflag:s3] =	ssyncset.done $0x0  }
0x14a: {  	[sflag:s3] =	ssyncadd.s32 $0xFFFFC000  }
0x14b: {  	[tilespmem:s9], [sflag:$0x2] =	stream.indirect.gather [hbm4b:s4+s5], $0x80, s23, s5, $0xb8;
	[tilespmem:$0x1E000] =	vst v63  }
0x14c: {  	_ = 	snop  }
0x14d: {  	[spmem:s1] =	stream.indirect.scatter.add.f32 [tilespmem:s6], [sflag:$0x3], $0x80, s24, s5, $0xb8;
	[tilespmem:$0x1E000] =	vst v63  }
0x14e: {  	_ =	swait.ge [sflag:s31], $0x4000  }
0x14f: {  	[sflag:s31] =	ssyncset.done $0x0  }
0x150: {  	[sflag:s31] =	ssyncadd.s32 $0xFFFFC000  }
0x151: {  	_ =	swait.ge [sflag:s10], $0x4000  }
0x152: {  	[sflag:s10] =	ssyncset.done $0x0  }
0x153: {  	[sflag:s10] =	ssyncadd.s32 $0xFFFFC000  }
0x154: {  	[tilespmem:s6], [sflag:$0x1] =	stream.indirect.gather [hbm4b:s4+s5], $0x80, s25, s5, $0xb8;
	[tilespmem:$0x1E000] =	vst v63  }
0x155: {  	_ = 	snop  }
0x156: {  	[spmem:s1] =	stream.indirect.scatter.add.f32 [tilespmem:s9], [sflag:$0x3], $0x80, s26, s5, $0xb8;
	[tilespmem:$0x1E000] =	vst v63  }
0x157: {  	_ =	swait.ge [sflag:s31], $0x4000  }
0x158: {  	[sflag:s31] =	ssyncset.done $0x0  }
0x159: {  	[sflag:s31] =	ssyncadd.s32 $0xFFFFC000  }
0x15a: {  	_ =	swait.ge [sflag:s3], $0x4000  }
0x15b: {  	[sflag:s3] =	ssyncset.done $0x0  }
0x15c: {  	[sflag:s3] =	ssyncadd.s32 $0xFFFFC000  }
0x15d: {  	[tilespmem:s9], [sflag:$0x2] =	stream.indirect.gather [hbm4b:s4+s5], $0x80, s28, s5, $0xb8;
	[tilespmem:$0x1E000] =	vst v63  }
0x15e: {  	_ = 	snop  }
0x15f: {  	[spmem:s1] =	stream.indirect.scatter.add.f32 [tilespmem:s6], [sflag:$0x3], $0x80, s7, s5, $0xb8;
	[tilespmem:$0x1E000] =	vst v63  }
0x160: {  	_ =	swait.ge [sflag:s31], $0x4000  }
0x161: {  	[sflag:s31] =	ssyncset.done $0x0  }
0x162: {  	[sflag:s31] =	ssyncadd.s32 $0xFFFFC000  }
0x163: {  	_ =	swait.ge [sflag:s10], $0x4000  }
0x164: {  	[sflag:s10] =	ssyncset.done $0x0  }
0x165: {  	[sflag:s10] =	ssyncadd.s32 $0xFFFFC000  }
0x166: {  	[tilespmem:s6], [sflag:$0x1] =	stream.indirect.gather [hbm4b:s4+s5], $0x80, s8, s5, $0xb8;
	[tilespmem:$0x1E000] =	vst v63  }
0x167: {  	_ = 	snop  }
0x168: {  	[spmem:s1] =	stream.indirect.scatter.add.f32 [tilespmem:s9], [sflag:$0x3], $0x80, s29, s5, $0xb8;
	[tilespmem:$0x1E000] =	vst v63  }
0x169: {  	_ =	swait.ge [sflag:s31], $0x4000  }
0x16a: {  	[sflag:s31] =	ssyncset.done $0x0  }
0x16b: {  	[sflag:s31] =	ssyncadd.s32 $0xFFFFC000  }
0x16c: {  	_ =	swait.ge [sflag:s3], $0x4000  }
0x16d: {  	[sflag:s3] =	ssyncset.done $0x0  }
0x16e: {  	[sflag:s3] =	ssyncadd.s32 $0xFFFFC000  }
0x16f: {  	[tilespmem:s9], [sflag:$0x2] =	stream.indirect.gather [hbm4b:s4+s5], $0x80, s11, s5, $0xb8;
	[tilespmem:$0x1E000] =	vst v63  }
0x170: {  	_ = 	snop  }
0x171: {  	[spmem:s1] =	stream.indirect.scatter.add.f32 [tilespmem:s6], [sflag:$0x3], $0x80, s12, s5, $0xb8;
	[tilespmem:$0x1E000] =	vst v63  }
0x172: {  	_ =	swait.ge [sflag:s31], $0x4000  }
0x173: {  	[sflag:s31] =	ssyncset.done $0x0  }
0x174: {  	[sflag:s31] =	ssyncadd.s32 $0xFFFFC000  }
0x175: {  	_ =	swait.ge [sflag:s10], $0x4000  }
0x176: {  	[sflag:s10] =	ssyncset.done $0x0  }
0x177: {  	[sflag:s10] =	ssyncadd.s32 $0xFFFFC000  }
0x178: {  	[tilespmem:s6], [sflag:$0x1] =	stream.indirect.gather [hbm4b:s4+s5], $0x80, s13, s5, $0xb8;
	[tilespmem:$0x1E000] =	vst v63  }
0x179: {  	_ = 	snop  }
0x17a: {  	[spmem:s1] =	stream.indirect.scatter.add.f32 [tilespmem:s9], [sflag:$0x3], $0x80, s14, s5, $0xb8;
	[tilespmem:$0x1E000] =	vst v63  }
0x17b: {  	_ =	swait.ge [sflag:s31], $0x4000  }
0x17c: {  	[sflag:s31] =	ssyncset.done $0x0  }
0x17d: {  	[sflag:s31] =	ssyncadd.s32 $0xFFFFC000  }
0x17e: {  	_ =	swait.ge [sflag:s3], $0x4000  }
0x17f: {  	[sflag:s3] =	ssyncset.done $0x0  }
0x180: {  	[sflag:s3] =	ssyncadd.s32 $0xFFFFC000  }
0x181: {  	[tilespmem:s9], [sflag:$0x2] =	stream.indirect.gather [hbm4b:s4+s5], $0x80, s15, s5, $0xb8;
	[tilespmem:$0x1E000] =	vst v63  }
0x182: {  	_ = 	snop  }
0x183: {  	[spmem:s1] =	stream.indirect.scatter.add.f32 [tilespmem:s6], [sflag:$0x3], $0x80, s16, s5, $0xb8;
	[tilespmem:$0x1E000] =	vst v63  }
0x184: {  	_ =	swait.ge [sflag:s31], $0x4000  }
0x185: {  	[sflag:s31] =	ssyncset.done $0x0  }
0x186: {  	[sflag:s31] =	ssyncadd.s32 $0xFFFFC000  }
0x187: {  	_ =	swait.ge [sflag:s10], $0x4000  }
0x188: {  	[sflag:s10] =	ssyncset.done $0x0  }
0x189: {  	[sflag:s10] =	ssyncadd.s32 $0xFFFFC000  }
0x18a: {  	[tilespmem:s6], [sflag:$0x1] =	stream.indirect.gather [hbm4b:s4+s5], $0x80, s17, s5, $0xb8;
	[tilespmem:$0x1E000] =	vst v63  }
0x18b: {  	_ = 	snop  }
0x18c: {  	[spmem:s1] =	stream.indirect.scatter.add.f32 [tilespmem:s9], [sflag:$0x3], $0x80, s18, s5, $0xb8;
	[tilespmem:$0x1E000] =	vst v63  }
0x18d: {  	_ =	swait.ge [sflag:s31], $0x4000  }
0x18e: {  	[sflag:s31] =	ssyncset.done $0x0  }
0x18f: {  	[sflag:s31] =	ssyncadd.s32 $0xFFFFC000  }
0x190: {  	_ =	swait.ge [sflag:s3], $0x4000  }
0x191: {  	[sflag:s3] =	ssyncset.done $0x0  }
0x192: {  	s16 =	simm.s32 $0x580;
	[sflag:s3] =	ssyncadd.s32 $0xFFFFC000  }
0x193: {  	[tilespmem:s9], [sflag:$0x2] =	stream.indirect.gather [hbm4b:s4+s5], $0x80, s16, s5, $0xb8;
	[tilespmem:$0x1E000] =	vst v63  }
0x194: {  	s17 =	simm.s32 $0xD00  }
0x195: {  	[spmem:s1] =	stream.indirect.scatter.add.f32 [tilespmem:s6], [sflag:$0x3], $0x80, s17, s5, $0xb8;
	[tilespmem:$0x1E000] =	vst v63  }
0x196: {  	_ =	swait.ge [sflag:s31], $0x4000  }
0x197: {  	[sflag:s31] =	ssyncset.done $0x0  }
0x198: {  	[sflag:s31] =	ssyncadd.s32 $0xFFFFC000  }
0x199: {  	_ =	swait.ge [sflag:s10], $0x4000  }
0x19a: {  	[sflag:s10] =	ssyncset.done $0x0  }
0x19b: {  	s18 =	simm.s32 $0x600;
	[sflag:s10] =	ssyncadd.s32 $0xFFFFC000  }
0x19c: {  	[tilespmem:s6], [sflag:$0x1] =	stream.indirect.gather [hbm4b:s4+s5], $0x80, s18, s5, $0xb8;
	[tilespmem:$0x1E000] =	vst v63  }
0x19d: {  	s19 =	simm.s32 $0xD80  }
0x19e: {  	[spmem:s1] =	stream.indirect.scatter.add.f32 [tilespmem:s9], [sflag:$0x3], $0x80, s19, s5, $0xb8;
	[tilespmem:$0x1E000] =	vst v63  }
0x19f: {  	_ =	swait.ge [sflag:s31], $0x4000  }
0x1a0: {  	[sflag:s31] =	ssyncset.done $0x0  }
0x1a1: {  	[sflag:s31] =	ssyncadd.s32 $0xFFFFC000  }
0x1a2: {  	_ =	swait.ge [sflag:s3], $0x4000  }
0x1a3: {  	[sflag:s3] =	ssyncset.done $0x0  }
0x1a4: {  	s20 =	simm.s32 $0x680;
	[sflag:s3] =	ssyncadd.s32 $0xFFFFC000  }
0x1a5: {  	[tilespmem:s9], [sflag:$0x2] =	stream.indirect.gather [hbm4b:s4+s5], $0x80, s20, s5, $0xb8;
	[tilespmem:$0x1E000] =	vst v63  }
0x1a6: {  	s21 =	simm.s32 $0xE00  }
0x1a7: {  	[spmem:s1] =	stream.indirect.scatter.add.f32 [tilespmem:s6], [sflag:$0x3], $0x80, s21, s5, $0xb8;
	[tilespmem:$0x1E000] =	vst v63  }
0x1a8: {  	_ =	swait.ge [sflag:s31], $0x4000  }
0x1a9: {  	[sflag:s31] =	ssyncset.done $0x0  }
0x1aa: {  	[sflag:s31] =	ssyncadd.s32 $0xFFFFC000  }
0x1ab: {  	_ =	swait.ge [sflag:s10], $0x4000  }
0x1ac: {  	[sflag:s10] =	ssyncset.done $0x0  }
0x1ad: {  	s22 =	simm.s32 $0x700;
	[sflag:s10] =	ssyncadd.s32 $0xFFFFC000  }
0x1ae: {  	[tilespmem:s6], [sflag:$0x1] =	stream.indirect.gather [hbm4b:s4+s5], $0x80, s22, s5, $0xb8;
	[tilespmem:$0x1E000] =	vst v63  }
0x1af: {  	s23 =	simm.s32 $0xE80  }
0x1b0: {  	[spmem:s1] =	stream.indirect.scatter.add.f32 [tilespmem:s9], [sflag:$0x3], $0x80, s23, s5, $0xb8;
	[tilespmem:$0x1E000] =	vst v63  }
0x1b1: {  	_ =	swait.ge [sflag:s31], $0x4000  }
0x1b2: {  	[sflag:s31] =	ssyncset.done $0x0  }
0x1b3: {  	[sflag:s31] =	ssyncadd.s32 $0xFFFFC000  }
0x1b4: {  	_ =	swait.ge [sflag:s3], $0x4000  }
0x1b5: {  	s30 =	simm.s32 $0xA80;
	s24 =	simm.s32 $0x780;
	[sflag:s3] =	ssyncset.done $0x0  }
0x1b6: {  	s25 =	simm.s32 $0xF00;
	s26 =	simm.s32 $0xF80;
	[sflag:s3] =	ssyncadd.s32 $0xFFFFC000  }
0x1b7: {  	[tilespmem:s9], [sflag:$0x2] =	stream.indirect.gather [hbm4b:s4+s5], $0x80, s24, s5, $0xb8;
	[tilespmem:$0x1E000] =	vst v63  }
0x1b8: {  	s28 =	simm.s32 $0x980;
	s7 =	simm.s32 $0xA00;
	s8 =	simm.s32 $0x300  }
0x1b9: {  	[spmem:s1] =	stream.indirect.scatter.add.f32 [tilespmem:s6], [sflag:$0x3], $0x80, s25, s5, $0xb8;
	[tilespmem:$0x1E000] =	vst v63  }
0x1ba: {  	s29 =	simm.s32 $0x280;
	s11 =	simm.s32 $0x380;
	_ =	swait.ge [sflag:s31], $0x4000  }
0x1bb: {  	s12 =	simm.s32 $0xB00;
	s13 =	simm.s32 $0x400;
	[sflag:s31] =	ssyncset.done $0x0  }
0x1bc: {  	s14 =	simm.s32 $0xB80;
	s15 =	simm.s32 $0x480;
	[sflag:s31] =	ssyncadd.s32 $0xFFFFC000  }
0x1bd: {  	s16 =	simm.s32 $0xC00;
	s17 =	simm.s32 $0x500;
	_ =	swait.ge [sflag:s10], $0x4000  }
0x1be: {  	s18 =	simm.s32 $0xC80;
	s19 =	simm.s32 $0x100;
	[sflag:s10] =	ssyncset.done $0x0  }
0x1bf: {  	s20 =	simm.s32 $0x200;
	s23 =	simm.s32 $0x880;
	[sflag:s10] =	ssyncadd.s32 $0xFFFFC000  }
0x1c0: {  	[spmem:s1] =	stream.indirect.scatter.add.f32 [tilespmem:s9], [sflag:$0x3], $0x80, s26, s5, $0xb8;
	[tilespmem:$0x1E000] =	vst v63  }
0x1c1: {  	s24 =	simm.s32 $0x180;
	s25 =	simm.s32 $0x900;
	_ =	swait.ge [sflag:s31], $0x4000  }
0x1c2: {  	s26 =	simm.s32 $0x200;
	s21 =	rddreg [dreg:$0x6];
	[sflag:s31] =	ssyncset.done $0x0  }
.LBB2_5:
0x1c3: {  	[sflag:s31] =	ssyncadd.s32 $0xFFFFC000;
	s21 =	sadd.s32 s19, s21  }
0x1c4: {  	[tilespmem:s2], [sflag:$0x3] =	stream.linear.gather [hbm4b:s21+s2], $0x800, $0x38;
	[tilespmem:$0x1E000] =	vst v63  }
0x1c5: {  	_ =	swait.ge [sflag:s31], $0x800  }
0x1c6: {  	s21 =	rddreg [dreg:$0x5];
	[sflag:s31] =	ssyncset.done $0x0  }
0x1c7: {  	[sflag:s31] =	ssyncadd.s32 $0xFFFFF800;
	s21 =	sadd.s32 s19, s21  }
0x1c8: {  	[tilespmem:s0], [sflag:$0x3] =	stream.linear.gather [hbm4b:s21+s2], $0x800, $0x38;
	[tilespmem:$0x1E000] =	vst v63  }
0x1c9: {  	_ =	swait.ge [sflag:s31], $0x800  }
0x1ca: {  	[sflag:s31] =	ssyncset.done $0x0  }
0x1cb: {  	[sflag:s31] =	ssyncadd.s32 $0xFFFFF800  }
0x1cc: {  	[tilespmem:s6], [sflag:$0x1] =	stream.indirect.gather [hbm4b:s4+s5], $0x80, s2, s5, $0xb8;
	[tilespmem:$0x1E000] =	vst v63  }
0x1cd: {  	_ =	swait.ge [sflag:s3], $0x4000  }
0x1ce: {  	[sflag:s3] =	ssyncset.done $0x0  }
0x1cf: {  	[sflag:s3] =	ssyncadd.s32 $0xFFFFC000  }
0x1d0: {  	[tilespmem:s9], [sflag:$0x2] =	stream.indirect.gather [hbm4b:s4+s5], $0x80, s5, s5, $0xb8;
	[tilespmem:$0x1E000] =	vst v63  }
0x1d1: {  	_ = 	snop  }
0x1d2: {  	[spmem:s1] =	stream.indirect.scatter.add.f32 [tilespmem:s6], [sflag:$0x3], $0x80, s0, s5, $0xb8;
	[tilespmem:$0x1E000] =	vst v63  }
0x1d3: {  	_ =	swait.ge [sflag:s31], $0x4000  }
0x1d4: {  	[sflag:s31] =	ssyncset.done $0x0  }
0x1d5: {  	[sflag:s31] =	ssyncadd.s32 $0xFFFFC000  }
0x1d6: {  	_ =	swait.ge [sflag:s10], $0x4000  }
0x1d7: {  	s22 =	smov.u32 s20;
	[sflag:s10] =	ssyncset.done $0x0  }
0x1d8: {  	s19 =	smov.u32 s22;
	s22 =	simm.s32 $0x100;
	[sflag:s10] =	ssyncadd.s32 $0xFFFFC000  }
0x1d9: {  	[tilespmem:s6], [sflag:$0x1] =	stream.indirect.gather [hbm4b:s4+s5], $0x80, s22, s5, $0xb8;
	[tilespmem:$0x1E000] =	vst v63  }
0x1da: {  	_ = 	snop  }
0x1db: {  	[spmem:s1] =	stream.indirect.scatter.add.f32 [tilespmem:s9], [sflag:$0x3], $0x80, s23, s5, $0xb8;
	[tilespmem:$0x1E000] =	vst v63  }
0x1dc: {  	_ =	swait.ge [sflag:s31], $0x4000  }
0x1dd: {  	[sflag:s31] =	ssyncset.done $0x0  }
0x1de: {  	[sflag:s31] =	ssyncadd.s32 $0xFFFFC000  }
0x1df: {  	_ =	swait.ge [sflag:s3], $0x4000  }
0x1e0: {  	[sflag:s3] =	ssyncset.done $0x0  }
0x1e1: {  	[sflag:s3] =	ssyncadd.s32 $0xFFFFC000  }
0x1e2: {  	[tilespmem:s9], [sflag:$0x2] =	stream.indirect.gather [hbm4b:s4+s5], $0x80, s24, s5, $0xb8;
	[tilespmem:$0x1E000] =	vst v63  }
0x1e3: {  	_ = 	snop  }
0x1e4: {  	[spmem:s1] =	stream.indirect.scatter.add.f32 [tilespmem:s6], [sflag:$0x3], $0x80, s25, s5, $0xb8;
	[tilespmem:$0x1E000] =	vst v63  }
0x1e5: {  	_ =	swait.ge [sflag:s31], $0x4000  }
0x1e6: {  	[sflag:s31] =	ssyncset.done $0x0  }
0x1e7: {  	[sflag:s31] =	ssyncadd.s32 $0xFFFFC000  }
0x1e8: {  	_ =	swait.ge [sflag:s10], $0x4000  }
0x1e9: {  	[sflag:s10] =	ssyncset.done $0x0  }
0x1ea: {  	[sflag:s10] =	ssyncadd.s32 $0xFFFFC000  }
0x1eb: {  	[tilespmem:s6], [sflag:$0x1] =	stream.indirect.gather [hbm4b:s4+s5], $0x80, s26, s5, $0xb8;
	[tilespmem:$0x1E000] =	vst v63  }
0x1ec: {  	_ = 	snop  }
0x1ed: {  	[spmem:s1] =	stream.indirect.scatter.add.f32 [tilespmem:s9], [sflag:$0x3], $0x80, s28, s5, $0xb8;
	[tilespmem:$0x1E000] =	vst v63  }
0x1ee: {  	_ =	swait.ge [sflag:s31], $0x4000  }
0x1ef: {  	[sflag:s31] =	ssyncset.done $0x0  }
0x1f0: {  	[sflag:s31] =	ssyncadd.s32 $0xFFFFC000  }
0x1f1: {  	_ =	swait.ge [sflag:s3], $0x4000  }
0x1f2: {  	[sflag:s3] =	ssyncset.done $0x0  }
0x1f3: {  	[sflag:s3] =	ssyncadd.s32 $0xFFFFC000  }
0x1f4: {  	[tilespmem:s9], [sflag:$0x2] =	stream.indirect.gather [hbm4b:s4+s5], $0x80, s29, s5, $0xb8;
	[tilespmem:$0x1E000] =	vst v63  }
0x1f5: {  	_ = 	snop  }
0x1f6: {  	[spmem:s1] =	stream.indirect.scatter.add.f32 [tilespmem:s6], [sflag:$0x3], $0x80, s7, s5, $0xb8;
	[tilespmem:$0x1E000] =	vst v63  }
0x1f7: {  	_ =	swait.ge [sflag:s31], $0x4000  }
0x1f8: {  	[sflag:s31] =	ssyncset.done $0x0  }
0x1f9: {  	[sflag:s31] =	ssyncadd.s32 $0xFFFFC000  }
0x1fa: {  	_ =	swait.ge [sflag:s10], $0x4000  }
0x1fb: {  	[sflag:s10] =	ssyncset.done $0x0  }
0x1fc: {  	[sflag:s10] =	ssyncadd.s32 $0xFFFFC000  }
0x1fd: {  	[tilespmem:s6], [sflag:$0x1] =	stream.indirect.gather [hbm4b:s4+s5], $0x80, s8, s5, $0xb8;
	[tilespmem:$0x1E000] =	vst v63  }
0x1fe: {  	_ = 	snop  }
0x1ff: {  	[spmem:s1] =	stream.indirect.scatter.add.f32 [tilespmem:s9], [sflag:$0x3], $0x80, s30, s5, $0xb8;
	[tilespmem:$0x1E000] =	vst v63  }
0x200: {  	_ =	swait.ge [sflag:s31], $0x4000  }
0x201: {  	[sflag:s31] =	ssyncset.done $0x0  }
0x202: {  	[sflag:s31] =	ssyncadd.s32 $0xFFFFC000  }
0x203: {  	_ =	swait.ge [sflag:s3], $0x4000  }
0x204: {  	[sflag:s3] =	ssyncset.done $0x0  }
0x205: {  	[sflag:s3] =	ssyncadd.s32 $0xFFFFC000  }
0x206: {  	[tilespmem:s9], [sflag:$0x2] =	stream.indirect.gather [hbm4b:s4+s5], $0x80, s11, s5, $0xb8;
	[tilespmem:$0x1E000] =	vst v63  }
0x207: {  	_ = 	snop  }
0x208: {  	[spmem:s1] =	stream.indirect.scatter.add.f32 [tilespmem:s6], [sflag:$0x3], $0x80, s12, s5, $0xb8;
	[tilespmem:$0x1E000] =	vst v63  }
0x209: {  	_ =	swait.ge [sflag:s31], $0x4000  }
0x20a: {  	[sflag:s31] =	ssyncset.done $0x0  }
0x20b: {  	[sflag:s31] =	ssyncadd.s32 $0xFFFFC000  }
0x20c: {  	_ =	swait.ge [sflag:s10], $0x4000  }
0x20d: {  	[sflag:s10] =	ssyncset.done $0x0  }
0x20e: {  	[sflag:s10] =	ssyncadd.s32 $0xFFFFC000  }
0x20f: {  	[tilespmem:s6], [sflag:$0x1] =	stream.indirect.gather [hbm4b:s4+s5], $0x80, s13, s5, $0xb8;
	[tilespmem:$0x1E000] =	vst v63  }
0x210: {  	_ = 	snop  }
0x211: {  	[spmem:s1] =	stream.indirect.scatter.add.f32 [tilespmem:s9], [sflag:$0x3], $0x80, s14, s5, $0xb8;
	[tilespmem:$0x1E000] =	vst v63  }
0x212: {  	_ =	swait.ge [sflag:s31], $0x4000  }
0x213: {  	[sflag:s31] =	ssyncset.done $0x0  }
0x214: {  	[sflag:s31] =	ssyncadd.s32 $0xFFFFC000  }
0x215: {  	_ =	swait.ge [sflag:s3], $0x4000  }
0x216: {  	[sflag:s3] =	ssyncset.done $0x0  }
0x217: {  	[sflag:s3] =	ssyncadd.s32 $0xFFFFC000  }
0x218: {  	[tilespmem:s9], [sflag:$0x2] =	stream.indirect.gather [hbm4b:s4+s5], $0x80, s15, s5, $0xb8;
	[tilespmem:$0x1E000] =	vst v63  }
0x219: {  	_ = 	snop  }
0x21a: {  	[spmem:s1] =	stream.indirect.scatter.add.f32 [tilespmem:s6], [sflag:$0x3], $0x80, s16, s5, $0xb8;
	[tilespmem:$0x1E000] =	vst v63  }
0x21b: {  	_ =	swait.ge [sflag:s31], $0x4000  }
0x21c: {  	[sflag:s31] =	ssyncset.done $0x0  }
0x21d: {  	[sflag:s31] =	ssyncadd.s32 $0xFFFFC000  }
0x21e: {  	_ =	swait.ge [sflag:s10], $0x4000  }
0x21f: {  	[sflag:s10] =	ssyncset.done $0x0  }
0x220: {  	[sflag:s10] =	ssyncadd.s32 $0xFFFFC000  }
0x221: {  	[tilespmem:s6], [sflag:$0x1] =	stream.indirect.gather [hbm4b:s4+s5], $0x80, s17, s5, $0xb8;
	[tilespmem:$0x1E000] =	vst v63  }
0x222: {  	_ = 	snop  }
0x223: {  	[spmem:s1] =	stream.indirect.scatter.add.f32 [tilespmem:s9], [sflag:$0x3], $0x80, s18, s5, $0xb8;
	[tilespmem:$0x1E000] =	vst v63  }
0x224: {  	_ =	swait.ge [sflag:s31], $0x4000  }
0x225: {  	[sflag:s31] =	ssyncset.done $0x0  }
0x226: {  	[sflag:s31] =	ssyncadd.s32 $0xFFFFC000  }
0x227: {  	_ =	swait.ge [sflag:s3], $0x4000  }
0x228: {  	[sflag:s3] =	ssyncset.done $0x0  }
0x229: {  	s21 =	simm.s32 $0x580;
	[sflag:s3] =	ssyncadd.s32 $0xFFFFC000  }
0x22a: {  	[tilespmem:s9], [sflag:$0x2] =	stream.indirect.gather [hbm4b:s4+s5], $0x80, s21, s5, $0xb8;
	[tilespmem:$0x1E000] =	vst v63  }
0x22b: {  	s21 =	simm.s32 $0xD00  }
0x22c: {  	[spmem:s1] =	stream.indirect.scatter.add.f32 [tilespmem:s6], [sflag:$0x3], $0x80, s21, s5, $0xb8;
	[tilespmem:$0x1E000] =	vst v63  }
0x22d: {  	_ =	swait.ge [sflag:s31], $0x4000  }
0x22e: {  	[sflag:s31] =	ssyncset.done $0x0  }
0x22f: {  	[sflag:s31] =	ssyncadd.s32 $0xFFFFC000  }
0x230: {  	_ =	swait.ge [sflag:s10], $0x4000  }
0x231: {  	[sflag:s10] =	ssyncset.done $0x0  }
0x232: {  	s21 =	simm.s32 $0x600;
	[sflag:s10] =	ssyncadd.s32 $0xFFFFC000  }
0x233: {  	[tilespmem:s6], [sflag:$0x1] =	stream.indirect.gather [hbm4b:s4+s5], $0x80, s21, s5, $0xb8;
	[tilespmem:$0x1E000] =	vst v63  }
0x234: {  	s21 =	simm.s32 $0xD80  }
0x235: {  	[spmem:s1] =	stream.indirect.scatter.add.f32 [tilespmem:s9], [sflag:$0x3], $0x80, s21, s5, $0xb8;
	[tilespmem:$0x1E000] =	vst v63  }
0x236: {  	_ =	swait.ge [sflag:s31], $0x4000  }
0x237: {  	[sflag:s31] =	ssyncset.done $0x0  }
0x238: {  	[sflag:s31] =	ssyncadd.s32 $0xFFFFC000  }
0x239: {  	_ =	swait.ge [sflag:s3], $0x4000  }
0x23a: {  	[sflag:s3] =	ssyncset.done $0x0  }
0x23b: {  	s21 =	simm.s32 $0x680;
	[sflag:s3] =	ssyncadd.s32 $0xFFFFC000  }
0x23c: {  	[tilespmem:s9], [sflag:$0x2] =	stream.indirect.gather [hbm4b:s4+s5], $0x80, s21, s5, $0xb8;
	[tilespmem:$0x1E000] =	vst v63  }
0x23d: {  	s21 =	simm.s32 $0xE00  }
0x23e: {  	[spmem:s1] =	stream.indirect.scatter.add.f32 [tilespmem:s6], [sflag:$0x3], $0x80, s21, s5, $0xb8;
	[tilespmem:$0x1E000] =	vst v63  }
0x23f: {  	_ =	swait.ge [sflag:s31], $0x4000  }
0x240: {  	[sflag:s31] =	ssyncset.done $0x0  }
0x241: {  	[sflag:s31] =	ssyncadd.s32 $0xFFFFC000  }
0x242: {  	_ =	swait.ge [sflag:s10], $0x4000  }
0x243: {  	[sflag:s10] =	ssyncset.done $0x0  }
0x244: {  	s21 =	simm.s32 $0x700;
	[sflag:s10] =	ssyncadd.s32 $0xFFFFC000  }
0x245: {  	[tilespmem:s6], [sflag:$0x1] =	stream.indirect.gather [hbm4b:s4+s5], $0x80, s21, s5, $0xb8;
	[tilespmem:$0x1E000] =	vst v63  }
0x246: {  	s21 =	simm.s32 $0xE80  }
0x247: {  	[spmem:s1] =	stream.indirect.scatter.add.f32 [tilespmem:s9], [sflag:$0x3], $0x80, s21, s5, $0xb8;
	[tilespmem:$0x1E000] =	vst v63  }
0x248: {  	_ =	swait.ge [sflag:s31], $0x4000  }
0x249: {  	[sflag:s31] =	ssyncset.done $0x0  }
0x24a: {  	[sflag:s31] =	ssyncadd.s32 $0xFFFFC000  }
0x24b: {  	_ =	swait.ge [sflag:s3], $0x4000  }
0x24c: {  	[sflag:s3] =	ssyncset.done $0x0  }
0x24d: {  	s21 =	simm.s32 $0x780;
	[sflag:s3] =	ssyncadd.s32 $0xFFFFC000  }
0x24e: {  	[tilespmem:s9], [sflag:$0x2] =	stream.indirect.gather [hbm4b:s4+s5], $0x80, s21, s5, $0xb8;
	[tilespmem:$0x1E000] =	vst v63  }
0x24f: {  	s21 =	simm.s32 $0xF00  }
0x250: {  	[spmem:s1] =	stream.indirect.scatter.add.f32 [tilespmem:s6], [sflag:$0x3], $0x80, s21, s5, $0xb8;
	[tilespmem:$0x1E000] =	vst v63  }
0x251: {  	_ =	swait.ge [sflag:s31], $0x4000  }
0x252: {  	[sflag:s31] =	ssyncset.done $0x0  }
0x253: {  	[sflag:s31] =	ssyncadd.s32 $0xFFFFC000  }
0x254: {  	p1 =	seq.s32 s20, $0x400;
	_ =	swait.ge [sflag:s10], $0x4000  }
.Ltmp4:
0x255: {  	[sflag:s10] =	ssyncset.done $0x0;
	(pc) =	sbr.rel @!p1 .LBB2_5-.Ltmp4, $4  }
0x256: {  	s21 =	simm.s32 $0xF80;
	[sflag:s10] =	ssyncadd.s32 $0xFFFFC000  }
0x257: {  	[spmem:s1] =	stream.indirect.scatter.add.f32 [tilespmem:s9], [sflag:$0x3], $0x80, s21, s5, $0xb8;
	[tilespmem:$0x1E000] =	vst v63  }
0x258: {  	_ =	swait.ge [sflag:s31], $0x4000  }
0x259: {  	s20 =	sadd.s32 $0x100, s20;
	s21 =	rddreg [dreg:$0x6];
	[sflag:s31] =	ssyncset.done $0x0  }
0x25a: {  	[sflag:s31] =	ssyncadd.s32 $0xFFFFC000;
	s20 =	sadd.s32 s19, s21  }
0x25b: {  	[tilespmem:s2], [sflag:$0x3] =	stream.linear.gather [hbm4b:s20+s2], $0x800, $0x38;
	[tilespmem:$0x1E000] =	vst v63  }
0x25c: {  	_ =	swait.ge [sflag:s31], $0x800  }
0x25d: {  	s21 =	rddreg [dreg:$0x5];
	[sflag:s31] =	ssyncset.done $0x0  }
0x25e: {  	s21 =	sadd.s32 s19, s21;
	[sflag:s31] =	ssyncadd.s32 $0xFFFFF800  }
0x25f: {  	[tilespmem:s0], [sflag:$0x3] =	stream.linear.gather [hbm4b:s21+s2], $0x800, $0x38;
	[tilespmem:$0x1E000] =	vst v63  }
0x260: {  	_ =	swait.ge [sflag:s31], $0x800  }
0x261: {  	[sflag:s31] =	ssyncset.done $0x0  }
0x262: {  	[sflag:s31] =	ssyncadd.s32 $0xFFFFF800  }
0x263: {  	[tilespmem:s6], [sflag:$0x1] =	stream.indirect.gather [hbm4b:s4+s5], $0x80, s2, s5, $0xb8;
	[tilespmem:$0x1E000] =	vst v63  }
0x264: {  	_ =	swait.ge [sflag:s3], $0x4000  }
0x265: {  	[sflag:s3] =	ssyncset.done $0x0  }
0x266: {  	[sflag:s3] =	ssyncadd.s32 $0xFFFFC000  }
0x267: {  	[tilespmem:s9], [sflag:$0x2] =	stream.indirect.gather [hbm4b:s4+s5], $0x80, s5, s5, $0xb8;
	[tilespmem:$0x1E000] =	vst v63  }
0x268: {  	_ = 	snop  }
0x269: {  	[spmem:s1] =	stream.indirect.scatter.add.f32 [tilespmem:s6], [sflag:$0x3], $0x80, s0, s5, $0xb8;
	[tilespmem:$0x1E000] =	vst v63  }
0x26a: {  	_ =	swait.ge [sflag:s31], $0x4000  }
0x26b: {  	[sflag:s31] =	ssyncset.done $0x0  }
0x26c: {  	[sflag:s31] =	ssyncadd.s32 $0xFFFFC000  }
0x26d: {  	_ =	swait.ge [sflag:s10], $0x4000  }
0x26e: {  	[sflag:s10] =	ssyncset.done $0x0  }
0x26f: {  	[sflag:s10] =	ssyncadd.s32 $0xFFFFC000  }
0x270: {  	[tilespmem:s6], [sflag:$0x1] =	stream.indirect.gather [hbm4b:s4+s5], $0x80, s22, s5, $0xb8;
	[tilespmem:$0x1E000] =	vst v63  }
0x271: {  	_ = 	snop  }
0x272: {  	[spmem:s1] =	stream.indirect.scatter.add.f32 [tilespmem:s9], [sflag:$0x3], $0x80, s23, s5, $0xb8;
	[tilespmem:$0x1E000] =	vst v63  }
0x273: {  	_ =	swait.ge [sflag:s31], $0x4000  }
0x274: {  	[sflag:s31] =	ssyncset.done $0x0  }
0x275: {  	[sflag:s31] =	ssyncadd.s32 $0xFFFFC000  }
0x276: {  	_ =	swait.ge [sflag:s3], $0x4000  }
0x277: {  	[sflag:s3] =	ssyncset.done $0x0  }
0x278: {  	[sflag:s3] =	ssyncadd.s32 $0xFFFFC000  }
0x279: {  	[tilespmem:s9], [sflag:$0x2] =	stream.indirect.gather [hbm4b:s4+s5], $0x80, s24, s5, $0xb8;
	[tilespmem:$0x1E000] =	vst v63  }
0x27a: {  	_ = 	snop  }
0x27b: {  	[spmem:s1] =	stream.indirect.scatter.add.f32 [tilespmem:s6], [sflag:$0x3], $0x80, s25, s5, $0xb8;
	[tilespmem:$0x1E000] =	vst v63  }
0x27c: {  	_ =	swait.ge [sflag:s31], $0x4000  }
0x27d: {  	[sflag:s31] =	ssyncset.done $0x0  }
0x27e: {  	[sflag:s31] =	ssyncadd.s32 $0xFFFFC000  }
0x27f: {  	_ =	swait.ge [sflag:s10], $0x4000  }
0x280: {  	[sflag:s10] =	ssyncset.done $0x0  }
0x281: {  	[sflag:s10] =	ssyncadd.s32 $0xFFFFC000  }
0x282: {  	[tilespmem:s6], [sflag:$0x1] =	stream.indirect.gather [hbm4b:s4+s5], $0x80, s26, s5, $0xb8;
	[tilespmem:$0x1E000] =	vst v63  }
0x283: {  	_ = 	snop  }
0x284: {  	[spmem:s1] =	stream.indirect.scatter.add.f32 [tilespmem:s9], [sflag:$0x3], $0x80, s28, s5, $0xb8;
	[tilespmem:$0x1E000] =	vst v63  }
0x285: {  	_ =	swait.ge [sflag:s31], $0x4000  }
0x286: {  	[sflag:s31] =	ssyncset.done $0x0  }
0x287: {  	[sflag:s31] =	ssyncadd.s32 $0xFFFFC000  }
0x288: {  	_ =	swait.ge [sflag:s3], $0x4000  }
0x289: {  	[sflag:s3] =	ssyncset.done $0x0  }
0x28a: {  	[sflag:s3] =	ssyncadd.s32 $0xFFFFC000  }
0x28b: {  	[tilespmem:s9], [sflag:$0x2] =	stream.indirect.gather [hbm4b:s4+s5], $0x80, s29, s5, $0xb8;
	[tilespmem:$0x1E000] =	vst v63  }
0x28c: {  	_ = 	snop  }
0x28d: {  	[spmem:s1] =	stream.indirect.scatter.add.f32 [tilespmem:s6], [sflag:$0x3], $0x80, s7, s5, $0xb8;
	[tilespmem:$0x1E000] =	vst v63  }
0x28e: {  	_ =	swait.ge [sflag:s31], $0x4000  }
0x28f: {  	[sflag:s31] =	ssyncset.done $0x0  }
0x290: {  	[sflag:s31] =	ssyncadd.s32 $0xFFFFC000  }
0x291: {  	_ =	swait.ge [sflag:s10], $0x4000  }
0x292: {  	[sflag:s10] =	ssyncset.done $0x0  }
0x293: {  	[sflag:s10] =	ssyncadd.s32 $0xFFFFC000  }
0x294: {  	[tilespmem:s6], [sflag:$0x1] =	stream.indirect.gather [hbm4b:s4+s5], $0x80, s8, s5, $0xb8;
	[tilespmem:$0x1E000] =	vst v63  }
0x295: {  	_ = 	snop  }
0x296: {  	[spmem:s1] =	stream.indirect.scatter.add.f32 [tilespmem:s9], [sflag:$0x3], $0x80, s30, s5, $0xb8;
	[tilespmem:$0x1E000] =	vst v63  }
0x297: {  	_ =	swait.ge [sflag:s31], $0x4000  }
0x298: {  	[sflag:s31] =	ssyncset.done $0x0  }
0x299: {  	[sflag:s31] =	ssyncadd.s32 $0xFFFFC000  }
0x29a: {  	_ =	swait.ge [sflag:s3], $0x4000  }
0x29b: {  	[sflag:s3] =	ssyncset.done $0x0  }
0x29c: {  	[sflag:s3] =	ssyncadd.s32 $0xFFFFC000  }
0x29d: {  	[tilespmem:s9], [sflag:$0x2] =	stream.indirect.gather [hbm4b:s4+s5], $0x80, s11, s5, $0xb8;
	[tilespmem:$0x1E000] =	vst v63  }
0x29e: {  	_ = 	snop  }
0x29f: {  	[spmem:s1] =	stream.indirect.scatter.add.f32 [tilespmem:s6], [sflag:$0x3], $0x80, s12, s5, $0xb8;
	[tilespmem:$0x1E000] =	vst v63  }
0x2a0: {  	_ =	swait.ge [sflag:s31], $0x4000  }
0x2a1: {  	[sflag:s31] =	ssyncset.done $0x0  }
0x2a2: {  	[sflag:s31] =	ssyncadd.s32 $0xFFFFC000  }
0x2a3: {  	_ =	swait.ge [sflag:s10], $0x4000  }
0x2a4: {  	[sflag:s10] =	ssyncset.done $0x0  }
0x2a5: {  	[sflag:s10] =	ssyncadd.s32 $0xFFFFC000  }
0x2a6: {  	[tilespmem:s6], [sflag:$0x1] =	stream.indirect.gather [hbm4b:s4+s5], $0x80, s13, s5, $0xb8;
	[tilespmem:$0x1E000] =	vst v63  }
0x2a7: {  	_ = 	snop  }
0x2a8: {  	[spmem:s1] =	stream.indirect.scatter.add.f32 [tilespmem:s9], [sflag:$0x3], $0x80, s14, s5, $0xb8;
	[tilespmem:$0x1E000] =	vst v63  }
0x2a9: {  	_ =	swait.ge [sflag:s31], $0x4000  }
0x2aa: {  	[sflag:s31] =	ssyncset.done $0x0  }
0x2ab: {  	[sflag:s31] =	ssyncadd.s32 $0xFFFFC000  }
0x2ac: {  	_ =	swait.ge [sflag:s3], $0x4000  }
0x2ad: {  	[sflag:s3] =	ssyncset.done $0x0  }
0x2ae: {  	[sflag:s3] =	ssyncadd.s32 $0xFFFFC000  }
0x2af: {  	[tilespmem:s9], [sflag:$0x2] =	stream.indirect.gather [hbm4b:s4+s5], $0x80, s15, s5, $0xb8;
	[tilespmem:$0x1E000] =	vst v63  }
0x2b0: {  	_ = 	snop  }
0x2b1: {  	[spmem:s1] =	stream.indirect.scatter.add.f32 [tilespmem:s6], [sflag:$0x3], $0x80, s16, s5, $0xb8;
	[tilespmem:$0x1E000] =	vst v63  }
0x2b2: {  	_ =	swait.ge [sflag:s31], $0x4000  }
0x2b3: {  	[sflag:s31] =	ssyncset.done $0x0  }
0x2b4: {  	[sflag:s31] =	ssyncadd.s32 $0xFFFFC000  }
0x2b5: {  	_ =	swait.ge [sflag:s10], $0x4000  }
0x2b6: {  	[sflag:s10] =	ssyncset.done $0x0  }
0x2b7: {  	[sflag:s10] =	ssyncadd.s32 $0xFFFFC000  }
0x2b8: {  	[tilespmem:s6], [sflag:$0x1] =	stream.indirect.gather [hbm4b:s4+s5], $0x80, s17, s5, $0xb8;
	[tilespmem:$0x1E000] =	vst v63  }
0x2b9: {  	_ = 	snop  }
0x2ba: {  	[spmem:s1] =	stream.indirect.scatter.add.f32 [tilespmem:s9], [sflag:$0x3], $0x80, s18, s5, $0xb8;
	[tilespmem:$0x1E000] =	vst v63  }
0x2bb: {  	_ =	swait.ge [sflag:s31], $0x4000  }
0x2bc: {  	[sflag:s31] =	ssyncset.done $0x0  }
0x2bd: {  	[sflag:s31] =	ssyncadd.s32 $0xFFFFC000  }
0x2be: {  	_ =	swait.ge [sflag:s3], $0x4000  }
0x2bf: {  	[sflag:s3] =	ssyncset.done $0x0  }
0x2c0: {  	s16 =	simm.s32 $0x580;
	[sflag:s3] =	ssyncadd.s32 $0xFFFFC000  }
0x2c1: {  	[tilespmem:s9], [sflag:$0x2] =	stream.indirect.gather [hbm4b:s4+s5], $0x80, s16, s5, $0xb8;
	[tilespmem:$0x1E000] =	vst v63  }
0x2c2: {  	s17 =	simm.s32 $0xD00  }
0x2c3: {  	[spmem:s1] =	stream.indirect.scatter.add.f32 [tilespmem:s6], [sflag:$0x3], $0x80, s17, s5, $0xb8;
	[tilespmem:$0x1E000] =	vst v63  }
0x2c4: {  	_ =	swait.ge [sflag:s31], $0x4000  }
0x2c5: {  	[sflag:s31] =	ssyncset.done $0x0  }
0x2c6: {  	[sflag:s31] =	ssyncadd.s32 $0xFFFFC000  }
0x2c7: {  	_ =	swait.ge [sflag:s10], $0x4000  }
0x2c8: {  	[sflag:s10] =	ssyncset.done $0x0  }
0x2c9: {  	s18 =	simm.s32 $0x600;
	[sflag:s10] =	ssyncadd.s32 $0xFFFFC000  }
0x2ca: {  	[tilespmem:s6], [sflag:$0x1] =	stream.indirect.gather [hbm4b:s4+s5], $0x80, s18, s5, $0xb8;
	[tilespmem:$0x1E000] =	vst v63  }
0x2cb: {  	s19 =	simm.s32 $0xD80  }
0x2cc: {  	[spmem:s1] =	stream.indirect.scatter.add.f32 [tilespmem:s9], [sflag:$0x3], $0x80, s19, s5, $0xb8;
	[tilespmem:$0x1E000] =	vst v63  }
0x2cd: {  	_ =	swait.ge [sflag:s31], $0x4000  }
0x2ce: {  	[sflag:s31] =	ssyncset.done $0x0  }
0x2cf: {  	[sflag:s31] =	ssyncadd.s32 $0xFFFFC000  }
0x2d0: {  	_ =	swait.ge [sflag:s3], $0x4000  }
0x2d1: {  	[sflag:s3] =	ssyncset.done $0x0  }
0x2d2: {  	s20 =	simm.s32 $0x680;
	[sflag:s3] =	ssyncadd.s32 $0xFFFFC000  }
0x2d3: {  	[tilespmem:s9], [sflag:$0x2] =	stream.indirect.gather [hbm4b:s4+s5], $0x80, s20, s5, $0xb8;
	[tilespmem:$0x1E000] =	vst v63  }
0x2d4: {  	s21 =	simm.s32 $0xE00  }
0x2d5: {  	[spmem:s1] =	stream.indirect.scatter.add.f32 [tilespmem:s6], [sflag:$0x3], $0x80, s21, s5, $0xb8;
	[tilespmem:$0x1E000] =	vst v63  }
0x2d6: {  	_ =	swait.ge [sflag:s31], $0x4000  }
0x2d7: {  	[sflag:s31] =	ssyncset.done $0x0  }
0x2d8: {  	[sflag:s31] =	ssyncadd.s32 $0xFFFFC000  }
0x2d9: {  	_ =	swait.ge [sflag:s10], $0x4000  }
0x2da: {  	[sflag:s10] =	ssyncset.done $0x0  }
0x2db: {  	s22 =	simm.s32 $0x700;
	[sflag:s10] =	ssyncadd.s32 $0xFFFFC000  }
0x2dc: {  	[tilespmem:s6], [sflag:$0x1] =	stream.indirect.gather [hbm4b:s4+s5], $0x80, s22, s5, $0xb8;
	[tilespmem:$0x1E000] =	vst v63  }
0x2dd: {  	s23 =	simm.s32 $0xE80  }
0x2de: {  	[spmem:s1] =	stream.indirect.scatter.add.f32 [tilespmem:s9], [sflag:$0x3], $0x80, s23, s5, $0xb8;
	[tilespmem:$0x1E000] =	vst v63  }
0x2df: {  	_ =	swait.ge [sflag:s31], $0x4000  }
0x2e0: {  	[sflag:s31] =	ssyncset.done $0x0  }
0x2e1: {  	[sflag:s31] =	ssyncadd.s32 $0xFFFFC000  }
0x2e2: {  	_ =	swait.ge [sflag:s3], $0x4000  }
0x2e3: {  	[sflag:s3] =	ssyncset.done $0x0  }
0x2e4: {  	s24 =	simm.s32 $0x780;
	[sflag:s3] =	ssyncadd.s32 $0xFFFFC000  }
0x2e5: {  	[tilespmem:s9], [sflag:$0x2] =	stream.indirect.gather [hbm4b:s4+s5], $0x80, s24, s5, $0xb8;
	[tilespmem:$0x1E000] =	vst v63  }
0x2e6: {  	s25 =	simm.s32 $0xF00;
	s26 =	simm.s32 $0xF80;
	s28 =	simm.s32 $0x280  }
0x2e7: {  	[spmem:s1] =	stream.indirect.scatter.add.f32 [tilespmem:s6], [sflag:$0x3], $0x80, s25, s5, $0xb8;
	[tilespmem:$0x1E000] =	vst v63  }
0x2e8: {  	s29 =	simm.s32 $0xA80;
	s7 =	simm.s32 $0xA00;
	_ =	swait.ge [sflag:s31], $0x4000  }
0x2e9: {  	s8 =	simm.s32 $0x300;
	s11 =	simm.s32 $0x380;
	[sflag:s31] =	ssyncset.done $0x0  }
0x2ea: {  	s12 =	simm.s32 $0xB00;
	s13 =	simm.s32 $0x400;
	[sflag:s31] =	ssyncadd.s32 $0xFFFFC000  }
0x2eb: {  	s14 =	simm.s32 $0xB80;
	s15 =	simm.s32 $0x480;
	_ =	swait.ge [sflag:s10], $0x4000  }
0x2ec: {  	s16 =	simm.s32 $0xC00;
	s17 =	simm.s32 $0x500;
	[sflag:s10] =	ssyncset.done $0x0  }
.Ltmp5:
0x2ed: {  	s18 =	simm.s32 $0xC80;
	[sflag:s10] =	ssyncadd.s32 $0xFFFFC000;
	(pc) =	sbr.rel .LBB2_10-.Ltmp5, $4  }
0x2ee: {  	[spmem:s1] =	stream.indirect.scatter.add.f32 [tilespmem:s9], [sflag:$0x3], $0x80, s26, s5, $0xb8;
	[tilespmem:$0x1E000] =	vst v63  }
0x2ef: {  	s23 =	simm.s32 $0x180;
	s24 =	simm.s32 $0x900;
	_ =	swait.ge [sflag:s31], $0x4000  }
0x2f0: {  	s25 =	simm.s32 $0x200;
	[sflag:s31] =	ssyncset.done $0x0;
	s19 =	rddreg [dreg:$0x7]  }
0x2f1: {  	s26 =	simm.s32 $0x980;
	s30 =	rddreg [dreg:$0x1f];
	[sflag:s31] =	ssyncadd.s32 $0xFFFFC000  }
.LBB2_7:
0x2f2: {  	s19 =	rddreg [dreg:$0x4]  }
0x2f3: {  	s19 =	sadd.s32 $0x0, s19  }
0x2f4: {  	[tilespmem:s2], [sflag:$0x3] =	stream.linear.gather [hbm4b:s19+s2], $0x800, $0x38;
	[tilespmem:$0x1E000] =	vst v63  }
0x2f5: {  	_ =	swait.ge [sflag:s31], $0x800  }
0x2f6: {  	s20 =	rddreg [dreg:$0x3];
	[sflag:s31] =	ssyncset.done $0x0  }
0x2f7: {  	[sflag:s31] =	ssyncadd.s32 $0xFFFFF800;
	s19 =	sadd.s32 $0x0, s20  }
0x2f8: {  	[tilespmem:s0], [sflag:$0x3] =	stream.linear.gather [hbm4b:s19+s2], $0x800, $0x38;
	[tilespmem:$0x1E000] =	vst v63  }
0x2f9: {  	_ =	swait.ge [sflag:s31], $0x800  }
0x2fa: {  	[sflag:s31] =	ssyncset.done $0x0  }
0x2fb: {  	[sflag:s31] =	ssyncadd.s32 $0xFFFFF800  }
0x2fc: {  	[tilespmem:s6], [sflag:$0x1] =	stream.indirect.gather [hbm4b:s4+s5], $0x80, s2, s5, $0xb8;
	[tilespmem:$0x1E000] =	vst v63  }
0x2fd: {  	_ =	swait.ge [sflag:s3], $0x4000  }
0x2fe: {  	[sflag:s3] =	ssyncset.done $0x0  }
0x2ff: {  	[sflag:s3] =	ssyncadd.s32 $0xFFFFC000  }
0x300: {  	[tilespmem:s9], [sflag:$0x2] =	stream.indirect.gather [hbm4b:s4+s5], $0x80, s5, s5, $0xb8;
	[tilespmem:$0x1E000] =	vst v63  }
0x301: {  	_ = 	snop  }
0x302: {  	[spmem:s1] =	stream.indirect.scatter.add.f32 [tilespmem:s6], [sflag:$0x3], $0x80, s0, s5, $0xb8;
	[tilespmem:$0x1E000] =	vst v63  }
0x303: {  	_ =	swait.ge [sflag:s31], $0x4000  }
0x304: {  	[sflag:s31] =	ssyncset.done $0x0  }
0x305: {  	[sflag:s31] =	ssyncadd.s32 $0xFFFFC000  }
0x306: {  	_ =	swait.ge [sflag:s10], $0x4000  }
0x307: {  	[sflag:s10] =	ssyncset.done $0x0  }
0x308: {  	s22 =	simm.s32 $0x100;
	[sflag:s10] =	ssyncadd.s32 $0xFFFFC000  }
0x309: {  	[tilespmem:s6], [sflag:$0x1] =	stream.indirect.gather [hbm4b:s4+s5], $0x80, s22, s5, $0xb8;
	[tilespmem:$0x1E000] =	vst v63  }
0x30a: {  	_ = 	snop  }
0x30b: {  	[spmem:s1] =	stream.indirect.scatter.add.f32 [tilespmem:s9], [sflag:$0x3], $0x80, s21, s5, $0xb8;
	[tilespmem:$0x1E000] =	vst v63  }
0x30c: {  	_ =	swait.ge [sflag:s31], $0x4000  }
0x30d: {  	[sflag:s31] =	ssyncset.done $0x0  }
0x30e: {  	[sflag:s31] =	ssyncadd.s32 $0xFFFFC000  }
0x30f: {  	_ =	swait.ge [sflag:s3], $0x4000  }
0x310: {  	[sflag:s3] =	ssyncset.done $0x0  }
0x311: {  	[sflag:s3] =	ssyncadd.s32 $0xFFFFC000  }
0x312: {  	[tilespmem:s9], [sflag:$0x2] =	stream.indirect.gather [hbm4b:s4+s5], $0x80, s23, s5, $0xb8;
	[tilespmem:$0x1E000] =	vst v63  }
0x313: {  	_ = 	snop  }
0x314: {  	[spmem:s1] =	stream.indirect.scatter.add.f32 [tilespmem:s6], [sflag:$0x3], $0x80, s24, s5, $0xb8;
	[tilespmem:$0x1E000] =	vst v63  }
0x315: {  	_ =	swait.ge [sflag:s31], $0x4000  }
0x316: {  	[sflag:s31] =	ssyncset.done $0x0  }
0x317: {  	[sflag:s31] =	ssyncadd.s32 $0xFFFFC000  }
0x318: {  	_ =	swait.ge [sflag:s10], $0x4000  }
0x319: {  	[sflag:s10] =	ssyncset.done $0x0  }
0x31a: {  	[sflag:s10] =	ssyncadd.s32 $0xFFFFC000  }
0x31b: {  	[tilespmem:s6], [sflag:$0x1] =	stream.indirect.gather [hbm4b:s4+s5], $0x80, s25, s5, $0xb8;
	[tilespmem:$0x1E000] =	vst v63  }
0x31c: {  	_ = 	snop  }
0x31d: {  	[spmem:s1] =	stream.indirect.scatter.add.f32 [tilespmem:s9], [sflag:$0x3], $0x80, s26, s5, $0xb8;
	[tilespmem:$0x1E000] =	vst v63  }
0x31e: {  	_ =	swait.ge [sflag:s31], $0x4000  }
0x31f: {  	[sflag:s31] =	ssyncset.done $0x0  }
0x320: {  	[sflag:s31] =	ssyncadd.s32 $0xFFFFC000  }
0x321: {  	_ =	swait.ge [sflag:s3], $0x4000  }
0x322: {  	[sflag:s3] =	ssyncset.done $0x0  }
0x323: {  	[sflag:s3] =	ssyncadd.s32 $0xFFFFC000  }
0x324: {  	[tilespmem:s9], [sflag:$0x2] =	stream.indirect.gather [hbm4b:s4+s5], $0x80, s28, s5, $0xb8;
	[tilespmem:$0x1E000] =	vst v63  }
0x325: {  	_ = 	snop  }
0x326: {  	[spmem:s1] =	stream.indirect.scatter.add.f32 [tilespmem:s6], [sflag:$0x3], $0x80, s7, s5, $0xb8;
	[tilespmem:$0x1E000] =	vst v63  }
0x327: {  	_ =	swait.ge [sflag:s31], $0x4000  }
0x328: {  	[sflag:s31] =	ssyncset.done $0x0  }
0x329: {  	[sflag:s31] =	ssyncadd.s32 $0xFFFFC000  }
0x32a: {  	_ =	swait.ge [sflag:s10], $0x4000  }
0x32b: {  	[sflag:s10] =	ssyncset.done $0x0  }
0x32c: {  	[sflag:s10] =	ssyncadd.s32 $0xFFFFC000  }
0x32d: {  	[tilespmem:s6], [sflag:$0x1] =	stream.indirect.gather [hbm4b:s4+s5], $0x80, s8, s5, $0xb8;
	[tilespmem:$0x1E000] =	vst v63  }
0x32e: {  	_ = 	snop  }
0x32f: {  	[spmem:s1] =	stream.indirect.scatter.add.f32 [tilespmem:s9], [sflag:$0x3], $0x80, s29, s5, $0xb8;
	[tilespmem:$0x1E000] =	vst v63  }
0x330: {  	_ =	swait.ge [sflag:s31], $0x4000  }
0x331: {  	[sflag:s31] =	ssyncset.done $0x0  }
0x332: {  	[sflag:s31] =	ssyncadd.s32 $0xFFFFC000  }
0x333: {  	_ =	swait.ge [sflag:s3], $0x4000  }
0x334: {  	[sflag:s3] =	ssyncset.done $0x0  }
0x335: {  	[sflag:s3] =	ssyncadd.s32 $0xFFFFC000  }
0x336: {  	[tilespmem:s9], [sflag:$0x2] =	stream.indirect.gather [hbm4b:s4+s5], $0x80, s11, s5, $0xb8;
	[tilespmem:$0x1E000] =	vst v63  }
0x337: {  	_ = 	snop  }
0x338: {  	[spmem:s1] =	stream.indirect.scatter.add.f32 [tilespmem:s6], [sflag:$0x3], $0x80, s12, s5, $0xb8;
	[tilespmem:$0x1E000] =	vst v63  }
0x339: {  	_ =	swait.ge [sflag:s31], $0x4000  }
0x33a: {  	[sflag:s31] =	ssyncset.done $0x0  }
0x33b: {  	[sflag:s31] =	ssyncadd.s32 $0xFFFFC000  }
0x33c: {  	_ =	swait.ge [sflag:s10], $0x4000  }
0x33d: {  	[sflag:s10] =	ssyncset.done $0x0  }
0x33e: {  	[sflag:s10] =	ssyncadd.s32 $0xFFFFC000  }
0x33f: {  	[tilespmem:s6], [sflag:$0x1] =	stream.indirect.gather [hbm4b:s4+s5], $0x80, s13, s5, $0xb8;
	[tilespmem:$0x1E000] =	vst v63  }
0x340: {  	_ = 	snop  }
0x341: {  	[spmem:s1] =	stream.indirect.scatter.add.f32 [tilespmem:s9], [sflag:$0x3], $0x80, s14, s5, $0xb8;
	[tilespmem:$0x1E000] =	vst v63  }
0x342: {  	_ =	swait.ge [sflag:s31], $0x4000  }
0x343: {  	[sflag:s31] =	ssyncset.done $0x0  }
0x344: {  	[sflag:s31] =	ssyncadd.s32 $0xFFFFC000  }
0x345: {  	_ =	swait.ge [sflag:s3], $0x4000  }
0x346: {  	[sflag:s3] =	ssyncset.done $0x0  }
0x347: {  	[sflag:s3] =	ssyncadd.s32 $0xFFFFC000  }
0x348: {  	[tilespmem:s9], [sflag:$0x2] =	stream.indirect.gather [hbm4b:s4+s5], $0x80, s15, s5, $0xb8;
	[tilespmem:$0x1E000] =	vst v63  }
0x349: {  	_ = 	snop  }
0x34a: {  	[spmem:s1] =	stream.indirect.scatter.add.f32 [tilespmem:s6], [sflag:$0x3], $0x80, s16, s5, $0xb8;
	[tilespmem:$0x1E000] =	vst v63  }
0x34b: {  	_ =	swait.ge [sflag:s31], $0x4000  }
0x34c: {  	[sflag:s31] =	ssyncset.done $0x0  }
0x34d: {  	[sflag:s31] =	ssyncadd.s32 $0xFFFFC000  }
0x34e: {  	_ =	swait.ge [sflag:s10], $0x4000  }
0x34f: {  	[sflag:s10] =	ssyncset.done $0x0  }
0x350: {  	[sflag:s10] =	ssyncadd.s32 $0xFFFFC000  }
0x351: {  	[tilespmem:s6], [sflag:$0x1] =	stream.indirect.gather [hbm4b:s4+s5], $0x80, s17, s5, $0xb8;
	[tilespmem:$0x1E000] =	vst v63  }
0x352: {  	_ = 	snop  }
0x353: {  	[spmem:s1] =	stream.indirect.scatter.add.f32 [tilespmem:s9], [sflag:$0x3], $0x80, s18, s5, $0xb8;
	[tilespmem:$0x1E000] =	vst v63  }
0x354: {  	_ =	swait.ge [sflag:s31], $0x4000  }
0x355: {  	[sflag:s31] =	ssyncset.done $0x0  }
0x356: {  	[sflag:s31] =	ssyncadd.s32 $0xFFFFC000  }
0x357: {  	_ =	swait.ge [sflag:s3], $0x4000  }
0x358: {  	[sflag:s3] =	ssyncset.done $0x0  }
0x359: {  	s16 =	simm.s32 $0x580;
	[sflag:s3] =	ssyncadd.s32 $0xFFFFC000  }
0x35a: {  	[tilespmem:s9], [sflag:$0x2] =	stream.indirect.gather [hbm4b:s4+s5], $0x80, s16, s5, $0xb8;
	[tilespmem:$0x1E000] =	vst v63  }
0x35b: {  	s17 =	simm.s32 $0xD00  }
0x35c: {  	[spmem:s1] =	stream.indirect.scatter.add.f32 [tilespmem:s6], [sflag:$0x3], $0x80, s17, s5, $0xb8;
	[tilespmem:$0x1E000] =	vst v63  }
0x35d: {  	_ =	swait.ge [sflag:s31], $0x4000  }
0x35e: {  	[sflag:s31] =	ssyncset.done $0x0  }
0x35f: {  	[sflag:s31] =	ssyncadd.s32 $0xFFFFC000  }
0x360: {  	_ =	swait.ge [sflag:s10], $0x4000  }
0x361: {  	[sflag:s10] =	ssyncset.done $0x0  }
0x362: {  	s18 =	simm.s32 $0x600;
	[sflag:s10] =	ssyncadd.s32 $0xFFFFC000  }
0x363: {  	[tilespmem:s6], [sflag:$0x1] =	stream.indirect.gather [hbm4b:s4+s5], $0x80, s18, s5, $0xb8;
	[tilespmem:$0x1E000] =	vst v63  }
0x364: {  	s19 =	simm.s32 $0xD80  }
0x365: {  	[spmem:s1] =	stream.indirect.scatter.add.f32 [tilespmem:s9], [sflag:$0x3], $0x80, s19, s5, $0xb8;
	[tilespmem:$0x1E000] =	vst v63  }
0x366: {  	_ =	swait.ge [sflag:s31], $0x4000  }
0x367: {  	[sflag:s31] =	ssyncset.done $0x0  }
0x368: {  	[sflag:s31] =	ssyncadd.s32 $0xFFFFC000  }
0x369: {  	_ =	swait.ge [sflag:s3], $0x4000  }
0x36a: {  	[sflag:s3] =	ssyncset.done $0x0  }
0x36b: {  	s20 =	simm.s32 $0x680;
	[sflag:s3] =	ssyncadd.s32 $0xFFFFC000  }
0x36c: {  	[tilespmem:s9], [sflag:$0x2] =	stream.indirect.gather [hbm4b:s4+s5], $0x80, s20, s5, $0xb8;
	[tilespmem:$0x1E000] =	vst v63  }
0x36d: {  	s21 =	simm.s32 $0xE00  }
0x36e: {  	[spmem:s1] =	stream.indirect.scatter.add.f32 [tilespmem:s6], [sflag:$0x3], $0x80, s21, s5, $0xb8;
	[tilespmem:$0x1E000] =	vst v63  }
0x36f: {  	_ =	swait.ge [sflag:s31], $0x4000  }
0x370: {  	[sflag:s31] =	ssyncset.done $0x0  }
0x371: {  	[sflag:s31] =	ssyncadd.s32 $0xFFFFC000  }
0x372: {  	_ =	swait.ge [sflag:s10], $0x4000  }
0x373: {  	[sflag:s10] =	ssyncset.done $0x0  }
0x374: {  	s22 =	simm.s32 $0x700;
	[sflag:s10] =	ssyncadd.s32 $0xFFFFC000  }
0x375: {  	[tilespmem:s6], [sflag:$0x1] =	stream.indirect.gather [hbm4b:s4+s5], $0x80, s22, s5, $0xb8;
	[tilespmem:$0x1E000] =	vst v63  }
0x376: {  	s23 =	simm.s32 $0xE80  }
0x377: {  	[spmem:s1] =	stream.indirect.scatter.add.f32 [tilespmem:s9], [sflag:$0x3], $0x80, s23, s5, $0xb8;
	[tilespmem:$0x1E000] =	vst v63  }
0x378: {  	_ =	swait.ge [sflag:s31], $0x4000  }
0x379: {  	[sflag:s31] =	ssyncset.done $0x0  }
0x37a: {  	[sflag:s31] =	ssyncadd.s32 $0xFFFFC000  }
0x37b: {  	_ =	swait.ge [sflag:s3], $0x4000  }
0x37c: {  	s30 =	simm.s32 $0xA80;
	s24 =	simm.s32 $0x780;
	[sflag:s3] =	ssyncset.done $0x0  }
0x37d: {  	s25 =	simm.s32 $0xF00;
	s26 =	simm.s32 $0xF80;
	[sflag:s3] =	ssyncadd.s32 $0xFFFFC000  }
0x37e: {  	[tilespmem:s9], [sflag:$0x2] =	stream.indirect.gather [hbm4b:s4+s5], $0x80, s24, s5, $0xb8;
	[tilespmem:$0x1E000] =	vst v63  }
0x37f: {  	s28 =	simm.s32 $0x980;
	s7 =	simm.s32 $0xA00;
	s8 =	simm.s32 $0x300  }
0x380: {  	[spmem:s1] =	stream.indirect.scatter.add.f32 [tilespmem:s6], [sflag:$0x3], $0x80, s25, s5, $0xb8;
	[tilespmem:$0x1E000] =	vst v63  }
0x381: {  	s29 =	simm.s32 $0x280;
	s11 =	simm.s32 $0x380;
	_ =	swait.ge [sflag:s31], $0x4000  }
0x382: {  	s12 =	simm.s32 $0xB00;
	s13 =	simm.s32 $0x400;
	[sflag:s31] =	ssyncset.done $0x0  }
0x383: {  	s14 =	simm.s32 $0xB80;
	s15 =	simm.s32 $0x480;
	[sflag:s31] =	ssyncadd.s32 $0xFFFFC000  }
0x384: {  	s16 =	simm.s32 $0xC00;
	s17 =	simm.s32 $0x500;
	_ =	swait.ge [sflag:s10], $0x4000  }
0x385: {  	s18 =	simm.s32 $0xC80;
	s19 =	simm.s32 $0x100;
	[sflag:s10] =	ssyncset.done $0x0  }
0x386: {  	s20 =	simm.s32 $0x200;
	s23 =	simm.s32 $0x880;
	[sflag:s10] =	ssyncadd.s32 $0xFFFFC000  }
0x387: {  	[spmem:s1] =	stream.indirect.scatter.add.f32 [tilespmem:s9], [sflag:$0x3], $0x80, s26, s5, $0xb8;
	[tilespmem:$0x1E000] =	vst v63  }
0x388: {  	s24 =	simm.s32 $0x180;
	s25 =	simm.s32 $0x900;
	_ =	swait.ge [sflag:s31], $0x4000  }
0x389: {  	s26 =	simm.s32 $0x200;
	s21 =	rddreg [dreg:$0x4];
	[sflag:s31] =	ssyncset.done $0x0  }
.LBB2_8:
0x38a: {  	[sflag:s31] =	ssyncadd.s32 $0xFFFFC000;
	s21 =	sadd.s32 s19, s21  }
0x38b: {  	[tilespmem:s2], [sflag:$0x3] =	stream.linear.gather [hbm4b:s21+s2], $0x800, $0x38;
	[tilespmem:$0x1E000] =	vst v63  }
0x38c: {  	_ =	swait.ge [sflag:s31], $0x800  }
0x38d: {  	s21 =	rddreg [dreg:$0x3];
	[sflag:s31] =	ssyncset.done $0x0  }
0x38e: {  	[sflag:s31] =	ssyncadd.s32 $0xFFFFF800;
	s21 =	sadd.s32 s19, s21  }
0x38f: {  	[tilespmem:s0], [sflag:$0x3] =	stream.linear.gather [hbm4b:s21+s2], $0x800, $0x38;
	[tilespmem:$0x1E000] =	vst v63  }
0x390: {  	_ =	swait.ge [sflag:s31], $0x800  }
0x391: {  	[sflag:s31] =	ssyncset.done $0x0  }
0x392: {  	[sflag:s31] =	ssyncadd.s32 $0xFFFFF800  }
0x393: {  	[tilespmem:s6], [sflag:$0x1] =	stream.indirect.gather [hbm4b:s4+s5], $0x80, s2, s5, $0xb8;
	[tilespmem:$0x1E000] =	vst v63  }
0x394: {  	_ =	swait.ge [sflag:s3], $0x4000  }
0x395: {  	[sflag:s3] =	ssyncset.done $0x0  }
0x396: {  	[sflag:s3] =	ssyncadd.s32 $0xFFFFC000  }
0x397: {  	[tilespmem:s9], [sflag:$0x2] =	stream.indirect.gather [hbm4b:s4+s5], $0x80, s5, s5, $0xb8;
	[tilespmem:$0x1E000] =	vst v63  }
0x398: {  	_ = 	snop  }
0x399: {  	[spmem:s1] =	stream.indirect.scatter.add.f32 [tilespmem:s6], [sflag:$0x3], $0x80, s0, s5, $0xb8;
	[tilespmem:$0x1E000] =	vst v63  }
0x39a: {  	_ =	swait.ge [sflag:s31], $0x4000  }
0x39b: {  	[sflag:s31] =	ssyncset.done $0x0  }
0x39c: {  	[sflag:s31] =	ssyncadd.s32 $0xFFFFC000  }
0x39d: {  	_ =	swait.ge [sflag:s10], $0x4000  }
0x39e: {  	s22 =	smov.u32 s20;
	[sflag:s10] =	ssyncset.done $0x0  }
0x39f: {  	s19 =	smov.u32 s22;
	s22 =	simm.s32 $0x100;
	[sflag:s10] =	ssyncadd.s32 $0xFFFFC000  }
0x3a0: {  	[tilespmem:s6], [sflag:$0x1] =	stream.indirect.gather [hbm4b:s4+s5], $0x80, s22, s5, $0xb8;
	[tilespmem:$0x1E000] =	vst v63  }
0x3a1: {  	_ = 	snop  }
0x3a2: {  	[spmem:s1] =	stream.indirect.scatter.add.f32 [tilespmem:s9], [sflag:$0x3], $0x80, s23, s5, $0xb8;
	[tilespmem:$0x1E000] =	vst v63  }
0x3a3: {  	_ =	swait.ge [sflag:s31], $0x4000  }
0x3a4: {  	[sflag:s31] =	ssyncset.done $0x0  }
0x3a5: {  	[sflag:s31] =	ssyncadd.s32 $0xFFFFC000  }
0x3a6: {  	_ =	swait.ge [sflag:s3], $0x4000  }
0x3a7: {  	[sflag:s3] =	ssyncset.done $0x0  }
0x3a8: {  	[sflag:s3] =	ssyncadd.s32 $0xFFFFC000  }
0x3a9: {  	[tilespmem:s9], [sflag:$0x2] =	stream.indirect.gather [hbm4b:s4+s5], $0x80, s24, s5, $0xb8;
	[tilespmem:$0x1E000] =	vst v63  }
0x3aa: {  	_ = 	snop  }
0x3ab: {  	[spmem:s1] =	stream.indirect.scatter.add.f32 [tilespmem:s6], [sflag:$0x3], $0x80, s25, s5, $0xb8;
	[tilespmem:$0x1E000] =	vst v63  }
0x3ac: {  	_ =	swait.ge [sflag:s31], $0x4000  }
0x3ad: {  	[sflag:s31] =	ssyncset.done $0x0  }
0x3ae: {  	[sflag:s31] =	ssyncadd.s32 $0xFFFFC000  }
0x3af: {  	_ =	swait.ge [sflag:s10], $0x4000  }
0x3b0: {  	[sflag:s10] =	ssyncset.done $0x0  }
0x3b1: {  	[sflag:s10] =	ssyncadd.s32 $0xFFFFC000  }
0x3b2: {  	[tilespmem:s6], [sflag:$0x1] =	stream.indirect.gather [hbm4b:s4+s5], $0x80, s26, s5, $0xb8;
	[tilespmem:$0x1E000] =	vst v63  }
0x3b3: {  	_ = 	snop  }
0x3b4: {  	[spmem:s1] =	stream.indirect.scatter.add.f32 [tilespmem:s9], [sflag:$0x3], $0x80, s28, s5, $0xb8;
	[tilespmem:$0x1E000] =	vst v63  }
0x3b5: {  	_ =	swait.ge [sflag:s31], $0x4000  }
0x3b6: {  	[sflag:s31] =	ssyncset.done $0x0  }
0x3b7: {  	[sflag:s31] =	ssyncadd.s32 $0xFFFFC000  }
0x3b8: {  	_ =	swait.ge [sflag:s3], $0x4000  }
0x3b9: {  	[sflag:s3] =	ssyncset.done $0x0  }
0x3ba: {  	[sflag:s3] =	ssyncadd.s32 $0xFFFFC000  }
0x3bb: {  	[tilespmem:s9], [sflag:$0x2] =	stream.indirect.gather [hbm4b:s4+s5], $0x80, s29, s5, $0xb8;
	[tilespmem:$0x1E000] =	vst v63  }
0x3bc: {  	_ = 	snop  }
0x3bd: {  	[spmem:s1] =	stream.indirect.scatter.add.f32 [tilespmem:s6], [sflag:$0x3], $0x80, s7, s5, $0xb8;
	[tilespmem:$0x1E000] =	vst v63  }
0x3be: {  	_ =	swait.ge [sflag:s31], $0x4000  }
0x3bf: {  	[sflag:s31] =	ssyncset.done $0x0  }
0x3c0: {  	[sflag:s31] =	ssyncadd.s32 $0xFFFFC000  }
0x3c1: {  	_ =	swait.ge [sflag:s10], $0x4000  }
0x3c2: {  	[sflag:s10] =	ssyncset.done $0x0  }
0x3c3: {  	[sflag:s10] =	ssyncadd.s32 $0xFFFFC000  }
0x3c4: {  	[tilespmem:s6], [sflag:$0x1] =	stream.indirect.gather [hbm4b:s4+s5], $0x80, s8, s5, $0xb8;
	[tilespmem:$0x1E000] =	vst v63  }
0x3c5: {  	_ = 	snop  }
0x3c6: {  	[spmem:s1] =	stream.indirect.scatter.add.f32 [tilespmem:s9], [sflag:$0x3], $0x80, s30, s5, $0xb8;
	[tilespmem:$0x1E000] =	vst v63  }
0x3c7: {  	_ =	swait.ge [sflag:s31], $0x4000  }
0x3c8: {  	[sflag:s31] =	ssyncset.done $0x0  }
0x3c9: {  	[sflag:s31] =	ssyncadd.s32 $0xFFFFC000  }
0x3ca: {  	_ =	swait.ge [sflag:s3], $0x4000  }
0x3cb: {  	[sflag:s3] =	ssyncset.done $0x0  }
0x3cc: {  	[sflag:s3] =	ssyncadd.s32 $0xFFFFC000  }
0x3cd: {  	[tilespmem:s9], [sflag:$0x2] =	stream.indirect.gather [hbm4b:s4+s5], $0x80, s11, s5, $0xb8;
	[tilespmem:$0x1E000] =	vst v63  }
0x3ce: {  	_ = 	snop  }
0x3cf: {  	[spmem:s1] =	stream.indirect.scatter.add.f32 [tilespmem:s6], [sflag:$0x3], $0x80, s12, s5, $0xb8;
	[tilespmem:$0x1E000] =	vst v63  }
0x3d0: {  	_ =	swait.ge [sflag:s31], $0x4000  }
0x3d1: {  	[sflag:s31] =	ssyncset.done $0x0  }
0x3d2: {  	[sflag:s31] =	ssyncadd.s32 $0xFFFFC000  }
0x3d3: {  	_ =	swait.ge [sflag:s10], $0x4000  }
0x3d4: {  	[sflag:s10] =	ssyncset.done $0x0  }
0x3d5: {  	[sflag:s10] =	ssyncadd.s32 $0xFFFFC000  }
0x3d6: {  	[tilespmem:s6], [sflag:$0x1] =	stream.indirect.gather [hbm4b:s4+s5], $0x80, s13, s5, $0xb8;
	[tilespmem:$0x1E000] =	vst v63  }
0x3d7: {  	_ = 	snop  }
0x3d8: {  	[spmem:s1] =	stream.indirect.scatter.add.f32 [tilespmem:s9], [sflag:$0x3], $0x80, s14, s5, $0xb8;
	[tilespmem:$0x1E000] =	vst v63  }
0x3d9: {  	_ =	swait.ge [sflag:s31], $0x4000  }
0x3da: {  	[sflag:s31] =	ssyncset.done $0x0  }
0x3db: {  	[sflag:s31] =	ssyncadd.s32 $0xFFFFC000  }
0x3dc: {  	_ =	swait.ge [sflag:s3], $0x4000  }
0x3dd: {  	[sflag:s3] =	ssyncset.done $0x0  }
0x3de: {  	[sflag:s3] =	ssyncadd.s32 $0xFFFFC000  }
0x3df: {  	[tilespmem:s9], [sflag:$0x2] =	stream.indirect.gather [hbm4b:s4+s5], $0x80, s15, s5, $0xb8;
	[tilespmem:$0x1E000] =	vst v63  }
0x3e0: {  	_ = 	snop  }
0x3e1: {  	[spmem:s1] =	stream.indirect.scatter.add.f32 [tilespmem:s6], [sflag:$0x3], $0x80, s16, s5, $0xb8;
	[tilespmem:$0x1E000] =	vst v63  }
0x3e2: {  	_ =	swait.ge [sflag:s31], $0x4000  }
0x3e3: {  	[sflag:s31] =	ssyncset.done $0x0  }
0x3e4: {  	[sflag:s31] =	ssyncadd.s32 $0xFFFFC000  }
0x3e5: {  	_ =	swait.ge [sflag:s10], $0x4000  }
0x3e6: {  	[sflag:s10] =	ssyncset.done $0x0  }
0x3e7: {  	[sflag:s10] =	ssyncadd.s32 $0xFFFFC000  }
0x3e8: {  	[tilespmem:s6], [sflag:$0x1] =	stream.indirect.gather [hbm4b:s4+s5], $0x80, s17, s5, $0xb8;
	[tilespmem:$0x1E000] =	vst v63  }
0x3e9: {  	_ = 	snop  }
0x3ea: {  	[spmem:s1] =	stream.indirect.scatter.add.f32 [tilespmem:s9], [sflag:$0x3], $0x80, s18, s5, $0xb8;
	[tilespmem:$0x1E000] =	vst v63  }
0x3eb: {  	_ =	swait.ge [sflag:s31], $0x4000  }
0x3ec: {  	[sflag:s31] =	ssyncset.done $0x0  }
0x3ed: {  	[sflag:s31] =	ssyncadd.s32 $0xFFFFC000  }
0x3ee: {  	_ =	swait.ge [sflag:s3], $0x4000  }
0x3ef: {  	[sflag:s3] =	ssyncset.done $0x0  }
0x3f0: {  	s21 =	simm.s32 $0x580;
	[sflag:s3] =	ssyncadd.s32 $0xFFFFC000  }
0x3f1: {  	[tilespmem:s9], [sflag:$0x2] =	stream.indirect.gather [hbm4b:s4+s5], $0x80, s21, s5, $0xb8;
	[tilespmem:$0x1E000] =	vst v63  }
0x3f2: {  	s21 =	simm.s32 $0xD00  }
0x3f3: {  	[spmem:s1] =	stream.indirect.scatter.add.f32 [tilespmem:s6], [sflag:$0x3], $0x80, s21, s5, $0xb8;
	[tilespmem:$0x1E000] =	vst v63  }
0x3f4: {  	_ =	swait.ge [sflag:s31], $0x4000  }
0x3f5: {  	[sflag:s31] =	ssyncset.done $0x0  }
0x3f6: {  	[sflag:s31] =	ssyncadd.s32 $0xFFFFC000  }
0x3f7: {  	_ =	swait.ge [sflag:s10], $0x4000  }
0x3f8: {  	[sflag:s10] =	ssyncset.done $0x0  }
0x3f9: {  	s21 =	simm.s32 $0x600;
	[sflag:s10] =	ssyncadd.s32 $0xFFFFC000  }
0x3fa: {  	[tilespmem:s6], [sflag:$0x1] =	stream.indirect.gather [hbm4b:s4+s5], $0x80, s21, s5, $0xb8;
	[tilespmem:$0x1E000] =	vst v63  }
0x3fb: {  	s21 =	simm.s32 $0xD80  }
0x3fc: {  	[spmem:s1] =	stream.indirect.scatter.add.f32 [tilespmem:s9], [sflag:$0x3], $0x80, s21, s5, $0xb8;
	[tilespmem:$0x1E000] =	vst v63  }
0x3fd: {  	_ =	swait.ge [sflag:s31], $0x4000  }
0x3fe: {  	[sflag:s31] =	ssyncset.done $0x0  }
0x3ff: {  	[sflag:s31] =	ssyncadd.s32 $0xFFFFC000  }
0x400: {  	_ =	swait.ge [sflag:s3], $0x4000  }
0x401: {  	[sflag:s3] =	ssyncset.done $0x0  }
0x402: {  	s21 =	simm.s32 $0x680;
	[sflag:s3] =	ssyncadd.s32 $0xFFFFC000  }
0x403: {  	[tilespmem:s9], [sflag:$0x2] =	stream.indirect.gather [hbm4b:s4+s5], $0x80, s21, s5, $0xb8;
	[tilespmem:$0x1E000] =	vst v63  }
0x404: {  	s21 =	simm.s32 $0xE00  }
0x405: {  	[spmem:s1] =	stream.indirect.scatter.add.f32 [tilespmem:s6], [sflag:$0x3], $0x80, s21, s5, $0xb8;
	[tilespmem:$0x1E000] =	vst v63  }
0x406: {  	_ =	swait.ge [sflag:s31], $0x4000  }
0x407: {  	[sflag:s31] =	ssyncset.done $0x0  }
0x408: {  	[sflag:s31] =	ssyncadd.s32 $0xFFFFC000  }
0x409: {  	_ =	swait.ge [sflag:s10], $0x4000  }
0x40a: {  	[sflag:s10] =	ssyncset.done $0x0  }
0x40b: {  	s21 =	simm.s32 $0x700;
	[sflag:s10] =	ssyncadd.s32 $0xFFFFC000  }
0x40c: {  	[tilespmem:s6], [sflag:$0x1] =	stream.indirect.gather [hbm4b:s4+s5], $0x80, s21, s5, $0xb8;
	[tilespmem:$0x1E000] =	vst v63  }
0x40d: {  	s21 =	simm.s32 $0xE80  }
0x40e: {  	[spmem:s1] =	stream.indirect.scatter.add.f32 [tilespmem:s9], [sflag:$0x3], $0x80, s21, s5, $0xb8;
	[tilespmem:$0x1E000] =	vst v63  }
0x40f: {  	_ =	swait.ge [sflag:s31], $0x4000  }
0x410: {  	[sflag:s31] =	ssyncset.done $0x0  }
0x411: {  	[sflag:s31] =	ssyncadd.s32 $0xFFFFC000  }
0x412: {  	_ =	swait.ge [sflag:s3], $0x4000  }
0x413: {  	[sflag:s3] =	ssyncset.done $0x0  }
0x414: {  	s21 =	simm.s32 $0x780;
	[sflag:s3] =	ssyncadd.s32 $0xFFFFC000  }
0x415: {  	[tilespmem:s9], [sflag:$0x2] =	stream.indirect.gather [hbm4b:s4+s5], $0x80, s21, s5, $0xb8;
	[tilespmem:$0x1E000] =	vst v63  }
0x416: {  	s21 =	simm.s32 $0xF00  }
0x417: {  	[spmem:s1] =	stream.indirect.scatter.add.f32 [tilespmem:s6], [sflag:$0x3], $0x80, s21, s5, $0xb8;
	[tilespmem:$0x1E000] =	vst v63  }
0x418: {  	_ =	swait.ge [sflag:s31], $0x4000  }
0x419: {  	[sflag:s31] =	ssyncset.done $0x0  }
0x41a: {  	[sflag:s31] =	ssyncadd.s32 $0xFFFFC000  }
0x41b: {  	p1 =	sne.s32 s20, $0x400;
	_ =	swait.ge [sflag:s10], $0x4000  }
.Ltmp6:
0x41c: {  	[sflag:s10] =	ssyncset.done $0x0;
	(pc) =	sbr.rel @p1 .LBB2_8-.Ltmp6, $4  }
0x41d: {  	s21 =	simm.s32 $0xF80;
	[sflag:s10] =	ssyncadd.s32 $0xFFFFC000  }
0x41e: {  	[spmem:s1] =	stream.indirect.scatter.add.f32 [tilespmem:s9], [sflag:$0x3], $0x80, s21, s5, $0xb8;
	[tilespmem:$0x1E000] =	vst v63  }
0x41f: {  	_ =	swait.ge [sflag:s31], $0x4000  }
0x420: {  	s20 =	sadd.s32 $0x100, s20;
	s21 =	rddreg [dreg:$0x4];
	[sflag:s31] =	ssyncset.done $0x0  }
.Ltmp7:
0x421: {  	_ = 	snop;
	(pc) =	sbr.rel .LBB2_9-.Ltmp7, $1  }
0x422: {  	_ =	sdelay $0x3  }
.LBB2_11:
0x423: {  	_ =	sfence.sel $0x180000  }
0x424: {  	[bflag:$0x0] =	sbarrier.arrive $0xFFFF  }
0x425: {  	_ =	strace $0x9000004A  }
0x426: {  	s0 =	stileid.u32;
	[bflag:$0x2] =	sbarrier.arrive $0xFFFF  }
0x427: {  	p0 =	sne.s32 s0, $0x0;
	s0 =	rddreg [dreg:$0x2]  }
0x428: {  	s0 =	sadd.s32 @!p0 $0x100000, s0  }
0x429: {  	[sflag:s0] =	ssyncadd.tile.s32 @!p0 $0x1;
	_ =	shalt  }
.Lfunc_end2:
_tile_overlayer_lowered:
.L_overlay_start_2:
0x42a: {  	(tag) =	ssettag $0x2  }
0x42b: {  	s0 =	rddreg [dreg:$0x0];
	s2 =	stileid.u32  }
0x42c: {  	s1 =	rddreg [dreg:$0x1];
	p0 =	sne.s32 s2, $0x0  }
0x42d: {  	s3 =	rddreg [dreg:$0x2];
	[bflag:$0x3] =	sbarrier.arrive $0xFFFF;
	s2 =	simm.s32 @!p0 $0x1C03  }
0x42e: {  	[timem:s3], [sflag:s2] =	dma.local @!p0 [hbm:s0], s1  }
0x42f: {  	s0 =	simm.s32 @!p0 $0x3  }
0x430: {  	_ =	swait.ge @!p0 [sflag:s0], s1  }
0x431: {  	s1 =	ssub.s32 @!p0 $0x0, s1;
	[sflag:s0] =	ssyncset.done @!p0 $0x0  }
0x432: {  	[sflag:s0] =	ssyncadd.s32 @!p0 s1  }
0x433: {  	[bflag:$0x3] =	sbarrier.arrive $0xFFFF  }
0x434: {  	_ =	shalt  }

// kernel: kernel.14.cloned.1.call-start
scs
__scs_entry_jumppad:
0x0: {  	(pc) =	sbr.rel $0x88, $3  }
0x1: {  	(tag) =	ssettag $0x0;
	lr =	simm.s32 $0x1  }
0x2: {  	[smem:$0x3F96] =	sst lr;
	_ =	strace $0xD0000000  }
0x3: {  	_ = 	snop  }
0x4: {  	_ = 	snop  }
0x5: {  	_ = 	snop  }
0x6: {  	_ = 	snop  }
0x7: {  	_ = 	snop  }
__scs_overlays_trampoline_lowered:
0x8: {  	[smem:$0x3FA5] =	sst s0  }
0x9: {  	[smem:$0x3FA6] =	sst s1  }
0xa: {  	[smem:$0x3FA7] =	sst s2  }
0xb: {  	[smem:$0x3FA8] =	sst s3  }
0xc: {  	[smem:$0x3FA9] =	sst s4  }
0xd: {  	[smem:$0x3FAA] =	sst s5  }
0xe: {  	[smem:$0x3FAB] =	sst s6  }
0xf: {  	[smem:$0x3FAC] =	sst s7  }
0x10: {  	[smem:$0x3FAD] =	sst s8  }
0x11: {  	[smem:$0x3FAE] =	sst s9;
	s0 =	simm.s32 @!p0 $0x0  }
0x12: {  	s1 =	sld [smem:$0x3F94];
	s0 =	simm.s32 @p0 $0x1  }
0x13: {  	[smem:$0x3FAF] =	sst s0;
	s0 =	simm.s32 @!p1 $0x0  }
0x14: {  	s2 =	sld [smem:$0x3F93];
	s0 =	simm.s32 @p1 $0x1  }
0x15: {  	[smem:$0x3FB0] =	sst s0;
	s0 =	simm.s32 @!p2 $0x0  }
0x16: {  	s3 =	sld [smem:$0x3FDB];
	s0 =	simm.s32 @p2 $0x1  }
0x17: {  	s4 =	simm.s32 $0x1BF5;
	[smem:$0x3FB2] =	sst s0  }
0x18: {  	s0 =	sld [smem:$0x3F95];
	_ =	swait.ge [sflag:s4], $0x0  }
0x19: {  	s7 =	sld [smem:$0x3F96]  }
0x1a: {  	s8 =	sadd.s32 $0xFFFFE003, lr  }
0x1b: {  	s9 =	sadd.s32 $0xFFFFFEF7, lr;
	s5 =	simm.s32 $0xFFFFFFFF;
	p2 =	slt.u32 s8, $0xFFFFF086  }
0x1c: {  	p1 =	slt.u32 s9, $0xF7A;
	s5 =	simm.s32 @!p2 $0x0  }
0x1d: {  	s5 =	simm.s32 @p1 $0x1;
	p0 =	seq.s32 s7, s2  }
0x1e: {  	s7 =	smul.u32 @!p0 $0xF7A, s2;
	p2 =	seq.s32 @!p0 s5, $0x0  }
0x1f: {  	s9 =	smul.u32 $0xF7A, s1;
	s8 =	simm.s32 @!p0 $0x1BF5;
	p2 =	por !p2, p0  }
0x20: {  	[sflag:s8] =	ssyncset.s32 @!p0 $0xFFFFF086;
	s6 =	sadd.s32 @!p0 s3, s7;
	s7 =	simm.s32 @!p0 $0x108  }
0x21: {  	s3 =	sadd.s32 s3, s9;
	s6 =	sadd.s32 @!p0 $0x88, s6;
	s7 =	simm.s32 @p2 $0x1082  }
0x22: {  	[simem:s7], [sflag:s8] =	dma.local @!p0 [hbm:s6], $0xF7A  }
0x23: {  	s9 =	sor.u32 $0xD0000000, s2;
	s6 =	simm.s32 $0x108;
	_ =	swait.ge @!p0 [sflag:s8], $0x0  }
0x24: {  	s3 =	sadd.s32 $0x88, s3;
	s6 =	simm.s32 @!p1 $0x1082;
	[sflag:s4] =	ssyncset.s32 $0xFFFFF086  }
0x25: {  	[simem:s6], [sflag:s4] =	dma.local [hbm:s3], $0xF7A  }
0x26: {  	[smem:$0x3F96] =	sst s1;
	(tag) =	ssettag s2;
	_ =	strace s9  }
0x27: {  	s1 =	sld [smem:$0x3FA6]  }
0x28: {  	s2 =	sld [smem:$0x3FA7]  }
0x29: {  	s4 =	sld [smem:$0x3FA9]  }
0x2a: {  	p0 =	seq.s32 s5, $0x0;
	s5 =	sld [smem:$0x3FAA]  }
0x2b: {  	s6 =	sld [smem:$0x3FAB]  }
0x2c: {  	s7 =	sld [smem:$0x3FAC]  }
0x2d: {  	s3 =	simm.s32 $0x108;
	s8 =	sld [smem:$0x3FAD]  }
0x2e: {  	s3 =	simm.s32 @!p0 $0x1082;
	s9 =	sld [smem:$0x3FAE]  }
0x2f: {  	lr =	sadd.s32 s0, s3;
	s0 =	sld [smem:$0x3FA5]  }
0x30: {  	s3 =	sld [smem:$0x3FA8]  }
0x31: {  	[smem:$0x3FB1] =	sst s10  }
0x32: {  	s10 =	sld [smem:$0x3FAF];
	_ =	sdelay $0x3  }
0x33: {  	p0 =	seq.s32 s10, $0x1;
	s10 =	sld [smem:$0x3FB1];
	_ =	sdelay $0x3  }
0x34: {  	[smem:$0x3FB1] =	sst s10  }
0x35: {  	s10 =	sld [smem:$0x3FB0];
	_ =	sdelay $0x3  }
0x36: {  	p1 =	seq.s32 s10, $0x1;
	s10 =	sld [smem:$0x3FB1];
	_ =	sdelay $0x3  }
0x37: {  	[smem:$0x3FB1] =	sst s10  }
0x38: {  	s10 =	sld [smem:$0x3FB2]  }
0x39: {  	_ = 	snop;
	(pc) =	sbr.ind lr, $3  }
0x3a: {  	_ = 	snop  }
0x3b: {  	_ = 	snop  }
0x3c: {  	p2 =	seq.s32 s10, $0x1;
	s10 =	sld [smem:$0x3FB1]  }
0x3d: {  	_ =	shalt  }
0x3e: {  	_ =	shalt  }
0x3f: {  	_ =	shalt  }
0x40: {  	_ =	shalt  }
0x41: {  	_ =	shalt  }
0x42: {  	_ =	shalt  }
0x43: {  	_ =	shalt  }
0x44: {  	_ =	shalt  }
0x45: {  	_ =	shalt  }
0x46: {  	_ =	shalt  }
0x47: {  	_ =	shalt  }
0x48: {  	_ =	shalt  }
0x49: {  	_ =	shalt  }
0x4a: {  	_ =	shalt  }
0x4b: {  	_ =	shalt  }
0x4c: {  	_ =	shalt  }
0x4d: {  	_ =	shalt  }
0x4e: {  	_ =	shalt  }
0x4f: {  	_ =	shalt  }
0x50: {  	_ =	shalt  }
0x51: {  	_ =	shalt  }
0x52: {  	_ =	shalt  }
0x53: {  	_ =	shalt  }
0x54: {  	_ =	shalt  }
0x55: {  	_ =	shalt  }
0x56: {  	_ =	shalt  }
0x57: {  	_ =	shalt  }
0x58: {  	_ =	shalt  }
0x59: {  	_ =	shalt  }
0x5a: {  	_ =	shalt  }
0x5b: {  	_ =	shalt  }
0x5c: {  	_ =	shalt  }
0x5d: {  	_ =	shalt  }
0x5e: {  	_ =	shalt  }
0x5f: {  	_ =	shalt  }
0x60: {  	_ =	shalt  }
0x61: {  	_ =	shalt  }
0x62: {  	_ =	shalt  }
0x63: {  	_ =	shalt  }
0x64: {  	_ =	shalt  }
0x65: {  	_ =	shalt  }
0x66: {  	_ =	shalt  }
0x67: {  	_ =	shalt  }
0x68: {  	_ =	shalt  }
0x69: {  	_ =	shalt  }
0x6a: {  	_ =	shalt  }
0x6b: {  	_ =	shalt  }
0x6c: {  	_ =	shalt  }
0x6d: {  	_ =	shalt  }
0x6e: {  	_ =	shalt  }
0x6f: {  	_ =	shalt  }
0x70: {  	_ =	shalt  }
0x71: {  	_ =	shalt  }
0x72: {  	_ =	shalt  }
0x73: {  	_ =	shalt  }
0x74: {  	_ =	shalt  }
0x75: {  	_ =	shalt  }
0x76: {  	_ =	shalt  }
0x77: {  	_ =	shalt  }
0x78: {  	_ =	shalt  }
0x79: {  	_ =	shalt  }
0x7a: {  	_ =	shalt  }
0x7b: {  	_ =	shalt  }
0x7c: {  	_ =	shalt  }
0x7d: {  	_ =	shalt  }
0x7e: {  	_ =	shalt  }
0x7f: {  	_ =	shalt  }
0x80: {  	_ =	shalt  }
0x81: {  	_ =	shalt  }
0x82: {  	_ =	shalt  }
0x83: {  	_ =	shalt  }
0x84: {  	_ =	shalt  }
0x85: {  	_ =	shalt  }
0x86: {  	_ =	shalt  }
0x87: {  	_ =	shalt  }
.Lfunc_end0:
.L_simem_size_0:
called_computation.2_lowered:
.L_overlay_start_0:
0x88: {  	s2 =	sld [smem:$0x3FD9]  }
0x89: {  	s3 =	sld [smem:$0x3FFE];
	_ =	sdelay $0x1  }
0x8a: {  	s1 =	srdreg.scid  }
0x8b: {  	s0 =	sand.u32 $0x1, s1  }
0x8c: {  	s16 =	sshll.u32 s0, $0xA;
	s2 =	sadd.s32 s3, s2  }
0x8d: {  	s2 =	sadd.s32 s2, s16  }
0x8e: {  	[smem:$0x3FBD] =	sst s2  }
0x8f: {  	_ = 	snop  }
0x90: {  	(tm) =	ssettm $0x1  }
0x91: {  	s17 =	sld [smem:$0x3FFB];
	_ =	sdelay $0x3  }
0x92: {  	_ =	strace s17  }
0x93: {  	s2 =	sld [smem:$0x3FFC];
	_ =	sdelay $0x3  }
0x94: {  	_ =	strace s2  }
0x95: {  	s2 =	sld [smem:$0x3FFD];
	_ =	sdelay $0x3  }
0x96: {  	_ =	strace s2  }
0x97: {  	_ =	strace $0x8FFFFFFF  }
0x98: {  	s18 =	sld [smem:$0x3FDB];
	_ =	sdelay $0x1  }
0x99: {  	s19 =	simm.s32 $_scs_section_size  }
0x9a: {  	s4 =	simm.s32 $_size__tile_overlayer_lowered;
	s5 =	simm.s32 $_tile_overlayer_lowered  }
0x9b: {  	s22 =	simm.s32 $0x1BFF;
	s21 =	sshll.u32 s5, $0x1;
	s2 =	sadd.s32 s19, s18  }
0x9c: {  	s6 =	simm.s32 $0x0;
	s20 =	sshll.u32 s4, $0x1;
	s4 =	sadd.s32 s21, s2  }
0x9d: {  	[timem:s6], [sflag:s22] =	dma.local [hbm:s4], s20  }
0x9e: {  	_ =	swait.ge [sflag:s22], s20  }
0x9f: {  	s3 =	ssub.s32 $0x0, s20;
	[sflag:s22] =	ssyncset.done $0x0  }
0xa0: {  	[sflag:s22] =	ssyncadd.s32 s3;
	_ =	sdelay $0x1  }
0xa1: {  	s23 =	simm.s32 $0x1B8B  }
0xa2: {  	_ =	swait.ge [sflag:s23], $0x1  }
0xa3: {  	[sflag:s23] =	ssyncset.done $0x0  }
0xa4: {  	s25 =	simm.s32 $0x1B8E;
	s24 =	sld [smem:$0x3FFE];
	[sflag:s23] =	ssyncadd.s32 $0xFFFFFFFF  }
0xa5: {  	s26 =	simm.s32 $execute0_lowered;
	[smem:$0x3FD2] =	sst s25  }
0xa6: {  	s4 =	sshll.u32 s26, $0x1;
	_ =	strace $0x8000004C;
	[dreg:$0x1] =	wrdreg $0xFFFFFFFF  }
0xa7: {  	s28 =	simm.s32 $_size_execute0_lowered;
	s2 =	sadd.s32 s2, s4;
	[dreg:$0x0] =	wrdreg $0x0  }
0xa8: {  	s4 =	sshll.u32 s28, $0x1;
	[dreg:$0x2] =	wrdreg s2  }
0xa9: {  	[dreg:$0x3] =	wrdreg s4  }
0xaa: {  	[dreg:$0x4] =	wrdreg $0xC0  }
0xab: {  	_ =	task [dreg:s6], $0x5FFFF  }
0xac: {  	[dreg:$0x1] =	wrdreg $0xFFFFFFFF  }
0xad: {  	[dreg:$0x0] =	wrdreg $0x60  }
0xae: {  	[dreg:$0x2] =	wrdreg s24  }
0xaf: {  	[dreg:$0x3] =	wrdreg $0xA0000  }
0xb0: {  	[dreg:$0x4] =	wrdreg $0x9  }
0xb1: {  	_ =	task.clear_ibuf [dreg:s6], $0x5FFFF;
	_ =	strace $0x9000004C  }
0xb2: {  	s29 =	simm.s32 $0x9;
	_ =	strace $0x8000004E  }
0xb3: {  	_ =	swait.ge [sflag:s29], $0x1  }
0xb4: {  	[sflag:s29] =	ssyncadd.s32 $0xFFFFFFFF  }
0xb5: {  	_ =	strace $0x9000004E  }
0xb6: {  	_ =	sfence  }
0xb7: {  	s30 =	sld [smem:$0x0];
	_ =	sdelay $0x2  }
0xb8: {  	s31 =	sshll.u32 s1, $0xD;
	s1 =	sshrl.u32 s1, $0x2  }
0xb9: {  	s3 =	sand.u32 $0x4000, s31;
	s1 =	sadd.s32 s1, s30  }
0xba: {  	s0 =	sor.u32 s3, s0;
	s1 =	sshll.u32 s1, $0x11  }
0xbb: {  	s0 =	sor.u32 s1, s0  }
0xbc: {  	s0 =	sadd.s32 $0x8F2B, s0  }
0xbd: {  	[sflag:s0] =	ssyncadd.remote.s32 $0x1  }
0xbe: {  	_ =	sfence.sel $0xFFFF  }
0xbf: {  	[dreg:$0x0] =	wrdreg $0xFFFFFFFF;
	(pc) =	sbr.abs _section_cstart, $3  }
0xc0: {  	[dreg:$0x1] =	wrdreg $0xFFFFFFFF  }
0xc1: {  	_ =	task.clear_ibuf [dreg:s6], $0x2FFFF;
	_ =	strace $0x9FFFFFFF  }
0xc2: {  	(tm) =	ssettm $0x7FFFFFFF  }
0xc3: {  	_ =	shalt  }
tec
execute0_lowered:
.L_overlay_start_1:
0x0: {  	(tag) =	ssettag $0x1  }
0x1: {  	s0 =	rddreg [dreg:$0x0]  }
0x2: {  	s1 =	rddreg [dreg:$0x1];
	s3 =	simm.s32 $0x0;
	s10 =	stileid.u32  }
0x3: {  	s2 =	srdreg.scid;
	[smem:$0x7FF] =	sst s3  }
0x4: {  	s4 =	sadd.s32 $0x18C00, s0;
	s6 =	smul.u32 $0xA00, s10;
	s2 =	sand.u32 $0x1, s2  }
0x5: {  	s5 =	sadd.s32 $0x68C00, s0;
	s8 =	smul.u32 $0x50000, s10;
	s9 =	sadd.s32 $0x90C00, s0  }
0x6: {  	s29 =	smul.u32 $0x2800, s10;
	_ =	strace $0x8000004D;
	s7 =	ssub.s32 $0x2, s2  }
0x7: {  	[dreg:$0x3] =	wrdreg s9;
	s6 =	sadd.s32 s6, s0;
	s25 =	sshrl.u32 s7, $0x1  }
0x8: {  	s0 =	sadd.s32 $0xB8C00, s0;
	s28 =	sshrl.u32 s8, $0x2;
	[dreg:$0x6] =	wrdreg s29  }
0x9: {  	[dreg:$0x4] =	wrdreg s0;
	s26 =	ssub.s32 s7, s25;
	s30 =	sadd.s32 s28, s1  }
0xa: {  	s0 =	smax.u32 s26, $0x1;
	[dreg:$0x5] =	wrdreg s30  }
0xb: {  	s8 =	sadd.s32 $0x1000, s30;
	[dreg:$0x7] =	wrdreg s0  }
0xc: {  	s9 =	sadd.s32 $0x2000, s30;
	[dreg:$0x8] =	wrdreg s8  }
0xd: {  	s10 =	sadd.s32 $0x3000, s30;
	[dreg:$0x9] =	wrdreg s9  }
0xe: {  	s11 =	sadd.s32 $0x4000, s30;
	[dreg:$0xa] =	wrdreg s10  }
0xf: {  	s12 =	sadd.s32 $0x5000, s30;
	[dreg:$0xb] =	wrdreg s11  }
0x10: {  	s13 =	sadd.s32 $0x6000, s30;
	[dreg:$0xc] =	wrdreg s12  }
0x11: {  	s14 =	sadd.s32 $0x7000, s30;
	[dreg:$0xd] =	wrdreg s13  }
0x12: {  	s15 =	sadd.s32 $0x8000, s30;
	[dreg:$0xe] =	wrdreg s14  }
0x13: {  	s16 =	sadd.s32 $0x9000, s30;
	[dreg:$0xf] =	wrdreg s15  }
0x14: {  	s17 =	sadd.s32 $0xA000, s30;
	[dreg:$0x10] =	wrdreg s16  }
0x15: {  	s18 =	sadd.s32 $0xB000, s30;
	[dreg:$0x11] =	wrdreg s17  }
0x16: {  	s19 =	sadd.s32 $0xC000, s30;
	[dreg:$0x12] =	wrdreg s18  }
0x17: {  	s20 =	sadd.s32 $0xD000, s30;
	[dreg:$0x13] =	wrdreg s19  }
0x18: {  	s21 =	sadd.s32 $0xE000, s30;
	[dreg:$0x14] =	wrdreg s20  }
0x19: {  	s31 =	simm.s32 $0x100;
	s22 =	sadd.s32 $0xF000, s30;
	[dreg:$0x15] =	wrdreg s21  }
0x1a: {  	p0 =	sne.s32 s2, $0x0;
	s23 =	sadd.s32 $0x10000, s30;
	[dreg:$0x16] =	wrdreg s22  }
0x1b: {  	s2 =	simm.s32 $0x800;
	s26 =	sadd.s32 $0x11000, s30;
	[dreg:$0x17] =	wrdreg s23  }
.Ltmp0:
0x1c: {  	s28 =	sadd.s32 $0x12000, s30;
	[dreg:$0x18] =	wrdreg s26;
	(pc) =	sbr.rel .LBB2_1-.Ltmp0, $4  }
0x1d: {  	s24 =	sadd.s32 $0xEC00, s6;
	s29 =	sadd.s32 $0x13000, s30;
	[dreg:$0x19] =	wrdreg s28  }
0x1e: {  	s25 =	sadd.s32 $0x4C00, s6;
	s7 =	simm.s32 $0x3;
	[dreg:$0x1a] =	wrdreg s29  }
0x1f: {  	s9 =	simm.s32 $0x80;
	s10 =	simm.s32 $0x1000;
	s11 =	simm.s32 $0x1  }
0x20: {  	v0 =	vimm.f32 $0.0e+00;
	s12 =	simm.s32 $0x5000;
	s13 =	simm.s32 $0x2;
	s0 =	simm.s32 $0x0  }
.LBB2_9:
0x21: {  	s0 =	sadd.s32 s28, s25;
	[sflag:s7] =	ssyncadd.s32 $0xFFFFC000  }
0x22: {  	[tilespmem:s3], [sflag:$0x3] =	stream.linear.gather [hbm4b:s0+s3], $0x800, $0x38;
	[tilespmem:$0x1E000] =	vst v63  }
0x23: {  	_ =	swait.ge [sflag:s7], $0x800  }
0x24: {  	[sflag:s7] =	ssyncset.done $0x0  }
0x25: {  	s30 =	sadd.s32 s28, s24;
	[sflag:s7] =	ssyncadd.s32 $0xFFFFF800  }
0x26: {  	[tilespmem:s2], [sflag:$0x3] =	stream.linear.gather [hbm4b:s30+s3], $0x800, $0x38;
	[tilespmem:$0x1E000] =	vst v63  }
0x27: {  	_ =	swait.ge [sflag:s7], $0x800  }
0x28: {  	[sflag:s7] =	ssyncset.done $0x0  }
0x29: {  	[sflag:s7] =	ssyncadd.s32 $0xFFFFF800  }
0x2a: {  	[tilespmem:s10], [sflag:$0x1] =	stream.indirect.gather [hbm4b:s5+s9], $0x80, s3, s9, $0xb8;
	[tilespmem:$0x1E000] =	vst v63  }
0x2b: {  	_ =	swait.ge [sflag:s11], $0x4000  }
0x2c: {  	[sflag:s11] =	ssyncset.done $0x0  }
0x2d: {  	[sflag:s11] =	ssyncadd.s32 $0xFFFFC000  }
0x2e: {  	[tilespmem:s12], [sflag:$0x2] =	stream.indirect.gather [hbm4b:s5+s9], $0x80, s9, s9, $0xb8;
	[tilespmem:$0x1E000] =	vst v63  }
0x2f: {  	_ = 	snop  }
0x30: {  	[spmem:s1] =	stream.indirect.scatter.add.f32 [tilespmem:s10], [sflag:$0x3], $0x80, s2, s9, $0xb8;
	[tilespmem:$0x1E000] =	vst v63  }
0x31: {  	_ =	swait.ge [sflag:s7], $0x4000  }
0x32: {  	[sflag:s7] =	ssyncset.done $0x0  }
0x33: {  	[sflag:s7] =	ssyncadd.s32 $0xFFFFC000  }
0x34: {  	_ =	swait.ge [sflag:s13], $0x4000  }
0x35: {  	[sflag:s13] =	ssyncset.done $0x0  }
0x36: {  	[sflag:s13] =	ssyncadd.s32 $0xFFFFC000  }
0x37: {  	[tilespmem:s10], [sflag:$0x1] =	stream.indirect.gather [hbm4b:s5+s9], $0x80, s31, s9, $0xb8;
	[tilespmem:$0x1E000] =	vst v63  }
0x38: {  	_ = 	snop  }
0x39: {  	[spmem:s1] =	stream.indirect.scatter.add.f32 [tilespmem:s12], [sflag:$0x3], $0x80, s8, s9, $0xb8;
	[tilespmem:$0x1E000] =	vst v63  }
0x3a: {  	_ =	swait.ge [sflag:s7], $0x4000  }
0x3b: {  	[sflag:s7] =	ssyncset.done $0x0  }
0x3c: {  	[sflag:s7] =	ssyncadd.s32 $0xFFFFC000  }
0x3d: {  	_ =	swait.ge [sflag:s11], $0x4000  }
0x3e: {  	[sflag:s11] =	ssyncset.done $0x0  }
0x3f: {  	[sflag:s11] =	ssyncadd.s32 $0xFFFFC000  }
0x40: {  	[tilespmem:s12], [sflag:$0x2] =	stream.indirect.gather [hbm4b:s5+s9], $0x80, s6, s9, $0xb8;
	[tilespmem:$0x1E000] =	vst v63  }
0x41: {  	_ = 	snop  }
0x42: {  	[spmem:s1] =	stream.indirect.scatter.add.f32 [tilespmem:s10], [sflag:$0x3], $0x80, s14, s9, $0xb8;
	[tilespmem:$0x1E000] =	vst v63  }
0x43: {  	_ =	swait.ge [sflag:s7], $0x4000  }
0x44: {  	[sflag:s7] =	ssyncset.done $0x0  }
0x45: {  	[sflag:s7] =	ssyncadd.s32 $0xFFFFC000  }
0x46: {  	_ =	swait.ge [sflag:s13], $0x4000  }
0x47: {  	[sflag:s13] =	ssyncset.done $0x0  }
0x48: {  	[sflag:s13] =	ssyncadd.s32 $0xFFFFC000  }
0x49: {  	[tilespmem:s10], [sflag:$0x1] =	stream.indirect.gather [hbm4b:s5+s9], $0x80, s15, s9, $0xb8;
	[tilespmem:$0x1E000] =	vst v63  }
0x4a: {  	_ = 	snop  }
0x4b: {  	[spmem:s1] =	stream.indirect.scatter.add.f32 [tilespmem:s12], [sflag:$0x3], $0x80, s16, s9, $0xb8;
	[tilespmem:$0x1E000] =	vst v63  }
0x4c: {  	_ =	swait.ge [sflag:s7], $0x4000  }
0x4d: {  	[sflag:s7] =	ssyncset.done $0x0  }
0x4e: {  	[sflag:s7] =	ssyncadd.s32 $0xFFFFC000  }
0x4f: {  	_ =	swait.ge [sflag:s11], $0x4000  }
0x50: {  	[sflag:s11] =	ssyncset.done $0x0  }
0x51: {  	[sflag:s11] =	ssyncadd.s32 $0xFFFFC000  }
0x52: {  	[tilespmem:s12], [sflag:$0x2] =	stream.indirect.gather [hbm4b:s5+s9], $0x80, s17, s9, $0xb8;
	[tilespmem:$0x1E000] =	vst v63  }
0x53: {  	_ = 	snop  }
0x54: {  	[spmem:s1] =	stream.indirect.scatter.add.f32 [tilespmem:s10], [sflag:$0x3], $0x80, s18, s9, $0xb8;
	[tilespmem:$0x1E000] =	vst v63  }
0x55: {  	_ =	swait.ge [sflag:s7], $0x4000  }
0x56: {  	[sflag:s7] =	ssyncset.done $0x0  }
0x57: {  	[sflag:s7] =	ssyncadd.s32 $0xFFFFC000  }
0x58: {  	_ =	swait.ge [sflag:s13], $0x4000  }
0x59: {  	[sflag:s13] =	ssyncset.done $0x0  }
0x5a: {  	[sflag:s13] =	ssyncadd.s32 $0xFFFFC000  }
0x5b: {  	[tilespmem:s10], [sflag:$0x1] =	stream.indirect.gather [hbm4b:s5+s9], $0x80, s19, s9, $0xb8;
	[tilespmem:$0x1E000] =	vst v63  }
0x5c: {  	_ = 	snop  }
0x5d: {  	[spmem:s1] =	stream.indirect.scatter.add.f32 [tilespmem:s12], [sflag:$0x3], $0x80, s20, s9, $0xb8;
	[tilespmem:$0x1E000] =	vst v63  }
0x5e: {  	_ =	swait.ge [sflag:s7], $0x4000  }
0x5f: {  	[sflag:s7] =	ssyncset.done $0x0  }
0x60: {  	[sflag:s7] =	ssyncadd.s32 $0xFFFFC000  }
0x61: {  	_ =	swait.ge [sflag:s11], $0x4000  }
0x62: {  	[sflag:s11] =	ssyncset.done $0x0  }
0x63: {  	[sflag:s11] =	ssyncadd.s32 $0xFFFFC000  }
0x64: {  	[tilespmem:s12], [sflag:$0x2] =	stream.indirect.gather [hbm4b:s5+s9], $0x80, s21, s9, $0xb8;
	[tilespmem:$0x1E000] =	vst v63  }
0x65: {  	_ = 	snop  }
0x66: {  	[spmem:s1] =	stream.indirect.scatter.add.f32 [tilespmem:s10], [sflag:$0x3], $0x80, s22, s9, $0xb8;
	[tilespmem:$0x1E000] =	vst v63  }
0x67: {  	_ =	swait.ge [sflag:s7], $0x4000  }
0x68: {  	[sflag:s7] =	ssyncset.done $0x0  }
0x69: {  	[sflag:s7] =	ssyncadd.s32 $0xFFFFC000  }
0x6a: {  	_ =	swait.ge [sflag:s13], $0x4000  }
0x6b: {  	[sflag:s13] =	ssyncset.done $0x0  }
0x6c: {  	[sflag:s13] =	ssyncadd.s32 $0xFFFFC000  }
0x6d: {  	[tilespmem:s10], [sflag:$0x1] =	stream.indirect.gather [hbm4b:s5+s9], $0x80, s23, s9, $0xb8;
	[tilespmem:$0x1E000] =	vst v63  }
0x6e: {  	_ = 	snop  }
0x6f: {  	[spmem:s1] =	stream.indirect.scatter.add.f32 [tilespmem:s12], [sflag:$0x3], $0x80, s26, s9, $0xb8;
	[tilespmem:$0x1E000] =	vst v63  }
0x70: {  	_ =	swait.ge [sflag:s7], $0x4000  }
0x71: {  	[sflag:s7] =	ssyncset.done $0x0  }
0x72: {  	[sflag:s7] =	ssyncadd.s32 $0xFFFFC000  }
0x73: {  	_ =	swait.ge [sflag:s11], $0x4000  }
0x74: {  	[sflag:s11] =	ssyncset.done $0x0  }
0x75: {  	s6 =	simm.s32 $0x480;
	[sflag:s11] =	ssyncadd.s32 $0xFFFFC000  }
0x76: {  	[tilespmem:s12], [sflag:$0x2] =	stream.indirect.gather [hbm4b:s5+s9], $0x80, s6, s9, $0xb8;
	[tilespmem:$0x1E000] =	vst v63  }
0x77: {  	s8 =	simm.s32 $0xC00  }
0x78: {  	[spmem:s1] =	stream.indirect.scatter.add.f32 [tilespmem:s10], [sflag:$0x3], $0x80, s8, s9, $0xb8;
	[tilespmem:$0x1E000] =	vst v63  }
0x79: {  	_ =	swait.ge [sflag:s7], $0x4000  }
0x7a: {  	[sflag:s7] =	ssyncset.done $0x0  }
0x7b: {  	[sflag:s7] =	ssyncadd.s32 $0xFFFFC000  }
0x7c: {  	_ =	swait.ge [sflag:s13], $0x4000  }
0x7d: {  	[sflag:s13] =	ssyncset.done $0x0  }
0x7e: {  	s14 =	simm.s32 $0x500;
	[sflag:s13] =	ssyncadd.s32 $0xFFFFC000  }
0x7f: {  	[tilespmem:s10], [sflag:$0x1] =	stream.indirect.gather [hbm4b:s5+s9], $0x80, s14, s9, $0xb8;
	[tilespmem:$0x1E000] =	vst v63  }
0x80: {  	s15 =	simm.s32 $0xC80  }
0x81: {  	[spmem:s1] =	stream.indirect.scatter.add.f32 [tilespmem:s12], [sflag:$0x3], $0x80, s15, s9, $0xb8;
	[tilespmem:$0x1E000] =	vst v63  }
0x82: {  	_ =	swait.ge [sflag:s7], $0x4000  }
0x83: {  	[sflag:s7] =	ssyncset.done $0x0  }
0x84: {  	[sflag:s7] =	ssyncadd.s32 $0xFFFFC000  }
0x85: {  	_ =	swait.ge [sflag:s11], $0x4000  }
0x86: {  	[sflag:s11] =	ssyncset.done $0x0  }
0x87: {  	s16 =	simm.s32 $0x580;
	[sflag:s11] =	ssyncadd.s32 $0xFFFFC000  }
0x88: {  	[tilespmem:s12], [sflag:$0x2] =	stream.indirect.gather [hbm4b:s5+s9], $0x80, s16, s9, $0xb8;
	[tilespmem:$0x1E000] =	vst v63  }
0x89: {  	s17 =	simm.s32 $0xD00  }
0x8a: {  	[spmem:s1] =	stream.indirect.scatter.add.f32 [tilespmem:s10], [sflag:$0x3], $0x80, s17, s9, $0xb8;
	[tilespmem:$0x1E000] =	vst v63  }
0x8b: {  	_ =	swait.ge [sflag:s7], $0x4000  }
0x8c: {  	[sflag:s7] =	ssyncset.done $0x0  }
0x8d: {  	[sflag:s7] =	ssyncadd.s32 $0xFFFFC000  }
0x8e: {  	_ =	swait.ge [sflag:s13], $0x4000  }
0x8f: {  	[sflag:s13] =	ssyncset.done $0x0  }
0x90: {  	s18 =	simm.s32 $0x600;
	[sflag:s13] =	ssyncadd.s32 $0xFFFFC000  }
0x91: {  	[tilespmem:s10], [sflag:$0x1] =	stream.indirect.gather [hbm4b:s5+s9], $0x80, s18, s9, $0xb8;
	[tilespmem:$0x1E000] =	vst v63  }
0x92: {  	s19 =	simm.s32 $0xD80  }
0x93: {  	[spmem:s1] =	stream.indirect.scatter.add.f32 [tilespmem:s12], [sflag:$0x3], $0x80, s19, s9, $0xb8;
	[tilespmem:$0x1E000] =	vst v63  }
0x94: {  	_ =	swait.ge [sflag:s7], $0x4000  }
0x95: {  	[sflag:s7] =	ssyncset.done $0x0  }
0x96: {  	[sflag:s7] =	ssyncadd.s32 $0xFFFFC000  }
0x97: {  	_ =	swait.ge [sflag:s11], $0x4000  }
0x98: {  	[sflag:s11] =	ssyncset.done $0x0  }
0x99: {  	s20 =	simm.s32 $0x680;
	[sflag:s11] =	ssyncadd.s32 $0xFFFFC000  }
0x9a: {  	[tilespmem:s12], [sflag:$0x2] =	stream.indirect.gather [hbm4b:s5+s9], $0x80, s20, s9, $0xb8;
	[tilespmem:$0x1E000] =	vst v63  }
0x9b: {  	s21 =	simm.s32 $0xE00  }
0x9c: {  	[spmem:s1] =	stream.indirect.scatter.add.f32 [tilespmem:s10], [sflag:$0x3], $0x80, s21, s9, $0xb8;
	[tilespmem:$0x1E000] =	vst v63  }
0x9d: {  	_ =	swait.ge [sflag:s7], $0x4000  }
0x9e: {  	[sflag:s7] =	ssyncset.done $0x0  }
0x9f: {  	[sflag:s7] =	ssyncadd.s32 $0xFFFFC000  }
0xa0: {  	_ =	swait.ge [sflag:s13], $0x4000  }
0xa1: {  	[sflag:s13] =	ssyncset.done $0x0  }
0xa2: {  	s22 =	simm.s32 $0x700;
	[sflag:s13] =	ssyncadd.s32 $0xFFFFC000  }
0xa3: {  	[tilespmem:s10], [sflag:$0x1] =	stream.indirect.gather [hbm4b:s5+s9], $0x80, s22, s9, $0xb8;
	[tilespmem:$0x1E000] =	vst v63  }
0xa4: {  	s23 =	simm.s32 $0xE80  }
0xa5: {  	[spmem:s1] =	stream.indirect.scatter.add.f32 [tilespmem:s12], [sflag:$0x3], $0x80, s23, s9, $0xb8;
	[tilespmem:$0x1E000] =	vst v63  }
0xa6: {  	_ =	swait.ge [sflag:s7], $0x4000  }
0xa7: {  	[sflag:s7] =	ssyncset.done $0x0  }
0xa8: {  	[sflag:s7] =	ssyncadd.s32 $0xFFFFC000  }
0xa9: {  	_ =	swait.ge [sflag:s11], $0x4000  }
0xaa: {  	[sflag:s11] =	ssyncset.done $0x0  }
0xab: {  	s26 =	simm.s32 $0x780;
	[sflag:s11] =	ssyncadd.s32 $0xFFFFC000  }
0xac: {  	[tilespmem:s12], [sflag:$0x2] =	stream.indirect.gather [hbm4b:s5+s9], $0x80, s26, s9, $0xb8;
	[tilespmem:$0x1E000] =	vst v63  }
0xad: {  	s29 =	simm.s32 $0xF00  }
0xae: {  	[spmem:s1] =	stream.indirect.scatter.add.f32 [tilespmem:s10], [sflag:$0x3], $0x80, s29, s9, $0xb8;
	[tilespmem:$0x1E000] =	vst v63  }
0xaf: {  	_ =	swait.ge [sflag:s7], $0x4000  }
0xb0: {  	[sflag:s7] =	ssyncset.done $0x0  }
0xb1: {  	[sflag:s7] =	ssyncadd.s32 $0xFFFFC000  }
0xb2: {  	_ =	swait.ge [sflag:s13], $0x4000  }
0xb3: {  	[sflag:s13] =	ssyncset.done $0x0  }
0xb4: {  	s30 =	simm.s32 $0xF80;
	[sflag:s13] =	ssyncadd.s32 $0xFFFFC000  }
0xb5: {  	[spmem:s1] =	stream.indirect.scatter.add.f32 [tilespmem:s12], [sflag:$0x3], $0x80, s30, s9, $0xb8;
	[tilespmem:$0x1E000] =	vst v63  }
0xb6: {  	_ =	swait.ge [sflag:s7], $0x4000  }
0xb7: {  	[sflag:s7] =	ssyncset.done $0x0;
	s28 =	rddreg [dreg:$0x4]  }
0xb8: {  	s6 =	rddreg [dreg:$0x1b];
	[sflag:s7] =	ssyncadd.s32 $0xFFFFC000  }
.LBB2_10:
0xb9: {  	s0 =	rddreg [dreg:$0x6];
	s26 =	stileid.u32;
	[bflag:$0x0] =	sbarrier.arrive $0xFFFF  }
0xba: {  	s0 =	sadd.s32 s28, s0;
	s28 =	sshll.u32 s26, $0x6;
	s30 =	rddreg [dreg:$0x5]  }
0xbb: {  	s28 =	sor.u32 $0x1C03, s28;
	s29 =	sshrl.u32 s30, $0x3  }
0xbc: {  	[hbm:s0], [sflag:s28] =	dma.local [spmem:s29], $0x2800  }
0xbd: {  	_ =	swait.ge [sflag:s7], $0x2800  }
0xbe: {  	s6 =	sadd.s32 $0x1, s6;
	s29 =	rddreg [dreg:$0x7]  }
0xbf: {  	p1 =	sne.s32 s6, s29  }
.Ltmp1:
0xc0: {  	_ = 	snop;
	(pc) =	sbr.rel @!p1 .LBB2_11-.Ltmp1, $3  }
0xc1: {  	_ =	sdelay $0x1  }
0xc2: {  	[sflag:s7] =	ssyncset.done $0x0  }
0xc3: {  	s0 =	smov.u32 s6;
	[sflag:s7] =	ssyncadd.s32 $0xFFFFD800  }
.LBB2_1:
0xc4: {  	s28 =	simm.s32 $0x0;
	s29 =	simm.s32 $0x200  }
.LBB2_2:
0xc5: {  	p1 =	sne.s32 s29, $0x3E00;
	[tilespmem:s28+$0x9070] =	vst v0  }
0xc6: {  	[tilespmem:s28+$0x9000] =	vst v0  }
0xc7: {  	[tilespmem:s28+$0x9010] =	vst v0  }
.Ltmp2:
0xc8: {  	[tilespmem:s28+$0x9020] =	vst v0;
	(pc) =	sbr.rel @p1 .LBB2_2-.Ltmp2, $4  }
0xc9: {  	[tilespmem:s28+$0x9030] =	vst v0  }
0xca: {  	[tilespmem:s28+$0x9040] =	vst v0  }
0xcb: {  	[tilespmem:s28+$0x9050] =	vst v0  }
0xcc: {  	[tilespmem:s28+$0x9060] =	vst v0;
	s28 =	sshra.s32 s29, $0x2;
	s29 =	sadd.s32 $0x200, s29  }
0xcd: {  	[tilespmem:s28+$0x9070] =	vst v0  }
0xce: {  	[tilespmem:s28+$0x9000] =	vst v0  }
0xcf: {  	[tilespmem:s28+$0x9010] =	vst v0  }
0xd0: {  	[tilespmem:s28+$0x9020] =	vst v0  }
0xd1: {  	[tilespmem:s28+$0x9030] =	vst v0  }
0xd2: {  	[tilespmem:s28+$0x9040] =	vst v0  }
0xd3: {  	[tilespmem:s28+$0x9050] =	vst v0  }
0xd4: {  	[dreg:$0x1b] =	wrdreg s0;
	[tilespmem:s28+$0x9060] =	vst v0;
	s28 =	simm.s32 $0x9000  }
0xd5: {  	[spmem:s30] =	stream.linear.scatter [tilespmem:s28], [sflag:$0x3], $0x1000, $0x38;
	[tilespmem:$0x1E000] =	vst v63  }
0xd6: {  	_ =	swait.ge [sflag:s7], $0x1000  }
0xd7: {  	[sflag:s7] =	ssyncset.done $0x0  }
0xd8: {  	s23 =	rddreg [dreg:$0x8];
	[sflag:s7] =	ssyncadd.s32 $0xFFFFF000  }
0xd9: {  	[spmem:s23] =	stream.linear.scatter [tilespmem:s28], [sflag:$0x3], $0x1000, $0x38;
	[tilespmem:$0x1E000] =	vst v63  }
0xda: {  	_ =	swait.ge [sflag:s7], $0x1000  }
0xdb: {  	[sflag:s7] =	ssyncset.done $0x0  }
0xdc: {  	s26 =	rddreg [dreg:$0x9];
	[sflag:s7] =	ssyncadd.s32 $0xFFFFF000  }
0xdd: {  	[spmem:s26] =	stream.linear.scatter [tilespmem:s28], [sflag:$0x3], $0x1000, $0x38;
	[tilespmem:$0x1E000] =	vst v63  }
0xde: {  	_ =	swait.ge [sflag:s7], $0x1000  }
0xdf: {  	[sflag:s7] =	ssyncset.done $0x0  }
0xe0: {  	s29 =	rddreg [dreg:$0xa];
	[sflag:s7] =	ssyncadd.s32 $0xFFFFF000  }
0xe1: {  	[spmem:s29] =	stream.linear.scatter [tilespmem:s28], [sflag:$0x3], $0x1000, $0x38;
	[tilespmem:$0x1E000] =	vst v63  }
0xe2: {  	_ =	swait.ge [sflag:s7], $0x1000  }
0xe3: {  	[sflag:s7] =	ssyncset.done $0x0  }
0xe4: {  	s30 =	rddreg [dreg:$0xb];
	[sflag:s7] =	ssyncadd.s32 $0xFFFFF000  }
0xe5: {  	[spmem:s30] =	stream.linear.scatter [tilespmem:s28], [sflag:$0x3], $0x1000, $0x38;
	[tilespmem:$0x1E000] =	vst v63  }
0xe6: {  	_ =	swait.ge [sflag:s7], $0x1000  }
0xe7: {  	[sflag:s7] =	ssyncset.done $0x0  }
0xe8: {  	s6 =	rddreg [dreg:$0xc];
	[sflag:s7] =	ssyncadd.s32 $0xFFFFF000  }
0xe9: {  	[spmem:s6] =	stream.linear.scatter [tilespmem:s28], [sflag:$0x3], $0x1000, $0x38;
	[tilespmem:$0x1E000] =	vst v63  }
0xea: {  	_ =	swait.ge [sflag:s7], $0x1000  }
0xeb: {  	[sflag:s7] =	ssyncset.done $0x0  }
0xec: {  	s8 =	rddreg [dreg:$0xd];
	[sflag:s7] =	ssyncadd.s32 $0xFFFFF000  }
0xed: {  	[spmem:s8] =	stream.linear.scatter [tilespmem:s28], [sflag:$0x3], $0x1000, $0x38;
	[tilespmem:$0x1E000] =	vst v63  }
0xee: {  	_ =	swait.ge [sflag:s7], $0x1000  }
0xef: {  	[sflag:s7] =	ssyncset.done $0x0  }
0xf0: {  	s14 =	rddreg [dreg:$0xe];
	[sflag:s7] =	ssyncadd.s32 $0xFFFFF000  }
0xf1: {  	[spmem:s14] =	stream.linear.scatter [tilespmem:s28], [sflag:$0x3], $0x1000, $0x38;
	[tilespmem:$0x1E000] =	vst v63  }
0xf2: {  	_ =	swait.ge [sflag:s7], $0x1000  }
0xf3: {  	[sflag:s7] =	ssyncset.done $0x0  }
0xf4: {  	s15 =	rddreg [dreg:$0xf];
	[sflag:s7] =	ssyncadd.s32 $0xFFFFF000  }
0xf5: {  	[spmem:s15] =	stream.linear.scatter [tilespmem:s28], [sflag:$0x3], $0x1000, $0x38;
	[tilespmem:$0x1E000] =	vst v63  }
0xf6: {  	_ =	swait.ge [sflag:s7], $0x1000  }
0xf7: {  	[sflag:s7] =	ssyncset.done $0x0  }
0xf8: {  	s16 =	rddreg [dreg:$0x10];
	[sflag:s7] =	ssyncadd.s32 $0xFFFFF000  }
0xf9: {  	[spmem:s16] =	stream.linear.scatter [tilespmem:s28], [sflag:$0x3], $0x1000, $0x38;
	[tilespmem:$0x1E000] =	vst v63  }
0xfa: {  	_ =	swait.ge [sflag:s7], $0x1000  }
0xfb: {  	[sflag:s7] =	ssyncset.done $0x0  }
0xfc: {  	s17 =	rddreg [dreg:$0x11];
	[sflag:s7] =	ssyncadd.s32 $0xFFFFF000  }
0xfd: {  	[spmem:s17] =	stream.linear.scatter [tilespmem:s28], [sflag:$0x3], $0x1000, $0x38;
	[tilespmem:$0x1E000] =	vst v63  }
0xfe: {  	_ =	swait.ge [sflag:s7], $0x1000  }
0xff: {  	[sflag:s7] =	ssyncset.done $0x0  }
0x100: {  	s18 =	rddreg [dreg:$0x12];
	[sflag:s7] =	ssyncadd.s32 $0xFFFFF000  }
0x101: {  	[spmem:s18] =	stream.linear.scatter [tilespmem:s28], [sflag:$0x3], $0x1000, $0x38;
	[tilespmem:$0x1E000] =	vst v63  }
0x102: {  	_ =	swait.ge [sflag:s7], $0x1000  }
0x103: {  	[sflag:s7] =	ssyncset.done $0x0  }
0x104: {  	s19 =	rddreg [dreg:$0x13];
	[sflag:s7] =	ssyncadd.s32 $0xFFFFF000  }
0x105: {  	[spmem:s19] =	stream.linear.scatter [tilespmem:s28], [sflag:$0x3], $0x1000, $0x38;
	[tilespmem:$0x1E000] =	vst v63  }
0x106: {  	_ =	swait.ge [sflag:s7], $0x1000  }
0x107: {  	[sflag:s7] =	ssyncset.done $0x0  }
0x108: {  	s20 =	rddreg [dreg:$0x14];
	[sflag:s7] =	ssyncadd.s32 $0xFFFFF000  }
0x109: {  	[spmem:s20] =	stream.linear.scatter [tilespmem:s28], [sflag:$0x3], $0x1000, $0x38;
	[tilespmem:$0x1E000] =	vst v63  }
0x10a: {  	_ =	swait.ge [sflag:s7], $0x1000  }
0x10b: {  	[sflag:s7] =	ssyncset.done $0x0  }
0x10c: {  	s21 =	rddreg [dreg:$0x15];
	[sflag:s7] =	ssyncadd.s32 $0xFFFFF000  }
0x10d: {  	[spmem:s21] =	stream.linear.scatter [tilespmem:s28], [sflag:$0x3], $0x1000, $0x38;
	[tilespmem:$0x1E000] =	vst v63  }
0x10e: {  	_ =	swait.ge [sflag:s7], $0x1000  }
0x10f: {  	[sflag:s7] =	ssyncset.done $0x0  }
0x110: {  	s22 =	rddreg [dreg:$0x16];
	[sflag:s7] =	ssyncadd.s32 $0xFFFFF000  }
0x111: {  	[spmem:s22] =	stream.linear.scatter [tilespmem:s28], [sflag:$0x3], $0x1000, $0x38;
	[tilespmem:$0x1E000] =	vst v63  }
0x112: {  	_ =	swait.ge [sflag:s7], $0x1000  }
0x113: {  	[sflag:s7] =	ssyncset.done $0x0  }
0x114: {  	s23 =	rddreg [dreg:$0x17];
	[sflag:s7] =	ssyncadd.s32 $0xFFFFF000  }
0x115: {  	[spmem:s23] =	stream.linear.scatter [tilespmem:s28], [sflag:$0x3], $0x1000, $0x38;
	[tilespmem:$0x1E000] =	vst v63  }
0x116: {  	_ =	swait.ge [sflag:s7], $0x1000  }
0x117: {  	[sflag:s7] =	ssyncset.done $0x0  }
0x118: {  	s26 =	rddreg [dreg:$0x18];
	[sflag:s7] =	ssyncadd.s32 $0xFFFFF000  }
0x119: {  	[spmem:s26] =	stream.linear.scatter [tilespmem:s28], [sflag:$0x3], $0x1000, $0x38;
	[tilespmem:$0x1E000] =	vst v63  }
0x11a: {  	_ =	swait.ge [sflag:s7], $0x1000  }
0x11b: {  	[sflag:s7] =	ssyncset.done $0x0  }
0x11c: {  	s29 =	rddreg [dreg:$0x19];
	[sflag:s7] =	ssyncadd.s32 $0xFFFFF000  }
0x11d: {  	[spmem:s29] =	stream.linear.scatter [tilespmem:s28], [sflag:$0x3], $0x1000, $0x38;
	[tilespmem:$0x1E000] =	vst v63  }
0x11e: {  	_ =	swait.ge [sflag:s7], $0x1000  }
0x11f: {  	[sflag:s7] =	ssyncset.done $0x0  }
0x120: {  	s30 =	rddreg [dreg:$0x1a];
	[sflag:s7] =	ssyncadd.s32 $0xFFFFF000  }
0x121: {  	[spmem:s30] =	stream.linear.scatter [tilespmem:s28], [sflag:$0x3], $0x1000, $0x38;
	[tilespmem:$0x1E000] =	vst v63  }
.Ltmp3:
0x122: {  	_ =	swait.ge [sflag:s7], $0x1000;
	(pc) =	sbr.rel @p0 .LBB2_7-.Ltmp3, $3  }
0x123: {  	[sflag:s7] =	ssyncset.done $0x0  }
0x124: {  	[sflag:s7] =	ssyncadd.s32 $0xFFFFF000  }
0x125: {  	[bflag:$0x0] =	sbarrier.arrive $0xFFFF;
	_ =	sdelay $0x1  }
0x126: {  	s28 =	sadd.s32 $0x0, s25  }
0x127: {  	[tilespmem:s3], [sflag:$0x3] =	stream.linear.gather [hbm4b:s28+s3], $0x800, $0x38;
	[tilespmem:$0x1E000] =	vst v63  }
0x128: {  	_ =	swait.ge [sflag:s7], $0x800  }
0x129: {  	[sflag:s7] =	ssyncset.done $0x0  }
0x12a: {  	s28 =	sadd.s32 $0x0, s24;
	[sflag:s7] =	ssyncadd.s32 $0xFFFFF800  }
0x12b: {  	[tilespmem:s2], [sflag:$0x3] =	stream.linear.gather [hbm4b:s28+s3], $0x800, $0x38;
	[tilespmem:$0x1E000] =	vst v63  }
0x12c: {  	_ =	swait.ge [sflag:s7], $0x800  }
0x12d: {  	[sflag:s7] =	ssyncset.done $0x0  }
0x12e: {  	[sflag:s7] =	ssyncadd.s32 $0xFFFFF800  }
0x12f: {  	[tilespmem:s10], [sflag:$0x1] =	stream.indirect.gather [hbm4b:s4+s9], $0x80, s3, s9, $0xb8;
	[tilespmem:$0x1E000] =	vst v63  }
0x130: {  	_ =	swait.ge [sflag:s11], $0x4000  }
0x131: {  	[sflag:s11] =	ssyncset.done $0x0  }
0x132: {  	[sflag:s11] =	ssyncadd.s32 $0xFFFFC000  }
0x133: {  	[tilespmem:s12], [sflag:$0x2] =	stream.indirect.gather [hbm4b:s4+s9], $0x80, s9, s9, $0xb8;
	[tilespmem:$0x1E000] =	vst v63  }
0x134: {  	_ = 	snop  }
0x135: {  	[spmem:s1] =	stream.indirect.scatter.add.f32 [tilespmem:s10], [sflag:$0x3], $0x80, s2, s9, $0xb8;
	[tilespmem:$0x1E000] =	vst v63  }
0x136: {  	_ =	swait.ge [sflag:s7], $0x4000  }
0x137: {  	[sflag:s7] =	ssyncset.done $0x0  }
0x138: {  	[sflag:s7] =	ssyncadd.s32 $0xFFFFC000  }
0x139: {  	_ =	swait.ge [sflag:s13], $0x4000  }
0x13a: {  	[sflag:s13] =	ssyncset.done $0x0  }
0x13b: {  	[sflag:s13] =	ssyncadd.s32 $0xFFFFC000  }
0x13c: {  	[tilespmem:s10], [sflag:$0x1] =	stream.indirect.gather [hbm4b:s4+s9], $0x80, s31, s9, $0xb8;
	[tilespmem:$0x1E000] =	vst v63  }
0x13d: {  	s8 =	simm.s32 $0x880  }
0x13e: {  	[spmem:s1] =	stream.indirect.scatter.add.f32 [tilespmem:s12], [sflag:$0x3], $0x80, s8, s9, $0xb8;
	[tilespmem:$0x1E000] =	vst v63  }
0x13f: {  	_ =	swait.ge [sflag:s7], $0x4000  }
0x140: {  	[sflag:s7] =	ssyncset.done $0x0  }
0x141: {  	[sflag:s7] =	ssyncadd.s32 $0xFFFFC000  }
0x142: {  	_ =	swait.ge [sflag:s11], $0x4000  }
0x143: {  	[sflag:s11] =	ssyncset.done $0x0  }
0x144: {  	s6 =	simm.s32 $0x180;
	[sflag:s11] =	ssyncadd.s32 $0xFFFFC000  }
0x145: {  	[tilespmem:s12], [sflag:$0x2] =	stream.indirect.gather [hbm4b:s4+s9], $0x80, s6, s9, $0xb8;
	[tilespmem:$0x1E000] =	vst v63  }
0x146: {  	s14 =	simm.s32 $0x900  }
0x147: {  	[spmem:s1] =	stream.indirect.scatter.add.f32 [tilespmem:s10], [sflag:$0x3], $0x80, s14, s9, $0xb8;
	[tilespmem:$0x1E000] =	vst v63  }
0x148: {  	_ =	swait.ge [sflag:s7], $0x4000  }
0x149: {  	[sflag:s7] =	ssyncset.done $0x0  }
0x14a: {  	[sflag:s7] =	ssyncadd.s32 $0xFFFFC000  }
0x14b: {  	_ =	swait.ge [sflag:s13], $0x4000  }
0x14c: {  	[sflag:s13] =	ssyncset.done $0x0  }
0x14d: {  	s15 =	simm.s32 $0x200;
	[sflag:s13] =	ssyncadd.s32 $0xFFFFC000  }
0x14e: {  	[tilespmem:s10], [sflag:$0x1] =	stream.indirect.gather [hbm4b:s4+s9], $0x80, s15, s9, $0xb8;
	[tilespmem:$0x1E000] =	vst v63  }
0x14f: {  	s16 =	simm.s32 $0x980  }
0x150: {  	[spmem:s1] =	stream.indirect.scatter.add.f32 [tilespmem:s12], [sflag:$0x3], $0x80, s16, s9, $0xb8;
	[tilespmem:$0x1E000] =	vst v63  }
0x151: {  	_ =	swait.ge [sflag:s7], $0x4000  }
0x152: {  	[sflag:s7] =	ssyncset.done $0x0  }
0x153: {  	[sflag:s7] =	ssyncadd.s32 $0xFFFFC000  }
0x154: {  	_ =	swait.ge [sflag:s11], $0x4000  }
0x155: {  	[sflag:s11] =	ssyncset.done $0x0  }
0x156: {  	s17 =	simm.s32 $0x280;
	[sflag:s11] =	ssyncadd.s32 $0xFFFFC000  }
0x157: {  	[tilespmem:s12], [sflag:$0x2] =	stream.indirect.gather [hbm4b:s4+s9], $0x80, s17, s9, $0xb8;
	[tilespmem:$0x1E000] =	vst v63  }
0x158: {  	s18 =	simm.s32 $0xA00  }
0x159: {  	[spmem:s1] =	stream.indirect.scatter.add.f32 [tilespmem:s10], [sflag:$0x3], $0x80, s18, s9, $0xb8;
	[tilespmem:$0x1E000] =	vst v63  }
0x15a: {  	_ =	swait.ge [sflag:s7], $0x4000  }
0x15b: {  	[sflag:s7] =	ssyncset.done $0x0  }
0x15c: {  	[sflag:s7] =	ssyncadd.s32 $0xFFFFC000  }
0x15d: {  	_ =	swait.ge [sflag:s13], $0x4000  }
0x15e: {  	[sflag:s13] =	ssyncset.done $0x0  }
0x15f: {  	s19 =	simm.s32 $0x300;
	[sflag:s13] =	ssyncadd.s32 $0xFFFFC000  }
0x160: {  	[tilespmem:s10], [sflag:$0x1] =	stream.indirect.gather [hbm4b:s4+s9], $0x80, s19, s9, $0xb8;
	[tilespmem:$0x1E000] =	vst v63  }
0x161: {  	s20 =	simm.s32 $0xA80  }
0x162: {  	[spmem:s1] =	stream.indirect.scatter.add.f32 [tilespmem:s12], [sflag:$0x3], $0x80, s20, s9, $0xb8;
	[tilespmem:$0x1E000] =	vst v63  }
0x163: {  	_ =	swait.ge [sflag:s7], $0x4000  }
0x164: {  	[sflag:s7] =	ssyncset.done $0x0  }
0x165: {  	[sflag:s7] =	ssyncadd.s32 $0xFFFFC000  }
0x166: {  	_ =	swait.ge [sflag:s11], $0x4000  }
0x167: {  	[sflag:s11] =	ssyncset.done $0x0  }
0x168: {  	s21 =	simm.s32 $0x380;
	[sflag:s11] =	ssyncadd.s32 $0xFFFFC000  }
0x169: {  	[tilespmem:s12], [sflag:$0x2] =	stream.indirect.gather [hbm4b:s4+s9], $0x80, s21, s9, $0xb8;
	[tilespmem:$0x1E000] =	vst v63  }
0x16a: {  	s22 =	simm.s32 $0xB00  }
0x16b: {  	[spmem:s1] =	stream.indirect.scatter.add.f32 [tilespmem:s10], [sflag:$0x3], $0x80, s22, s9, $0xb8;
	[tilespmem:$0x1E000] =	vst v63  }
0x16c: {  	_ =	swait.ge [sflag:s7], $0x4000  }
0x16d: {  	[sflag:s7] =	ssyncset.done $0x0  }
0x16e: {  	[sflag:s7] =	ssyncadd.s32 $0xFFFFC000  }
0x16f: {  	_ =	swait.ge [sflag:s13], $0x4000  }
0x170: {  	[sflag:s13] =	ssyncset.done $0x0  }
0x171: {  	s23 =	simm.s32 $0x400;
	[sflag:s13] =	ssyncadd.s32 $0xFFFFC000  }
0x172: {  	[tilespmem:s10], [sflag:$0x1] =	stream.indirect.gather [hbm4b:s4+s9], $0x80, s23, s9, $0xb8;
	[tilespmem:$0x1E000] =	vst v63  }
0x173: {  	s26 =	simm.s32 $0xB80  }
0x174: {  	[spmem:s1] =	stream.indirect.scatter.add.f32 [tilespmem:s12], [sflag:$0x3], $0x80, s26, s9, $0xb8;
	[tilespmem:$0x1E000] =	vst v63  }
0x175: {  	_ =	swait.ge [sflag:s7], $0x4000  }
0x176: {  	[sflag:s7] =	ssyncset.done $0x0  }
0x177: {  	[sflag:s7] =	ssyncadd.s32 $0xFFFFC000  }
0x178: {  	_ =	swait.ge [sflag:s11], $0x4000  }
0x179: {  	[sflag:s11] =	ssyncset.done $0x0  }
0x17a: {  	s0 =	simm.s32 $0x480;
	[sflag:s11] =	ssyncadd.s32 $0xFFFFC000  }
0x17b: {  	[tilespmem:s12], [sflag:$0x2] =	stream.indirect.gather [hbm4b:s4+s9], $0x80, s0, s9, $0xb8;
	[tilespmem:$0x1E000] =	vst v63  }
0x17c: {  	s30 =	simm.s32 $0xC00  }
0x17d: {  	[spmem:s1] =	stream.indirect.scatter.add.f32 [tilespmem:s10], [sflag:$0x3], $0x80, s30, s9, $0xb8;
	[tilespmem:$0x1E000] =	vst v63  }
0x17e: {  	_ =	swait.ge [sflag:s7], $0x4000  }
0x17f: {  	[sflag:s7] =	ssyncset.done $0x0  }
0x180: {  	[sflag:s7] =	ssyncadd.s32 $0xFFFFC000  }
0x181: {  	_ =	swait.ge [sflag:s13], $0x4000  }
0x182: {  	[sflag:s13] =	ssyncset.done $0x0  }
0x183: {  	s31 =	simm.s32 $0x500;
	[sflag:s13] =	ssyncadd.s32 $0xFFFFC000  }
0x184: {  	[tilespmem:s10], [sflag:$0x1] =	stream.indirect.gather [hbm4b:s4+s9], $0x80, s31, s9, $0xb8;
	[tilespmem:$0x1E000] =	vst v63  }
0x185: {  	s30 =	simm.s32 $0xC80  }
0x186: {  	[spmem:s1] =	stream.indirect.scatter.add.f32 [tilespmem:s12], [sflag:$0x3], $0x80, s30, s9, $0xb8;
	[tilespmem:$0x1E000] =	vst v63  }
0x187: {  	_ =	swait.ge [sflag:s7], $0x4000  }
0x188: {  	[sflag:s7] =	ssyncset.done $0x0  }
0x189: {  	[sflag:s7] =	ssyncadd.s32 $0xFFFFC000  }
0x18a: {  	_ =	swait.ge [sflag:s11], $0x4000  }
0x18b: {  	[sflag:s11] =	ssyncset.done $0x0  }
0x18c: {  	s31 =	simm.s32 $0x580;
	[sflag:s11] =	ssyncadd.s32 $0xFFFFC000  }
0x18d: {  	[tilespmem:s12], [sflag:$0x2] =	stream.indirect.gather [hbm4b:s4+s9], $0x80, s31, s9, $0xb8;
	[tilespmem:$0x1E000] =	vst v63  }
0x18e: {  	s30 =	simm.s32 $0xD00  }
0x18f: {  	[spmem:s1] =	stream.indirect.scatter.add.f32 [tilespmem:s10], [sflag:$0x3], $0x80, s30, s9, $0xb8;
	[tilespmem:$0x1E000] =	vst v63  }
0x190: {  	_ =	swait.ge [sflag:s7], $0x4000  }
0x191: {  	[sflag:s7] =	ssyncset.done $0x0  }
0x192: {  	[sflag:s7] =	ssyncadd.s32 $0xFFFFC000  }
0x193: {  	_ =	swait.ge [sflag:s13], $0x4000  }
0x194: {  	[sflag:s13] =	ssyncset.done $0x0  }
0x195: {  	s31 =	simm.s32 $0x600;
	[sflag:s13] =	ssyncadd.s32 $0xFFFFC000  }
0x196: {  	[tilespmem:s10], [sflag:$0x1] =	stream.indirect.gather [hbm4b:s4+s9], $0x80, s31, s9, $0xb8;
	[tilespmem:$0x1E000] =	vst v63  }
0x197: {  	s30 =	simm.s32 $0xD80  }
0x198: {  	[spmem:s1] =	stream.indirect.scatter.add.f32 [tilespmem:s12], [sflag:$0x3], $0x80, s30, s9, $0xb8;
	[tilespmem:$0x1E000] =	vst v63  }
0x199: {  	_ =	swait.ge [sflag:s7], $0x4000  }
0x19a: {  	[sflag:s7] =	ssyncset.done $0x0  }
0x19b: {  	[sflag:s7] =	ssyncadd.s32 $0xFFFFC000  }
0x19c: {  	_ =	swait.ge [sflag:s11], $0x4000  }
0x19d: {  	[sflag:s11] =	ssyncset.done $0x0  }
0x19e: {  	s31 =	simm.s32 $0x680;
	[sflag:s11] =	ssyncadd.s32 $0xFFFFC000  }
0x19f: {  	[tilespmem:s12], [sflag:$0x2] =	stream.indirect.gather [hbm4b:s4+s9], $0x80, s31, s9, $0xb8;
	[tilespmem:$0x1E000] =	vst v63  }
0x1a0: {  	s30 =	simm.s32 $0xE00  }
0x1a1: {  	[spmem:s1] =	stream.indirect.scatter.add.f32 [tilespmem:s10], [sflag:$0x3], $0x80, s30, s9, $0xb8;
	[tilespmem:$0x1E000] =	vst v63  }
0x1a2: {  	_ =	swait.ge [sflag:s7], $0x4000  }
0x1a3: {  	[sflag:s7] =	ssyncset.done $0x0  }
0x1a4: {  	[sflag:s7] =	ssyncadd.s32 $0xFFFFC000  }
0x1a5: {  	_ =	swait.ge [sflag:s13], $0x4000  }
0x1a6: {  	[sflag:s13] =	ssyncset.done $0x0  }
0x1a7: {  	s31 =	simm.s32 $0x700;
	[sflag:s13] =	ssyncadd.s32 $0xFFFFC000  }
0x1a8: {  	[tilespmem:s10], [sflag:$0x1] =	stream.indirect.gather [hbm4b:s4+s9], $0x80, s31, s9, $0xb8;
	[tilespmem:$0x1E000] =	vst v63  }
0x1a9: {  	s30 =	simm.s32 $0xE80  }
0x1aa: {  	[spmem:s1] =	stream.indirect.scatter.add.f32 [tilespmem:s12], [sflag:$0x3], $0x80, s30, s9, $0xb8;
	[tilespmem:$0x1E000] =	vst v63  }
0x1ab: {  	_ =	swait.ge [sflag:s7], $0x4000  }
0x1ac: {  	[sflag:s7] =	ssyncset.done $0x0  }
0x1ad: {  	[sflag:s7] =	ssyncadd.s32 $0xFFFFC000  }
0x1ae: {  	_ =	swait.ge [sflag:s11], $0x4000  }
0x1af: {  	[sflag:s11] =	ssyncset.done $0x0  }
0x1b0: {  	s31 =	simm.s32 $0x780;
	[sflag:s11] =	ssyncadd.s32 $0xFFFFC000  }
0x1b1: {  	[tilespmem:s12], [sflag:$0x2] =	stream.indirect.gather [hbm4b:s4+s9], $0x80, s31, s9, $0xb8;
	[tilespmem:$0x1E000] =	vst v63  }
0x1b2: {  	s30 =	simm.s32 $0xF00  }
0x1b3: {  	[spmem:s1] =	stream.indirect.scatter.add.f32 [tilespmem:s10], [sflag:$0x3], $0x80, s30, s9, $0xb8;
	[tilespmem:$0x1E000] =	vst v63  }
0x1b4: {  	_ =	swait.ge [sflag:s7], $0x4000  }
0x1b5: {  	[sflag:s7] =	ssyncset.done $0x0  }
0x1b6: {  	[sflag:s7] =	ssyncadd.s32 $0xFFFFC000  }
0x1b7: {  	_ =	swait.ge [sflag:s13], $0x4000  }
0x1b8: {  	[sflag:s13] =	ssyncset.done $0x0  }
0x1b9: {  	s31 =	simm.s32 $0xF80;
	[sflag:s13] =	ssyncadd.s32 $0xFFFFC000  }
0x1ba: {  	[spmem:s1] =	stream.indirect.scatter.add.f32 [tilespmem:s12], [sflag:$0x3], $0x80, s31, s9, $0xb8;
	[tilespmem:$0x1E000] =	vst v63  }
0x1bb: {  	_ =	swait.ge [sflag:s7], $0x4000  }
0x1bc: {  	s29 =	simm.s32 $0x200;
	s28 =	simm.s32 $0x100;
	[sflag:s7] =	ssyncset.done $0x0  }
.LBB2_5:
0x1bd: {  	s31 =	sadd.s32 s28, s25  }
0x1be: {  	[sflag:s7] =	ssyncadd.s32 $0xFFFFC000;
	s0 =	smov.u32 s29;
	s30 =	sadd.s32 $0x100, s29  }
0x1bf: {  	[tilespmem:s3], [sflag:$0x3] =	stream.linear.gather [hbm4b:s31+s3], $0x800, $0x38;
	[tilespmem:$0x1E000] =	vst v63  }
0x1c0: {  	s31 =	simm.s32 $0x100  }
0x1c1: {  	p1 =	seq.s32 s29, $0x900;
	_ =	swait.ge [sflag:s7], $0x800  }
0x1c2: {  	[sflag:s7] =	ssyncset.done $0x0  }
0x1c3: {  	s29 =	sadd.s32 s28, s24;
	s28 =	smov.u32 s0;
	[sflag:s7] =	ssyncadd.s32 $0xFFFFF800  }
0x1c4: {  	[tilespmem:s2], [sflag:$0x3] =	stream.linear.gather [hbm4b:s29+s3], $0x800, $0x38;
	[tilespmem:$0x1E000] =	vst v63  }
0x1c5: {  	_ =	swait.ge [sflag:s7], $0x800  }
0x1c6: {  	[sflag:s7] =	ssyncset.done $0x0  }
0x1c7: {  	[sflag:s7] =	ssyncadd.s32 $0xFFFFF800  }
0x1c8: {  	[tilespmem:s10], [sflag:$0x1] =	stream.indirect.gather [hbm4b:s4+s9], $0x80, s3, s9, $0xb8;
	[tilespmem:$0x1E000] =	vst v63  }
0x1c9: {  	_ =	swait.ge [sflag:s11], $0x4000  }
0x1ca: {  	[sflag:s11] =	ssyncset.done $0x0  }
0x1cb: {  	[sflag:s11] =	ssyncadd.s32 $0xFFFFC000  }
0x1cc: {  	[tilespmem:s12], [sflag:$0x2] =	stream.indirect.gather [hbm4b:s4+s9], $0x80, s9, s9, $0xb8;
	[tilespmem:$0x1E000] =	vst v63  }
0x1cd: {  	_ = 	snop  }
0x1ce: {  	[spmem:s1] =	stream.indirect.scatter.add.f32 [tilespmem:s10], [sflag:$0x3], $0x80, s2, s9, $0xb8;
	[tilespmem:$0x1E000] =	vst v63  }
0x1cf: {  	_ =	swait.ge [sflag:s7], $0x4000  }
0x1d0: {  	[sflag:s7] =	ssyncset.done $0x0  }
0x1d1: {  	[sflag:s7] =	ssyncadd.s32 $0xFFFFC000  }
0x1d2: {  	_ =	swait.ge [sflag:s13], $0x4000  }
0x1d3: {  	[sflag:s13] =	ssyncset.done $0x0  }
0x1d4: {  	[sflag:s13] =	ssyncadd.s32 $0xFFFFC000  }
0x1d5: {  	[tilespmem:s10], [sflag:$0x1] =	stream.indirect.gather [hbm4b:s4+s9], $0x80, s31, s9, $0xb8;
	[tilespmem:$0x1E000] =	vst v63  }
0x1d6: {  	_ = 	snop  }
0x1d7: {  	[spmem:s1] =	stream.indirect.scatter.add.f32 [tilespmem:s12], [sflag:$0x3], $0x80, s8, s9, $0xb8;
	[tilespmem:$0x1E000] =	vst v63  }
0x1d8: {  	_ =	swait.ge [sflag:s7], $0x4000  }
0x1d9: {  	[sflag:s7] =	ssyncset.done $0x0  }
0x1da: {  	[sflag:s7] =	ssyncadd.s32 $0xFFFFC000  }
0x1db: {  	_ =	swait.ge [sflag:s11], $0x4000  }
0x1dc: {  	[sflag:s11] =	ssyncset.done $0x0  }
0x1dd: {  	[sflag:s11] =	ssyncadd.s32 $0xFFFFC000  }
0x1de: {  	[tilespmem:s12], [sflag:$0x2] =	stream.indirect.gather [hbm4b:s4+s9], $0x80, s6, s9, $0xb8;
	[tilespmem:$0x1E000] =	vst v63  }
0x1df: {  	_ = 	snop  }
0x1e0: {  	[spmem:s1] =	stream.indirect.scatter.add.f32 [tilespmem:s10], [sflag:$0x3], $0x80, s14, s9, $0xb8;
	[tilespmem:$0x1E000] =	vst v63  }
0x1e1: {  	_ =	swait.ge [sflag:s7], $0x4000  }
0x1e2: {  	[sflag:s7] =	ssyncset.done $0x0  }
0x1e3: {  	[sflag:s7] =	ssyncadd.s32 $0xFFFFC000  }
0x1e4: {  	_ =	swait.ge [sflag:s13], $0x4000  }
0x1e5: {  	[sflag:s13] =	ssyncset.done $0x0  }
0x1e6: {  	[sflag:s13] =	ssyncadd.s32 $0xFFFFC000  }
0x1e7: {  	[tilespmem:s10], [sflag:$0x1] =	stream.indirect.gather [hbm4b:s4+s9], $0x80, s15, s9, $0xb8;
	[tilespmem:$0x1E000] =	vst v63  }
0x1e8: {  	_ = 	snop  }
0x1e9: {  	[spmem:s1] =	stream.indirect.scatter.add.f32 [tilespmem:s12], [sflag:$0x3], $0x80, s16, s9, $0xb8;
	[tilespmem:$0x1E000] =	vst v63  }
0x1ea: {  	_ =	swait.ge [sflag:s7], $0x4000  }
0x1eb: {  	[sflag:s7] =	ssyncset.done $0x0  }
0x1ec: {  	[sflag:s7] =	ssyncadd.s32 $0xFFFFC000  }
0x1ed: {  	_ =	swait.ge [sflag:s11], $0x4000  }
0x1ee: {  	[sflag:s11] =	ssyncset.done $0x0  }
0x1ef: {  	[sflag:s11] =	ssyncadd.s32 $0xFFFFC000  }
0x1f0: {  	[tilespmem:s12], [sflag:$0x2] =	stream.indirect.gather [hbm4b:s4+s9], $0x80, s17, s9, $0xb8;
	[tilespmem:$0x1E000] =	vst v63  }
0x1f1: {  	_ = 	snop  }
0x1f2: {  	[spmem:s1] =	stream.indirect.scatter.add.f32 [tilespmem:s10], [sflag:$0x3], $0x80, s18, s9, $0xb8;
	[tilespmem:$0x1E000] =	vst v63  }
0x1f3: {  	_ =	swait.ge [sflag:s7], $0x4000  }
0x1f4: {  	[sflag:s7] =	ssyncset.done $0x0  }
0x1f5: {  	[sflag:s7] =	ssyncadd.s32 $0xFFFFC000  }
0x1f6: {  	_ =	swait.ge [sflag:s13], $0x4000  }
0x1f7: {  	[sflag:s13] =	ssyncset.done $0x0  }
0x1f8: {  	[sflag:s13] =	ssyncadd.s32 $0xFFFFC000  }
0x1f9: {  	[tilespmem:s10], [sflag:$0x1] =	stream.indirect.gather [hbm4b:s4+s9], $0x80, s19, s9, $0xb8;
	[tilespmem:$0x1E000] =	vst v63  }
0x1fa: {  	_ = 	snop  }
0x1fb: {  	[spmem:s1] =	stream.indirect.scatter.add.f32 [tilespmem:s12], [sflag:$0x3], $0x80, s20, s9, $0xb8;
	[tilespmem:$0x1E000] =	vst v63  }
0x1fc: {  	_ =	swait.ge [sflag:s7], $0x4000  }
0x1fd: {  	[sflag:s7] =	ssyncset.done $0x0  }
0x1fe: {  	[sflag:s7] =	ssyncadd.s32 $0xFFFFC000  }
0x1ff: {  	_ =	swait.ge [sflag:s11], $0x4000  }
0x200: {  	[sflag:s11] =	ssyncset.done $0x0  }
0x201: {  	[sflag:s11] =	ssyncadd.s32 $0xFFFFC000  }
0x202: {  	[tilespmem:s12], [sflag:$0x2] =	stream.indirect.gather [hbm4b:s4+s9], $0x80, s21, s9, $0xb8;
	[tilespmem:$0x1E000] =	vst v63  }
0x203: {  	_ = 	snop  }
0x204: {  	[spmem:s1] =	stream.indirect.scatter.add.f32 [tilespmem:s10], [sflag:$0x3], $0x80, s22, s9, $0xb8;
	[tilespmem:$0x1E000] =	vst v63  }
0x205: {  	_ =	swait.ge [sflag:s7], $0x4000  }
0x206: {  	[sflag:s7] =	ssyncset.done $0x0  }
0x207: {  	[sflag:s7] =	ssyncadd.s32 $0xFFFFC000  }
0x208: {  	_ =	swait.ge [sflag:s13], $0x4000  }
0x209: {  	[sflag:s13] =	ssyncset.done $0x0  }
0x20a: {  	[sflag:s13] =	ssyncadd.s32 $0xFFFFC000  }
0x20b: {  	[tilespmem:s10], [sflag:$0x1] =	stream.indirect.gather [hbm4b:s4+s9], $0x80, s23, s9, $0xb8;
	[tilespmem:$0x1E000] =	vst v63  }
0x20c: {  	_ = 	snop  }
0x20d: {  	[spmem:s1] =	stream.indirect.scatter.add.f32 [tilespmem:s12], [sflag:$0x3], $0x80, s26, s9, $0xb8;
	[tilespmem:$0x1E000] =	vst v63  }
0x20e: {  	_ =	swait.ge [sflag:s7], $0x4000  }
0x20f: {  	[sflag:s7] =	ssyncset.done $0x0  }
0x210: {  	[sflag:s7] =	ssyncadd.s32 $0xFFFFC000  }
0x211: {  	_ =	swait.ge [sflag:s11], $0x4000  }
0x212: {  	[sflag:s11] =	ssyncset.done $0x0  }
0x213: {  	s0 =	simm.s32 $0x480;
	[sflag:s11] =	ssyncadd.s32 $0xFFFFC000  }
0x214: {  	[tilespmem:s12], [sflag:$0x2] =	stream.indirect.gather [hbm4b:s4+s9], $0x80, s0, s9, $0xb8;
	[tilespmem:$0x1E000] =	vst v63  }
0x215: {  	s0 =	simm.s32 $0xC00  }
0x216: {  	[spmem:s1] =	stream.indirect.scatter.add.f32 [tilespmem:s10], [sflag:$0x3], $0x80, s0, s9, $0xb8;
	[tilespmem:$0x1E000] =	vst v63  }
0x217: {  	_ =	swait.ge [sflag:s7], $0x4000  }
0x218: {  	[sflag:s7] =	ssyncset.done $0x0  }
0x219: {  	[sflag:s7] =	ssyncadd.s32 $0xFFFFC000  }
0x21a: {  	_ =	swait.ge [sflag:s13], $0x4000  }
0x21b: {  	[sflag:s13] =	ssyncset.done $0x0  }
0x21c: {  	s0 =	simm.s32 $0x500;
	[sflag:s13] =	ssyncadd.s32 $0xFFFFC000  }
0x21d: {  	[tilespmem:s10], [sflag:$0x1] =	stream.indirect.gather [hbm4b:s4+s9], $0x80, s0, s9, $0xb8;
	[tilespmem:$0x1E000] =	vst v63  }
0x21e: {  	s0 =	simm.s32 $0xC80  }
0x21f: {  	[spmem:s1] =	stream.indirect.scatter.add.f32 [tilespmem:s12], [sflag:$0x3], $0x80, s0, s9, $0xb8;
	[tilespmem:$0x1E000] =	vst v63  }
0x220: {  	_ =	swait.ge [sflag:s7], $0x4000  }
0x221: {  	[sflag:s7] =	ssyncset.done $0x0  }
0x222: {  	[sflag:s7] =	ssyncadd.s32 $0xFFFFC000  }
0x223: {  	_ =	swait.ge [sflag:s11], $0x4000  }
0x224: {  	[sflag:s11] =	ssyncset.done $0x0  }
0x225: {  	s0 =	simm.s32 $0x580;
	[sflag:s11] =	ssyncadd.s32 $0xFFFFC000  }
0x226: {  	[tilespmem:s12], [sflag:$0x2] =	stream.indirect.gather [hbm4b:s4+s9], $0x80, s0, s9, $0xb8;
	[tilespmem:$0x1E000] =	vst v63  }
0x227: {  	s0 =	simm.s32 $0xD00  }
0x228: {  	[spmem:s1] =	stream.indirect.scatter.add.f32 [tilespmem:s10], [sflag:$0x3], $0x80, s0, s9, $0xb8;
	[tilespmem:$0x1E000] =	vst v63  }
0x229: {  	_ =	swait.ge [sflag:s7], $0x4000  }
0x22a: {  	[sflag:s7] =	ssyncset.done $0x0  }
0x22b: {  	[sflag:s7] =	ssyncadd.s32 $0xFFFFC000  }
0x22c: {  	_ =	swait.ge [sflag:s13], $0x4000  }
0x22d: {  	[sflag:s13] =	ssyncset.done $0x0  }
0x22e: {  	s0 =	simm.s32 $0x600;
	[sflag:s13] =	ssyncadd.s32 $0xFFFFC000  }
0x22f: {  	[tilespmem:s10], [sflag:$0x1] =	stream.indirect.gather [hbm4b:s4+s9], $0x80, s0, s9, $0xb8;
	[tilespmem:$0x1E000] =	vst v63  }
0x230: {  	s0 =	simm.s32 $0xD80  }
0x231: {  	[spmem:s1] =	stream.indirect.scatter.add.f32 [tilespmem:s12], [sflag:$0x3], $0x80, s0, s9, $0xb8;
	[tilespmem:$0x1E000] =	vst v63  }
0x232: {  	_ =	swait.ge [sflag:s7], $0x4000  }
0x233: {  	[sflag:s7] =	ssyncset.done $0x0  }
0x234: {  	[sflag:s7] =	ssyncadd.s32 $0xFFFFC000  }
0x235: {  	_ =	swait.ge [sflag:s11], $0x4000  }
0x236: {  	[sflag:s11] =	ssyncset.done $0x0  }
0x237: {  	s0 =	simm.s32 $0x680;
	[sflag:s11] =	ssyncadd.s32 $0xFFFFC000  }
0x238: {  	[tilespmem:s12], [sflag:$0x2] =	stream.indirect.gather [hbm4b:s4+s9], $0x80, s0, s9, $0xb8;
	[tilespmem:$0x1E000] =	vst v63  }
0x239: {  	s0 =	simm.s32 $0xE00  }
0x23a: {  	[spmem:s1] =	stream.indirect.scatter.add.f32 [tilespmem:s10], [sflag:$0x3], $0x80, s0, s9, $0xb8;
	[tilespmem:$0x1E000] =	vst v63  }
0x23b: {  	_ =	swait.ge [sflag:s7], $0x4000  }
0x23c: {  	[sflag:s7] =	ssyncset.done $0x0  }
0x23d: {  	[sflag:s7] =	ssyncadd.s32 $0xFFFFC000  }
0x23e: {  	_ =	swait.ge [sflag:s13], $0x4000  }
0x23f: {  	[sflag:s13] =	ssyncset.done $0x0  }
0x240: {  	s0 =	simm.s32 $0x700;
	[sflag:s13] =	ssyncadd.s32 $0xFFFFC000  }
0x241: {  	[tilespmem:s10], [sflag:$0x1] =	stream.indirect.gather [hbm4b:s4+s9], $0x80, s0, s9, $0xb8;
	[tilespmem:$0x1E000] =	vst v63  }
0x242: {  	s0 =	simm.s32 $0xE80  }
0x243: {  	[spmem:s1] =	stream.indirect.scatter.add.f32 [tilespmem:s12], [sflag:$0x3], $0x80, s0, s9, $0xb8;
	[tilespmem:$0x1E000] =	vst v63  }
0x244: {  	_ =	swait.ge [sflag:s7], $0x4000  }
0x245: {  	[sflag:s7] =	ssyncset.done $0x0  }
0x246: {  	[sflag:s7] =	ssyncadd.s32 $0xFFFFC000  }
0x247: {  	_ =	swait.ge [sflag:s11], $0x4000  }
0x248: {  	[sflag:s11] =	ssyncset.done $0x0  }
0x249: {  	s0 =	simm.s32 $0x780;
	[sflag:s11] =	ssyncadd.s32 $0xFFFFC000  }
0x24a: {  	[tilespmem:s12], [sflag:$0x2] =	stream.indirect.gather [hbm4b:s4+s9], $0x80, s0, s9, $0xb8;
	[tilespmem:$0x1E000] =	vst v63  }
0x24b: {  	s0 =	simm.s32 $0xF00  }
0x24c: {  	[spmem:s1] =	stream.indirect.scatter.add.f32 [tilespmem:s10], [sflag:$0x3], $0x80, s0, s9, $0xb8;
	[tilespmem:$0x1E000] =	vst v63  }
0x24d: {  	_ =	swait.ge [sflag:s7], $0x4000  }
0x24e: {  	[sflag:s7] =	ssyncset.done $0x0  }
0x24f: {  	[sflag:s7] =	ssyncadd.s32 $0xFFFFC000  }
0x250: {  	_ =	swait.ge [sflag:s13], $0x4000  }
.Ltmp4:
0x251: {  	[sflag:s13] =	ssyncset.done $0x0;
	(pc) =	sbr.rel @!p1 .LBB2_5-.Ltmp4, $4  }
0x252: {  	s0 =	simm.s32 $0xF80;
	[sflag:s13] =	ssyncadd.s32 $0xFFFFC000  }
0x253: {  	[spmem:s1] =	stream.indirect.scatter.add.f32 [tilespmem:s12], [sflag:$0x3], $0x80, s0, s9, $0xb8;
	[tilespmem:$0x1E000] =	vst v63  }
0x254: {  	_ =	swait.ge [sflag:s7], $0x4000  }
0x255: {  	s29 =	smov.u32 s30;
	[sflag:s7] =	ssyncset.done $0x0  }
0x256: {  	s0 =	sadd.s32 s28, s25;
	[sflag:s7] =	ssyncadd.s32 $0xFFFFC000  }
0x257: {  	[tilespmem:s3], [sflag:$0x3] =	stream.linear.gather [hbm4b:s0+s3], $0x800, $0x38;
	[tilespmem:$0x1E000] =	vst v63  }
0x258: {  	_ =	swait.ge [sflag:s7], $0x800  }
0x259: {  	[sflag:s7] =	ssyncset.done $0x0  }
0x25a: {  	s30 =	sadd.s32 s28, s24;
	[sflag:s7] =	ssyncadd.s32 $0xFFFFF800  }
0x25b: {  	[tilespmem:s2], [sflag:$0x3] =	stream.linear.gather [hbm4b:s30+s3], $0x800, $0x38;
	[tilespmem:$0x1E000] =	vst v63  }
0x25c: {  	_ =	swait.ge [sflag:s7], $0x800  }
0x25d: {  	[sflag:s7] =	ssyncset.done $0x0  }
0x25e: {  	[sflag:s7] =	ssyncadd.s32 $0xFFFFF800  }
0x25f: {  	[tilespmem:s10], [sflag:$0x1] =	stream.indirect.gather [hbm4b:s4+s9], $0x80, s3, s9, $0xb8;
	[tilespmem:$0x1E000] =	vst v63  }
0x260: {  	_ =	swait.ge [sflag:s11], $0x4000  }
0x261: {  	[sflag:s11] =	ssyncset.done $0x0  }
0x262: {  	[sflag:s11] =	ssyncadd.s32 $0xFFFFC000  }
0x263: {  	[tilespmem:s12], [sflag:$0x2] =	stream.indirect.gather [hbm4b:s4+s9], $0x80, s9, s9, $0xb8;
	[tilespmem:$0x1E000] =	vst v63  }
0x264: {  	_ = 	snop  }
0x265: {  	[spmem:s1] =	stream.indirect.scatter.add.f32 [tilespmem:s10], [sflag:$0x3], $0x80, s2, s9, $0xb8;
	[tilespmem:$0x1E000] =	vst v63  }
0x266: {  	_ =	swait.ge [sflag:s7], $0x4000  }
0x267: {  	[sflag:s7] =	ssyncset.done $0x0  }
0x268: {  	[sflag:s7] =	ssyncadd.s32 $0xFFFFC000  }
0x269: {  	_ =	swait.ge [sflag:s13], $0x4000  }
0x26a: {  	[sflag:s13] =	ssyncset.done $0x0  }
0x26b: {  	[sflag:s13] =	ssyncadd.s32 $0xFFFFC000  }
0x26c: {  	[tilespmem:s10], [sflag:$0x1] =	stream.indirect.gather [hbm4b:s4+s9], $0x80, s31, s9, $0xb8;
	[tilespmem:$0x1E000] =	vst v63  }
0x26d: {  	_ = 	snop  }
0x26e: {  	[spmem:s1] =	stream.indirect.scatter.add.f32 [tilespmem:s12], [sflag:$0x3], $0x80, s8, s9, $0xb8;
	[tilespmem:$0x1E000] =	vst v63  }
0x26f: {  	_ =	swait.ge [sflag:s7], $0x4000  }
0x270: {  	[sflag:s7] =	ssyncset.done $0x0  }
0x271: {  	[sflag:s7] =	ssyncadd.s32 $0xFFFFC000  }
0x272: {  	_ =	swait.ge [sflag:s11], $0x4000  }
0x273: {  	[sflag:s11] =	ssyncset.done $0x0  }
0x274: {  	[sflag:s11] =	ssyncadd.s32 $0xFFFFC000  }
0x275: {  	[tilespmem:s12], [sflag:$0x2] =	stream.indirect.gather [hbm4b:s4+s9], $0x80, s6, s9, $0xb8;
	[tilespmem:$0x1E000] =	vst v63  }
0x276: {  	_ = 	snop  }
0x277: {  	[spmem:s1] =	stream.indirect.scatter.add.f32 [tilespmem:s10], [sflag:$0x3], $0x80, s14, s9, $0xb8;
	[tilespmem:$0x1E000] =	vst v63  }
0x278: {  	_ =	swait.ge [sflag:s7], $0x4000  }
0x279: {  	[sflag:s7] =	ssyncset.done $0x0  }
0x27a: {  	[sflag:s7] =	ssyncadd.s32 $0xFFFFC000  }
0x27b: {  	_ =	swait.ge [sflag:s13], $0x4000  }
0x27c: {  	[sflag:s13] =	ssyncset.done $0x0  }
0x27d: {  	[sflag:s13] =	ssyncadd.s32 $0xFFFFC000  }
0x27e: {  	[tilespmem:s10], [sflag:$0x1] =	stream.indirect.gather [hbm4b:s4+s9], $0x80, s15, s9, $0xb8;
	[tilespmem:$0x1E000] =	vst v63  }
0x27f: {  	_ = 	snop  }
0x280: {  	[spmem:s1] =	stream.indirect.scatter.add.f32 [tilespmem:s12], [sflag:$0x3], $0x80, s16, s9, $0xb8;
	[tilespmem:$0x1E000] =	vst v63  }
0x281: {  	_ =	swait.ge [sflag:s7], $0x4000  }
0x282: {  	[sflag:s7] =	ssyncset.done $0x0  }
0x283: {  	[sflag:s7] =	ssyncadd.s32 $0xFFFFC000  }
0x284: {  	_ =	swait.ge [sflag:s11], $0x4000  }
0x285: {  	[sflag:s11] =	ssyncset.done $0x0  }
0x286: {  	[sflag:s11] =	ssyncadd.s32 $0xFFFFC000  }
0x287: {  	[tilespmem:s12], [sflag:$0x2] =	stream.indirect.gather [hbm4b:s4+s9], $0x80, s17, s9, $0xb8;
	[tilespmem:$0x1E000] =	vst v63  }
0x288: {  	_ = 	snop  }
0x289: {  	[spmem:s1] =	stream.indirect.scatter.add.f32 [tilespmem:s10], [sflag:$0x3], $0x80, s18, s9, $0xb8;
	[tilespmem:$0x1E000] =	vst v63  }
0x28a: {  	_ =	swait.ge [sflag:s7], $0x4000  }
0x28b: {  	[sflag:s7] =	ssyncset.done $0x0  }
0x28c: {  	[sflag:s7] =	ssyncadd.s32 $0xFFFFC000  }
0x28d: {  	_ =	swait.ge [sflag:s13], $0x4000  }
0x28e: {  	[sflag:s13] =	ssyncset.done $0x0  }
0x28f: {  	[sflag:s13] =	ssyncadd.s32 $0xFFFFC000  }
0x290: {  	[tilespmem:s10], [sflag:$0x1] =	stream.indirect.gather [hbm4b:s4+s9], $0x80, s19, s9, $0xb8;
	[tilespmem:$0x1E000] =	vst v63  }
0x291: {  	_ = 	snop  }
0x292: {  	[spmem:s1] =	stream.indirect.scatter.add.f32 [tilespmem:s12], [sflag:$0x3], $0x80, s20, s9, $0xb8;
	[tilespmem:$0x1E000] =	vst v63  }
0x293: {  	_ =	swait.ge [sflag:s7], $0x4000  }
0x294: {  	[sflag:s7] =	ssyncset.done $0x0  }
0x295: {  	[sflag:s7] =	ssyncadd.s32 $0xFFFFC000  }
0x296: {  	_ =	swait.ge [sflag:s11], $0x4000  }
0x297: {  	[sflag:s11] =	ssyncset.done $0x0  }
0x298: {  	[sflag:s11] =	ssyncadd.s32 $0xFFFFC000  }
0x299: {  	[tilespmem:s12], [sflag:$0x2] =	stream.indirect.gather [hbm4b:s4+s9], $0x80, s21, s9, $0xb8;
	[tilespmem:$0x1E000] =	vst v63  }
0x29a: {  	_ = 	snop  }
0x29b: {  	[spmem:s1] =	stream.indirect.scatter.add.f32 [tilespmem:s10], [sflag:$0x3], $0x80, s22, s9, $0xb8;
	[tilespmem:$0x1E000] =	vst v63  }
0x29c: {  	_ =	swait.ge [sflag:s7], $0x4000  }
0x29d: {  	[sflag:s7] =	ssyncset.done $0x0  }
0x29e: {  	[sflag:s7] =	ssyncadd.s32 $0xFFFFC000  }
0x29f: {  	_ =	swait.ge [sflag:s13], $0x4000  }
0x2a0: {  	[sflag:s13] =	ssyncset.done $0x0  }
0x2a1: {  	[sflag:s13] =	ssyncadd.s32 $0xFFFFC000  }
0x2a2: {  	[tilespmem:s10], [sflag:$0x1] =	stream.indirect.gather [hbm4b:s4+s9], $0x80, s23, s9, $0xb8;
	[tilespmem:$0x1E000] =	vst v63  }
0x2a3: {  	_ = 	snop  }
0x2a4: {  	[spmem:s1] =	stream.indirect.scatter.add.f32 [tilespmem:s12], [sflag:$0x3], $0x80, s26, s9, $0xb8;
	[tilespmem:$0x1E000] =	vst v63  }
0x2a5: {  	_ =	swait.ge [sflag:s7], $0x4000  }
0x2a6: {  	[sflag:s7] =	ssyncset.done $0x0  }
0x2a7: {  	[sflag:s7] =	ssyncadd.s32 $0xFFFFC000  }
0x2a8: {  	_ =	swait.ge [sflag:s11], $0x4000  }
0x2a9: {  	[sflag:s11] =	ssyncset.done $0x0  }
0x2aa: {  	s6 =	simm.s32 $0x480;
	[sflag:s11] =	ssyncadd.s32 $0xFFFFC000  }
0x2ab: {  	[tilespmem:s12], [sflag:$0x2] =	stream.indirect.gather [hbm4b:s4+s9], $0x80, s6, s9, $0xb8;
	[tilespmem:$0x1E000] =	vst v63  }
0x2ac: {  	s8 =	simm.s32 $0xC00  }
0x2ad: {  	[spmem:s1] =	stream.indirect.scatter.add.f32 [tilespmem:s10], [sflag:$0x3], $0x80, s8, s9, $0xb8;
	[tilespmem:$0x1E000] =	vst v63  }
0x2ae: {  	_ =	swait.ge [sflag:s7], $0x4000  }
0x2af: {  	[sflag:s7] =	ssyncset.done $0x0  }
0x2b0: {  	[sflag:s7] =	ssyncadd.s32 $0xFFFFC000  }
0x2b1: {  	_ =	swait.ge [sflag:s13], $0x4000  }
0x2b2: {  	[sflag:s13] =	ssyncset.done $0x0  }
0x2b3: {  	s14 =	simm.s32 $0x500;
	[sflag:s13] =	ssyncadd.s32 $0xFFFFC000  }
0x2b4: {  	[tilespmem:s10], [sflag:$0x1] =	stream.indirect.gather [hbm4b:s4+s9], $0x80, s14, s9, $0xb8;
	[tilespmem:$0x1E000] =	vst v63  }
0x2b5: {  	s15 =	simm.s32 $0xC80  }
0x2b6: {  	[spmem:s1] =	stream.indirect.scatter.add.f32 [tilespmem:s12], [sflag:$0x3], $0x80, s15, s9, $0xb8;
	[tilespmem:$0x1E000] =	vst v63  }
0x2b7: {  	_ =	swait.ge [sflag:s7], $0x4000  }
0x2b8: {  	[sflag:s7] =	ssyncset.done $0x0  }
0x2b9: {  	[sflag:s7] =	ssyncadd.s32 $0xFFFFC000  }
0x2ba: {  	_ =	swait.ge [sflag:s11], $0x4000  }
0x2bb: {  	[sflag:s11] =	ssyncset.done $0x0  }
0x2bc: {  	s16 =	simm.s32 $0x580;
	[sflag:s11] =	ssyncadd.s32 $0xFFFFC000  }
0x2bd: {  	[tilespmem:s12], [sflag:$0x2] =	stream.indirect.gather [hbm4b:s4+s9], $0x80, s16, s9, $0xb8;
	[tilespmem:$0x1E000] =	vst v63  }
0x2be: {  	s17 =	simm.s32 $0xD00  }
0x2bf: {  	[spmem:s1] =	stream.indirect.scatter.add.f32 [tilespmem:s10], [sflag:$0x3], $0x80, s17, s9, $0xb8;
	[tilespmem:$0x1E000] =	vst v63  }
0x2c0: {  	_ =	swait.ge [sflag:s7], $0x4000  }
0x2c1: {  	[sflag:s7] =	ssyncset.done $0x0  }
0x2c2: {  	[sflag:s7] =	ssyncadd.s32 $0xFFFFC000  }
0x2c3: {  	_ =	swait.ge [sflag:s13], $0x4000  }
0x2c4: {  	[sflag:s13] =	ssyncset.done $0x0  }
0x2c5: {  	s18 =	simm.s32 $0x600;
	[sflag:s13] =	ssyncadd.s32 $0xFFFFC000  }
0x2c6: {  	[tilespmem:s10], [sflag:$0x1] =	stream.indirect.gather [hbm4b:s4+s9], $0x80, s18, s9, $0xb8;
	[tilespmem:$0x1E000] =	vst v63  }
0x2c7: {  	s19 =	simm.s32 $0xD80  }
0x2c8: {  	[spmem:s1] =	stream.indirect.scatter.add.f32 [tilespmem:s12], [sflag:$0x3], $0x80, s19, s9, $0xb8;
	[tilespmem:$0x1E000] =	vst v63  }
0x2c9: {  	_ =	swait.ge [sflag:s7], $0x4000  }
0x2ca: {  	[sflag:s7] =	ssyncset.done $0x0  }
0x2cb: {  	[sflag:s7] =	ssyncadd.s32 $0xFFFFC000  }
0x2cc: {  	_ =	swait.ge [sflag:s11], $0x4000  }
0x2cd: {  	[sflag:s11] =	ssyncset.done $0x0  }
0x2ce: {  	s20 =	simm.s32 $0x680;
	[sflag:s11] =	ssyncadd.s32 $0xFFFFC000  }
0x2cf: {  	[tilespmem:s12], [sflag:$0x2] =	stream.indirect.gather [hbm4b:s4+s9], $0x80, s20, s9, $0xb8;
	[tilespmem:$0x1E000] =	vst v63  }
0x2d0: {  	s21 =	simm.s32 $0xE00  }
0x2d1: {  	[spmem:s1] =	stream.indirect.scatter.add.f32 [tilespmem:s10], [sflag:$0x3], $0x80, s21, s9, $0xb8;
	[tilespmem:$0x1E000] =	vst v63  }
0x2d2: {  	_ =	swait.ge [sflag:s7], $0x4000  }
0x2d3: {  	[sflag:s7] =	ssyncset.done $0x0  }
0x2d4: {  	[sflag:s7] =	ssyncadd.s32 $0xFFFFC000  }
0x2d5: {  	_ =	swait.ge [sflag:s13], $0x4000  }
0x2d6: {  	[sflag:s13] =	ssyncset.done $0x0  }
0x2d7: {  	s22 =	simm.s32 $0x700;
	[sflag:s13] =	ssyncadd.s32 $0xFFFFC000  }
0x2d8: {  	[tilespmem:s10], [sflag:$0x1] =	stream.indirect.gather [hbm4b:s4+s9], $0x80, s22, s9, $0xb8;
	[tilespmem:$0x1E000] =	vst v63  }
0x2d9: {  	s23 =	simm.s32 $0xE80  }
0x2da: {  	[spmem:s1] =	stream.indirect.scatter.add.f32 [tilespmem:s12], [sflag:$0x3], $0x80, s23, s9, $0xb8;
	[tilespmem:$0x1E000] =	vst v63  }
0x2db: {  	_ =	swait.ge [sflag:s7], $0x4000  }
0x2dc: {  	[sflag:s7] =	ssyncset.done $0x0  }
0x2dd: {  	[sflag:s7] =	ssyncadd.s32 $0xFFFFC000  }
0x2de: {  	_ =	swait.ge [sflag:s11], $0x4000  }
0x2df: {  	[sflag:s11] =	ssyncset.done $0x0  }
0x2e0: {  	s26 =	simm.s32 $0x780;
	[sflag:s11] =	ssyncadd.s32 $0xFFFFC000  }
0x2e1: {  	[tilespmem:s12], [sflag:$0x2] =	stream.indirect.gather [hbm4b:s4+s9], $0x80, s26, s9, $0xb8;
	[tilespmem:$0x1E000] =	vst v63  }
0x2e2: {  	s29 =	simm.s32 $0xF00  }
0x2e3: {  	[spmem:s1] =	stream.indirect.scatter.add.f32 [tilespmem:s10], [sflag:$0x3], $0x80, s29, s9, $0xb8;
	[tilespmem:$0x1E000] =	vst v63  }
0x2e4: {  	_ =	swait.ge [sflag:s7], $0x4000  }
0x2e5: {  	[sflag:s7] =	ssyncset.done $0x0  }
0x2e6: {  	[sflag:s7] =	ssyncadd.s32 $0xFFFFC000  }
0x2e7: {  	_ =	swait.ge [sflag:s13], $0x4000  }
0x2e8: {  	[sflag:s13] =	ssyncset.done $0x0  }
.Ltmp5:
0x2e9: {  	s30 =	simm.s32 $0xF80;
	[sflag:s13] =	ssyncadd.s32 $0xFFFFC000;
	(pc) =	sbr.rel .LBB2_10-.Ltmp5, $4  }
0x2ea: {  	[spmem:s1] =	stream.indirect.scatter.add.f32 [tilespmem:s12], [sflag:$0x3], $0x80, s30, s9, $0xb8;
	[tilespmem:$0x1E000] =	vst v63  }
0x2eb: {  	_ =	swait.ge [sflag:s7], $0x4000  }
0x2ec: {  	[sflag:s7] =	ssyncset.done $0x0;
	s28 =	rddreg [dreg:$0x3]  }
0x2ed: {  	s6 =	rddreg [dreg:$0x1b];
	[sflag:s7] =	ssyncadd.s32 $0xFFFFC000  }
.LBB2_7:
0x2ee: {  	s0 =	sadd.s32 $0x0, s25  }
0x2ef: {  	[tilespmem:s3], [sflag:$0x3] =	stream.linear.gather [hbm4b:s0+s3], $0x800, $0x38;
	[tilespmem:$0x1E000] =	vst v63  }
0x2f0: {  	_ =	swait.ge [sflag:s7], $0x800  }
0x2f1: {  	[sflag:s7] =	ssyncset.done $0x0  }
0x2f2: {  	s29 =	sadd.s32 $0x0, s24;
	[sflag:s7] =	ssyncadd.s32 $0xFFFFF800  }
0x2f3: {  	[tilespmem:s2], [sflag:$0x3] =	stream.linear.gather [hbm4b:s29+s3], $0x800, $0x38;
	[tilespmem:$0x1E000] =	vst v63  }
0x2f4: {  	_ =	swait.ge [sflag:s7], $0x800  }
0x2f5: {  	[sflag:s7] =	ssyncset.done $0x0  }
0x2f6: {  	[sflag:s7] =	ssyncadd.s32 $0xFFFFF800  }
0x2f7: {  	[tilespmem:s10], [sflag:$0x1] =	stream.indirect.gather [hbm4b:s5+s9], $0x80, s3, s9, $0xb8;
	[tilespmem:$0x1E000] =	vst v63  }
0x2f8: {  	_ =	swait.ge [sflag:s11], $0x4000  }
0x2f9: {  	[sflag:s11] =	ssyncset.done $0x0  }
0x2fa: {  	[sflag:s11] =	ssyncadd.s32 $0xFFFFC000  }
0x2fb: {  	[tilespmem:s12], [sflag:$0x2] =	stream.indirect.gather [hbm4b:s5+s9], $0x80, s9, s9, $0xb8;
	[tilespmem:$0x1E000] =	vst v63  }
0x2fc: {  	_ = 	snop  }
0x2fd: {  	[spmem:s1] =	stream.indirect.scatter.add.f32 [tilespmem:s10], [sflag:$0x3], $0x80, s2, s9, $0xb8;
	[tilespmem:$0x1E000] =	vst v63  }
0x2fe: {  	_ =	swait.ge [sflag:s7], $0x4000  }
0x2ff: {  	[sflag:s7] =	ssyncset.done $0x0  }
0x300: {  	[sflag:s7] =	ssyncadd.s32 $0xFFFFC000  }
0x301: {  	_ =	swait.ge [sflag:s13], $0x4000  }
0x302: {  	[sflag:s13] =	ssyncset.done $0x0  }
0x303: {  	[sflag:s13] =	ssyncadd.s32 $0xFFFFC000  }
0x304: {  	[tilespmem:s10], [sflag:$0x1] =	stream.indirect.gather [hbm4b:s5+s9], $0x80, s31, s9, $0xb8;
	[tilespmem:$0x1E000] =	vst v63  }
0x305: {  	s8 =	simm.s32 $0x880  }
0x306: {  	[spmem:s1] =	stream.indirect.scatter.add.f32 [tilespmem:s12], [sflag:$0x3], $0x80, s8, s9, $0xb8;
	[tilespmem:$0x1E000] =	vst v63  }
0x307: {  	_ =	swait.ge [sflag:s7], $0x4000  }
0x308: {  	[sflag:s7] =	ssyncset.done $0x0  }
0x309: {  	[sflag:s7] =	ssyncadd.s32 $0xFFFFC000  }
0x30a: {  	_ =	swait.ge [sflag:s11], $0x4000  }
0x30b: {  	[sflag:s11] =	ssyncset.done $0x0  }
0x30c: {  	s6 =	simm.s32 $0x180;
	[sflag:s11] =	ssyncadd.s32 $0xFFFFC000  }
0x30d: {  	[tilespmem:s12], [sflag:$0x2] =	stream.indirect.gather [hbm4b:s5+s9], $0x80, s6, s9, $0xb8;
	[tilespmem:$0x1E000] =	vst v63  }
0x30e: {  	s14 =	simm.s32 $0x900  }
0x30f: {  	[spmem:s1] =	stream.indirect.scatter.add.f32 [tilespmem:s10], [sflag:$0x3], $0x80, s14, s9, $0xb8;
	[tilespmem:$0x1E000] =	vst v63  }
0x310: {  	_ =	swait.ge [sflag:s7], $0x4000  }
0x311: {  	[sflag:s7] =	ssyncset.done $0x0  }
0x312: {  	[sflag:s7] =	ssyncadd.s32 $0xFFFFC000  }
0x313: {  	_ =	swait.ge [sflag:s13], $0x4000  }
0x314: {  	[sflag:s13] =	ssyncset.done $0x0  }
0x315: {  	s15 =	simm.s32 $0x200;
	[sflag:s13] =	ssyncadd.s32 $0xFFFFC000  }
0x316: {  	[tilespmem:s10], [sflag:$0x1] =	stream.indirect.gather [hbm4b:s5+s9], $0x80, s15, s9, $0xb8;
	[tilespmem:$0x1E000] =	vst v63  }
0x317: {  	s16 =	simm.s32 $0x980  }
0x318: {  	[spmem:s1] =	stream.indirect.scatter.add.f32 [tilespmem:s12], [sflag:$0x3], $0x80, s16, s9, $0xb8;
	[tilespmem:$0x1E000] =	vst v63  }
0x319: {  	_ =	swait.ge [sflag:s7], $0x4000  }
0x31a: {  	[sflag:s7] =	ssyncset.done $0x0  }
0x31b: {  	[sflag:s7] =	ssyncadd.s32 $0xFFFFC000  }
0x31c: {  	_ =	swait.ge [sflag:s11], $0x4000  }
0x31d: {  	[sflag:s11] =	ssyncset.done $0x0  }
0x31e: {  	s17 =	simm.s32 $0x280;
	[sflag:s11] =	ssyncadd.s32 $0xFFFFC000  }
0x31f: {  	[tilespmem:s12], [sflag:$0x2] =	stream.indirect.gather [hbm4b:s5+s9], $0x80, s17, s9, $0xb8;
	[tilespmem:$0x1E000] =	vst v63  }
0x320: {  	s18 =	simm.s32 $0xA00  }
0x321: {  	[spmem:s1] =	stream.indirect.scatter.add.f32 [tilespmem:s10], [sflag:$0x3], $0x80, s18, s9, $0xb8;
	[tilespmem:$0x1E000] =	vst v63  }
0x322: {  	_ =	swait.ge [sflag:s7], $0x4000  }
0x323: {  	[sflag:s7] =	ssyncset.done $0x0  }
0x324: {  	[sflag:s7] =	ssyncadd.s32 $0xFFFFC000  }
0x325: {  	_ =	swait.ge [sflag:s13], $0x4000  }
0x326: {  	[sflag:s13] =	ssyncset.done $0x0  }
0x327: {  	s19 =	simm.s32 $0x300;
	[sflag:s13] =	ssyncadd.s32 $0xFFFFC000  }
0x328: {  	[tilespmem:s10], [sflag:$0x1] =	stream.indirect.gather [hbm4b:s5+s9], $0x80, s19, s9, $0xb8;
	[tilespmem:$0x1E000] =	vst v63  }
0x329: {  	s20 =	simm.s32 $0xA80  }
0x32a: {  	[spmem:s1] =	stream.indirect.scatter.add.f32 [tilespmem:s12], [sflag:$0x3], $0x80, s20, s9, $0xb8;
	[tilespmem:$0x1E000] =	vst v63  }
0x32b: {  	_ =	swait.ge [sflag:s7], $0x4000  }
0x32c: {  	[sflag:s7] =	ssyncset.done $0x0  }
0x32d: {  	[sflag:s7] =	ssyncadd.s32 $0xFFFFC000  }
0x32e: {  	_ =	swait.ge [sflag:s11], $0x4000  }
0x32f: {  	[sflag:s11] =	ssyncset.done $0x0  }
0x330: {  	s21 =	simm.s32 $0x380;
	[sflag:s11] =	ssyncadd.s32 $0xFFFFC000  }
0x331: {  	[tilespmem:s12], [sflag:$0x2] =	stream.indirect.gather [hbm4b:s5+s9], $0x80, s21, s9, $0xb8;
	[tilespmem:$0x1E000] =	vst v63  }
0x332: {  	s22 =	simm.s32 $0xB00  }
0x333: {  	[spmem:s1] =	stream.indirect.scatter.add.f32 [tilespmem:s10], [sflag:$0x3], $0x80, s22, s9, $0xb8;
	[tilespmem:$0x1E000] =	vst v63  }
0x334: {  	_ =	swait.ge [sflag:s7], $0x4000  }
0x335: {  	[sflag:s7] =	ssyncset.done $0x0  }
0x336: {  	[sflag:s7] =	ssyncadd.s32 $0xFFFFC000  }
0x337: {  	_ =	swait.ge [sflag:s13], $0x4000  }
0x338: {  	[sflag:s13] =	ssyncset.done $0x0  }
0x339: {  	s23 =	simm.s32 $0x400;
	[sflag:s13] =	ssyncadd.s32 $0xFFFFC000  }
0x33a: {  	[tilespmem:s10], [sflag:$0x1] =	stream.indirect.gather [hbm4b:s5+s9], $0x80, s23, s9, $0xb8;
	[tilespmem:$0x1E000] =	vst v63  }
0x33b: {  	s26 =	simm.s32 $0xB80  }
0x33c: {  	[spmem:s1] =	stream.indirect.scatter.add.f32 [tilespmem:s12], [sflag:$0x3], $0x80, s26, s9, $0xb8;
	[tilespmem:$0x1E000] =	vst v63  }
0x33d: {  	_ =	swait.ge [sflag:s7], $0x4000  }
0x33e: {  	[sflag:s7] =	ssyncset.done $0x0  }
0x33f: {  	[sflag:s7] =	ssyncadd.s32 $0xFFFFC000  }
0x340: {  	_ =	swait.ge [sflag:s11], $0x4000  }
0x341: {  	[sflag:s11] =	ssyncset.done $0x0  }
0x342: {  	s31 =	simm.s32 $0x480;
	[sflag:s11] =	ssyncadd.s32 $0xFFFFC000  }
0x343: {  	[tilespmem:s12], [sflag:$0x2] =	stream.indirect.gather [hbm4b:s5+s9], $0x80, s31, s9, $0xb8;
	[tilespmem:$0x1E000] =	vst v63  }
0x344: {  	s29 =	simm.s32 $0xC00  }
0x345: {  	[spmem:s1] =	stream.indirect.scatter.add.f32 [tilespmem:s10], [sflag:$0x3], $0x80, s29, s9, $0xb8;
	[tilespmem:$0x1E000] =	vst v63  }
0x346: {  	_ =	swait.ge [sflag:s7], $0x4000  }
0x347: {  	[sflag:s7] =	ssyncset.done $0x0  }
0x348: {  	[sflag:s7] =	ssyncadd.s32 $0xFFFFC000  }
0x349: {  	_ =	swait.ge [sflag:s13], $0x4000  }
0x34a: {  	[sflag:s13] =	ssyncset.done $0x0  }
0x34b: {  	s31 =	simm.s32 $0x500;
	[sflag:s13] =	ssyncadd.s32 $0xFFFFC000  }
0x34c: {  	[tilespmem:s10], [sflag:$0x1] =	stream.indirect.gather [hbm4b:s5+s9], $0x80, s31, s9, $0xb8;
	[tilespmem:$0x1E000] =	vst v63  }
0x34d: {  	s29 =	simm.s32 $0xC80  }
0x34e: {  	[spmem:s1] =	stream.indirect.scatter.add.f32 [tilespmem:s12], [sflag:$0x3], $0x80, s29, s9, $0xb8;
	[tilespmem:$0x1E000] =	vst v63  }
0x34f: {  	_ =	swait.ge [sflag:s7], $0x4000  }
0x350: {  	[sflag:s7] =	ssyncset.done $0x0  }
0x351: {  	[sflag:s7] =	ssyncadd.s32 $0xFFFFC000  }
0x352: {  	_ =	swait.ge [sflag:s11], $0x4000  }
0x353: {  	[sflag:s11] =	ssyncset.done $0x0  }
0x354: {  	s31 =	simm.s32 $0x580;
	[sflag:s11] =	ssyncadd.s32 $0xFFFFC000  }
0x355: {  	[tilespmem:s12], [sflag:$0x2] =	stream.indirect.gather [hbm4b:s5+s9], $0x80, s31, s9, $0xb8;
	[tilespmem:$0x1E000] =	vst v63  }
0x356: {  	s29 =	simm.s32 $0xD00  }
0x357: {  	[spmem:s1] =	stream.indirect.scatter.add.f32 [tilespmem:s10], [sflag:$0x3], $0x80, s29, s9, $0xb8;
	[tilespmem:$0x1E000] =	vst v63  }
0x358: {  	_ =	swait.ge [sflag:s7], $0x4000  }
0x359: {  	[sflag:s7] =	ssyncset.done $0x0  }
0x35a: {  	[sflag:s7] =	ssyncadd.s32 $0xFFFFC000  }
0x35b: {  	_ =	swait.ge [sflag:s13], $0x4000  }
0x35c: {  	[sflag:s13] =	ssyncset.done $0x0  }
0x35d: {  	s31 =	simm.s32 $0x600;
	[sflag:s13] =	ssyncadd.s32 $0xFFFFC000  }
0x35e: {  	[tilespmem:s10], [sflag:$0x1] =	stream.indirect.gather [hbm4b:s5+s9], $0x80, s31, s9, $0xb8;
	[tilespmem:$0x1E000] =	vst v63  }
0x35f: {  	s29 =	simm.s32 $0xD80  }
0x360: {  	[spmem:s1] =	stream.indirect.scatter.add.f32 [tilespmem:s12], [sflag:$0x3], $0x80, s29, s9, $0xb8;
	[tilespmem:$0x1E000] =	vst v63  }
0x361: {  	_ =	swait.ge [sflag:s7], $0x4000  }
0x362: {  	[sflag:s7] =	ssyncset.done $0x0  }
0x363: {  	[sflag:s7] =	ssyncadd.s32 $0xFFFFC000  }
0x364: {  	_ =	swait.ge [sflag:s11], $0x4000  }
0x365: {  	[sflag:s11] =	ssyncset.done $0x0  }
0x366: {  	s31 =	simm.s32 $0x680;
	[sflag:s11] =	ssyncadd.s32 $0xFFFFC000  }
0x367: {  	[tilespmem:s12], [sflag:$0x2] =	stream.indirect.gather [hbm4b:s5+s9], $0x80, s31, s9, $0xb8;
	[tilespmem:$0x1E000] =	vst v63  }
0x368: {  	s29 =	simm.s32 $0xE00  }
0x369: {  	[spmem:s1] =	stream.indirect.scatter.add.f32 [tilespmem:s10], [sflag:$0x3], $0x80, s29, s9, $0xb8;
	[tilespmem:$0x1E000] =	vst v63  }
0x36a: {  	_ =	swait.ge [sflag:s7], $0x4000  }
0x36b: {  	[sflag:s7] =	ssyncset.done $0x0  }
0x36c: {  	[sflag:s7] =	ssyncadd.s32 $0xFFFFC000  }
0x36d: {  	_ =	swait.ge [sflag:s13], $0x4000  }
0x36e: {  	[sflag:s13] =	ssyncset.done $0x0  }
0x36f: {  	s31 =	simm.s32 $0x700;
	[sflag:s13] =	ssyncadd.s32 $0xFFFFC000  }
0x370: {  	[tilespmem:s10], [sflag:$0x1] =	stream.indirect.gather [hbm4b:s5+s9], $0x80, s31, s9, $0xb8;
	[tilespmem:$0x1E000] =	vst v63  }
0x371: {  	s29 =	simm.s32 $0xE80  }
0x372: {  	[spmem:s1] =	stream.indirect.scatter.add.f32 [tilespmem:s12], [sflag:$0x3], $0x80, s29, s9, $0xb8;
	[tilespmem:$0x1E000] =	vst v63  }
0x373: {  	_ =	swait.ge [sflag:s7], $0x4000  }
0x374: {  	[sflag:s7] =	ssyncset.done $0x0  }
0x375: {  	[sflag:s7] =	ssyncadd.s32 $0xFFFFC000  }
0x376: {  	_ =	swait.ge [sflag:s11], $0x4000  }
0x377: {  	[sflag:s11] =	ssyncset.done $0x0  }
0x378: {  	s31 =	simm.s32 $0x780;
	[sflag:s11] =	ssyncadd.s32 $0xFFFFC000  }
0x379: {  	[tilespmem:s12], [sflag:$0x2] =	stream.indirect.gather [hbm4b:s5+s9], $0x80, s31, s9, $0xb8;
	[tilespmem:$0x1E000] =	vst v63  }
0x37a: {  	s29 =	simm.s32 $0xF00  }
0x37b: {  	[spmem:s1] =	stream.indirect.scatter.add.f32 [tilespmem:s10], [sflag:$0x3], $0x80, s29, s9, $0xb8;
	[tilespmem:$0x1E000] =	vst v63  }
0x37c: {  	_ =	swait.ge [sflag:s7], $0x4000  }
0x37d: {  	[sflag:s7] =	ssyncset.done $0x0  }
0x37e: {  	[sflag:s7] =	ssyncadd.s32 $0xFFFFC000  }
0x37f: {  	_ =	swait.ge [sflag:s13], $0x4000  }
0x380: {  	[sflag:s13] =	ssyncset.done $0x0  }
0x381: {  	s31 =	simm.s32 $0xF80;
	[sflag:s13] =	ssyncadd.s32 $0xFFFFC000  }
0x382: {  	[spmem:s1] =	stream.indirect.scatter.add.f32 [tilespmem:s12], [sflag:$0x3], $0x80, s31, s9, $0xb8;
	[tilespmem:$0x1E000] =	vst v63  }
0x383: {  	_ =	swait.ge [sflag:s7], $0x4000  }
0x384: {  	s28 =	simm.s32 $0x100;
	s30 =	simm.s32 $0x200;
	[sflag:s7] =	ssyncset.done $0x0  }
.LBB2_8:
0x385: {  	s0 =	sadd.s32 s28, s25  }
0x386: {  	[sflag:s7] =	ssyncadd.s32 $0xFFFFC000;
	s31 =	smov.u32 s30;
	s29 =	sadd.s32 $0x100, s30  }
0x387: {  	[tilespmem:s3], [sflag:$0x3] =	stream.linear.gather [hbm4b:s0+s3], $0x800, $0x38;
	[tilespmem:$0x1E000] =	vst v63  }
0x388: {  	p1 =	sne.s32 s30, $0x900;
	_ =	swait.ge [sflag:s7], $0x800  }
0x389: {  	s0 =	sadd.s32 s28, s24;
	[sflag:s7] =	ssyncset.done $0x0  }
0x38a: {  	s28 =	smov.u32 s31;
	s31 =	simm.s32 $0x100;
	[sflag:s7] =	ssyncadd.s32 $0xFFFFF800  }
0x38b: {  	[tilespmem:s2], [sflag:$0x3] =	stream.linear.gather [hbm4b:s0+s3], $0x800, $0x38;
	[tilespmem:$0x1E000] =	vst v63  }
0x38c: {  	_ =	swait.ge [sflag:s7], $0x800  }
0x38d: {  	[sflag:s7] =	ssyncset.done $0x0  }
0x38e: {  	[sflag:s7] =	ssyncadd.s32 $0xFFFFF800  }
0x38f: {  	[tilespmem:s10], [sflag:$0x1] =	stream.indirect.gather [hbm4b:s5+s9], $0x80, s3, s9, $0xb8;
	[tilespmem:$0x1E000] =	vst v63  }
0x390: {  	_ =	swait.ge [sflag:s11], $0x4000  }
0x391: {  	[sflag:s11] =	ssyncset.done $0x0  }
0x392: {  	[sflag:s11] =	ssyncadd.s32 $0xFFFFC000  }
0x393: {  	[tilespmem:s12], [sflag:$0x2] =	stream.indirect.gather [hbm4b:s5+s9], $0x80, s9, s9, $0xb8;
	[tilespmem:$0x1E000] =	vst v63  }
0x394: {  	_ = 	snop  }
0x395: {  	[spmem:s1] =	stream.indirect.scatter.add.f32 [tilespmem:s10], [sflag:$0x3], $0x80, s2, s9, $0xb8;
	[tilespmem:$0x1E000] =	vst v63  }
0x396: {  	_ =	swait.ge [sflag:s7], $0x4000  }
0x397: {  	[sflag:s7] =	ssyncset.done $0x0  }
0x398: {  	[sflag:s7] =	ssyncadd.s32 $0xFFFFC000  }
0x399: {  	_ =	swait.ge [sflag:s13], $0x4000  }
0x39a: {  	[sflag:s13] =	ssyncset.done $0x0  }
0x39b: {  	[sflag:s13] =	ssyncadd.s32 $0xFFFFC000  }
0x39c: {  	[tilespmem:s10], [sflag:$0x1] =	stream.indirect.gather [hbm4b:s5+s9], $0x80, s31, s9, $0xb8;
	[tilespmem:$0x1E000] =	vst v63  }
0x39d: {  	_ = 	snop  }
0x39e: {  	[spmem:s1] =	stream.indirect.scatter.add.f32 [tilespmem:s12], [sflag:$0x3], $0x80, s8, s9, $0xb8;
	[tilespmem:$0x1E000] =	vst v63  }
0x39f: {  	_ =	swait.ge [sflag:s7], $0x4000  }
0x3a0: {  	[sflag:s7] =	ssyncset.done $0x0  }
0x3a1: {  	[sflag:s7] =	ssyncadd.s32 $0xFFFFC000  }
0x3a2: {  	_ =	swait.ge [sflag:s11], $0x4000  }
0x3a3: {  	[sflag:s11] =	ssyncset.done $0x0  }
0x3a4: {  	[sflag:s11] =	ssyncadd.s32 $0xFFFFC000  }
0x3a5: {  	[tilespmem:s12], [sflag:$0x2] =	stream.indirect.gather [hbm4b:s5+s9], $0x80, s6, s9, $0xb8;
	[tilespmem:$0x1E000] =	vst v63  }
0x3a6: {  	_ = 	snop  }
0x3a7: {  	[spmem:s1] =	stream.indirect.scatter.add.f32 [tilespmem:s10], [sflag:$0x3], $0x80, s14, s9, $0xb8;
	[tilespmem:$0x1E000] =	vst v63  }
0x3a8: {  	_ =	swait.ge [sflag:s7], $0x4000  }
0x3a9: {  	[sflag:s7] =	ssyncset.done $0x0  }
0x3aa: {  	[sflag:s7] =	ssyncadd.s32 $0xFFFFC000  }
0x3ab: {  	_ =	swait.ge [sflag:s13], $0x4000  }
0x3ac: {  	[sflag:s13] =	ssyncset.done $0x0  }
0x3ad: {  	[sflag:s13] =	ssyncadd.s32 $0xFFFFC000  }
0x3ae: {  	[tilespmem:s10], [sflag:$0x1] =	stream.indirect.gather [hbm4b:s5+s9], $0x80, s15, s9, $0xb8;
	[tilespmem:$0x1E000] =	vst v63  }
0x3af: {  	_ = 	snop  }
0x3b0: {  	[spmem:s1] =	stream.indirect.scatter.add.f32 [tilespmem:s12], [sflag:$0x3], $0x80, s16, s9, $0xb8;
	[tilespmem:$0x1E000] =	vst v63  }
0x3b1: {  	_ =	swait.ge [sflag:s7], $0x4000  }
0x3b2: {  	[sflag:s7] =	ssyncset.done $0x0  }
0x3b3: {  	[sflag:s7] =	ssyncadd.s32 $0xFFFFC000  }
0x3b4: {  	_ =	swait.ge [sflag:s11], $0x4000  }
0x3b5: {  	[sflag:s11] =	ssyncset.done $0x0  }
0x3b6: {  	[sflag:s11] =	ssyncadd.s32 $0xFFFFC000  }
0x3b7: {  	[tilespmem:s12], [sflag:$0x2] =	stream.indirect.gather [hbm4b:s5+s9], $0x80, s17, s9, $0xb8;
	[tilespmem:$0x1E000] =	vst v63  }
0x3b8: {  	_ = 	snop  }
0x3b9: {  	[spmem:s1] =	stream.indirect.scatter.add.f32 [tilespmem:s10], [sflag:$0x3], $0x80, s18, s9, $0xb8;
	[tilespmem:$0x1E000] =	vst v63  }
0x3ba: {  	_ =	swait.ge [sflag:s7], $0x4000  }
0x3bb: {  	[sflag:s7] =	ssyncset.done $0x0  }
0x3bc: {  	[sflag:s7] =	ssyncadd.s32 $0xFFFFC000  }
0x3bd: {  	_ =	swait.ge [sflag:s13], $0x4000  }
0x3be: {  	[sflag:s13] =	ssyncset.done $0x0  }
0x3bf: {  	[sflag:s13] =	ssyncadd.s32 $0xFFFFC000  }
0x3c0: {  	[tilespmem:s10], [sflag:$0x1] =	stream.indirect.gather [hbm4b:s5+s9], $0x80, s19, s9, $0xb8;
	[tilespmem:$0x1E000] =	vst v63  }
0x3c1: {  	_ = 	snop  }
0x3c2: {  	[spmem:s1] =	stream.indirect.scatter.add.f32 [tilespmem:s12], [sflag:$0x3], $0x80, s20, s9, $0xb8;
	[tilespmem:$0x1E000] =	vst v63  }
0x3c3: {  	_ =	swait.ge [sflag:s7], $0x4000  }
0x3c4: {  	[sflag:s7] =	ssyncset.done $0x0  }
0x3c5: {  	[sflag:s7] =	ssyncadd.s32 $0xFFFFC000  }
0x3c6: {  	_ =	swait.ge [sflag:s11], $0x4000  }
0x3c7: {  	[sflag:s11] =	ssyncset.done $0x0  }
0x3c8: {  	[sflag:s11] =	ssyncadd.s32 $0xFFFFC000  }
0x3c9: {  	[tilespmem:s12], [sflag:$0x2] =	stream.indirect.gather [hbm4b:s5+s9], $0x80, s21, s9, $0xb8;
	[tilespmem:$0x1E000] =	vst v63  }
0x3ca: {  	_ = 	snop  }
0x3cb: {  	[spmem:s1] =	stream.indirect.scatter.add.f32 [tilespmem:s10], [sflag:$0x3], $0x80, s22, s9, $0xb8;
	[tilespmem:$0x1E000] =	vst v63  }
0x3cc: {  	_ =	swait.ge [sflag:s7], $0x4000  }
0x3cd: {  	[sflag:s7] =	ssyncset.done $0x0  }
0x3ce: {  	[sflag:s7] =	ssyncadd.s32 $0xFFFFC000  }
0x3cf: {  	_ =	swait.ge [sflag:s13], $0x4000  }
0x3d0: {  	[sflag:s13] =	ssyncset.done $0x0  }
0x3d1: {  	[sflag:s13] =	ssyncadd.s32 $0xFFFFC000  }
0x3d2: {  	[tilespmem:s10], [sflag:$0x1] =	stream.indirect.gather [hbm4b:s5+s9], $0x80, s23, s9, $0xb8;
	[tilespmem:$0x1E000] =	vst v63  }
0x3d3: {  	_ = 	snop  }
0x3d4: {  	[spmem:s1] =	stream.indirect.scatter.add.f32 [tilespmem:s12], [sflag:$0x3], $0x80, s26, s9, $0xb8;
	[tilespmem:$0x1E000] =	vst v63  }
0x3d5: {  	_ =	swait.ge [sflag:s7], $0x4000  }
0x3d6: {  	[sflag:s7] =	ssyncset.done $0x0  }
0x3d7: {  	[sflag:s7] =	ssyncadd.s32 $0xFFFFC000  }
0x3d8: {  	_ =	swait.ge [sflag:s11], $0x4000  }
0x3d9: {  	[sflag:s11] =	ssyncset.done $0x0  }
0x3da: {  	s0 =	simm.s32 $0x480;
	[sflag:s11] =	ssyncadd.s32 $0xFFFFC000  }
0x3db: {  	[tilespmem:s12], [sflag:$0x2] =	stream.indirect.gather [hbm4b:s5+s9], $0x80, s0, s9, $0xb8;
	[tilespmem:$0x1E000] =	vst v63  }
0x3dc: {  	s0 =	simm.s32 $0xC00  }
0x3dd: {  	[spmem:s1] =	stream.indirect.scatter.add.f32 [tilespmem:s10], [sflag:$0x3], $0x80, s0, s9, $0xb8;
	[tilespmem:$0x1E000] =	vst v63  }
0x3de: {  	_ =	swait.ge [sflag:s7], $0x4000  }
0x3df: {  	[sflag:s7] =	ssyncset.done $0x0  }
0x3e0: {  	[sflag:s7] =	ssyncadd.s32 $0xFFFFC000  }
0x3e1: {  	_ =	swait.ge [sflag:s13], $0x4000  }
0x3e2: {  	[sflag:s13] =	ssyncset.done $0x0  }
0x3e3: {  	s0 =	simm.s32 $0x500;
	[sflag:s13] =	ssyncadd.s32 $0xFFFFC000  }
0x3e4: {  	[tilespmem:s10], [sflag:$0x1] =	stream.indirect.gather [hbm4b:s5+s9], $0x80, s0, s9, $0xb8;
	[tilespmem:$0x1E000] =	vst v63  }
0x3e5: {  	s0 =	simm.s32 $0xC80  }
0x3e6: {  	[spmem:s1] =	stream.indirect.scatter.add.f32 [tilespmem:s12], [sflag:$0x3], $0x80, s0, s9, $0xb8;
	[tilespmem:$0x1E000] =	vst v63  }
0x3e7: {  	_ =	swait.ge [sflag:s7], $0x4000  }
0x3e8: {  	[sflag:s7] =	ssyncset.done $0x0  }
0x3e9: {  	[sflag:s7] =	ssyncadd.s32 $0xFFFFC000  }
0x3ea: {  	_ =	swait.ge [sflag:s11], $0x4000  }
0x3eb: {  	[sflag:s11] =	ssyncset.done $0x0  }
0x3ec: {  	s0 =	simm.s32 $0x580;
	[sflag:s11] =	ssyncadd.s32 $0xFFFFC000  }
0x3ed: {  	[tilespmem:s12], [sflag:$0x2] =	stream.indirect.gather [hbm4b:s5+s9], $0x80, s0, s9, $0xb8;
	[tilespmem:$0x1E000] =	vst v63  }
0x3ee: {  	s0 =	simm.s32 $0xD00  }
0x3ef: {  	[spmem:s1] =	stream.indirect.scatter.add.f32 [tilespmem:s10], [sflag:$0x3], $0x80, s0, s9, $0xb8;
	[tilespmem:$0x1E000] =	vst v63  }
0x3f0: {  	_ =	swait.ge [sflag:s7], $0x4000  }
0x3f1: {  	[sflag:s7] =	ssyncset.done $0x0  }
0x3f2: {  	[sflag:s7] =	ssyncadd.s32 $0xFFFFC000  }
0x3f3: {  	_ =	swait.ge [sflag:s13], $0x4000  }
0x3f4: {  	[sflag:s13] =	ssyncset.done $0x0  }
0x3f5: {  	s0 =	simm.s32 $0x600;
	[sflag:s13] =	ssyncadd.s32 $0xFFFFC000  }
0x3f6: {  	[tilespmem:s10], [sflag:$0x1] =	stream.indirect.gather [hbm4b:s5+s9], $0x80, s0, s9, $0xb8;
	[tilespmem:$0x1E000] =	vst v63  }
0x3f7: {  	s0 =	simm.s32 $0xD80  }
0x3f8: {  	[spmem:s1] =	stream.indirect.scatter.add.f32 [tilespmem:s12], [sflag:$0x3], $0x80, s0, s9, $0xb8;
	[tilespmem:$0x1E000] =	vst v63  }
0x3f9: {  	_ =	swait.ge [sflag:s7], $0x4000  }
0x3fa: {  	[sflag:s7] =	ssyncset.done $0x0  }
0x3fb: {  	[sflag:s7] =	ssyncadd.s32 $0xFFFFC000  }
0x3fc: {  	_ =	swait.ge [sflag:s11], $0x4000  }
0x3fd: {  	[sflag:s11] =	ssyncset.done $0x0  }
0x3fe: {  	s0 =	simm.s32 $0x680;
	[sflag:s11] =	ssyncadd.s32 $0xFFFFC000  }
0x3ff: {  	[tilespmem:s12], [sflag:$0x2] =	stream.indirect.gather [hbm4b:s5+s9], $0x80, s0, s9, $0xb8;
	[tilespmem:$0x1E000] =	vst v63  }
0x400: {  	s0 =	simm.s32 $0xE00  }
0x401: {  	[spmem:s1] =	stream.indirect.scatter.add.f32 [tilespmem:s10], [sflag:$0x3], $0x80, s0, s9, $0xb8;
	[tilespmem:$0x1E000] =	vst v63  }
0x402: {  	_ =	swait.ge [sflag:s7], $0x4000  }
0x403: {  	[sflag:s7] =	ssyncset.done $0x0  }
0x404: {  	[sflag:s7] =	ssyncadd.s32 $0xFFFFC000  }
0x405: {  	_ =	swait.ge [sflag:s13], $0x4000  }
0x406: {  	[sflag:s13] =	ssyncset.done $0x0  }
0x407: {  	s0 =	simm.s32 $0x700;
	[sflag:s13] =	ssyncadd.s32 $0xFFFFC000  }
0x408: {  	[tilespmem:s10], [sflag:$0x1] =	stream.indirect.gather [hbm4b:s5+s9], $0x80, s0, s9, $0xb8;
	[tilespmem:$0x1E000] =	vst v63  }
0x409: {  	s0 =	simm.s32 $0xE80  }
0x40a: {  	[spmem:s1] =	stream.indirect.scatter.add.f32 [tilespmem:s12], [sflag:$0x3], $0x80, s0, s9, $0xb8;
	[tilespmem:$0x1E000] =	vst v63  }
0x40b: {  	_ =	swait.ge [sflag:s7], $0x4000  }
0x40c: {  	[sflag:s7] =	ssyncset.done $0x0  }
0x40d: {  	[sflag:s7] =	ssyncadd.s32 $0xFFFFC000  }
0x40e: {  	_ =	swait.ge [sflag:s11], $0x4000  }
0x40f: {  	[sflag:s11] =	ssyncset.done $0x0  }
0x410: {  	s0 =	simm.s32 $0x780;
	[sflag:s11] =	ssyncadd.s32 $0xFFFFC000  }
0x411: {  	[tilespmem:s12], [sflag:$0x2] =	stream.indirect.gather [hbm4b:s5+s9], $0x80, s0, s9, $0xb8;
	[tilespmem:$0x1E000] =	vst v63  }
0x412: {  	s0 =	simm.s32 $0xF00  }
0x413: {  	[spmem:s1] =	stream.indirect.scatter.add.f32 [tilespmem:s10], [sflag:$0x3], $0x80, s0, s9, $0xb8;
	[tilespmem:$0x1E000] =	vst v63  }
0x414: {  	_ =	swait.ge [sflag:s7], $0x4000  }
0x415: {  	[sflag:s7] =	ssyncset.done $0x0  }
0x416: {  	[sflag:s7] =	ssyncadd.s32 $0xFFFFC000  }
0x417: {  	_ =	swait.ge [sflag:s13], $0x4000  }
.Ltmp6:
0x418: {  	[sflag:s13] =	ssyncset.done $0x0;
	(pc) =	sbr.rel @p1 .LBB2_8-.Ltmp6, $4  }
0x419: {  	s0 =	simm.s32 $0xF80;
	[sflag:s13] =	ssyncadd.s32 $0xFFFFC000  }
0x41a: {  	[spmem:s1] =	stream.indirect.scatter.add.f32 [tilespmem:s12], [sflag:$0x3], $0x80, s0, s9, $0xb8;
	[tilespmem:$0x1E000] =	vst v63  }
0x41b: {  	_ =	swait.ge [sflag:s7], $0x4000  }
0x41c: {  	s30 =	smov.u32 s29;
	[sflag:s7] =	ssyncset.done $0x0  }
.Ltmp7:
0x41d: {  	_ = 	snop;
	(pc) =	sbr.rel .LBB2_9-.Ltmp7, $1  }
0x41e: {  	_ =	sdelay $0x3  }
.LBB2_11:
0x41f: {  	_ =	sfence.sel $0x180000  }
0x420: {  	[bflag:$0x0] =	sbarrier.arrive $0xFFFF  }
0x421: {  	_ =	strace $0x9000004D  }
0x422: {  	s0 =	stileid.u32;
	[bflag:$0x2] =	sbarrier.arrive $0xFFFF  }
0x423: {  	p0 =	sne.s32 s0, $0x0;
	s0 =	rddreg [dreg:$0x2]  }
0x424: {  	s0 =	sadd.s32 @!p0 $0x100000, s0  }
0x425: {  	[sflag:s0] =	ssyncadd.tile.s32 @!p0 $0x1;
	_ =	shalt  }
.Lfunc_end2:
_tile_overlayer_lowered:
.L_overlay_start_2:
0x426: {  	(tag) =	ssettag $0x2  }
0x427: {  	s0 =	rddreg [dreg:$0x0];
	s2 =	stileid.u32  }
0x428: {  	s1 =	rddreg [dreg:$0x1];
	p0 =	sne.s32 s2, $0x0  }
0x429: {  	s3 =	rddreg [dreg:$0x2];
	[bflag:$0x3] =	sbarrier.arrive $0xFFFF;
	s2 =	simm.s32 @!p0 $0x1C03  }
0x42a: {  	[timem:s3], [sflag:s2] =	dma.local @!p0 [hbm:s0], s1  }
0x42b: {  	s0 =	simm.s32 @!p0 $0x3  }
0x42c: {  	_ =	swait.ge @!p0 [sflag:s0], s1  }
0x42d: {  	s1 =	ssub.s32 @!p0 $0x0, s1;
	[sflag:s0] =	ssyncset.done @!p0 $0x0  }
0x42e: {  	[sflag:s0] =	ssyncadd.s32 @!p0 s1  }
0x42f: {  	[bflag:$0x3] =	sbarrier.arrive $0xFFFF  }
0x430: {  	_ =	shalt  }

// kernel: kernel.8.cloned.1.call-start
scs
__scs_entry_jumppad:
0x0: {  	(pc) =	sbr.rel $0x88, $3  }
0x1: {  	(tag) =	ssettag $0x0;
	lr =	simm.s32 $0x1  }
0x2: {  	[smem:$0x3F96] =	sst lr;
	_ =	strace $0xD0000000  }
0x3: {  	_ = 	snop  }
0x4: {  	_ = 	snop  }
0x5: {  	_ = 	snop  }
0x6: {  	_ = 	snop  }
0x7: {  	_ = 	snop  }
__scs_overlays_trampoline_lowered:
0x8: {  	[smem:$0x3FA5] =	sst s0  }
0x9: {  	[smem:$0x3FA6] =	sst s1  }
0xa: {  	[smem:$0x3FA7] =	sst s2  }
0xb: {  	[smem:$0x3FA8] =	sst s3  }
0xc: {  	[smem:$0x3FA9] =	sst s4  }
0xd: {  	[smem:$0x3FAA] =	sst s5  }
0xe: {  	[smem:$0x3FAB] =	sst s6  }
0xf: {  	[smem:$0x3FAC] =	sst s7  }
0x10: {  	[smem:$0x3FAD] =	sst s8  }
0x11: {  	[smem:$0x3FAE] =	sst s9;
	s0 =	simm.s32 @!p0 $0x0  }
0x12: {  	s1 =	sld [smem:$0x3F94];
	s0 =	simm.s32 @p0 $0x1  }
0x13: {  	[smem:$0x3FAF] =	sst s0;
	s0 =	simm.s32 @!p1 $0x0  }
0x14: {  	s2 =	sld [smem:$0x3F93];
	s0 =	simm.s32 @p1 $0x1  }
0x15: {  	[smem:$0x3FB0] =	sst s0;
	s0 =	simm.s32 @!p2 $0x0  }
0x16: {  	s3 =	sld [smem:$0x3FDB];
	s0 =	simm.s32 @p2 $0x1  }
0x17: {  	s4 =	simm.s32 $0x1BF5;
	[smem:$0x3FB2] =	sst s0  }
0x18: {  	s0 =	sld [smem:$0x3F95];
	_ =	swait.ge [sflag:s4], $0x0  }
0x19: {  	s7 =	sld [smem:$0x3F96]  }
0x1a: {  	s8 =	sadd.s32 $0xFFFFE003, lr  }
0x1b: {  	s9 =	sadd.s32 $0xFFFFFEF7, lr;
	s5 =	simm.s32 $0xFFFFFFFF;
	p2 =	slt.u32 s8, $0xFFFFF086  }
0x1c: {  	p1 =	slt.u32 s9, $0xF7A;
	s5 =	simm.s32 @!p2 $0x0  }
0x1d: {  	s5 =	simm.s32 @p1 $0x1;
	p0 =	seq.s32 s7, s2  }
0x1e: {  	s7 =	smul.u32 @!p0 $0xF7A, s2;
	p2 =	seq.s32 @!p0 s5, $0x0  }
0x1f: {  	s9 =	smul.u32 $0xF7A, s1;
	s8 =	simm.s32 @!p0 $0x1BF5;
	p2 =	por !p2, p0  }
0x20: {  	[sflag:s8] =	ssyncset.s32 @!p0 $0xFFFFF086;
	s6 =	sadd.s32 @!p0 s3, s7;
	s7 =	simm.s32 @!p0 $0x108  }
0x21: {  	s3 =	sadd.s32 s3, s9;
	s6 =	sadd.s32 @!p0 $0x88, s6;
	s7 =	simm.s32 @p2 $0x1082  }
0x22: {  	[simem:s7], [sflag:s8] =	dma.local @!p0 [hbm:s6], $0xF7A  }
0x23: {  	s9 =	sor.u32 $0xD0000000, s2;
	s6 =	simm.s32 $0x108;
	_ =	swait.ge @!p0 [sflag:s8], $0x0  }
0x24: {  	s3 =	sadd.s32 $0x88, s3;
	s6 =	simm.s32 @!p1 $0x1082;
	[sflag:s4] =	ssyncset.s32 $0xFFFFF086  }
0x25: {  	[simem:s6], [sflag:s4] =	dma.local [hbm:s3], $0xF7A  }
0x26: {  	[smem:$0x3F96] =	sst s1;
	(tag) =	ssettag s2;
	_ =	strace s9  }
0x27: {  	s1 =	sld [smem:$0x3FA6]  }
0x28: {  	s2 =	sld [smem:$0x3FA7]  }
0x29: {  	s4 =	sld [smem:$0x3FA9]  }
0x2a: {  	p0 =	seq.s32 s5, $0x0;
	s5 =	sld [smem:$0x3FAA]  }
0x2b: {  	s6 =	sld [smem:$0x3FAB]  }
0x2c: {  	s7 =	sld [smem:$0x3FAC]  }
0x2d: {  	s3 =	simm.s32 $0x108;
	s8 =	sld [smem:$0x3FAD]  }
0x2e: {  	s3 =	simm.s32 @!p0 $0x1082;
	s9 =	sld [smem:$0x3FAE]  }
0x2f: {  	lr =	sadd.s32 s0, s3;
	s0 =	sld [smem:$0x3FA5]  }
0x30: {  	s3 =	sld [smem:$0x3FA8]  }
0x31: {  	[smem:$0x3FB1] =	sst s10  }
0x32: {  	s10 =	sld [smem:$0x3FAF];
	_ =	sdelay $0x3  }
0x33: {  	p0 =	seq.s32 s10, $0x1;
	s10 =	sld [smem:$0x3FB1];
	_ =	sdelay $0x3  }
0x34: {  	[smem:$0x3FB1] =	sst s10  }
0x35: {  	s10 =	sld [smem:$0x3FB0];
	_ =	sdelay $0x3  }
0x36: {  	p1 =	seq.s32 s10, $0x1;
	s10 =	sld [smem:$0x3FB1];
	_ =	sdelay $0x3  }
0x37: {  	[smem:$0x3FB1] =	sst s10  }
0x38: {  	s10 =	sld [smem:$0x3FB2]  }
0x39: {  	_ = 	snop;
	(pc) =	sbr.ind lr, $3  }
0x3a: {  	_ = 	snop  }
0x3b: {  	_ = 	snop  }
0x3c: {  	p2 =	seq.s32 s10, $0x1;
	s10 =	sld [smem:$0x3FB1]  }
0x3d: {  	_ =	shalt  }
0x3e: {  	_ =	shalt  }
0x3f: {  	_ =	shalt  }
0x40: {  	_ =	shalt  }
0x41: {  	_ =	shalt  }
0x42: {  	_ =	shalt  }
0x43: {  	_ =	shalt  }
0x44: {  	_ =	shalt  }
0x45: {  	_ =	shalt  }
0x46: {  	_ =	shalt  }
0x47: {  	_ =	shalt  }
0x48: {  	_ =	shalt  }
0x49: {  	_ =	shalt  }
0x4a: {  	_ =	shalt  }
0x4b: {  	_ =	shalt  }
0x4c: {  	_ =	shalt  }
0x4d: {  	_ =	shalt  }
0x4e: {  	_ =	shalt  }
0x4f: {  	_ =	shalt  }
0x50: {  	_ =	shalt  }
0x51: {  	_ =	shalt  }
0x52: {  	_ =	shalt  }
0x53: {  	_ =	shalt  }
0x54: {  	_ =	shalt  }
0x55: {  	_ =	shalt  }
0x56: {  	_ =	shalt  }
0x57: {  	_ =	shalt  }
0x58: {  	_ =	shalt  }
0x59: {  	_ =	shalt  }
0x5a: {  	_ =	shalt  }
0x5b: {  	_ =	shalt  }
0x5c: {  	_ =	shalt  }
0x5d: {  	_ =	shalt  }
0x5e: {  	_ =	shalt  }
0x5f: {  	_ =	shalt  }
0x60: {  	_ =	shalt  }
0x61: {  	_ =	shalt  }
0x62: {  	_ =	shalt  }
0x63: {  	_ =	shalt  }
0x64: {  	_ =	shalt  }
0x65: {  	_ =	shalt  }
0x66: {  	_ =	shalt  }
0x67: {  	_ =	shalt  }
0x68: {  	_ =	shalt  }
0x69: {  	_ =	shalt  }
0x6a: {  	_ =	shalt  }
0x6b: {  	_ =	shalt  }
0x6c: {  	_ =	shalt  }
0x6d: {  	_ =	shalt  }
0x6e: {  	_ =	shalt  }
0x6f: {  	_ =	shalt  }
0x70: {  	_ =	shalt  }
0x71: {  	_ =	shalt  }
0x72: {  	_ =	shalt  }
0x73: {  	_ =	shalt  }
0x74: {  	_ =	shalt  }
0x75: {  	_ =	shalt  }
0x76: {  	_ =	shalt  }
0x77: {  	_ =	shalt  }
0x78: {  	_ =	shalt  }
0x79: {  	_ =	shalt  }
0x7a: {  	_ =	shalt  }
0x7b: {  	_ =	shalt  }
0x7c: {  	_ =	shalt  }
0x7d: {  	_ =	shalt  }
0x7e: {  	_ =	shalt  }
0x7f: {  	_ =	shalt  }
0x80: {  	_ =	shalt  }
0x81: {  	_ =	shalt  }
0x82: {  	_ =	shalt  }
0x83: {  	_ =	shalt  }
0x84: {  	_ =	shalt  }
0x85: {  	_ =	shalt  }
0x86: {  	_ =	shalt  }
0x87: {  	_ =	shalt  }
.Lfunc_end0:
.L_simem_size_0:
called_computation_lowered:
.L_overlay_start_0:
0x88: {  	s2 =	sld [smem:$0x3FD9]  }
0x89: {  	s3 =	sld [smem:$0x3FFE];
	_ =	sdelay $0x1  }
0x8a: {  	s1 =	srdreg.scid  }
0x8b: {  	s0 =	sand.u32 $0x1, s1  }
0x8c: {  	s16 =	sshll.u32 s0, $0xA;
	s2 =	sadd.s32 s3, s2  }
0x8d: {  	s2 =	sadd.s32 s2, s16  }
0x8e: {  	[smem:$0x3FBD] =	sst s2  }
0x8f: {  	_ = 	snop  }
0x90: {  	(tm) =	ssettm $0x1  }
0x91: {  	s17 =	sld [smem:$0x3FFB];
	_ =	sdelay $0x3  }
0x92: {  	_ =	strace s17  }
0x93: {  	s2 =	sld [smem:$0x3FFC];
	_ =	sdelay $0x3  }
0x94: {  	_ =	strace s2  }
0x95: {  	s2 =	sld [smem:$0x3FFD];
	_ =	sdelay $0x3  }
0x96: {  	_ =	strace s2  }
0x97: {  	_ =	strace $0x8FFFFFFF  }
0x98: {  	s18 =	sld [smem:$0x3FDB];
	_ =	sdelay $0x1  }
0x99: {  	s19 =	simm.s32 $_scs_section_size  }
0x9a: {  	s4 =	simm.s32 $_size__tile_overlayer_lowered;
	s5 =	simm.s32 $_tile_overlayer_lowered  }
0x9b: {  	s22 =	simm.s32 $0x1BFF;
	s21 =	sshll.u32 s5, $0x1;
	s2 =	sadd.s32 s19, s18  }
0x9c: {  	s6 =	simm.s32 $0x0;
	s20 =	sshll.u32 s4, $0x1;
	s4 =	sadd.s32 s21, s2  }
0x9d: {  	[timem:s6], [sflag:s22] =	dma.local [hbm:s4], s20  }
0x9e: {  	_ =	swait.ge [sflag:s22], s20  }
0x9f: {  	s3 =	ssub.s32 $0x0, s20;
	[sflag:s22] =	ssyncset.done $0x0  }
0xa0: {  	[sflag:s22] =	ssyncadd.s32 s3;
	_ =	sdelay $0x1  }
0xa1: {  	s23 =	simm.s32 $0x1B8B  }
0xa2: {  	_ =	swait.ge [sflag:s23], $0x1  }
0xa3: {  	[sflag:s23] =	ssyncset.done $0x0  }
0xa4: {  	s25 =	simm.s32 $0x1B8E;
	s24 =	sld [smem:$0x3FFE];
	[sflag:s23] =	ssyncadd.s32 $0xFFFFFFFF  }
0xa5: {  	s26 =	simm.s32 $execute0_lowered;
	[smem:$0x3FD2] =	sst s25  }
0xa6: {  	s4 =	sshll.u32 s26, $0x1;
	_ =	strace $0x80000046;
	[dreg:$0x1] =	wrdreg $0xFFFFFFFF  }
0xa7: {  	s28 =	simm.s32 $_size_execute0_lowered;
	s2 =	sadd.s32 s2, s4;
	[dreg:$0x0] =	wrdreg $0x0  }
0xa8: {  	s4 =	sshll.u32 s28, $0x1;
	[dreg:$0x2] =	wrdreg s2  }
0xa9: {  	[dreg:$0x3] =	wrdreg s4  }
0xaa: {  	[dreg:$0x4] =	wrdreg $0xC0  }
0xab: {  	_ =	task [dreg:s6], $0x5FFFF  }
0xac: {  	[dreg:$0x1] =	wrdreg $0xFFFFFFFF  }
0xad: {  	[dreg:$0x0] =	wrdreg $0x60  }
0xae: {  	[dreg:$0x2] =	wrdreg s24  }
0xaf: {  	[dreg:$0x3] =	wrdreg $0x9  }
0xb0: {  	_ =	task.clear_ibuf [dreg:s6], $0x4FFFF;
	_ =	strace $0x90000046  }
0xb1: {  	s29 =	simm.s32 $0x9;
	_ =	strace $0x80000048  }
0xb2: {  	_ =	swait.ge [sflag:s29], $0x1  }
0xb3: {  	[sflag:s29] =	ssyncadd.s32 $0xFFFFFFFF  }
0xb4: {  	_ =	strace $0x90000048  }
0xb5: {  	_ =	sfence  }
0xb6: {  	s30 =	sld [smem:$0x0];
	_ =	sdelay $0x2  }
0xb7: {  	s31 =	sshll.u32 s1, $0xD;
	s1 =	sshrl.u32 s1, $0x2  }
0xb8: {  	s3 =	sand.u32 $0x4000, s31;
	s1 =	sadd.s32 s1, s30  }
0xb9: {  	s0 =	sor.u32 s3, s0;
	s1 =	sshll.u32 s1, $0x11  }
0xba: {  	s0 =	sor.u32 s1, s0  }
0xbb: {  	s0 =	sadd.s32 $0x8F2B, s0  }
0xbc: {  	[sflag:s0] =	ssyncadd.remote.s32 $0x1  }
0xbd: {  	_ =	sfence.sel $0xFFFF  }
0xbe: {  	[dreg:$0x0] =	wrdreg $0xFFFFFFFF;
	(pc) =	sbr.abs _section_cstart, $3  }
0xbf: {  	[dreg:$0x1] =	wrdreg $0xFFFFFFFF  }
0xc0: {  	_ =	task.clear_ibuf [dreg:s6], $0x2FFFF;
	_ =	strace $0x9FFFFFFF  }
0xc1: {  	(tm) =	ssettm $0x7FFFFFFF  }
tec
execute0_lowered:
.L_overlay_start_1:
0x0: {  	(tag) =	ssettag $0x1  }
0x1: {  	s0 =	srdreg.scid  }
0x2: {  	s3 =	sand.u32 $0x1, s0  }
0x3: {  	s4 =	rddreg [dreg:$0x0];
	s0 =	stileid.u32;
	s1 =	sshll.u32 s3, $0x4  }
0x4: {  	s2 =	simm.s32 $0x0;
	s8 =	simm.s32 $0x80;
	s5 =	sor.u32 s0, s1  }
0x5: {  	s9 =	simm.s32 $0x400;
	[smem:$0x7FF] =	sst s2;
	s6 =	sshrl.u32 s5, $0x3  }
0x6: {  	s7 =	sshll.u32 s0, $0x7;
	s3 =	ssub.s32 $0x2, s3;
	s6 =	smul.u32 $0x14000, s6  }
0x7: {  	s1 =	rddreg [dreg:$0x1];
	s7 =	sand.u32 $0x380, s7;
	s5 =	smul.u32 $0x500, s5  }
0x8: {  	_ =	strace $0x80000047;
	s30 =	sshrl.u32 s3, $0x1;
	s6 =	sor.u32 s7, s6  }
0x9: {  	s31 =	ssub.s32 s3, s30;
	s5 =	sadd.s32 s5, s4;
	s6 =	sshrl.u32 s6, $0x3  }
0xa: {  	s3 =	sadd.s32 $0xEC00, s5;
	s5 =	smax.u32 s31, $0x1;
	s4 =	sadd.s32 s6, s4  }
0xb: {  	v0 =	vimm.f32 $0.0e+00;
	v1 =	vimm.f32 $1.000000000e+00;
	s7 =	simm.s32 $0x2800;
	s6 =	simm.s32 $0x1;
	s4 =	sadd.s32 $0x18C00, s4  }
.LBB2_1:
0xc: {  	s10 =	simm.s32 $0x40;
	s11 =	simm.s32 $0x0  }
.LBB2_2:
0xd: {  	p0 =	sne.s32 s10, $0x9FC0;
	[tilespmem:s11+$0x2800] =	vst v0;
	s11 =	smov.u32 s10;
	s10 =	sadd.s32 $0x40, s10  }
.Ltmp0:
0xe: {  	(pc) =	sbr.rel @p0 .LBB2_2-.Ltmp0, $2  }
0xf: {  	_ =	sdelay $0x2  }
0x10: {  	s11 =	sshra.s32 s11, $0x2  }
0x11: {  	[tilespmem:s11+$0x2800] =	vst v0;
	s10 =	simm.s32 $0x0  }
0x12: {  	[tilespmem:s10], [sflag:$0x1] =	stream.linear.gather [hbm4b:s3+s10], $0x2800, $0x38;
	[tilespmem:$0x5000] =	vst v63  }
0x13: {  	_ =	swait.ge [sflag:s6], $0x2800  }
0x14: {  	[sflag:s6] =	ssyncset.done $0x0  }
0x15: {  	s11 =	simm.s32 $0x0;
	s10 =	simm.s32 $0x40;
	[sflag:s6] =	ssyncadd.s32 $0xFFFFD800  }
.LBB2_4:
0x16: {  	p0 =	sne.s32 s10, $0x9FC0;
	v2 =	vld [tilespmem:s11+$0x0];
	_ =	sdelay $0x3  }
.Ltmp1:
0x17: {  	(pc) =	sbr.rel @p0 .LBB2_4-.Ltmp1, $2  }
0x18: {  	_ =	sdelay $0x2  }
0x19: {  	s11 =	sshra.s32 s10, $0x2;
	s10 =	sadd.s32 $0x40, s10;
	[tilespmem:v2+s7+$0x0] =	vst.idx.add.f32.msk $0xffff, v1  }
0x1a: {  	v2 =	vld [tilespmem:s11+$0x0];
	_ =	sdelay $0x5  }
0x1b: {  	s2 =	sadd.s32 $0x1, s2  }
0x1c: {  	p0 =	sne.s32 s2, s5  }
.Ltmp2:
0x1d: {  	[tilespmem:v2+s7+$0x0] =	vst.idx.add.f32.msk $0xffff, v1;
	(pc) =	sbr.rel @p0 .LBB2_1-.Ltmp2, $4  }
0x1e: {  	[hbm4b:s4+s8] =	stream.strided.scatter [tilespmem:s7], [sflag:$0x1], $0x2800, s9, s8, $0x38;
	[tilespmem:$0x5000] =	vst v63  }
0x1f: {  	_ =	swait.ge [sflag:s6], $0x2800  }
0x20: {  	[sflag:s6] =	ssyncset.done $0x0  }
0x21: {  	[sflag:s6] =	ssyncadd.s32 $0xFFFFD800  }
0x22: {  	_ =	sfence.sel $0x180000  }
0x23: {  	[bflag:$0x0] =	sbarrier.arrive $0xFFFF  }
0x24: {  	p0 =	sne.s32 s0, $0x0;
	_ =	strace $0x90000047  }
0x25: {  	s0 =	sadd.s32 @!p0 $0x100000, s1;
	[bflag:$0x2] =	sbarrier.arrive $0xFFFF  }
0x26: {  	[sflag:s0] =	ssyncadd.tile.s32 @!p0 $0x1;
	_ =	shalt  }
.Lfunc_end2:
_tile_overlayer_lowered:
.L_overlay_start_2:
0x27: {  	(tag) =	ssettag $0x2  }
0x28: {  	s0 =	rddreg [dreg:$0x0];
	s2 =	stileid.u32  }
0x29: {  	s1 =	rddreg [dreg:$0x1];
	p0 =	sne.s32 s2, $0x0  }
0x2a: {  	s3 =	rddreg [dreg:$0x2];
	[bflag:$0x3] =	sbarrier.arrive $0xFFFF;
	s2 =	simm.s32 @!p0 $0x1C01  }
0x2b: {  	[timem:s3], [sflag:s2] =	dma.local @!p0 [hbm:s0], s1  }
0x2c: {  	s0 =	simm.s32 @!p0 $0x1  }
0x2d: {  	_ =	swait.ge @!p0 [sflag:s0], s1  }
0x2e: {  	s1 =	ssub.s32 @!p0 $0x0, s1;
	[sflag:s0] =	ssyncset.done @!p0 $0x0  }
0x2f: {  	[sflag:s0] =	ssyncadd.s32 @!p0 s1  }
0x30: {  	[bflag:$0x3] =	sbarrier.arrive $0xFFFF  }
0x31: {  	_ =	shalt  }

</sc_bundles>
